<compile_context>
chip_gen: v7x
topology: tpu7x:2x2x1
jax: 0.10.2.dev20260603
libtpu: 0.0.44.dev20260713+nightly
codegen_flags: <defaults>
</compile_context>

<pallas_src>
import functools

import jax
import jax.numpy as jnp
from jax import lax
from jax.experimental import pallas as pl
from jax.experimental.pallas import tpu as pltpu
from jax.experimental.pallas import tpu_sc as plsc

N = 10000
E = 160000
D = 256
R = 8
H = 128
NC = 2
NT = 16
CH = 40
EPT = E // (NC * NT)
NCH = EPT // CH
NBUF = 5
BN = 2000
NB = N // BN
ZR = 40
NZ = N // ZR


def _mm_body(feat_ref, w_ref, t_ref):
    t_ref[...] = jnp.dot(feat_ref[...], w_ref[0],
                         preferred_element_type=jnp.float32)


def _transform_half(feat, weight, c):
    return pl.pallas_call(
        _mm_body,
        grid=(NB, R),
        in_specs=[
            pl.BlockSpec((BN, D), lambda i, r: (i, 0)),
            pl.BlockSpec((1, D, H), lambda i, r, c=c: (r, 0, c)),
        ],
        out_specs=pl.BlockSpec((BN, H), lambda i, r: (r * NB + i, 0)),
        out_shape=jax.ShapeDtypeStruct((R * N, H), jnp.float32),
    )(feat, weight)


def _sc_body(t_hbm, src_hbm, et_hbm, dst_hbm, out_hbm,
             accum, src_v, et_v, dst_v, key_v, sdst_v, rows_v,
             *sems):
    c = lax.axis_index("c")
    s = lax.axis_index("s")
    sem_i = sems[0]
    sem_g = sems[1:1 + NBUF]
    sem_s = sems[1 + NBUF:1 + 2 * NBUF]

    ebase = (c * NT + s) * EPT
    esl = pl.ds(ebase, EPT)
    pltpu.make_async_copy(src_hbm.at[esl], src_v, sem_i).start()
    pltpu.make_async_copy(et_hbm.at[esl], et_v, sem_i).start()
    pltpu.make_async_copy(dst_hbm.at[esl], dst_v, sem_i).start()

    def _zrow(j, carry):
        for k in range(H // 16):
            rows_v[0, j, pl.ds(k * 16, 16)] = jnp.zeros((16,), jnp.float32)
        return carry
    lax.fori_loop(0, ZR, _zrow, 0)
    nzc = (NZ - s + NT - 1) // NT

    def _zchunk(i, carry):
        pltpu.sync_copy(rows_v.at[0], accum.at[pl.ds((s + i * NT) * ZR, ZR)])
        return carry
    lax.fori_loop(0, nzc, _zchunk, 0)
    pltpu.make_async_copy(src_hbm.at[esl], src_v, sem_i).wait()
    pltpu.make_async_copy(et_hbm.at[esl], et_v, sem_i).wait()
    pltpu.make_async_copy(dst_hbm.at[esl], dst_v, sem_i).wait()
    plsc.subcore_barrier()

    def _keys(g, b):
        for o in (0, 16, CH - 16):
            sl = pl.ds(o, 16)
            el = pl.ds(g * CH + o, 16)
            key_v[b, sl] = et_v[el] * N + src_v[el]
            sdst_v[b, sl] = dst_v[el]

    def _gather_start(b):
        pltpu.make_async_copy(t_hbm.at[key_v.at[b]], rows_v.at[b], sem_g[b]).start()

    def _gather_wait(b):
        pltpu.make_async_copy(t_hbm.at[key_v.at[b]], rows_v.at[b], sem_g[b]).wait()

    def _scat_start(b):
        pltpu.make_async_copy(rows_v.at[b], accum.at[sdst_v.at[b]],
                              sem_s[b]).start(add=True)

    def _scat_wait(b):
        pltpu.make_async_copy(rows_v.at[b], accum.at[sdst_v.at[b]],
                              sem_s[b]).wait()

    for g in range(4):
        _keys(g, g)
        _gather_start(g)
    _gather_wait(0)
    _scat_start(0)
    _keys(4, 4)
    _gather_start(4)

    def _group(p, carry):
        g0 = NBUF + NBUF * p
        for j in range(NBUF):
            g = g0 + j
            _gather_wait((j + NBUF - 4) % NBUF)
            _scat_start((j + NBUF - 4) % NBUF)
            _scat_wait(j)
            _keys(g, j)
            _gather_start(j)
        return carry

    lax.fori_loop(0, (NCH - NBUF) // NBUF, _group, 0)

    for g in (NCH - 4, NCH - 3, NCH - 2, NCH - 1):
        _gather_wait(g % NBUF)
        _scat_start(g % NBUF)
    for g in range(NCH - NBUF, NCH):
        _scat_wait(g % NBUF)
    plsc.subcore_barrier()

    def _drain(i, carry):
        r0 = (s + i * NT) * ZR
        pltpu.sync_copy(accum.at[pl.ds(r0, ZR)], rows_v.at[0])
        pltpu.sync_copy(rows_v.at[0], out_hbm.at[c].at[pl.ds(r0, ZR)])
        return carry
    lax.fori_loop(0, nzc, _drain, 0)


def _aggregate_half(t, src, et, dst):
    mesh = plsc.VectorSubcoreMesh(core_axis_name="c", subcore_axis_name="s")
    f = pl.kernel(
        _sc_body,
        mesh=mesh,
        out_type=jax.ShapeDtypeStruct((NC, N, H), jnp.float32),
        scratch_types=[
            pltpu.VMEM_SHARED((N, H), jnp.float32),
            pltpu.VMEM((EPT,), jnp.int32),
            pltpu.VMEM((EPT,), jnp.int32),
            pltpu.VMEM((EPT,), jnp.int32),
            pltpu.VMEM((NBUF, CH), jnp.int32),
            pltpu.VMEM((NBUF, CH), jnp.int32),
            pltpu.VMEM((NBUF, CH, H), jnp.float32),
        ] + [pltpu.SemaphoreType.DMA] * (1 + 2 * NBUF),
    )
    return f(t, src, et, dst)


def _cmb_body(p0_ref, p1_ref, out_ref):
    out_ref[:, 0:H] = p0_ref[0] + p0_ref[1]
    out_ref[:, H:D] = p1_ref[0] + p1_ref[1]


def _combine(p0, p1):
    return pl.pallas_call(
        _cmb_body,
        grid=(NB,),
        in_specs=[
            pl.BlockSpec((NC, BN, H), lambda i: (0, i, 0)),
            pl.BlockSpec((NC, BN, H), lambda i: (0, i, 0)),
        ],
        out_specs=pl.BlockSpec((BN, D), lambda i: (i, 0)),
        out_shape=jax.ShapeDtypeStruct((N, D), jnp.float32),
    )(p0, p1)


def kernel(feat, edge_index, etypes, weight):
    src, dst = edge_index[0], edge_index[1]
    t0 = _transform_half(feat, weight, 0)
    p0 = _aggregate_half(t0, src, etypes, dst)
    t1 = _transform_half(feat, weight, 1)
    p1 = _aggregate_half(t1, src, etypes, dst)
    return _combine(p0, p1)

# --- scband reference (transcript-rebuilt; emitter-appended) ---
"""Pipeline reference for scband-rgcnlow-mem-3908420239948 (READ-ONLY COPY).

The authoritative reference and input builder live on the scoring server;
editing this copy changes nothing except your own understanding.
"""

import jax, jax.numpy as jnp
import numpy as np

N = 10000
E = 160000
D = 256
R = 8


def setup_inputs(seed: int = 0) -> dict:
    key = jax.random.key(seed)
    k1, k2, k3, k4 = jax.random.split(key, 4)
    feat = jax.random.normal(k1, (N, D), dtype=jnp.float32)
    edge_index = jax.random.randint(k2, (2, E), 0, N, dtype=jnp.int32)
    etypes = jax.random.randint(k3, (E,), 0, R, dtype=jnp.int32)
    # learned parameter from __init__: per-relation weight [R, D, D]
    weight = jax.random.normal(k4, (R, D, D), dtype=jnp.float32) * (1.0 / np.sqrt(D))
    return {"feat": feat, "edge_index": edge_index, "etypes": etypes, "weight": weight}


def reference(feat, edge_index, etypes, weight):
    # Low-memory RGCN: sort edges by relation type, apply per-relation
    # dense matmul to contiguous chunks of gathered source features,
    # then scatter-add messages to destination nodes.
    perm = jnp.argsort(etypes)  # th.sort(etypes) -> index
    sorted_et = etypes[perm]
    src = edge_index[0][perm]   # edge_subgraph(g, index, relabel_nodes=False)
    dst = edge_index[1][perm]
    num_rels = weight.shape[0]
    h = feat[src]  # edges.src['h'], gathered in sorted-etype order
    msg = jnp.zeros_like(h)
    for r in range(num_rels):
        msg = jnp.where((sorted_et == r)[:, None], h @ weight[r], msg)
    # fn.sum('m', 'h'): sum messages over incoming edges per dst node
    out = jax.ops.segment_sum(msg, dst, num_segments=feat.shape[0])
    return out

if __name__ == "__main__":
    import jax
    _d = setup_inputs()
    print(jax.jit(kernel)(*tuple(_d.values())))

</pallas_src>

<mosaic_0001>
#map = affine_map<(d0, d1) -> (0, 0)>
#map1 = affine_map<(d0, d1) -> (0)>
#map2 = affine_map<(d0, d1) -> (0, 0, 0)>
module attributes {stable_mosaic.version = 14 : i64} {
  func.func @_sc_body(%arg0: i32, %arg1: i32, %arg2: memref<80000x128xf32, #tpu.memory_space<hbm>>, %arg3: memref<160000xi32, #tpu.memory_space<hbm>>, %arg4: memref<160000xi32, #tpu.memory_space<hbm>>, %arg5: memref<160000xi32, #tpu.memory_space<hbm>>, %arg6: memref<2x10000x128xf32, #tpu.memory_space<hbm>>, %arg7: memref<10000x128xf32, #tpu.memory_space<vmem_shared>>, %arg8: memref<5000xi32, #tpu.memory_space<vmem>>, %arg9: memref<5000xi32, #tpu.memory_space<vmem>>, %arg10: memref<5000xi32, #tpu.memory_space<vmem>>, %arg11: memref<5x40xi32, #tpu.memory_space<vmem>>, %arg12: memref<5x40xi32, #tpu.memory_space<vmem>>, %arg13: memref<5x40x128xf32, #tpu.memory_space<vmem>>, %arg14: memref<!tpu.dma_semaphore, #tpu.memory_space<semaphore_mem>>, %arg15: memref<!tpu.dma_semaphore, #tpu.memory_space<semaphore_mem>>, %arg16: memref<!tpu.dma_semaphore, #tpu.memory_space<semaphore_mem>>, %arg17: memref<!tpu.dma_semaphore, #tpu.memory_space<semaphore_mem>>, %arg18: memref<!tpu.dma_semaphore, #tpu.memory_space<semaphore_mem>>, %arg19: memref<!tpu.dma_semaphore, #tpu.memory_space<semaphore_mem>>, %arg20: memref<!tpu.dma_semaphore, #tpu.memory_space<semaphore_mem>>, %arg21: memref<!tpu.dma_semaphore, #tpu.memory_space<semaphore_mem>>, %arg22: memref<!tpu.dma_semaphore, #tpu.memory_space<semaphore_mem>>, %arg23: memref<!tpu.dma_semaphore, #tpu.memory_space<semaphore_mem>>, %arg24: memref<!tpu.dma_semaphore, #tpu.memory_space<semaphore_mem>>) attributes {dimension_semantics = [#tpu.dimension_semantics<core_parallel>, #tpu.dimension_semantics<subcore_parallel>], iteration_bounds = array<i64: 2, 16>, scalar_prefetch = 0 : i64, scratch_operands = 18 : i64, tpu.core_type = #tpu.core_type<sc_vector_subcore>, window_params = [{transform_indices = #map}, {transform_indices = #map1}, {transform_indices = #map1}, {transform_indices = #map1}, {transform_indices = #map2}]} {
    %mul3A = arith.constant 16 : i32
    %mul3A_0 = arith.muli %arg0, %mul3A : i32
    %add3A = arith.addi %mul3A_0, %arg1 : i32
    %mul3A_1 = arith.constant 5000 : i32
    %mul3A_2 = arith.muli %add3A, %mul3A_1 : i32
    %dma_start3A = tpu.memref_slice %arg3[%mul3A_2] : memref<160000xi32, #tpu.memory_space<hbm>> -> memref<5000xi32, #tpu.memory_space<hbm>>
    %dma_start3A_3 = tpu.memref_slice %arg3[%mul3A_2] : memref<160000xi32, #tpu.memory_space<hbm>> -> memref<5000xi32, #tpu.memory_space<hbm>>
    tpu.enqueue_dma source(%dma_start3A_3 : memref<5000xi32, #tpu.memory_space<hbm>>) target(%arg8 : memref<5000xi32, #tpu.memory_space<vmem>>) target_semaphore(%arg14 : memref<!tpu.dma_semaphore, #tpu.memory_space<semaphore_mem>>)
    %dma_start3A_4 = tpu.memref_slice %arg4[%mul3A_2] : memref<160000xi32, #tpu.memory_space<hbm>> -> memref<5000xi32, #tpu.memory_space<hbm>>
    %dma_start3A_5 = tpu.memref_slice %arg4[%mul3A_2] : memref<160000xi32, #tpu.memory_space<hbm>> -> memref<5000xi32, #tpu.memory_space<hbm>>
    tpu.enqueue_dma source(%dma_start3A_5 : memref<5000xi32, #tpu.memory_space<hbm>>) target(%arg9 : memref<5000xi32, #tpu.memory_space<vmem>>) target_semaphore(%arg14 : memref<!tpu.dma_semaphore, #tpu.memory_space<semaphore_mem>>)
    %dma_start3A_6 = tpu.memref_slice %arg5[%mul3A_2] : memref<160000xi32, #tpu.memory_space<hbm>> -> memref<5000xi32, #tpu.memory_space<hbm>>
    %dma_start3A_7 = tpu.memref_slice %arg5[%mul3A_2] : memref<160000xi32, #tpu.memory_space<hbm>> -> memref<5000xi32, #tpu.memory_space<hbm>>
    tpu.enqueue_dma source(%dma_start3A_7 : memref<5000xi32, #tpu.memory_space<hbm>>) target(%arg10 : memref<5000xi32, #tpu.memory_space<vmem>>) target_semaphore(%arg14 : memref<!tpu.dma_semaphore, #tpu.memory_space<semaphore_mem>>)
    %scan3A = arith.constant 0 : i32
    %scan3A_8 = arith.constant 0 : i32
    %scan3A_9 = arith.constant 40 : i32
    %scan3A_10 = arith.addi %scan3A_8, %scan3A_9 : i32
    %scan3A_11 = arith.constant 1 : i32
    scf.for %scan3A_679 = %scan3A_8 to %scan3A_10 step %scan3A_11  : i32 {
      %broadcast_in_dim3A = arith.constant 0.000000e+00 : f32
      %broadcast_in_dim3A_680 = vector.broadcast %broadcast_in_dim3A : f32 to vector<16xf32>
      %swap3A_681 = arith.constant 0 : i32
      %swap3A_682 = arith.index_cast %swap3A_681 : i32 to index
      %swap3A_683 = arith.index_cast %scan3A_679 : i32 to index
      %swap3A_684 = arith.constant 0 : index
      %swap3A_685 = tpu.vector_load %arg13[%swap3A_682, %swap3A_683, %swap3A_684] {strides = array<i32>} : memref<5x40x128xf32, #tpu.memory_space<vmem>>, vector<1x1x16xf32>,
      %swap3A_686 = vector.shape_cast %swap3A_685 : vector<1x1x16xf32> to vector<16xf32>
      %swap3A_687 = vector.shape_cast %broadcast_in_dim3A_680 : vector<16xf32> to vector<1x1x16xf32>
      tpu.vector_store %arg13[%swap3A_682, %swap3A_683, %swap3A_684], %swap3A_687 {strides = array<i32>} : memref<5x40x128xf32, #tpu.memory_space<vmem>>, vector<1x1x16xf32>,
      %broadcast_in_dim3A_688 = arith.constant 0.000000e+00 : f32
      %broadcast_in_dim3A_689 = vector.broadcast %broadcast_in_dim3A_688 : f32 to vector<16xf32>
      %swap3A_690 = arith.constant 0 : i32
      %swap3A_691 = arith.index_cast %swap3A_690 : i32 to index
      %swap3A_692 = arith.index_cast %scan3A_679 : i32 to index
      %swap3A_693 = arith.constant 16 : index
      %swap3A_694 = tpu.vector_load %arg13[%swap3A_691, %swap3A_692, %swap3A_693] {strides = array<i32>} : memref<5x40x128xf32, #tpu.memory_space<vmem>>, vector<1x1x16xf32>,
      %swap3A_695 = vector.shape_cast %swap3A_694 : vector<1x1x16xf32> to vector<16xf32>
      %swap3A_696 = vector.shape_cast %broadcast_in_dim3A_689 : vector<16xf32> to vector<1x1x16xf32>
      tpu.vector_store %arg13[%swap3A_691, %swap3A_692, %swap3A_693], %swap3A_696 {strides = array<i32>} : memref<5x40x128xf32, #tpu.memory_space<vmem>>, vector<1x1x16xf32>,
      %broadcast_in_dim3A_697 = arith.constant 0.000000e+00 : f32
      %broadcast_in_dim3A_698 = vector.broadcast %broadcast_in_dim3A_697 : f32 to vector<16xf32>
      %swap3A_699 = arith.constant 0 : i32
      %swap3A_700 = arith.index_cast %swap3A_699 : i32 to index
      %swap3A_701 = arith.index_cast %scan3A_679 : i32 to index
      %swap3A_702 = arith.constant 32 : index
      %swap3A_703 = tpu.vector_load %arg13[%swap3A_700, %swap3A_701, %swap3A_702] {strides = array<i32>} : memref<5x40x128xf32, #tpu.memory_space<vmem>>, vector<1x1x16xf32>,
      %swap3A_704 = vector.shape_cast %swap3A_703 : vector<1x1x16xf32> to vector<16xf32>
      %swap3A_705 = vector.shape_cast %broadcast_in_dim3A_698 : vector<16xf32> to vector<1x1x16xf32>
      tpu.vector_store %arg13[%swap3A_700, %swap3A_701, %swap3A_702], %swap3A_705 {strides = array<i32>} : memref<5x40x128xf32, #tpu.memory_space<vmem>>, vector<1x1x16xf32>,
      %broadcast_in_dim3A_706 = arith.constant 0.000000e+00 : f32
      %broadcast_in_dim3A_707 = vector.broadcast %broadcast_in_dim3A_706 : f32 to vector<16xf32>
      %swap3A_708 = arith.constant 0 : i32
      %swap3A_709 = arith.index_cast %swap3A_708 : i32 to index
      %swap3A_710 = arith.index_cast %scan3A_679 : i32 to index
      %swap3A_711 = arith.constant 48 : index
      %swap3A_712 = tpu.vector_load %arg13[%swap3A_709, %swap3A_710, %swap3A_711] {strides = array<i32>} : memref<5x40x128xf32, #tpu.memory_space<vmem>>, vector<1x1x16xf32>,
      %swap3A_713 = vector.shape_cast %swap3A_712 : vector<1x1x16xf32> to vector<16xf32>
      %swap3A_714 = vector.shape_cast %broadcast_in_dim3A_707 : vector<16xf32> to vector<1x1x16xf32>
      tpu.vector_store %arg13[%swap3A_709, %swap3A_710, %swap3A_711], %swap3A_714 {strides = array<i32>} : memref<5x40x128xf32, #tpu.memory_space<vmem>>, vector<1x1x16xf32>,
      %broadcast_in_dim3A_715 = arith.constant 0.000000e+00 : f32
      %broadcast_in_dim3A_716 = vector.broadcast %broadcast_in_dim3A_715 : f32 to vector<16xf32>
      %swap3A_717 = arith.constant 0 : i32
      %swap3A_718 = arith.index_cast %swap3A_717 : i32 to index
      %swap3A_719 = arith.index_cast %scan3A_679 : i32 to index
      %swap3A_720 = arith.constant 64 : index
      %swap3A_721 = tpu.vector_load %arg13[%swap3A_718, %swap3A_719, %swap3A_720] {strides = array<i32>} : memref<5x40x128xf32, #tpu.memory_space<vmem>>, vector<1x1x16xf32>,
      %swap3A_722 = vector.shape_cast %swap3A_721 : vector<1x1x16xf32> to vector<16xf32>
      %swap3A_723 = vector.shape_cast %broadcast_in_dim3A_716 : vector<16xf32> to vector<1x1x16xf32>
      tpu.vector_store %arg13[%swap3A_718, %swap3A_719, %swap3A_720], %swap3A_723 {strides = array<i32>} : memref<5x40x128xf32, #tpu.memory_space<vmem>>, vector<1x1x16xf32>,
      %broadcast_in_dim3A_724 = arith.constant 0.000000e+00 : f32
      %broadcast_in_dim3A_725 = vector.broadcast %broadcast_in_dim3A_724 : f32 to vector<16xf32>
      %swap3A_726 = arith.constant 0 : i32
      %swap3A_727 = arith.index_cast %swap3A_726 : i32 to index
      %swap3A_728 = arith.index_cast %scan3A_679 : i32 to index
      %swap3A_729 = arith.constant 80 : index
      %swap3A_730 = tpu.vector_load %arg13[%swap3A_727, %swap3A_728, %swap3A_729] {strides = array<i32>} : memref<5x40x128xf32, #tpu.memory_space<vmem>>, vector<1x1x16xf32>,
      %swap3A_731 = vector.shape_cast %swap3A_730 : vector<1x1x16xf32> to vector<16xf32>
      %swap3A_732 = vector.shape_cast %broadcast_in_dim3A_725 : vector<16xf32> to vector<1x1x16xf32>
      tpu.vector_store %arg13[%swap3A_727, %swap3A_728, %swap3A_729], %swap3A_732 {strides = array<i32>} : memref<5x40x128xf32, #tpu.memory_space<vmem>>, vector<1x1x16xf32>,
      %broadcast_in_dim3A_733 = arith.constant 0.000000e+00 : f32
      %broadcast_in_dim3A_734 = vector.broadcast %broadcast_in_dim3A_733 : f32 to vector<16xf32>
      %swap3A_735 = arith.constant 0 : i32
      %swap3A_736 = arith.index_cast %swap3A_735 : i32 to index
      %swap3A_737 = arith.index_cast %scan3A_679 : i32 to index
      %swap3A_738 = arith.constant 96 : index
      %swap3A_739 = tpu.vector_load %arg13[%swap3A_736, %swap3A_737, %swap3A_738] {strides = array<i32>} : memref<5x40x128xf32, #tpu.memory_space<vmem>>, vector<1x1x16xf32>,
      %swap3A_740 = vector.shape_cast %swap3A_739 : vector<1x1x16xf32> to vector<16xf32>
      %swap3A_741 = vector.shape_cast %broadcast_in_dim3A_734 : vector<16xf32> to vector<1x1x16xf32>
      tpu.vector_store %arg13[%swap3A_736, %swap3A_737, %swap3A_738], %swap3A_741 {strides = array<i32>} : memref<5x40x128xf32, #tpu.memory_space<vmem>>, vector<1x1x16xf32>,
      %broadcast_in_dim3A_742 = arith.constant 0.000000e+00 : f32
      %broadcast_in_dim3A_743 = vector.broadcast %broadcast_in_dim3A_742 : f32 to vector<16xf32>
      %swap3A_744 = arith.constant 0 : i32
      %swap3A_745 = arith.index_cast %swap3A_744 : i32 to index
      %swap3A_746 = arith.index_cast %scan3A_679 : i32 to index
      %swap3A_747 = arith.constant 112 : index
      %swap3A_748 = tpu.vector_load %arg13[%swap3A_745, %swap3A_746, %swap3A_747] {strides = array<i32>} : memref<5x40x128xf32, #tpu.memory_space<vmem>>, vector<1x1x16xf32>,
      %swap3A_749 = vector.shape_cast %swap3A_748 : vector<1x1x16xf32> to vector<16xf32>
      %swap3A_750 = vector.shape_cast %broadcast_in_dim3A_743 : vector<16xf32> to vector<1x1x16xf32>
      tpu.vector_store %arg13[%swap3A_745, %swap3A_746, %swap3A_747], %swap3A_750 {strides = array<i32>} : memref<5x40x128xf32, #tpu.memory_space<vmem>>, vector<1x1x16xf32>,
    }
    %scan3A_12 = arith.constant 40 : i32
    %sub3A = arith.constant 250 : i32
    %sub3A_13 = arith.subi %sub3A, %arg1 : i32
    %add3A_14 = arith.constant 16 : i32
    %add3A_15 = arith.addi %sub3A_13, %add3A_14 : i32
    %sub3A_16 = arith.constant 1 : i32
    %sub3A_17 = arith.subi %add3A_15, %sub3A_16 : i32
    %jit3A = arith.constant 16 : i32
    %div3A = arith.divsi %sub3A_17, %jit3A : i32
    %sign3A = arith.constant 0 : i32
    %sign3A_18 = arith.cmpi sgt, %sub3A_17, %sign3A : i32
    %sign3A_19 = arith.extui %sign3A_18 : i1 to i32
    %sign3A_20 = arith.constant 0 : i32
    %sign3A_21 = arith.cmpi slt, %sub3A_17, %sign3A_20 : i32
    %sign3A_22 = arith.extui %sign3A_21 : i1 to i32
    %sign3A_23 = arith.subi %sign3A_19, %sign3A_22 : i32
    %sign3A_24 = arith.constant 0 : i32
    %sign3A_25 = arith.cmpi sgt, %jit3A, %sign3A_24 : i32
    %sign3A_26 = arith.extui %sign3A_25 : i1 to i32
    %sign3A_27 = arith.constant 0 : i32
    %sign3A_28 = arith.cmpi slt, %jit3A, %sign3A_27 : i32
    %sign3A_29 = arith.extui %sign3A_28 : i1 to i32
    %sign3A_30 = arith.subi %sign3A_26, %sign3A_29 : i32
    %ne3A = arith.cmpi ne, %sign3A_23, %sign3A_30 : i32
    %rem3A = arith.remsi %sub3A_17, %jit3A : i32
    %ne3A_31 = arith.constant 0 : i32
    %ne3A_32 = arith.cmpi ne, %rem3A, %ne3A_31 : i32
    %and3A = arith.andi %ne3A, %ne3A_32 : i1
    %sub3A_33 = arith.constant 1 : i32
    %sub3A_34 = arith.subi %div3A, %sub3A_33 : i32
    %select_n3A = arith.select %and3A, %sub3A_34, %div3A : i32
    %while3A = arith.constant 0 : i32
    %while3A_35 = arith.constant 0 : i32
    %while3A_36 = arith.subi %select_n3A, %while3A_35 : i32
    %while3A_37 = arith.addi %while3A_35, %while3A_36 : i32
    %while3A_38 = arith.constant 1 : i32
    %while3A_39 = arith.divsi %while3A_36, %while3A_38 : i32
    %while3A_40 = arith.muli %while3A_39, %while3A_38 : i32
    %while3A_41 = arith.addi %while3A_35, %while3A_40 : i32
    %while3A_42 = arith.constant 1 : i32
    scf.for %while3A_679 = %while3A_35 to %while3A_41 step %while3A_42  : i32 {
      %mul3A_680 = arith.constant 16 : i32
      %mul3A_681 = arith.muli %while3A_679, %mul3A_680 : i32
      %add3A_682 = arith.addi %arg1, %mul3A_681 : i32
      %mul3A_683 = arith.constant 40 : i32
      %mul3A_684 = arith.muli %add3A_682, %mul3A_683 : i32
      %run_scoped3A = arith.constant 0 : i32
      "tpu.region"() ({
        %run_scoped3A_685 = tpu.sem_alloc : memref<!tpu.dma_semaphore, #tpu.memory_space<semaphore_mem>>
        %dma_start3A_686 = arith.constant 0 : i32
        %dma_start3A_687 = arith.constant 0 : i32
        %dma_start3A_688 = tpu.memref_slice %arg13[%run_scoped3A, %dma_start3A_686, %dma_start3A_687] : memref<5x40x128xf32, #tpu.memory_space<vmem>> -> memref<1x40x128xf32, #tpu.memory_space<vmem>>
        %dma_start3A_689 = tpu.memref_squeeze %dma_start3A_688 : memref<1x40x128xf32, #tpu.memory_space<vmem>> -> memref<40x128xf32, #tpu.memory_space<vmem>>
        %dma_start3A_690 = arith.constant 0 : i32
        %dma_start3A_691 = tpu.memref_slice %arg7[%mul3A_684, %dma_start3A_690] : memref<10000x128xf32, #tpu.memory_space<vmem_shared>> -> memref<40x128xf32, #tpu.memory_space<vmem_shared>>
        %dma_start3A_692 = arith.constant 0 : i32
        %dma_start3A_693 = tpu.memref_slice %arg7[%mul3A_684, %dma_start3A_692] : memref<10000x128xf32, #tpu.memory_space<vmem_shared>> -> memref<40x128xf32, #tpu.memory_space<vmem_shared>>
        %dma_start3A_694 = arith.constant 0 : i32
        %dma_start3A_695 = arith.constant 0 : i32
        %dma_start3A_696 = tpu.memref_slice %arg13[%run_scoped3A, %dma_start3A_694, %dma_start3A_695] : memref<5x40x128xf32, #tpu.memory_space<vmem>> -> memref<1x40x128xf32, #tpu.memory_space<vmem>>
        %dma_start3A_697 = tpu.memref_squeeze %dma_start3A_696 : memref<1x40x128xf32, #tpu.memory_space<vmem>> -> memref<40x128xf32, #tpu.memory_space<vmem>>
        tpu.enqueue_dma source(%dma_start3A_697 : memref<40x128xf32, #tpu.memory_space<vmem>>) target(%dma_start3A_693 : memref<40x128xf32, #tpu.memory_space<vmem_shared>>) target_semaphore(%run_scoped3A_685 : memref<!tpu.dma_semaphore, #tpu.memory_space<semaphore_mem>>)
        %dma_wait3A_698 = arith.constant 0 : i32
        %dma_wait3A_699 = arith.constant 0 : i32
        %dma_wait3A_700 = tpu.memref_slice %arg13[%run_scoped3A, %dma_wait3A_698, %dma_wait3A_699] : memref<5x40x128xf32, #tpu.memory_space<vmem>> -> memref<1x40x128xf32, #tpu.memory_space<vmem>>
        %dma_wait3A_701 = tpu.memref_squeeze %dma_wait3A_700 : memref<1x40x128xf32, #tpu.memory_space<vmem>> -> memref<40x128xf32, #tpu.memory_space<vmem>>
        %dma_wait3A_702 = arith.constant 0 : i32
        %dma_wait3A_703 = tpu.memref_slice %arg7[%mul3A_684, %dma_wait3A_702] : memref<10000x128xf32, #tpu.memory_space<vmem_shared>> -> memref<40x128xf32, #tpu.memory_space<vmem_shared>>
        %dma_wait3A_704 = arith.constant 0 : i32
        %dma_wait3A_705 = tpu.memref_slice %arg7[%mul3A_684, %dma_wait3A_704] : memref<10000x128xf32, #tpu.memory_space<vmem_shared>> -> memref<40x128xf32, #tpu.memory_space<vmem_shared>>
        %dma_wait3A_706 = arith.constant 0 : i32
        %dma_wait3A_707 = arith.constant 0 : i32
        %dma_wait3A_708 = tpu.memref_slice %arg13[%run_scoped3A, %dma_wait3A_706, %dma_wait3A_707] : memref<5x40x128xf32, #tpu.memory_space<vmem>> -> memref<1x40x128xf32, #tpu.memory_space<vmem>>
        %dma_wait3A_709 = tpu.memref_squeeze %dma_wait3A_708 : memref<1x40x128xf32, #tpu.memory_space<vmem>> -> memref<40x128xf32, #tpu.memory_space<vmem>>
        tpu.wait_dma2 semaphore(%run_scoped3A_685 : memref<!tpu.dma_semaphore, #tpu.memory_space<semaphore_mem>>) src(%dma_wait3A_709 : memref<40x128xf32, #tpu.memory_space<vmem>>) dst(%dma_wait3A_705 : memref<40x128xf32, #tpu.memory_space<vmem_shared>>)
        tpu.yield
      }) : () -> ()
    }
    %while3A_43 = arith.constant 1 : i32
    scf.for %while3A_679 = %while3A_41 to %while3A_37 step %while3A_43  : i32 {
      %mul3A_680 = arith.constant 16 : i32
      %mul3A_681 = arith.muli %while3A_679, %mul3A_680 : i32
      %add3A_682 = arith.addi %arg1, %mul3A_681 : i32
      %mul3A_683 = arith.constant 40 : i32
      %mul3A_684 = arith.muli %add3A_682, %mul3A_683 : i32
      %run_scoped3A = arith.constant 0 : i32
      "tpu.region"() ({
        %run_scoped3A_685 = tpu.sem_alloc : memref<!tpu.dma_semaphore, #tpu.memory_space<semaphore_mem>>
        %dma_start3A_686 = arith.constant 0 : i32
        %dma_start3A_687 = arith.constant 0 : i32
        %dma_start3A_688 = tpu.memref_slice %arg13[%run_scoped3A, %dma_start3A_686, %dma_start3A_687] : memref<5x40x128xf32, #tpu.memory_space<vmem>> -> memref<1x40x128xf32, #tpu.memory_space<vmem>>
        %dma_start3A_689 = tpu.memref_squeeze %dma_start3A_688 : memref<1x40x128xf32, #tpu.memory_space<vmem>> -> memref<40x128xf32, #tpu.memory_space<vmem>>
        %dma_start3A_690 = arith.constant 0 : i32
        %dma_start3A_691 = tpu.memref_slice %arg7[%mul3A_684, %dma_start3A_690] : memref<10000x128xf32, #tpu.memory_space<vmem_shared>> -> memref<40x128xf32, #tpu.memory_space<vmem_shared>>
        %dma_start3A_692 = arith.constant 0 : i32
        %dma_start3A_693 = tpu.memref_slice %arg7[%mul3A_684, %dma_start3A_692] : memref<10000x128xf32, #tpu.memory_space<vmem_shared>> -> memref<40x128xf32, #tpu.memory_space<vmem_shared>>
        %dma_start3A_694 = arith.constant 0 : i32
        %dma_start3A_695 = arith.constant 0 : i32
        %dma_start3A_696 = tpu.memref_slice %arg13[%run_scoped3A, %dma_start3A_694, %dma_start3A_695] : memref<5x40x128xf32, #tpu.memory_space<vmem>> -> memref<1x40x128xf32, #tpu.memory_space<vmem>>
        %dma_start3A_697 = tpu.memref_squeeze %dma_start3A_696 : memref<1x40x128xf32, #tpu.memory_space<vmem>> -> memref<40x128xf32, #tpu.memory_space<vmem>>
        tpu.enqueue_dma source(%dma_start3A_697 : memref<40x128xf32, #tpu.memory_space<vmem>>) target(%dma_start3A_693 : memref<40x128xf32, #tpu.memory_space<vmem_shared>>) target_semaphore(%run_scoped3A_685 : memref<!tpu.dma_semaphore, #tpu.memory_space<semaphore_mem>>)
        %dma_wait3A_698 = arith.constant 0 : i32
        %dma_wait3A_699 = arith.constant 0 : i32
        %dma_wait3A_700 = tpu.memref_slice %arg13[%run_scoped3A, %dma_wait3A_698, %dma_wait3A_699] : memref<5x40x128xf32, #tpu.memory_space<vmem>> -> memref<1x40x128xf32, #tpu.memory_space<vmem>>
        %dma_wait3A_701 = tpu.memref_squeeze %dma_wait3A_700 : memref<1x40x128xf32, #tpu.memory_space<vmem>> -> memref<40x128xf32, #tpu.memory_space<vmem>>
        %dma_wait3A_702 = arith.constant 0 : i32
        %dma_wait3A_703 = tpu.memref_slice %arg7[%mul3A_684, %dma_wait3A_702] : memref<10000x128xf32, #tpu.memory_space<vmem_shared>> -> memref<40x128xf32, #tpu.memory_space<vmem_shared>>
        %dma_wait3A_704 = arith.constant 0 : i32
        %dma_wait3A_705 = tpu.memref_slice %arg7[%mul3A_684, %dma_wait3A_704] : memref<10000x128xf32, #tpu.memory_space<vmem_shared>> -> memref<40x128xf32, #tpu.memory_space<vmem_shared>>
        %dma_wait3A_706 = arith.constant 0 : i32
        %dma_wait3A_707 = arith.constant 0 : i32
        %dma_wait3A_708 = tpu.memref_slice %arg13[%run_scoped3A, %dma_wait3A_706, %dma_wait3A_707] : memref<5x40x128xf32, #tpu.memory_space<vmem>> -> memref<1x40x128xf32, #tpu.memory_space<vmem>>
        %dma_wait3A_709 = tpu.memref_squeeze %dma_wait3A_708 : memref<1x40x128xf32, #tpu.memory_space<vmem>> -> memref<40x128xf32, #tpu.memory_space<vmem>>
        tpu.wait_dma2 semaphore(%run_scoped3A_685 : memref<!tpu.dma_semaphore, #tpu.memory_space<semaphore_mem>>) src(%dma_wait3A_709 : memref<40x128xf32, #tpu.memory_space<vmem>>) dst(%dma_wait3A_705 : memref<40x128xf32, #tpu.memory_space<vmem_shared>>)
        tpu.yield
      }) : () -> ()
    }
    %dma_wait3A = tpu.memref_slice %arg3[%mul3A_2] : memref<160000xi32, #tpu.memory_space<hbm>> -> memref<5000xi32, #tpu.memory_space<hbm>>
    %dma_wait3A_44 = tpu.memref_slice %arg3[%mul3A_2] : memref<160000xi32, #tpu.memory_space<hbm>> -> memref<5000xi32, #tpu.memory_space<hbm>>
    tpu.wait_dma2 semaphore(%arg14 : memref<!tpu.dma_semaphore, #tpu.memory_space<semaphore_mem>>) src(%dma_wait3A_44 : memref<5000xi32, #tpu.memory_space<hbm>>) dst(%arg8 : memref<5000xi32, #tpu.memory_space<vmem>>)
    %dma_wait3A_45 = tpu.memref_slice %arg4[%mul3A_2] : memref<160000xi32, #tpu.memory_space<hbm>> -> memref<5000xi32, #tpu.memory_space<hbm>>
    %dma_wait3A_46 = tpu.memref_slice %arg4[%mul3A_2] : memref<160000xi32, #tpu.memory_space<hbm>> -> memref<5000xi32, #tpu.memory_space<hbm>>
    tpu.wait_dma2 semaphore(%arg14 : memref<!tpu.dma_semaphore, #tpu.memory_space<semaphore_mem>>) src(%dma_wait3A_46 : memref<5000xi32, #tpu.memory_space<hbm>>) dst(%arg9 : memref<5000xi32, #tpu.memory_space<vmem>>)
    %dma_wait3A_47 = tpu.memref_slice %arg5[%mul3A_2] : memref<160000xi32, #tpu.memory_space<hbm>> -> memref<5000xi32, #tpu.memory_space<hbm>>
    %dma_wait3A_48 = tpu.memref_slice %arg5[%mul3A_2] : memref<160000xi32, #tpu.memory_space<hbm>> -> memref<5000xi32, #tpu.memory_space<hbm>>
    tpu.wait_dma2 semaphore(%arg14 : memref<!tpu.dma_semaphore, #tpu.memory_space<semaphore_mem>>) src(%dma_wait3A_48 : memref<5000xi32, #tpu.memory_space<hbm>>) dst(%arg10 : memref<5000xi32, #tpu.memory_space<vmem>>)
    %barrier3A = arith.constant 0 : index
    tpu.barrier barrier_id(%barrier3A)
    %get3A = arith.constant 0 : index
    %get3A_49 = tpu.vector_load %arg9[%get3A] {strides = array<i32>} : memref<5000xi32, #tpu.memory_space<vmem>>, vector<16xi32>,
    %get3A_50 = vector.shape_cast %get3A_49 : vector<16xi32> to vector<16xi32>
    %mul3A_51 = arith.constant 10000 : i32
    %mul3A_52 = vector.broadcast %mul3A_51 : i32 to vector<16xi32>
    %mul3A_53 = arith.muli %get3A_50, %mul3A_52 : vector<16xi32>
    %get3A_54 = arith.constant 0 : index
    %get3A_55 = tpu.vector_load %arg8[%get3A_54] {strides = array<i32>} : memref<5000xi32, #tpu.memory_space<vmem>>, vector<16xi32>,
    %get3A_56 = vector.shape_cast %get3A_55 : vector<16xi32> to vector<16xi32>
    %add3A_57 = arith.addi %mul3A_53, %get3A_56 : vector<16xi32>
    %swap3A = arith.constant 0 : i32
    %swap3A_58 = arith.index_cast %swap3A : i32 to index
    %swap3A_59 = arith.constant 0 : index
    %swap3A_60 = tpu.vector_load %arg11[%swap3A_58, %swap3A_59] {strides = array<i32>} : memref<5x40xi32, #tpu.memory_space<vmem>>, vector<1x16xi32>,
    %swap3A_61 = vector.shape_cast %swap3A_60 : vector<1x16xi32> to vector<16xi32>
    %swap3A_62 = vector.shape_cast %add3A_57 : vector<16xi32> to vector<1x16xi32>
    tpu.vector_store %arg11[%swap3A_58, %swap3A_59], %swap3A_62 {strides = array<i32>} : memref<5x40xi32, #tpu.memory_space<vmem>>, vector<1x16xi32>,
    %get3A_63 = arith.constant 0 : index
    %get3A_64 = tpu.vector_load %arg10[%get3A_63] {strides = array<i32>} : memref<5000xi32, #tpu.memory_space<vmem>>, vector<16xi32>,
    %get3A_65 = vector.shape_cast %get3A_64 : vector<16xi32> to vector<16xi32>
    %swap3A_66 = arith.constant 0 : i32
    %swap3A_67 = arith.index_cast %swap3A_66 : i32 to index
    %swap3A_68 = arith.constant 0 : index
    %swap3A_69 = tpu.vector_load %arg12[%swap3A_67, %swap3A_68] {strides = array<i32>} : memref<5x40xi32, #tpu.memory_space<vmem>>, vector<1x16xi32>,
    %swap3A_70 = vector.shape_cast %swap3A_69 : vector<1x16xi32> to vector<16xi32>
    %swap3A_71 = vector.shape_cast %get3A_65 : vector<16xi32> to vector<1x16xi32>
    tpu.vector_store %arg12[%swap3A_67, %swap3A_68], %swap3A_71 {strides = array<i32>} : memref<5x40xi32, #tpu.memory_space<vmem>>, vector<1x16xi32>,
    %get3A_72 = arith.constant 16 : index
    %get3A_73 = tpu.vector_load %arg9[%get3A_72] {strides = array<i32>} : memref<5000xi32, #tpu.memory_space<vmem>>, vector<16xi32>,
    %get3A_74 = vector.shape_cast %get3A_73 : vector<16xi32> to vector<16xi32>
    %mul3A_75 = arith.constant 10000 : i32
    %mul3A_76 = vector.broadcast %mul3A_75 : i32 to vector<16xi32>
    %mul3A_77 = arith.muli %get3A_74, %mul3A_76 : vector<16xi32>
    %get3A_78 = arith.constant 16 : index
    %get3A_79 = tpu.vector_load %arg8[%get3A_78] {strides = array<i32>} : memref<5000xi32, #tpu.memory_space<vmem>>, vector<16xi32>,
    %get3A_80 = vector.shape_cast %get3A_79 : vector<16xi32> to vector<16xi32>
    %add3A_81 = arith.addi %mul3A_77, %get3A_80 : vector<16xi32>
    %swap3A_82 = arith.constant 0 : i32
    %swap3A_83 = arith.index_cast %swap3A_82 : i32 to index
    %swap3A_84 = arith.constant 16 : index
    %swap3A_85 = tpu.vector_load %arg11[%swap3A_83, %swap3A_84] {strides = array<i32>} : memref<5x40xi32, #tpu.memory_space<vmem>>, vector<1x16xi32>,
    %swap3A_86 = vector.shape_cast %swap3A_85 : vector<1x16xi32> to vector<16xi32>
    %swap3A_87 = vector.shape_cast %add3A_81 : vector<16xi32> to vector<1x16xi32>
    tpu.vector_store %arg11[%swap3A_83, %swap3A_84], %swap3A_87 {strides = array<i32>} : memref<5x40xi32, #tpu.memory_space<vmem>>, vector<1x16xi32>,
    %get3A_88 = arith.constant 16 : index
    %get3A_89 = tpu.vector_load %arg10[%get3A_88] {strides = array<i32>} : memref<5000xi32, #tpu.memory_space<vmem>>, vector<16xi32>,
    %get3A_90 = vector.shape_cast %get3A_89 : vector<16xi32> to vector<16xi32>
    %swap3A_91 = arith.constant 0 : i32
    %swap3A_92 = arith.index_cast %swap3A_91 : i32 to index
    %swap3A_93 = arith.constant 16 : index
    %swap3A_94 = tpu.vector_load %arg12[%swap3A_92, %swap3A_93] {strides = array<i32>} : memref<5x40xi32, #tpu.memory_space<vmem>>, vector<1x16xi32>,
    %swap3A_95 = vector.shape_cast %swap3A_94 : vector<1x16xi32> to vector<16xi32>
    %swap3A_96 = vector.shape_cast %get3A_90 : vector<16xi32> to vector<1x16xi32>
    tpu.vector_store %arg12[%swap3A_92, %swap3A_93], %swap3A_96 {strides = array<i32>} : memref<5x40xi32, #tpu.memory_space<vmem>>, vector<1x16xi32>,
    %get3A_97 = arith.constant 24 : index
    %get3A_98 = tpu.vector_load %arg9[%get3A_97] {strides = array<i32>} : memref<5000xi32, #tpu.memory_space<vmem>>, vector<16xi32>,
    %get3A_99 = vector.shape_cast %get3A_98 : vector<16xi32> to vector<16xi32>
    %mul3A_100 = arith.constant 10000 : i32
    %mul3A_101 = vector.broadcast %mul3A_100 : i32 to vector<16xi32>
    %mul3A_102 = arith.muli %get3A_99, %mul3A_101 : vector<16xi32>
    %get3A_103 = arith.constant 24 : index
    %get3A_104 = tpu.vector_load %arg8[%get3A_103] {strides = array<i32>} : memref<5000xi32, #tpu.memory_space<vmem>>, vector<16xi32>,
    %get3A_105 = vector.shape_cast %get3A_104 : vector<16xi32> to vector<16xi32>
    %add3A_106 = arith.addi %mul3A_102, %get3A_105 : vector<16xi32>
    %swap3A_107 = arith.constant 0 : i32
    %swap3A_108 = arith.index_cast %swap3A_107 : i32 to index
    %swap3A_109 = arith.constant 24 : index
    %swap3A_110 = tpu.vector_load %arg11[%swap3A_108, %swap3A_109] {strides = array<i32>} : memref<5x40xi32, #tpu.memory_space<vmem>>, vector<1x16xi32>,
    %swap3A_111 = vector.shape_cast %swap3A_110 : vector<1x16xi32> to vector<16xi32>
    %swap3A_112 = vector.shape_cast %add3A_106 : vector<16xi32> to vector<1x16xi32>
    tpu.vector_store %arg11[%swap3A_108, %swap3A_109], %swap3A_112 {strides = array<i32>} : memref<5x40xi32, #tpu.memory_space<vmem>>, vector<1x16xi32>,
    %get3A_113 = arith.constant 24 : index
    %get3A_114 = tpu.vector_load %arg10[%get3A_113] {strides = array<i32>} : memref<5000xi32, #tpu.memory_space<vmem>>, vector<16xi32>,
    %get3A_115 = vector.shape_cast %get3A_114 : vector<16xi32> to vector<16xi32>
    %swap3A_116 = arith.constant 0 : i32
    %swap3A_117 = arith.index_cast %swap3A_116 : i32 to index
    %swap3A_118 = arith.constant 24 : index
    %swap3A_119 = tpu.vector_load %arg12[%swap3A_117, %swap3A_118] {strides = array<i32>} : memref<5x40xi32, #tpu.memory_space<vmem>>, vector<1x16xi32>,
    %swap3A_120 = vector.shape_cast %swap3A_119 : vector<1x16xi32> to vector<16xi32>
    %swap3A_121 = vector.shape_cast %get3A_115 : vector<16xi32> to vector<1x16xi32>
    tpu.vector_store %arg12[%swap3A_117, %swap3A_118], %swap3A_121 {strides = array<i32>} : memref<5x40xi32, #tpu.memory_space<vmem>>, vector<1x16xi32>,
    %dma_start3A_122 = arith.constant 0 : i32
    %dma_start3A_123 = arith.constant 0 : i32
    %dma_start3A_124 = arith.constant 0 : i32
    %dma_start3A_125 = arith.constant 0 : i32
    %dma_start3A_126 = tpu.memref_slice %arg13[%dma_start3A_123, %dma_start3A_124, %dma_start3A_125] : memref<5x40x128xf32, #tpu.memory_space<vmem>> -> memref<1x40x128xf32, #tpu.memory_space<vmem>>
    %dma_start3A_127 = tpu.memref_squeeze %dma_start3A_126 : memref<1x40x128xf32, #tpu.memory_space<vmem>> -> memref<40x128xf32, #tpu.memory_space<vmem>>
    %dma_start3A_128 = arith.constant 0 : i32
    %dma_start3A_129 = tpu.memref_slice %arg11[%dma_start3A_122, %dma_start3A_128] : memref<5x40xi32, #tpu.memory_space<vmem>> -> memref<1x40xi32, #tpu.memory_space<vmem>>
    %dma_start3A_130 = tpu.memref_squeeze %dma_start3A_129 : memref<1x40xi32, #tpu.memory_space<vmem>> -> memref<40xi32, #tpu.memory_space<vmem>>
    %dma_start3A_131 = arith.constant 0 : i32
    %dma_start3A_132 = arith.constant 0 : i32
    %dma_start3A_133 = tpu.memref_slice %arg2[%dma_start3A_131, %dma_start3A_132] : memref<80000x128xf32, #tpu.memory_space<hbm>> -> memref<80000x128xf32, #tpu.memory_space<hbm>>
    tpu.enqueue_indirect_dma source(%dma_start3A_133 : memref<80000x128xf32, #tpu.memory_space<hbm>>) target(%dma_start3A_127 : memref<40x128xf32, #tpu.memory_space<vmem>>) offsets(%dma_start3A_130 : memref<40xi32, #tpu.memory_space<vmem>>) semaphore(%arg15 : memref<!tpu.dma_semaphore, #tpu.memory_space<semaphore_mem>>)
    %get3A_134 = arith.constant 40 : index
    %get3A_135 = tpu.vector_load %arg9[%get3A_134] {strides = array<i32>} : memref<5000xi32, #tpu.memory_space<vmem>>, vector<16xi32>,
    %get3A_136 = vector.shape_cast %get3A_135 : vector<16xi32> to vector<16xi32>
    %mul3A_137 = arith.constant 10000 : i32
    %mul3A_138 = vector.broadcast %mul3A_137 : i32 to vector<16xi32>
    %mul3A_139 = arith.muli %get3A_136, %mul3A_138 : vector<16xi32>
    %get3A_140 = arith.constant 40 : index
    %get3A_141 = tpu.vector_load %arg8[%get3A_140] {strides = array<i32>} : memref<5000xi32, #tpu.memory_space<vmem>>, vector<16xi32>,
    %get3A_142 = vector.shape_cast %get3A_141 : vector<16xi32> to vector<16xi32>
    %add3A_143 = arith.addi %mul3A_139, %get3A_142 : vector<16xi32>
    %swap3A_144 = arith.constant 1 : i32
    %swap3A_145 = arith.index_cast %swap3A_144 : i32 to index
    %swap3A_146 = arith.constant 0 : index
    %swap3A_147 = tpu.vector_load %arg11[%swap3A_145, %swap3A_146] {strides = array<i32>} : memref<5x40xi32, #tpu.memory_space<vmem>>, vector<1x16xi32>,
    %swap3A_148 = vector.shape_cast %swap3A_147 : vector<1x16xi32> to vector<16xi32>
    %swap3A_149 = vector.shape_cast %add3A_143 : vector<16xi32> to vector<1x16xi32>
    tpu.vector_store %arg11[%swap3A_145, %swap3A_146], %swap3A_149 {strides = array<i32>} : memref<5x40xi32, #tpu.memory_space<vmem>>, vector<1x16xi32>,
    %get3A_150 = arith.constant 40 : index
    %get3A_151 = tpu.vector_load %arg10[%get3A_150] {strides = array<i32>} : memref<5000xi32, #tpu.memory_space<vmem>>, vector<16xi32>,
    %get3A_152 = vector.shape_cast %get3A_151 : vector<16xi32> to vector<16xi32>
    %swap3A_153 = arith.constant 1 : i32
    %swap3A_154 = arith.index_cast %swap3A_153 : i32 to index
    %swap3A_155 = arith.constant 0 : index
    %swap3A_156 = tpu.vector_load %arg12[%swap3A_154, %swap3A_155] {strides = array<i32>} : memref<5x40xi32, #tpu.memory_space<vmem>>, vector<1x16xi32>,
    %swap3A_157 = vector.shape_cast %swap3A_156 : vector<1x16xi32> to vector<16xi32>
    %swap3A_158 = vector.shape_cast %get3A_152 : vector<16xi32> to vector<1x16xi32>
    tpu.vector_store %arg12[%swap3A_154, %swap3A_155], %swap3A_158 {strides = array<i32>} : memref<5x40xi32, #tpu.memory_space<vmem>>, vector<1x16xi32>,
    %get3A_159 = arith.constant 56 : index
    %get3A_160 = tpu.vector_load %arg9[%get3A_159] {strides = array<i32>} : memref<5000xi32, #tpu.memory_space<vmem>>, vector<16xi32>,
    %get3A_161 = vector.shape_cast %get3A_160 : vector<16xi32> to vector<16xi32>
    %mul3A_162 = arith.constant 10000 : i32
    %mul3A_163 = vector.broadcast %mul3A_162 : i32 to vector<16xi32>
    %mul3A_164 = arith.muli %get3A_161, %mul3A_163 : vector<16xi32>
    %get3A_165 = arith.constant 56 : index
    %get3A_166 = tpu.vector_load %arg8[%get3A_165] {strides = array<i32>} : memref<5000xi32, #tpu.memory_space<vmem>>, vector<16xi32>,
    %get3A_167 = vector.shape_cast %get3A_166 : vector<16xi32> to vector<16xi32>
    %add3A_168 = arith.addi %mul3A_164, %get3A_167 : vector<16xi32>
    %swap3A_169 = arith.constant 1 : i32
    %swap3A_170 = arith.index_cast %swap3A_169 : i32 to index
    %swap3A_171 = arith.constant 16 : index
    %swap3A_172 = tpu.vector_load %arg11[%swap3A_170, %swap3A_171] {strides = array<i32>} : memref<5x40xi32, #tpu.memory_space<vmem>>, vector<1x16xi32>,
    %swap3A_173 = vector.shape_cast %swap3A_172 : vector<1x16xi32> to vector<16xi32>
    %swap3A_174 = vector.shape_cast %add3A_168 : vector<16xi32> to vector<1x16xi32>
    tpu.vector_store %arg11[%swap3A_170, %swap3A_171], %swap3A_174 {strides = array<i32>} : memref<5x40xi32, #tpu.memory_space<vmem>>, vector<1x16xi32>,
    %get3A_175 = arith.constant 56 : index
    %get3A_176 = tpu.vector_load %arg10[%get3A_175] {strides = array<i32>} : memref<5000xi32, #tpu.memory_space<vmem>>, vector<16xi32>,
    %get3A_177 = vector.shape_cast %get3A_176 : vector<16xi32> to vector<16xi32>
    %swap3A_178 = arith.constant 1 : i32
    %swap3A_179 = arith.index_cast %swap3A_178 : i32 to index
    %swap3A_180 = arith.constant 16 : index
    %swap3A_181 = tpu.vector_load %arg12[%swap3A_179, %swap3A_180] {strides = array<i32>} : memref<5x40xi32, #tpu.memory_space<vmem>>, vector<1x16xi32>,
    %swap3A_182 = vector.shape_cast %swap3A_181 : vector<1x16xi32> to vector<16xi32>
    %swap3A_183 = vector.shape_cast %get3A_177 : vector<16xi32> to vector<1x16xi32>
    tpu.vector_store %arg12[%swap3A_179, %swap3A_180], %swap3A_183 {strides = array<i32>} : memref<5x40xi32, #tpu.memory_space<vmem>>, vector<1x16xi32>,
    %get3A_184 = arith.constant 64 : index
    %get3A_185 = tpu.vector_load %arg9[%get3A_184] {strides = array<i32>} : memref<5000xi32, #tpu.memory_space<vmem>>, vector<16xi32>,
    %get3A_186 = vector.shape_cast %get3A_185 : vector<16xi32> to vector<16xi32>
    %mul3A_187 = arith.constant 10000 : i32
    %mul3A_188 = vector.broadcast %mul3A_187 : i32 to vector<16xi32>
    %mul3A_189 = arith.muli %get3A_186, %mul3A_188 : vector<16xi32>
    %get3A_190 = arith.constant 64 : index
    %get3A_191 = tpu.vector_load %arg8[%get3A_190] {strides = array<i32>} : memref<5000xi32, #tpu.memory_space<vmem>>, vector<16xi32>,
    %get3A_192 = vector.shape_cast %get3A_191 : vector<16xi32> to vector<16xi32>
    %add3A_193 = arith.addi %mul3A_189, %get3A_192 : vector<16xi32>
    %swap3A_194 = arith.constant 1 : i32
    %swap3A_195 = arith.index_cast %swap3A_194 : i32 to index
    %swap3A_196 = arith.constant 24 : index
    %swap3A_197 = tpu.vector_load %arg11[%swap3A_195, %swap3A_196] {strides = array<i32>} : memref<5x40xi32, #tpu.memory_space<vmem>>, vector<1x16xi32>,
    %swap3A_198 = vector.shape_cast %swap3A_197 : vector<1x16xi32> to vector<16xi32>
    %swap3A_199 = vector.shape_cast %add3A_193 : vector<16xi32> to vector<1x16xi32>
    tpu.vector_store %arg11[%swap3A_195, %swap3A_196], %swap3A_199 {strides = array<i32>} : memref<5x40xi32, #tpu.memory_space<vmem>>, vector<1x16xi32>,
    %get3A_200 = arith.constant 64 : index
    %get3A_201 = tpu.vector_load %arg10[%get3A_200] {strides = array<i32>} : memref<5000xi32, #tpu.memory_space<vmem>>, vector<16xi32>,
    %get3A_202 = vector.shape_cast %get3A_201 : vector<16xi32> to vector<16xi32>
    %swap3A_203 = arith.constant 1 : i32
    %swap3A_204 = arith.index_cast %swap3A_203 : i32 to index
    %swap3A_205 = arith.constant 24 : index
    %swap3A_206 = tpu.vector_load %arg12[%swap3A_204, %swap3A_205] {strides = array<i32>} : memref<5x40xi32, #tpu.memory_space<vmem>>, vector<1x16xi32>,
    %swap3A_207 = vector.shape_cast %swap3A_206 : vector<1x16xi32> to vector<16xi32>
    %swap3A_208 = vector.shape_cast %get3A_202 : vector<16xi32> to vector<1x16xi32>
    tpu.vector_store %arg12[%swap3A_204, %swap3A_205], %swap3A_208 {strides = array<i32>} : memref<5x40xi32, #tpu.memory_space<vmem>>, vector<1x16xi32>,
    %dma_start3A_209 = arith.constant 1 : i32
    %dma_start3A_210 = arith.constant 1 : i32
    %dma_start3A_211 = arith.constant 0 : i32
    %dma_start3A_212 = arith.constant 0 : i32
    %dma_start3A_213 = tpu.memref_slice %arg13[%dma_start3A_210, %dma_start3A_211, %dma_start3A_212] : memref<5x40x128xf32, #tpu.memory_space<vmem>> -> memref<1x40x128xf32, #tpu.memory_space<vmem>>
    %dma_start3A_214 = tpu.memref_squeeze %dma_start3A_213 : memref<1x40x128xf32, #tpu.memory_space<vmem>> -> memref<40x128xf32, #tpu.memory_space<vmem>>
    %dma_start3A_215 = arith.constant 0 : i32
    %dma_start3A_216 = tpu.memref_slice %arg11[%dma_start3A_209, %dma_start3A_215] : memref<5x40xi32, #tpu.memory_space<vmem>> -> memref<1x40xi32, #tpu.memory_space<vmem>>
    %dma_start3A_217 = tpu.memref_squeeze %dma_start3A_216 : memref<1x40xi32, #tpu.memory_space<vmem>> -> memref<40xi32, #tpu.memory_space<vmem>>
    %dma_start3A_218 = arith.constant 0 : i32
    %dma_start3A_219 = arith.constant 0 : i32
    %dma_start3A_220 = tpu.memref_slice %arg2[%dma_start3A_218, %dma_start3A_219] : memref<80000x128xf32, #tpu.memory_space<hbm>> -> memref<80000x128xf32, #tpu.memory_space<hbm>>
    tpu.enqueue_indirect_dma source(%dma_start3A_220 : memref<80000x128xf32, #tpu.memory_space<hbm>>) target(%dma_start3A_214 : memref<40x128xf32, #tpu.memory_space<vmem>>) offsets(%dma_start3A_217 : memref<40xi32, #tpu.memory_space<vmem>>) semaphore(%arg16 : memref<!tpu.dma_semaphore, #tpu.memory_space<semaphore_mem>>)
    %get3A_221 = arith.constant 80 : index
    %get3A_222 = tpu.vector_load %arg9[%get3A_221] {strides = array<i32>} : memref<5000xi32, #tpu.memory_space<vmem>>, vector<16xi32>,
    %get3A_223 = vector.shape_cast %get3A_222 : vector<16xi32> to vector<16xi32>
    %mul3A_224 = arith.constant 10000 : i32
    %mul3A_225 = vector.broadcast %mul3A_224 : i32 to vector<16xi32>
    %mul3A_226 = arith.muli %get3A_223, %mul3A_225 : vector<16xi32>
    %get3A_227 = arith.constant 80 : index
    %get3A_228 = tpu.vector_load %arg8[%get3A_227] {strides = array<i32>} : memref<5000xi32, #tpu.memory_space<vmem>>, vector<16xi32>,
    %get3A_229 = vector.shape_cast %get3A_228 : vector<16xi32> to vector<16xi32>
    %add3A_230 = arith.addi %mul3A_226, %get3A_229 : vector<16xi32>
    %swap3A_231 = arith.constant 2 : i32
    %swap3A_232 = arith.index_cast %swap3A_231 : i32 to index
    %swap3A_233 = arith.constant 0 : index
    %swap3A_234 = tpu.vector_load %arg11[%swap3A_232, %swap3A_233] {strides = array<i32>} : memref<5x40xi32, #tpu.memory_space<vmem>>, vector<1x16xi32>,
    %swap3A_235 = vector.shape_cast %swap3A_234 : vector<1x16xi32> to vector<16xi32>
    %swap3A_236 = vector.shape_cast %add3A_230 : vector<16xi32> to vector<1x16xi32>
    tpu.vector_store %arg11[%swap3A_232, %swap3A_233], %swap3A_236 {strides = array<i32>} : memref<5x40xi32, #tpu.memory_space<vmem>>, vector<1x16xi32>,
    %get3A_237 = arith.constant 80 : index
    %get3A_238 = tpu.vector_load %arg10[%get3A_237] {strides = array<i32>} : memref<5000xi32, #tpu.memory_space<vmem>>, vector<16xi32>,
    %get3A_239 = vector.shape_cast %get3A_238 : vector<16xi32> to vector<16xi32>
    %swap3A_240 = arith.constant 2 : i32
    %swap3A_241 = arith.index_cast %swap3A_240 : i32 to index
    %swap3A_242 = arith.constant 0 : index
    %swap3A_243 = tpu.vector_load %arg12[%swap3A_241, %swap3A_242] {strides = array<i32>} : memref<5x40xi32, #tpu.memory_space<vmem>>, vector<1x16xi32>,
    %swap3A_244 = vector.shape_cast %swap3A_243 : vector<1x16xi32> to vector<16xi32>
    %swap3A_245 = vector.shape_cast %get3A_239 : vector<16xi32> to vector<1x16xi32>
    tpu.vector_store %arg12[%swap3A_241, %swap3A_242], %swap3A_245 {strides = array<i32>} : memref<5x40xi32, #tpu.memory_space<vmem>>, vector<1x16xi32>,
    %get3A_246 = arith.constant 96 : index
    %get3A_247 = tpu.vector_load %arg9[%get3A_246] {strides = array<i32>} : memref<5000xi32, #tpu.memory_space<vmem>>, vector<16xi32>,
    %get3A_248 = vector.shape_cast %get3A_247 : vector<16xi32> to vector<16xi32>
    %mul3A_249 = arith.constant 10000 : i32
    %mul3A_250 = vector.broadcast %mul3A_249 : i32 to vector<16xi32>
    %mul3A_251 = arith.muli %get3A_248, %mul3A_250 : vector<16xi32>
    %get3A_252 = arith.constant 96 : index
    %get3A_253 = tpu.vector_load %arg8[%get3A_252] {strides = array<i32>} : memref<5000xi32, #tpu.memory_space<vmem>>, vector<16xi32>,
    %get3A_254 = vector.shape_cast %get3A_253 : vector<16xi32> to vector<16xi32>
    %add3A_255 = arith.addi %mul3A_251, %get3A_254 : vector<16xi32>
    %swap3A_256 = arith.constant 2 : i32
    %swap3A_257 = arith.index_cast %swap3A_256 : i32 to index
    %swap3A_258 = arith.constant 16 : index
    %swap3A_259 = tpu.vector_load %arg11[%swap3A_257, %swap3A_258] {strides = array<i32>} : memref<5x40xi32, #tpu.memory_space<vmem>>, vector<1x16xi32>,
    %swap3A_260 = vector.shape_cast %swap3A_259 : vector<1x16xi32> to vector<16xi32>
    %swap3A_261 = vector.shape_cast %add3A_255 : vector<16xi32> to vector<1x16xi32>
    tpu.vector_store %arg11[%swap3A_257, %swap3A_258], %swap3A_261 {strides = array<i32>} : memref<5x40xi32, #tpu.memory_space<vmem>>, vector<1x16xi32>,
    %get3A_262 = arith.constant 96 : index
    %get3A_263 = tpu.vector_load %arg10[%get3A_262] {strides = array<i32>} : memref<5000xi32, #tpu.memory_space<vmem>>, vector<16xi32>,
    %get3A_264 = vector.shape_cast %get3A_263 : vector<16xi32> to vector<16xi32>
    %swap3A_265 = arith.constant 2 : i32
    %swap3A_266 = arith.index_cast %swap3A_265 : i32 to index
    %swap3A_267 = arith.constant 16 : index
    %swap3A_268 = tpu.vector_load %arg12[%swap3A_266, %swap3A_267] {strides = array<i32>} : memref<5x40xi32, #tpu.memory_space<vmem>>, vector<1x16xi32>,
    %swap3A_269 = vector.shape_cast %swap3A_268 : vector<1x16xi32> to vector<16xi32>
    %swap3A_270 = vector.shape_cast %get3A_264 : vector<16xi32> to vector<1x16xi32>
    tpu.vector_store %arg12[%swap3A_266, %swap3A_267], %swap3A_270 {strides = array<i32>} : memref<5x40xi32, #tpu.memory_space<vmem>>, vector<1x16xi32>,
    %get3A_271 = arith.constant 104 : index
    %get3A_272 = tpu.vector_load %arg9[%get3A_271] {strides = array<i32>} : memref<5000xi32, #tpu.memory_space<vmem>>, vector<16xi32>,
    %get3A_273 = vector.shape_cast %get3A_272 : vector<16xi32> to vector<16xi32>
    %mul3A_274 = arith.constant 10000 : i32
    %mul3A_275 = vector.broadcast %mul3A_274 : i32 to vector<16xi32>
    %mul3A_276 = arith.muli %get3A_273, %mul3A_275 : vector<16xi32>
    %get3A_277 = arith.constant 104 : index
    %get3A_278 = tpu.vector_load %arg8[%get3A_277] {strides = array<i32>} : memref<5000xi32, #tpu.memory_space<vmem>>, vector<16xi32>,
    %get3A_279 = vector.shape_cast %get3A_278 : vector<16xi32> to vector<16xi32>
    %add3A_280 = arith.addi %mul3A_276, %get3A_279 : vector<16xi32>
    %swap3A_281 = arith.constant 2 : i32
    %swap3A_282 = arith.index_cast %swap3A_281 : i32 to index
    %swap3A_283 = arith.constant 24 : index
    %swap3A_284 = tpu.vector_load %arg11[%swap3A_282, %swap3A_283] {strides = array<i32>} : memref<5x40xi32, #tpu.memory_space<vmem>>, vector<1x16xi32>,
    %swap3A_285 = vector.shape_cast %swap3A_284 : vector<1x16xi32> to vector<16xi32>
    %swap3A_286 = vector.shape_cast %add3A_280 : vector<16xi32> to vector<1x16xi32>
    tpu.vector_store %arg11[%swap3A_282, %swap3A_283], %swap3A_286 {strides = array<i32>} : memref<5x40xi32, #tpu.memory_space<vmem>>, vector<1x16xi32>,
    %get3A_287 = arith.constant 104 : index
    %get3A_288 = tpu.vector_load %arg10[%get3A_287] {strides = array<i32>} : memref<5000xi32, #tpu.memory_space<vmem>>, vector<16xi32>,
    %get3A_289 = vector.shape_cast %get3A_288 : vector<16xi32> to vector<16xi32>
    %swap3A_290 = arith.constant 2 : i32
    %swap3A_291 = arith.index_cast %swap3A_290 : i32 to index
    %swap3A_292 = arith.constant 24 : index
    %swap3A_293 = tpu.vector_load %arg12[%swap3A_291, %swap3A_292] {strides = array<i32>} : memref<5x40xi32, #tpu.memory_space<vmem>>, vector<1x16xi32>,
    %swap3A_294 = vector.shape_cast %swap3A_293 : vector<1x16xi32> to vector<16xi32>
    %swap3A_295 = vector.shape_cast %get3A_289 : vector<16xi32> to vector<1x16xi32>
    tpu.vector_store %arg12[%swap3A_291, %swap3A_292], %swap3A_295 {strides = array<i32>} : memref<5x40xi32, #tpu.memory_space<vmem>>, vector<1x16xi32>,
    %dma_start3A_296 = arith.constant 2 : i32
    %dma_start3A_297 = arith.constant 2 : i32
    %dma_start3A_298 = arith.constant 0 : i32
    %dma_start3A_299 = arith.constant 0 : i32
    %dma_start3A_300 = tpu.memref_slice %arg13[%dma_start3A_297, %dma_start3A_298, %dma_start3A_299] : memref<5x40x128xf32, #tpu.memory_space<vmem>> -> memref<1x40x128xf32, #tpu.memory_space<vmem>>
    %dma_start3A_301 = tpu.memref_squeeze %dma_start3A_300 : memref<1x40x128xf32, #tpu.memory_space<vmem>> -> memref<40x128xf32, #tpu.memory_space<vmem>>
    %dma_start3A_302 = arith.constant 0 : i32
    %dma_start3A_303 = tpu.memref_slice %arg11[%dma_start3A_296, %dma_start3A_302] : memref<5x40xi32, #tpu.memory_space<vmem>> -> memref<1x40xi32, #tpu.memory_space<vmem>>
    %dma_start3A_304 = tpu.memref_squeeze %dma_start3A_303 : memref<1x40xi32, #tpu.memory_space<vmem>> -> memref<40xi32, #tpu.memory_space<vmem>>
    %dma_start3A_305 = arith.constant 0 : i32
    %dma_start3A_306 = arith.constant 0 : i32
    %dma_start3A_307 = tpu.memref_slice %arg2[%dma_start3A_305, %dma_start3A_306] : memref<80000x128xf32, #tpu.memory_space<hbm>> -> memref<80000x128xf32, #tpu.memory_space<hbm>>
    tpu.enqueue_indirect_dma source(%dma_start3A_307 : memref<80000x128xf32, #tpu.memory_space<hbm>>) target(%dma_start3A_301 : memref<40x128xf32, #tpu.memory_space<vmem>>) offsets(%dma_start3A_304 : memref<40xi32, #tpu.memory_space<vmem>>) semaphore(%arg17 : memref<!tpu.dma_semaphore, #tpu.memory_space<semaphore_mem>>)
    %get3A_308 = arith.constant 120 : index
    %get3A_309 = tpu.vector_load %arg9[%get3A_308] {strides = array<i32>} : memref<5000xi32, #tpu.memory_space<vmem>>, vector<16xi32>,
    %get3A_310 = vector.shape_cast %get3A_309 : vector<16xi32> to vector<16xi32>
    %mul3A_311 = arith.constant 10000 : i32
    %mul3A_312 = vector.broadcast %mul3A_311 : i32 to vector<16xi32>
    %mul3A_313 = arith.muli %get3A_310, %mul3A_312 : vector<16xi32>
    %get3A_314 = arith.constant 120 : index
    %get3A_315 = tpu.vector_load %arg8[%get3A_314] {strides = array<i32>} : memref<5000xi32, #tpu.memory_space<vmem>>, vector<16xi32>,
    %get3A_316 = vector.shape_cast %get3A_315 : vector<16xi32> to vector<16xi32>
    %add3A_317 = arith.addi %mul3A_313, %get3A_316 : vector<16xi32>
    %swap3A_318 = arith.constant 3 : i32
    %swap3A_319 = arith.index_cast %swap3A_318 : i32 to index
    %swap3A_320 = arith.constant 0 : index
    %swap3A_321 = tpu.vector_load %arg11[%swap3A_319, %swap3A_320] {strides = array<i32>} : memref<5x40xi32, #tpu.memory_space<vmem>>, vector<1x16xi32>,
    %swap3A_322 = vector.shape_cast %swap3A_321 : vector<1x16xi32> to vector<16xi32>
    %swap3A_323 = vector.shape_cast %add3A_317 : vector<16xi32> to vector<1x16xi32>
    tpu.vector_store %arg11[%swap3A_319, %swap3A_320], %swap3A_323 {strides = array<i32>} : memref<5x40xi32, #tpu.memory_space<vmem>>, vector<1x16xi32>,
    %get3A_324 = arith.constant 120 : index
    %get3A_325 = tpu.vector_load %arg10[%get3A_324] {strides = array<i32>} : memref<5000xi32, #tpu.memory_space<vmem>>, vector<16xi32>,
    %get3A_326 = vector.shape_cast %get3A_325 : vector<16xi32> to vector<16xi32>
    %swap3A_327 = arith.constant 3 : i32
    %swap3A_328 = arith.index_cast %swap3A_327 : i32 to index
    %swap3A_329 = arith.constant 0 : index
    %swap3A_330 = tpu.vector_load %arg12[%swap3A_328, %swap3A_329] {strides = array<i32>} : memref<5x40xi32, #tpu.memory_space<vmem>>, vector<1x16xi32>,
    %swap3A_331 = vector.shape_cast %swap3A_330 : vector<1x16xi32> to vector<16xi32>
    %swap3A_332 = vector.shape_cast %get3A_326 : vector<16xi32> to vector<1x16xi32>
    tpu.vector_store %arg12[%swap3A_328, %swap3A_329], %swap3A_332 {strides = array<i32>} : memref<5x40xi32, #tpu.memory_space<vmem>>, vector<1x16xi32>,
    %get3A_333 = arith.constant 136 : index
    %get3A_334 = tpu.vector_load %arg9[%get3A_333] {strides = array<i32>} : memref<5000xi32, #tpu.memory_space<vmem>>, vector<16xi32>,
    %get3A_335 = vector.shape_cast %get3A_334 : vector<16xi32> to vector<16xi32>
    %mul3A_336 = arith.constant 10000 : i32
    %mul3A_337 = vector.broadcast %mul3A_336 : i32 to vector<16xi32>
    %mul3A_338 = arith.muli %get3A_335, %mul3A_337 : vector<16xi32>
    %get3A_339 = arith.constant 136 : index
    %get3A_340 = tpu.vector_load %arg8[%get3A_339] {strides = array<i32>} : memref<5000xi32, #tpu.memory_space<vmem>>, vector<16xi32>,
    %get3A_341 = vector.shape_cast %get3A_340 : vector<16xi32> to vector<16xi32>
    %add3A_342 = arith.addi %mul3A_338, %get3A_341 : vector<16xi32>
    %swap3A_343 = arith.constant 3 : i32
    %swap3A_344 = arith.index_cast %swap3A_343 : i32 to index
    %swap3A_345 = arith.constant 16 : index
    %swap3A_346 = tpu.vector_load %arg11[%swap3A_344, %swap3A_345] {strides = array<i32>} : memref<5x40xi32, #tpu.memory_space<vmem>>, vector<1x16xi32>,
    %swap3A_347 = vector.shape_cast %swap3A_346 : vector<1x16xi32> to vector<16xi32>
    %swap3A_348 = vector.shape_cast %add3A_342 : vector<16xi32> to vector<1x16xi32>
    tpu.vector_store %arg11[%swap3A_344, %swap3A_345], %swap3A_348 {strides = array<i32>} : memref<5x40xi32, #tpu.memory_space<vmem>>, vector<1x16xi32>,
    %get3A_349 = arith.constant 136 : index
    %get3A_350 = tpu.vector_load %arg10[%get3A_349] {strides = array<i32>} : memref<5000xi32, #tpu.memory_space<vmem>>, vector<16xi32>,
    %get3A_351 = vector.shape_cast %get3A_350 : vector<16xi32> to vector<16xi32>
    %swap3A_352 = arith.constant 3 : i32
    %swap3A_353 = arith.index_cast %swap3A_352 : i32 to index
    %swap3A_354 = arith.constant 16 : index
    %swap3A_355 = tpu.vector_load %arg12[%swap3A_353, %swap3A_354] {strides = array<i32>} : memref<5x40xi32, #tpu.memory_space<vmem>>, vector<1x16xi32>,
    %swap3A_356 = vector.shape_cast %swap3A_355 : vector<1x16xi32> to vector<16xi32>
    %swap3A_357 = vector.shape_cast %get3A_351 : vector<16xi32> to vector<1x16xi32>
    tpu.vector_store %arg12[%swap3A_353, %swap3A_354], %swap3A_357 {strides = array<i32>} : memref<5x40xi32, #tpu.memory_space<vmem>>, vector<1x16xi32>,
    %get3A_358 = arith.constant 144 : index
    %get3A_359 = tpu.vector_load %arg9[%get3A_358] {strides = array<i32>} : memref<5000xi32, #tpu.memory_space<vmem>>, vector<16xi32>,
    %get3A_360 = vector.shape_cast %get3A_359 : vector<16xi32> to vector<16xi32>
    %mul3A_361 = arith.constant 10000 : i32
    %mul3A_362 = vector.broadcast %mul3A_361 : i32 to vector<16xi32>
    %mul3A_363 = arith.muli %get3A_360, %mul3A_362 : vector<16xi32>
    %get3A_364 = arith.constant 144 : index
    %get3A_365 = tpu.vector_load %arg8[%get3A_364] {strides = array<i32>} : memref<5000xi32, #tpu.memory_space<vmem>>, vector<16xi32>,
    %get3A_366 = vector.shape_cast %get3A_365 : vector<16xi32> to vector<16xi32>
    %add3A_367 = arith.addi %mul3A_363, %get3A_366 : vector<16xi32>
    %swap3A_368 = arith.constant 3 : i32
    %swap3A_369 = arith.index_cast %swap3A_368 : i32 to index
    %swap3A_370 = arith.constant 24 : index
    %swap3A_371 = tpu.vector_load %arg11[%swap3A_369, %swap3A_370] {strides = array<i32>} : memref<5x40xi32, #tpu.memory_space<vmem>>, vector<1x16xi32>,
    %swap3A_372 = vector.shape_cast %swap3A_371 : vector<1x16xi32> to vector<16xi32>
    %swap3A_373 = vector.shape_cast %add3A_367 : vector<16xi32> to vector<1x16xi32>
    tpu.vector_store %arg11[%swap3A_369, %swap3A_370], %swap3A_373 {strides = array<i32>} : memref<5x40xi32, #tpu.memory_space<vmem>>, vector<1x16xi32>,
    %get3A_374 = arith.constant 144 : index
    %get3A_375 = tpu.vector_load %arg10[%get3A_374] {strides = array<i32>} : memref<5000xi32, #tpu.memory_space<vmem>>, vector<16xi32>,
    %get3A_376 = vector.shape_cast %get3A_375 : vector<16xi32> to vector<16xi32>
    %swap3A_377 = arith.constant 3 : i32
    %swap3A_378 = arith.index_cast %swap3A_377 : i32 to index
    %swap3A_379 = arith.constant 24 : index
    %swap3A_380 = tpu.vector_load %arg12[%swap3A_378, %swap3A_379] {strides = array<i32>} : memref<5x40xi32, #tpu.memory_space<vmem>>, vector<1x16xi32>,
    %swap3A_381 = vector.shape_cast %swap3A_380 : vector<1x16xi32> to vector<16xi32>
    %swap3A_382 = vector.shape_cast %get3A_376 : vector<16xi32> to vector<1x16xi32>
    tpu.vector_store %arg12[%swap3A_378, %swap3A_379], %swap3A_382 {strides = array<i32>} : memref<5x40xi32, #tpu.memory_space<vmem>>, vector<1x16xi32>,
    %dma_start3A_383 = arith.constant 3 : i32
    %dma_start3A_384 = arith.constant 3 : i32
    %dma_start3A_385 = arith.constant 0 : i32
    %dma_start3A_386 = arith.constant 0 : i32
    %dma_start3A_387 = tpu.memref_slice %arg13[%dma_start3A_384, %dma_start3A_385, %dma_start3A_386] : memref<5x40x128xf32, #tpu.memory_space<vmem>> -> memref<1x40x128xf32, #tpu.memory_space<vmem>>
    %dma_start3A_388 = tpu.memref_squeeze %dma_start3A_387 : memref<1x40x128xf32, #tpu.memory_space<vmem>> -> memref<40x128xf32, #tpu.memory_space<vmem>>
    %dma_start3A_389 = arith.constant 0 : i32
    %dma_start3A_390 = tpu.memref_slice %arg11[%dma_start3A_383, %dma_start3A_389] : memref<5x40xi32, #tpu.memory_space<vmem>> -> memref<1x40xi32, #tpu.memory_space<vmem>>
    %dma_start3A_391 = tpu.memref_squeeze %dma_start3A_390 : memref<1x40xi32, #tpu.memory_space<vmem>> -> memref<40xi32, #tpu.memory_space<vmem>>
    %dma_start3A_392 = arith.constant 0 : i32
    %dma_start3A_393 = arith.constant 0 : i32
    %dma_start3A_394 = tpu.memref_slice %arg2[%dma_start3A_392, %dma_start3A_393] : memref<80000x128xf32, #tpu.memory_space<hbm>> -> memref<80000x128xf32, #tpu.memory_space<hbm>>
    tpu.enqueue_indirect_dma source(%dma_start3A_394 : memref<80000x128xf32, #tpu.memory_space<hbm>>) target(%dma_start3A_388 : memref<40x128xf32, #tpu.memory_space<vmem>>) offsets(%dma_start3A_391 : memref<40xi32, #tpu.memory_space<vmem>>) semaphore(%arg18 : memref<!tpu.dma_semaphore, #tpu.memory_space<semaphore_mem>>)
    %dma_wait3A_395 = arith.constant 0 : i32
    %dma_wait3A_396 = arith.constant 0 : i32
    %dma_wait3A_397 = arith.constant 0 : i32
    %dma_wait3A_398 = arith.constant 0 : i32
    %dma_wait3A_399 = tpu.memref_slice %arg13[%dma_wait3A_396, %dma_wait3A_397, %dma_wait3A_398] : memref<5x40x128xf32, #tpu.memory_space<vmem>> -> memref<1x40x128xf32, #tpu.memory_space<vmem>>
    %dma_wait3A_400 = tpu.memref_squeeze %dma_wait3A_399 : memref<1x40x128xf32, #tpu.memory_space<vmem>> -> memref<40x128xf32, #tpu.memory_space<vmem>>
    %dma_wait3A_401 = arith.constant 0 : i32
    %dma_wait3A_402 = tpu.memref_slice %arg11[%dma_wait3A_395, %dma_wait3A_401] : memref<5x40xi32, #tpu.memory_space<vmem>> -> memref<1x40xi32, #tpu.memory_space<vmem>>
    %dma_wait3A_403 = tpu.memref_squeeze %dma_wait3A_402 : memref<1x40xi32, #tpu.memory_space<vmem>> -> memref<40xi32, #tpu.memory_space<vmem>>
    %dma_wait3A_404 = arith.constant 0 : i32
    %dma_wait3A_405 = arith.constant 0 : i32
    %dma_wait3A_406 = tpu.memref_slice %arg2[%dma_wait3A_404, %dma_wait3A_405] : memref<80000x128xf32, #tpu.memory_space<hbm>> -> memref<80000x128xf32, #tpu.memory_space<hbm>>
    tpu.wait_indirect_dma semaphore(%arg15 : memref<!tpu.dma_semaphore, #tpu.memory_space<semaphore_mem>>) src(%dma_wait3A_406 : memref<80000x128xf32, #tpu.memory_space<hbm>>) dst(%dma_wait3A_400 : memref<40x128xf32, #tpu.memory_space<vmem>>)
    %dma_start3A_407 = arith.constant 0 : i32
    %dma_start3A_408 = arith.constant 0 : i32
    %dma_start3A_409 = arith.constant 0 : i32
    %dma_start3A_410 = arith.constant 0 : i32
    %dma_start3A_411 = tpu.memref_slice %arg13[%dma_start3A_407, %dma_start3A_409, %dma_start3A_410] : memref<5x40x128xf32, #tpu.memory_space<vmem>> -> memref<1x40x128xf32, #tpu.memory_space<vmem>>
    %dma_start3A_412 = tpu.memref_squeeze %dma_start3A_411 : memref<1x40x128xf32, #tpu.memory_space<vmem>> -> memref<40x128xf32, #tpu.memory_space<vmem>>
    %dma_start3A_413 = arith.constant 0 : i32
    %dma_start3A_414 = tpu.memref_slice %arg12[%dma_start3A_408, %dma_start3A_413] : memref<5x40xi32, #tpu.memory_space<vmem>> -> memref<1x40xi32, #tpu.memory_space<vmem>>
    %dma_start3A_415 = tpu.memref_squeeze %dma_start3A_414 : memref<1x40xi32, #tpu.memory_space<vmem>> -> memref<40xi32, #tpu.memory_space<vmem>>
    %dma_start3A_416 = arith.constant 0 : i32
    %dma_start3A_417 = arith.constant 0 : i32
    %dma_start3A_418 = tpu.memref_slice %arg7[%dma_start3A_416, %dma_start3A_417] : memref<10000x128xf32, #tpu.memory_space<vmem_shared>> -> memref<10000x128xf32, #tpu.memory_space<vmem_shared>>
    tpu.enqueue_indirect_dma source(%dma_start3A_412 : memref<40x128xf32, #tpu.memory_space<vmem>>) target(%dma_start3A_418 : memref<10000x128xf32, #tpu.memory_space<vmem_shared>>) offsets(%dma_start3A_415 : memref<40xi32, #tpu.memory_space<vmem>>) semaphore(%arg20 : memref<!tpu.dma_semaphore, #tpu.memory_space<semaphore_mem>>) {add = true}
    %get3A_419 = arith.constant 160 : index
    %get3A_420 = tpu.vector_load %arg9[%get3A_419] {strides = array<i32>} : memref<5000xi32, #tpu.memory_space<vmem>>, vector<16xi32>,
    %get3A_421 = vector.shape_cast %get3A_420 : vector<16xi32> to vector<16xi32>
    %mul3A_422 = arith.constant 10000 : i32
    %mul3A_423 = vector.broadcast %mul3A_422 : i32 to vector<16xi32>
    %mul3A_424 = arith.muli %get3A_421, %mul3A_423 : vector<16xi32>
    %get3A_425 = arith.constant 160 : index
    %get3A_426 = tpu.vector_load %arg8[%get3A_425] {strides = array<i32>} : memref<5000xi32, #tpu.memory_space<vmem>>, vector<16xi32>,
    %get3A_427 = vector.shape_cast %get3A_426 : vector<16xi32> to vector<16xi32>
    %add3A_428 = arith.addi %mul3A_424, %get3A_427 : vector<16xi32>
    %swap3A_429 = arith.constant 4 : i32
    %swap3A_430 = arith.index_cast %swap3A_429 : i32 to index
    %swap3A_431 = arith.constant 0 : index
    %swap3A_432 = tpu.vector_load %arg11[%swap3A_430, %swap3A_431] {strides = array<i32>} : memref<5x40xi32, #tpu.memory_space<vmem>>, vector<1x16xi32>,
    %swap3A_433 = vector.shape_cast %swap3A_432 : vector<1x16xi32> to vector<16xi32>
    %swap3A_434 = vector.shape_cast %add3A_428 : vector<16xi32> to vector<1x16xi32>
    tpu.vector_store %arg11[%swap3A_430, %swap3A_431], %swap3A_434 {strides = array<i32>} : memref<5x40xi32, #tpu.memory_space<vmem>>, vector<1x16xi32>,
    %get3A_435 = arith.constant 160 : index
    %get3A_436 = tpu.vector_load %arg10[%get3A_435] {strides = array<i32>} : memref<5000xi32, #tpu.memory_space<vmem>>, vector<16xi32>,
    %get3A_437 = vector.shape_cast %get3A_436 : vector<16xi32> to vector<16xi32>
    %swap3A_438 = arith.constant 4 : i32
    %swap3A_439 = arith.index_cast %swap3A_438 : i32 to index
    %swap3A_440 = arith.constant 0 : index
    %swap3A_441 = tpu.vector_load %arg12[%swap3A_439, %swap3A_440] {strides = array<i32>} : memref<5x40xi32, #tpu.memory_space<vmem>>, vector<1x16xi32>,
    %swap3A_442 = vector.shape_cast %swap3A_441 : vector<1x16xi32> to vector<16xi32>
    %swap3A_443 = vector.shape_cast %get3A_437 : vector<16xi32> to vector<1x16xi32>
    tpu.vector_store %arg12[%swap3A_439, %swap3A_440], %swap3A_443 {strides = array<i32>} : memref<5x40xi32, #tpu.memory_space<vmem>>, vector<1x16xi32>,
    %get3A_444 = arith.constant 176 : index
    %get3A_445 = tpu.vector_load %arg9[%get3A_444] {strides = array<i32>} : memref<5000xi32, #tpu.memory_space<vmem>>, vector<16xi32>,
    %get3A_446 = vector.shape_cast %get3A_445 : vector<16xi32> to vector<16xi32>
    %mul3A_447 = arith.constant 10000 : i32
    %mul3A_448 = vector.broadcast %mul3A_447 : i32 to vector<16xi32>
    %mul3A_449 = arith.muli %get3A_446, %mul3A_448 : vector<16xi32>
    %get3A_450 = arith.constant 176 : index
    %get3A_451 = tpu.vector_load %arg8[%get3A_450] {strides = array<i32>} : memref<5000xi32, #tpu.memory_space<vmem>>, vector<16xi32>,
    %get3A_452 = vector.shape_cast %get3A_451 : vector<16xi32> to vector<16xi32>
    %add3A_453 = arith.addi %mul3A_449, %get3A_452 : vector<16xi32>
    %swap3A_454 = arith.constant 4 : i32
    %swap3A_455 = arith.index_cast %swap3A_454 : i32 to index
    %swap3A_456 = arith.constant 16 : index
    %swap3A_457 = tpu.vector_load %arg11[%swap3A_455, %swap3A_456] {strides = array<i32>} : memref<5x40xi32, #tpu.memory_space<vmem>>, vector<1x16xi32>,
    %swap3A_458 = vector.shape_cast %swap3A_457 : vector<1x16xi32> to vector<16xi32>
    %swap3A_459 = vector.shape_cast %add3A_453 : vector<16xi32> to vector<1x16xi32>
    tpu.vector_store %arg11[%swap3A_455, %swap3A_456], %swap3A_459 {strides = array<i32>} : memref<5x40xi32, #tpu.memory_space<vmem>>, vector<1x16xi32>,
    %get3A_460 = arith.constant 176 : index
    %get3A_461 = tpu.vector_load %arg10[%get3A_460] {strides = array<i32>} : memref<5000xi32, #tpu.memory_space<vmem>>, vector<16xi32>,
    %get3A_462 = vector.shape_cast %get3A_461 : vector<16xi32> to vector<16xi32>
    %swap3A_463 = arith.constant 4 : i32
    %swap3A_464 = arith.index_cast %swap3A_463 : i32 to index
    %swap3A_465 = arith.constant 16 : index
    %swap3A_466 = tpu.vector_load %arg12[%swap3A_464, %swap3A_465] {strides = array<i32>} : memref<5x40xi32, #tpu.memory_space<vmem>>, vector<1x16xi32>,
    %swap3A_467 = vector.shape_cast %swap3A_466 : vector<1x16xi32> to vector<16xi32>
    %swap3A_468 = vector.shape_cast %get3A_462 : vector<16xi32> to vector<1x16xi32>
    tpu.vector_store %arg12[%swap3A_464, %swap3A_465], %swap3A_468 {strides = array<i32>} : memref<5x40xi32, #tpu.memory_space<vmem>>, vector<1x16xi32>,
    %get3A_469 = arith.constant 184 : index
    %get3A_470 = tpu.vector_load %arg9[%get3A_469] {strides = array<i32>} : memref<5000xi32, #tpu.memory_space<vmem>>, vector<16xi32>,
    %get3A_471 = vector.shape_cast %get3A_470 : vector<16xi32> to vector<16xi32>
    %mul3A_472 = arith.constant 10000 : i32
    %mul3A_473 = vector.broadcast %mul3A_472 : i32 to vector<16xi32>
    %mul3A_474 = arith.muli %get3A_471, %mul3A_473 : vector<16xi32>
    %get3A_475 = arith.constant 184 : index
    %get3A_476 = tpu.vector_load %arg8[%get3A_475] {strides = array<i32>} : memref<5000xi32, #tpu.memory_space<vmem>>, vector<16xi32>,
    %get3A_477 = vector.shape_cast %get3A_476 : vector<16xi32> to vector<16xi32>
    %add3A_478 = arith.addi %mul3A_474, %get3A_477 : vector<16xi32>
    %swap3A_479 = arith.constant 4 : i32
    %swap3A_480 = arith.index_cast %swap3A_479 : i32 to index
    %swap3A_481 = arith.constant 24 : index
    %swap3A_482 = tpu.vector_load %arg11[%swap3A_480, %swap3A_481] {strides = array<i32>} : memref<5x40xi32, #tpu.memory_space<vmem>>, vector<1x16xi32>,
    %swap3A_483 = vector.shape_cast %swap3A_482 : vector<1x16xi32> to vector<16xi32>
    %swap3A_484 = vector.shape_cast %add3A_478 : vector<16xi32> to vector<1x16xi32>
    tpu.vector_store %arg11[%swap3A_480, %swap3A_481], %swap3A_484 {strides = array<i32>} : memref<5x40xi32, #tpu.memory_space<vmem>>, vector<1x16xi32>,
    %get3A_485 = arith.constant 184 : index
    %get3A_486 = tpu.vector_load %arg10[%get3A_485] {strides = array<i32>} : memref<5000xi32, #tpu.memory_space<vmem>>, vector<16xi32>,
    %get3A_487 = vector.shape_cast %get3A_486 : vector<16xi32> to vector<16xi32>
    %swap3A_488 = arith.constant 4 : i32
    %swap3A_489 = arith.index_cast %swap3A_488 : i32 to index
    %swap3A_490 = arith.constant 24 : index
    %swap3A_491 = tpu.vector_load %arg12[%swap3A_489, %swap3A_490] {strides = array<i32>} : memref<5x40xi32, #tpu.memory_space<vmem>>, vector<1x16xi32>,
    %swap3A_492 = vector.shape_cast %swap3A_491 : vector<1x16xi32> to vector<16xi32>
    %swap3A_493 = vector.shape_cast %get3A_487 : vector<16xi32> to vector<1x16xi32>
    tpu.vector_store %arg12[%swap3A_489, %swap3A_490], %swap3A_493 {strides = array<i32>} : memref<5x40xi32, #tpu.memory_space<vmem>>, vector<1x16xi32>,
    %dma_start3A_494 = arith.constant 4 : i32
    %dma_start3A_495 = arith.constant 4 : i32
    %dma_start3A_496 = arith.constant 0 : i32
    %dma_start3A_497 = arith.constant 0 : i32
    %dma_start3A_498 = tpu.memref_slice %arg13[%dma_start3A_495, %dma_start3A_496, %dma_start3A_497] : memref<5x40x128xf32, #tpu.memory_space<vmem>> -> memref<1x40x128xf32, #tpu.memory_space<vmem>>
    %dma_start3A_499 = tpu.memref_squeeze %dma_start3A_498 : memref<1x40x128xf32, #tpu.memory_space<vmem>> -> memref<40x128xf32, #tpu.memory_space<vmem>>
    %dma_start3A_500 = arith.constant 0 : i32
    %dma_start3A_501 = tpu.memref_slice %arg11[%dma_start3A_494, %dma_start3A_500] : memref<5x40xi32, #tpu.memory_space<vmem>> -> memref<1x40xi32, #tpu.memory_space<vmem>>
    %dma_start3A_502 = tpu.memref_squeeze %dma_start3A_501 : memref<1x40xi32, #tpu.memory_space<vmem>> -> memref<40xi32, #tpu.memory_space<vmem>>
    %dma_start3A_503 = arith.constant 0 : i32
    %dma_start3A_504 = arith.constant 0 : i32
    %dma_start3A_505 = tpu.memref_slice %arg2[%dma_start3A_503, %dma_start3A_504] : memref<80000x128xf32, #tpu.memory_space<hbm>> -> memref<80000x128xf32, #tpu.memory_space<hbm>>
    tpu.enqueue_indirect_dma source(%dma_start3A_505 : memref<80000x128xf32, #tpu.memory_space<hbm>>) target(%dma_start3A_499 : memref<40x128xf32, #tpu.memory_space<vmem>>) offsets(%dma_start3A_502 : memref<40xi32, #tpu.memory_space<vmem>>) semaphore(%arg19 : memref<!tpu.dma_semaphore, #tpu.memory_space<semaphore_mem>>)
    %scan3A_506 = arith.constant 0 : i32
    %scan3A_507 = arith.constant 0 : i32
    %scan3A_508 = arith.constant 24 : i32
    %scan3A_509 = arith.addi %scan3A_507, %scan3A_508 : i32
    %scan3A_510 = arith.constant 1 : i32
    scf.for %scan3A_679 = %scan3A_507 to %scan3A_509 step %scan3A_510  : i32 {
      %mul3A_680 = arith.constant 5 : i32
      %mul3A_681 = arith.muli %mul3A_680, %scan3A_679 : i32
      %add3A_682 = arith.constant 5 : i32
      %add3A_683 = arith.addi %add3A_682, %mul3A_681 : i32
      %add3A_684 = arith.constant 0 : i32
      %add3A_685 = arith.addi %add3A_683, %add3A_684 : i32
      %dma_wait3A_686 = arith.constant 1 : i32
      %dma_wait3A_687 = arith.constant 1 : i32
      %dma_wait3A_688 = arith.constant 0 : i32
      %dma_wait3A_689 = arith.constant 0 : i32
      %dma_wait3A_690 = tpu.memref_slice %arg13[%dma_wait3A_687, %dma_wait3A_688, %dma_wait3A_689] : memref<5x40x128xf32, #tpu.memory_space<vmem>> -> memref<1x40x128xf32, #tpu.memory_space<vmem>>
      %dma_wait3A_691 = tpu.memref_squeeze %dma_wait3A_690 : memref<1x40x128xf32, #tpu.memory_space<vmem>> -> memref<40x128xf32, #tpu.memory_space<vmem>>
      %dma_wait3A_692 = arith.constant 0 : i32
      %dma_wait3A_693 = tpu.memref_slice %arg11[%dma_wait3A_686, %dma_wait3A_692] : memref<5x40xi32, #tpu.memory_space<vmem>> -> memref<1x40xi32, #tpu.memory_space<vmem>>
      %dma_wait3A_694 = tpu.memref_squeeze %dma_wait3A_693 : memref<1x40xi32, #tpu.memory_space<vmem>> -> memref<40xi32, #tpu.memory_space<vmem>>
      %dma_wait3A_695 = arith.constant 0 : i32
      %dma_wait3A_696 = arith.constant 0 : i32
      %dma_wait3A_697 = tpu.memref_slice %arg2[%dma_wait3A_695, %dma_wait3A_696] : memref<80000x128xf32, #tpu.memory_space<hbm>> -> memref<80000x128xf32, #tpu.memory_space<hbm>>
      tpu.wait_indirect_dma semaphore(%arg16 : memref<!tpu.dma_semaphore, #tpu.memory_space<semaphore_mem>>) src(%dma_wait3A_697 : memref<80000x128xf32, #tpu.memory_space<hbm>>) dst(%dma_wait3A_691 : memref<40x128xf32, #tpu.memory_space<vmem>>)
      %dma_start3A_698 = arith.constant 1 : i32
      %dma_start3A_699 = arith.constant 1 : i32
      %dma_start3A_700 = arith.constant 0 : i32
      %dma_start3A_701 = arith.constant 0 : i32
      %dma_start3A_702 = tpu.memref_slice %arg13[%dma_start3A_698, %dma_start3A_700, %dma_start3A_701] : memref<5x40x128xf32, #tpu.memory_space<vmem>> -> memref<1x40x128xf32, #tpu.memory_space<vmem>>
      %dma_start3A_703 = tpu.memref_squeeze %dma_start3A_702 : memref<1x40x128xf32, #tpu.memory_space<vmem>> -> memref<40x128xf32, #tpu.memory_space<vmem>>
      %dma_start3A_704 = arith.constant 0 : i32
      %dma_start3A_705 = tpu.memref_slice %arg12[%dma_start3A_699, %dma_start3A_704] : memref<5x40xi32, #tpu.memory_space<vmem>> -> memref<1x40xi32, #tpu.memory_space<vmem>>
      %dma_start3A_706 = tpu.memref_squeeze %dma_start3A_705 : memref<1x40xi32, #tpu.memory_space<vmem>> -> memref<40xi32, #tpu.memory_space<vmem>>
      %dma_start3A_707 = arith.constant 0 : i32
      %dma_start3A_708 = arith.constant 0 : i32
      %dma_start3A_709 = tpu.memref_slice %arg7[%dma_start3A_707, %dma_start3A_708] : memref<10000x128xf32, #tpu.memory_space<vmem_shared>> -> memref<10000x128xf32, #tpu.memory_space<vmem_shared>>
      tpu.enqueue_indirect_dma source(%dma_start3A_703 : memref<40x128xf32, #tpu.memory_space<vmem>>) target(%dma_start3A_709 : memref<10000x128xf32, #tpu.memory_space<vmem_shared>>) offsets(%dma_start3A_706 : memref<40xi32, #tpu.memory_space<vmem>>) semaphore(%arg21 : memref<!tpu.dma_semaphore, #tpu.memory_space<semaphore_mem>>) {add = true}
      %dma_wait3A_710 = arith.constant 0 : i32
      %dma_wait3A_711 = arith.constant 0 : i32
      %dma_wait3A_712 = arith.constant 0 : i32
      %dma_wait3A_713 = arith.constant 0 : i32
      %dma_wait3A_714 = tpu.memref_slice %arg13[%dma_wait3A_710, %dma_wait3A_712, %dma_wait3A_713] : memref<5x40x128xf32, #tpu.memory_space<vmem>> -> memref<1x40x128xf32, #tpu.memory_space<vmem>>
      %dma_wait3A_715 = tpu.memref_squeeze %dma_wait3A_714 : memref<1x40x128xf32, #tpu.memory_space<vmem>> -> memref<40x128xf32, #tpu.memory_space<vmem>>
      %dma_wait3A_716 = arith.constant 0 : i32
      %dma_wait3A_717 = tpu.memref_slice %arg12[%dma_wait3A_711, %dma_wait3A_716] : memref<5x40xi32, #tpu.memory_space<vmem>> -> memref<1x40xi32, #tpu.memory_space<vmem>>
      %dma_wait3A_718 = tpu.memref_squeeze %dma_wait3A_717 : memref<1x40xi32, #tpu.memory_space<vmem>> -> memref<40xi32, #tpu.memory_space<vmem>>
      %dma_wait3A_719 = arith.constant 0 : i32
      %dma_wait3A_720 = arith.constant 0 : i32
      %dma_wait3A_721 = tpu.memref_slice %arg7[%dma_wait3A_719, %dma_wait3A_720] : memref<10000x128xf32, #tpu.memory_space<vmem_shared>> -> memref<10000x128xf32, #tpu.memory_space<vmem_shared>>
      tpu.wait_indirect_dma semaphore(%arg20 : memref<!tpu.dma_semaphore, #tpu.memory_space<semaphore_mem>>) src(%dma_wait3A_715 : memref<40x128xf32, #tpu.memory_space<vmem>>) dst(%dma_wait3A_721 : memref<10000x128xf32, #tpu.memory_space<vmem_shared>>)
      %mul3A_722 = arith.constant 40 : i32
      %mul3A_723 = arith.muli %add3A_685, %mul3A_722 : i32
      %add3A_724 = arith.constant 0 : i32
      %add3A_725 = arith.addi %mul3A_723, %add3A_724 : i32
      %get3A_726 = arith.index_cast %add3A_725 : i32 to index
      %get3A_727 = tpu.vector_load %arg9[%get3A_726] {strides = array<i32>} : memref<5000xi32, #tpu.memory_space<vmem>>, vector<16xi32>,
      %get3A_728 = vector.shape_cast %get3A_727 : vector<16xi32> to vector<16xi32>
      %mul3A_729 = arith.constant 10000 : i32
      %mul3A_730 = vector.broadcast %mul3A_729 : i32 to vector<16xi32>
      %mul3A_731 = arith.muli %get3A_728, %mul3A_730 : vector<16xi32>
      %get3A_732 = arith.index_cast %add3A_725 : i32 to index
      %get3A_733 = tpu.vector_load %arg8[%get3A_732] {strides = array<i32>} : memref<5000xi32, #tpu.memory_space<vmem>>, vector<16xi32>,
      %get3A_734 = vector.shape_cast %get3A_733 : vector<16xi32> to vector<16xi32>
      %add3A_735 = arith.addi %mul3A_731, %get3A_734 : vector<16xi32>
      %swap3A_736 = arith.constant 0 : i32
      %swap3A_737 = arith.index_cast %swap3A_736 : i32 to index
      %swap3A_738 = arith.constant 0 : index
      %swap3A_739 = tpu.vector_load %arg11[%swap3A_737, %swap3A_738] {strides = array<i32>} : memref<5x40xi32, #tpu.memory_space<vmem>>, vector<1x16xi32>,
      %swap3A_740 = vector.shape_cast %swap3A_739 : vector<1x16xi32> to vector<16xi32>
      %swap3A_741 = vector.shape_cast %add3A_735 : vector<16xi32> to vector<1x16xi32>
      tpu.vector_store %arg11[%swap3A_737, %swap3A_738], %swap3A_741 {strides = array<i32>} : memref<5x40xi32, #tpu.memory_space<vmem>>, vector<1x16xi32>,
      %get3A_742 = arith.index_cast %add3A_725 : i32 to index
      %get3A_743 = tpu.vector_load %arg10[%get3A_742] {strides = array<i32>} : memref<5000xi32, #tpu.memory_space<vmem>>, vector<16xi32>,
      %get3A_744 = vector.shape_cast %get3A_743 : vector<16xi32> to vector<16xi32>
      %swap3A_745 = arith.constant 0 : i32
      %swap3A_746 = arith.index_cast %swap3A_745 : i32 to index
      %swap3A_747 = arith.constant 0 : index
      %swap3A_748 = tpu.vector_load %arg12[%swap3A_746, %swap3A_747] {strides = array<i32>} : memref<5x40xi32, #tpu.memory_space<vmem>>, vector<1x16xi32>,
      %swap3A_749 = vector.shape_cast %swap3A_748 : vector<1x16xi32> to vector<16xi32>
      %swap3A_750 = vector.shape_cast %get3A_744 : vector<16xi32> to vector<1x16xi32>
      tpu.vector_store %arg12[%swap3A_746, %swap3A_747], %swap3A_750 {strides = array<i32>} : memref<5x40xi32, #tpu.memory_space<vmem>>, vector<1x16xi32>,
      %mul3A_751 = arith.constant 40 : i32
      %mul3A_752 = arith.muli %add3A_685, %mul3A_751 : i32
      %add3A_753 = arith.constant 16 : i32
      %add3A_754 = arith.addi %mul3A_752, %add3A_753 : i32
      %get3A_755 = arith.index_cast %add3A_754 : i32 to index
      %get3A_756 = tpu.vector_load %arg9[%get3A_755] {strides = array<i32>} : memref<5000xi32, #tpu.memory_space<vmem>>, vector<16xi32>,
      %get3A_757 = vector.shape_cast %get3A_756 : vector<16xi32> to vector<16xi32>
      %mul3A_758 = arith.constant 10000 : i32
      %mul3A_759 = vector.broadcast %mul3A_758 : i32 to vector<16xi32>
      %mul3A_760 = arith.muli %get3A_757, %mul3A_759 : vector<16xi32>
      %get3A_761 = arith.index_cast %add3A_754 : i32 to index
      %get3A_762 = tpu.vector_load %arg8[%get3A_761] {strides = array<i32>} : memref<5000xi32, #tpu.memory_space<vmem>>, vector<16xi32>,
      %get3A_763 = vector.shape_cast %get3A_762 : vector<16xi32> to vector<16xi32>
      %add3A_764 = arith.addi %mul3A_760, %get3A_763 : vector<16xi32>
      %swap3A_765 = arith.constant 0 : i32
      %swap3A_766 = arith.index_cast %swap3A_765 : i32 to index
      %swap3A_767 = arith.constant 16 : index
      %swap3A_768 = tpu.vector_load %arg11[%swap3A_766, %swap3A_767] {strides = array<i32>} : memref<5x40xi32, #tpu.memory_space<vmem>>, vector<1x16xi32>,
      %swap3A_769 = vector.shape_cast %swap3A_768 : vector<1x16xi32> to vector<16xi32>
      %swap3A_770 = vector.shape_cast %add3A_764 : vector<16xi32> to vector<1x16xi32>
      tpu.vector_store %arg11[%swap3A_766, %swap3A_767], %swap3A_770 {strides = array<i32>} : memref<5x40xi32, #tpu.memory_space<vmem>>, vector<1x16xi32>,
      %get3A_771 = arith.index_cast %add3A_754 : i32 to index
      %get3A_772 = tpu.vector_load %arg10[%get3A_771] {strides = array<i32>} : memref<5000xi32, #tpu.memory_space<vmem>>, vector<16xi32>,
      %get3A_773 = vector.shape_cast %get3A_772 : vector<16xi32> to vector<16xi32>
      %swap3A_774 = arith.constant 0 : i32
      %swap3A_775 = arith.index_cast %swap3A_774 : i32 to index
      %swap3A_776 = arith.constant 16 : index
      %swap3A_777 = tpu.vector_load %arg12[%swap3A_775, %swap3A_776] {strides = array<i32>} : memref<5x40xi32, #tpu.memory_space<vmem>>, vector<1x16xi32>,
      %swap3A_778 = vector.shape_cast %swap3A_777 : vector<1x16xi32> to vector<16xi32>
      %swap3A_779 = vector.shape_cast %get3A_773 : vector<16xi32> to vector<1x16xi32>
      tpu.vector_store %arg12[%swap3A_775, %swap3A_776], %swap3A_779 {strides = array<i32>} : memref<5x40xi32, #tpu.memory_space<vmem>>, vector<1x16xi32>,
      %mul3A_780 = arith.constant 40 : i32
      %mul3A_781 = arith.muli %add3A_685, %mul3A_780 : i32
      %add3A_782 = arith.constant 24 : i32
      %add3A_783 = arith.addi %mul3A_781, %add3A_782 : i32
      %get3A_784 = arith.index_cast %add3A_783 : i32 to index
      %get3A_785 = tpu.vector_load %arg9[%get3A_784] {strides = array<i32>} : memref<5000xi32, #tpu.memory_space<vmem>>, vector<16xi32>,
      %get3A_786 = vector.shape_cast %get3A_785 : vector<16xi32> to vector<16xi32>
      %mul3A_787 = arith.constant 10000 : i32
      %mul3A_788 = vector.broadcast %mul3A_787 : i32 to vector<16xi32>
      %mul3A_789 = arith.muli %get3A_786, %mul3A_788 : vector<16xi32>
      %get3A_790 = arith.index_cast %add3A_783 : i32 to index
      %get3A_791 = tpu.vector_load %arg8[%get3A_790] {strides = array<i32>} : memref<5000xi32, #tpu.memory_space<vmem>>, vector<16xi32>,
      %get3A_792 = vector.shape_cast %get3A_791 : vector<16xi32> to vector<16xi32>
      %add3A_793 = arith.addi %mul3A_789, %get3A_792 : vector<16xi32>
      %swap3A_794 = arith.constant 0 : i32
      %swap3A_795 = arith.index_cast %swap3A_794 : i32 to index
      %swap3A_796 = arith.constant 24 : index
      %swap3A_797 = tpu.vector_load %arg11[%swap3A_795, %swap3A_796] {strides = array<i32>} : memref<5x40xi32, #tpu.memory_space<vmem>>, vector<1x16xi32>,
      %swap3A_798 = vector.shape_cast %swap3A_797 : vector<1x16xi32> to vector<16xi32>
      %swap3A_799 = vector.shape_cast %add3A_793 : vector<16xi32> to vector<1x16xi32>
      tpu.vector_store %arg11[%swap3A_795, %swap3A_796], %swap3A_799 {strides = array<i32>} : memref<5x40xi32, #tpu.memory_space<vmem>>, vector<1x16xi32>,
      %get3A_800 = arith.index_cast %add3A_783 : i32 to index
      %get3A_801 = tpu.vector_load %arg10[%get3A_800] {strides = array<i32>} : memref<5000xi32, #tpu.memory_space<vmem>>, vector<16xi32>,
      %get3A_802 = vector.shape_cast %get3A_801 : vector<16xi32> to vector<16xi32>
      %swap3A_803 = arith.constant 0 : i32
      %swap3A_804 = arith.index_cast %swap3A_803 : i32 to index
      %swap3A_805 = arith.constant 24 : index
      %swap3A_806 = tpu.vector_load %arg12[%swap3A_804, %swap3A_805] {strides = array<i32>} : memref<5x40xi32, #tpu.memory_space<vmem>>, vector<1x16xi32>,
      %swap3A_807 = vector.shape_cast %swap3A_806 : vector<1x16xi32> to vector<16xi32>
      %swap3A_808 = vector.shape_cast %get3A_802 : vector<16xi32> to vector<1x16xi32>
      tpu.vector_store %arg12[%swap3A_804, %swap3A_805], %swap3A_808 {strides = array<i32>} : memref<5x40xi32, #tpu.memory_space<vmem>>, vector<1x16xi32>,
      %dma_start3A_809 = arith.constant 0 : i32
      %dma_start3A_810 = arith.constant 0 : i32
      %dma_start3A_811 = arith.constant 0 : i32
      %dma_start3A_812 = arith.constant 0 : i32
      %dma_start3A_813 = tpu.memref_slice %arg13[%dma_start3A_810, %dma_start3A_811, %dma_start3A_812] : memref<5x40x128xf32, #tpu.memory_space<vmem>> -> memref<1x40x128xf32, #tpu.memory_space<vmem>>
      %dma_start3A_814 = tpu.memref_squeeze %dma_start3A_813 : memref<1x40x128xf32, #tpu.memory_space<vmem>> -> memref<40x128xf32, #tpu.memory_space<vmem>>
      %dma_start3A_815 = arith.constant 0 : i32
      %dma_start3A_816 = tpu.memref_slice %arg11[%dma_start3A_809, %dma_start3A_815] : memref<5x40xi32, #tpu.memory_space<vmem>> -> memref<1x40xi32, #tpu.memory_space<vmem>>
      %dma_start3A_817 = tpu.memref_squeeze %dma_start3A_816 : memref<1x40xi32, #tpu.memory_space<vmem>> -> memref<40xi32, #tpu.memory_space<vmem>>
      %dma_start3A_818 = arith.constant 0 : i32
      %dma_start3A_819 = arith.constant 0 : i32
      %dma_start3A_820 = tpu.memref_slice %arg2[%dma_start3A_818, %dma_start3A_819] : memref<80000x128xf32, #tpu.memory_space<hbm>> -> memref<80000x128xf32, #tpu.memory_space<hbm>>
      tpu.enqueue_indirect_dma source(%dma_start3A_820 : memref<80000x128xf32, #tpu.memory_space<hbm>>) target(%dma_start3A_814 : memref<40x128xf32, #tpu.memory_space<vmem>>) offsets(%dma_start3A_817 : memref<40xi32, #tpu.memory_space<vmem>>) semaphore(%arg15 : memref<!tpu.dma_semaphore, #tpu.memory_space<semaphore_mem>>)
      %add3A_821 = arith.constant 1 : i32
      %add3A_822 = arith.addi %add3A_683, %add3A_821 : i32
      %dma_wait3A_823 = arith.constant 2 : i32
      %dma_wait3A_824 = arith.constant 2 : i32
      %dma_wait3A_825 = arith.constant 0 : i32
      %dma_wait3A_826 = arith.constant 0 : i32
      %dma_wait3A_827 = tpu.memref_slice %arg13[%dma_wait3A_824, %dma_wait3A_825, %dma_wait3A_826] : memref<5x40x128xf32, #tpu.memory_space<vmem>> -> memref<1x40x128xf32, #tpu.memory_space<vmem>>
      %dma_wait3A_828 = tpu.memref_squeeze %dma_wait3A_827 : memref<1x40x128xf32, #tpu.memory_space<vmem>> -> memref<40x128xf32, #tpu.memory_space<vmem>>
      %dma_wait3A_829 = arith.constant 0 : i32
      %dma_wait3A_830 = tpu.memref_slice %arg11[%dma_wait3A_823, %dma_wait3A_829] : memref<5x40xi32, #tpu.memory_space<vmem>> -> memref<1x40xi32, #tpu.memory_space<vmem>>
      %dma_wait3A_831 = tpu.memref_squeeze %dma_wait3A_830 : memref<1x40xi32, #tpu.memory_space<vmem>> -> memref<40xi32, #tpu.memory_space<vmem>>
      %dma_wait3A_832 = arith.constant 0 : i32
      %dma_wait3A_833 = arith.constant 0 : i32
      %dma_wait3A_834 = tpu.memref_slice %arg2[%dma_wait3A_832, %dma_wait3A_833] : memref<80000x128xf32, #tpu.memory_space<hbm>> -> memref<80000x128xf32, #tpu.memory_space<hbm>>
      tpu.wait_indirect_dma semaphore(%arg17 : memref<!tpu.dma_semaphore, #tpu.memory_space<semaphore_mem>>) src(%dma_wait3A_834 : memref<80000x128xf32, #tpu.memory_space<hbm>>) dst(%dma_wait3A_828 : memref<40x128xf32, #tpu.memory_space<vmem>>)
      %dma_start3A_835 = arith.constant 2 : i32
      %dma_start3A_836 = arith.constant 2 : i32
      %dma_start3A_837 = arith.constant 0 : i32
      %dma_start3A_838 = arith.constant 0 : i32
      %dma_start3A_839 = tpu.memref_slice %arg13[%dma_start3A_835, %dma_start3A_837, %dma_start3A_838] : memref<5x40x128xf32, #tpu.memory_space<vmem>> -> memref<1x40x128xf32, #tpu.memory_space<vmem>>
      %dma_start3A_840 = tpu.memref_squeeze %dma_start3A_839 : memref<1x40x128xf32, #tpu.memory_space<vmem>> -> memref<40x128xf32, #tpu.memory_space<vmem>>
      %dma_start3A_841 = arith.constant 0 : i32
      %dma_start3A_842 = tpu.memref_slice %arg12[%dma_start3A_836, %dma_start3A_841] : memref<5x40xi32, #tpu.memory_space<vmem>> -> memref<1x40xi32, #tpu.memory_space<vmem>>
      %dma_start3A_843 = tpu.memref_squeeze %dma_start3A_842 : memref<1x40xi32, #tpu.memory_space<vmem>> -> memref<40xi32, #tpu.memory_space<vmem>>
      %dma_start3A_844 = arith.constant 0 : i32
      %dma_start3A_845 = arith.constant 0 : i32
      %dma_start3A_846 = tpu.memref_slice %arg7[%dma_start3A_844, %dma_start3A_845] : memref<10000x128xf32, #tpu.memory_space<vmem_shared>> -> memref<10000x128xf32, #tpu.memory_space<vmem_shared>>
      tpu.enqueue_indirect_dma source(%dma_start3A_840 : memref<40x128xf32, #tpu.memory_space<vmem>>) target(%dma_start3A_846 : memref<10000x128xf32, #tpu.memory_space<vmem_shared>>) offsets(%dma_start3A_843 : memref<40xi32, #tpu.memory_space<vmem>>) semaphore(%arg22 : memref<!tpu.dma_semaphore, #tpu.memory_space<semaphore_mem>>) {add = true}
      %dma_wait3A_847 = arith.constant 1 : i32
      %dma_wait3A_848 = arith.constant 1 : i32
      %dma_wait3A_849 = arith.constant 0 : i32
      %dma_wait3A_850 = arith.constant 0 : i32
      %dma_wait3A_851 = tpu.memref_slice %arg13[%dma_wait3A_847, %dma_wait3A_849, %dma_wait3A_850] : memref<5x40x128xf32, #tpu.memory_space<vmem>> -> memref<1x40x128xf32, #tpu.memory_space<vmem>>
      %dma_wait3A_852 = tpu.memref_squeeze %dma_wait3A_851 : memref<1x40x128xf32, #tpu.memory_space<vmem>> -> memref<40x128xf32, #tpu.memory_space<vmem>>
      %dma_wait3A_853 = arith.constant 0 : i32
      %dma_wait3A_854 = tpu.memref_slice %arg12[%dma_wait3A_848, %dma_wait3A_853] : memref<5x40xi32, #tpu.memory_space<vmem>> -> memref<1x40xi32, #tpu.memory_space<vmem>>
      %dma_wait3A_855 = tpu.memref_squeeze %dma_wait3A_854 : memref<1x40xi32, #tpu.memory_space<vmem>> -> memref<40xi32, #tpu.memory_space<vmem>>
      %dma_wait3A_856 = arith.constant 0 : i32
      %dma_wait3A_857 = arith.constant 0 : i32
      %dma_wait3A_858 = tpu.memref_slice %arg7[%dma_wait3A_856, %dma_wait3A_857] : memref<10000x128xf32, #tpu.memory_space<vmem_shared>> -> memref<10000x128xf32, #tpu.memory_space<vmem_shared>>
      tpu.wait_indirect_dma semaphore(%arg21 : memref<!tpu.dma_semaphore, #tpu.memory_space<semaphore_mem>>) src(%dma_wait3A_852 : memref<40x128xf32, #tpu.memory_space<vmem>>) dst(%dma_wait3A_858 : memref<10000x128xf32, #tpu.memory_space<vmem_shared>>)
      %mul3A_859 = arith.constant 40 : i32
      %mul3A_860 = arith.muli %add3A_822, %mul3A_859 : i32
      %add3A_861 = arith.constant 0 : i32
      %add3A_862 = arith.addi %mul3A_860, %add3A_861 : i32
      %get3A_863 = arith.index_cast %add3A_862 : i32 to index
      %get3A_864 = tpu.vector_load %arg9[%get3A_863] {strides = array<i32>} : memref<5000xi32, #tpu.memory_space<vmem>>, vector<16xi32>,
      %get3A_865 = vector.shape_cast %get3A_864 : vector<16xi32> to vector<16xi32>
      %mul3A_866 = arith.constant 10000 : i32
      %mul3A_867 = vector.broadcast %mul3A_866 : i32 to vector<16xi32>
      %mul3A_868 = arith.muli %get3A_865, %mul3A_867 : vector<16xi32>
      %get3A_869 = arith.index_cast %add3A_862 : i32 to index
      %get3A_870 = tpu.vector_load %arg8[%get3A_869] {strides = array<i32>} : memref<5000xi32, #tpu.memory_space<vmem>>, vector<16xi32>,
      %get3A_871 = vector.shape_cast %get3A_870 : vector<16xi32> to vector<16xi32>
      %add3A_872 = arith.addi %mul3A_868, %get3A_871 : vector<16xi32>
      %swap3A_873 = arith.constant 1 : i32
      %swap3A_874 = arith.index_cast %swap3A_873 : i32 to index
      %swap3A_875 = arith.constant 0 : index
      %swap3A_876 = tpu.vector_load %arg11[%swap3A_874, %swap3A_875] {strides = array<i32>} : memref<5x40xi32, #tpu.memory_space<vmem>>, vector<1x16xi32>,
      %swap3A_877 = vector.shape_cast %swap3A_876 : vector<1x16xi32> to vector<16xi32>
      %swap3A_878 = vector.shape_cast %add3A_872 : vector<16xi32> to vector<1x16xi32>
      tpu.vector_store %arg11[%swap3A_874, %swap3A_875], %swap3A_878 {strides = array<i32>} : memref<5x40xi32, #tpu.memory_space<vmem>>, vector<1x16xi32>,
      %get3A_879 = arith.index_cast %add3A_862 : i32 to index
      %get3A_880 = tpu.vector_load %arg10[%get3A_879] {strides = array<i32>} : memref<5000xi32, #tpu.memory_space<vmem>>, vector<16xi32>,
      %get3A_881 = vector.shape_cast %get3A_880 : vector<16xi32> to vector<16xi32>
      %swap3A_882 = arith.constant 1 : i32
      %swap3A_883 = arith.index_cast %swap3A_882 : i32 to index
      %swap3A_884 = arith.constant 0 : index
      %swap3A_885 = tpu.vector_load %arg12[%swap3A_883, %swap3A_884] {strides = array<i32>} : memref<5x40xi32, #tpu.memory_space<vmem>>, vector<1x16xi32>,
      %swap3A_886 = vector.shape_cast %swap3A_885 : vector<1x16xi32> to vector<16xi32>
      %swap3A_887 = vector.shape_cast %get3A_881 : vector<16xi32> to vector<1x16xi32>
      tpu.vector_store %arg12[%swap3A_883, %swap3A_884], %swap3A_887 {strides = array<i32>} : memref<5x40xi32, #tpu.memory_space<vmem>>, vector<1x16xi32>,
      %mul3A_888 = arith.constant 40 : i32
      %mul3A_889 = arith.muli %add3A_822, %mul3A_888 : i32
      %add3A_890 = arith.constant 16 : i32
      %add3A_891 = arith.addi %mul3A_889, %add3A_890 : i32
      %get3A_892 = arith.index_cast %add3A_891 : i32 to index
      %get3A_893 = tpu.vector_load %arg9[%get3A_892] {strides = array<i32>} : memref<5000xi32, #tpu.memory_space<vmem>>, vector<16xi32>,
      %get3A_894 = vector.shape_cast %get3A_893 : vector<16xi32> to vector<16xi32>
      %mul3A_895 = arith.constant 10000 : i32
      %mul3A_896 = vector.broadcast %mul3A_895 : i32 to vector<16xi32>
      %mul3A_897 = arith.muli %get3A_894, %mul3A_896 : vector<16xi32>
      %get3A_898 = arith.index_cast %add3A_891 : i32 to index
      %get3A_899 = tpu.vector_load %arg8[%get3A_898] {strides = array<i32>} : memref<5000xi32, #tpu.memory_space<vmem>>, vector<16xi32>,
      %get3A_900 = vector.shape_cast %get3A_899 : vector<16xi32> to vector<16xi32>
      %add3A_901 = arith.addi %mul3A_897, %get3A_900 : vector<16xi32>
      %swap3A_902 = arith.constant 1 : i32
      %swap3A_903 = arith.index_cast %swap3A_902 : i32 to index
      %swap3A_904 = arith.constant 16 : index
      %swap3A_905 = tpu.vector_load %arg11[%swap3A_903, %swap3A_904] {strides = array<i32>} : memref<5x40xi32, #tpu.memory_space<vmem>>, vector<1x16xi32>,
      %swap3A_906 = vector.shape_cast %swap3A_905 : vector<1x16xi32> to vector<16xi32>
      %swap3A_907 = vector.shape_cast %add3A_901 : vector<16xi32> to vector<1x16xi32>
      tpu.vector_store %arg11[%swap3A_903, %swap3A_904], %swap3A_907 {strides = array<i32>} : memref<5x40xi32, #tpu.memory_space<vmem>>, vector<1x16xi32>,
      %get3A_908 = arith.index_cast %add3A_891 : i32 to index
      %get3A_909 = tpu.vector_load %arg10[%get3A_908] {strides = array<i32>} : memref<5000xi32, #tpu.memory_space<vmem>>, vector<16xi32>,
      %get3A_910 = vector.shape_cast %get3A_909 : vector<16xi32> to vector<16xi32>
      %swap3A_911 = arith.constant 1 : i32
      %swap3A_912 = arith.index_cast %swap3A_911 : i32 to index
      %swap3A_913 = arith.constant 16 : index
      %swap3A_914 = tpu.vector_load %arg12[%swap3A_912, %swap3A_913] {strides = array<i32>} : memref<5x40xi32, #tpu.memory_space<vmem>>, vector<1x16xi32>,
      %swap3A_915 = vector.shape_cast %swap3A_914 : vector<1x16xi32> to vector<16xi32>
      %swap3A_916 = vector.shape_cast %get3A_910 : vector<16xi32> to vector<1x16xi32>
      tpu.vector_store %arg12[%swap3A_912, %swap3A_913], %swap3A_916 {strides = array<i32>} : memref<5x40xi32, #tpu.memory_space<vmem>>, vector<1x16xi32>,
      %mul3A_917 = arith.constant 40 : i32
      %mul3A_918 = arith.muli %add3A_822, %mul3A_917 : i32
      %add3A_919 = arith.constant 24 : i32
      %add3A_920 = arith.addi %mul3A_918, %add3A_919 : i32
      %get3A_921 = arith.index_cast %add3A_920 : i32 to index
      %get3A_922 = tpu.vector_load %arg9[%get3A_921] {strides = array<i32>} : memref<5000xi32, #tpu.memory_space<vmem>>, vector<16xi32>,
      %get3A_923 = vector.shape_cast %get3A_922 : vector<16xi32> to vector<16xi32>
      %mul3A_924 = arith.constant 10000 : i32
      %mul3A_925 = vector.broadcast %mul3A_924 : i32 to vector<16xi32>
      %mul3A_926 = arith.muli %get3A_923, %mul3A_925 : vector<16xi32>
      %get3A_927 = arith.index_cast %add3A_920 : i32 to index
      %get3A_928 = tpu.vector_load %arg8[%get3A_927] {strides = array<i32>} : memref<5000xi32, #tpu.memory_space<vmem>>, vector<16xi32>,
      %get3A_929 = vector.shape_cast %get3A_928 : vector<16xi32> to vector<16xi32>
      %add3A_930 = arith.addi %mul3A_926, %get3A_929 : vector<16xi32>
      %swap3A_931 = arith.constant 1 : i32
      %swap3A_932 = arith.index_cast %swap3A_931 : i32 to index
      %swap3A_933 = arith.constant 24 : index
      %swap3A_934 = tpu.vector_load %arg11[%swap3A_932, %swap3A_933] {strides = array<i32>} : memref<5x40xi32, #tpu.memory_space<vmem>>, vector<1x16xi32>,
      %swap3A_935 = vector.shape_cast %swap3A_934 : vector<1x16xi32> to vector<16xi32>
      %swap3A_936 = vector.shape_cast %add3A_930 : vector<16xi32> to vector<1x16xi32>
      tpu.vector_store %arg11[%swap3A_932, %swap3A_933], %swap3A_936 {strides = array<i32>} : memref<5x40xi32, #tpu.memory_space<vmem>>, vector<1x16xi32>,
      %get3A_937 = arith.index_cast %add3A_920 : i32 to index
      %get3A_938 = tpu.vector_load %arg10[%get3A_937] {strides = array<i32>} : memref<5000xi32, #tpu.memory_space<vmem>>, vector<16xi32>,
      %get3A_939 = vector.shape_cast %get3A_938 : vector<16xi32> to vector<16xi32>
      %swap3A_940 = arith.constant 1 : i32
      %swap3A_941 = arith.index_cast %swap3A_940 : i32 to index
      %swap3A_942 = arith.constant 24 : index
      %swap3A_943 = tpu.vector_load %arg12[%swap3A_941, %swap3A_942] {strides = array<i32>} : memref<5x40xi32, #tpu.memory_space<vmem>>, vector<1x16xi32>,
      %swap3A_944 = vector.shape_cast %swap3A_943 : vector<1x16xi32> to vector<16xi32>
      %swap3A_945 = vector.shape_cast %get3A_939 : vector<16xi32> to vector<1x16xi32>
      tpu.vector_store %arg12[%swap3A_941, %swap3A_942], %swap3A_945 {strides = array<i32>} : memref<5x40xi32, #tpu.memory_space<vmem>>, vector<1x16xi32>,
      %dma_start3A_946 = arith.constant 1 : i32
      %dma_start3A_947 = arith.constant 1 : i32
      %dma_start3A_948 = arith.constant 0 : i32
      %dma_start3A_949 = arith.constant 0 : i32
      %dma_start3A_950 = tpu.memref_slice %arg13[%dma_start3A_947, %dma_start3A_948, %dma_start3A_949] : memref<5x40x128xf32, #tpu.memory_space<vmem>> -> memref<1x40x128xf32, #tpu.memory_space<vmem>>
      %dma_start3A_951 = tpu.memref_squeeze %dma_start3A_950 : memref<1x40x128xf32, #tpu.memory_space<vmem>> -> memref<40x128xf32, #tpu.memory_space<vmem>>
      %dma_start3A_952 = arith.constant 0 : i32
      %dma_start3A_953 = tpu.memref_slice %arg11[%dma_start3A_946, %dma_start3A_952] : memref<5x40xi32, #tpu.memory_space<vmem>> -> memref<1x40xi32, #tpu.memory_space<vmem>>
      %dma_start3A_954 = tpu.memref_squeeze %dma_start3A_953 : memref<1x40xi32, #tpu.memory_space<vmem>> -> memref<40xi32, #tpu.memory_space<vmem>>
      %dma_start3A_955 = arith.constant 0 : i32
      %dma_start3A_956 = arith.constant 0 : i32
      %dma_start3A_957 = tpu.memref_slice %arg2[%dma_start3A_955, %dma_start3A_956] : memref<80000x128xf32, #tpu.memory_space<hbm>> -> memref<80000x128xf32, #tpu.memory_space<hbm>>
      tpu.enqueue_indirect_dma source(%dma_start3A_957 : memref<80000x128xf32, #tpu.memory_space<hbm>>) target(%dma_start3A_951 : memref<40x128xf32, #tpu.memory_space<vmem>>) offsets(%dma_start3A_954 : memref<40xi32, #tpu.memory_space<vmem>>) semaphore(%arg16 : memref<!tpu.dma_semaphore, #tpu.memory_space<semaphore_mem>>)
      %add3A_958 = arith.constant 2 : i32
      %add3A_959 = arith.addi %add3A_683, %add3A_958 : i32
      %dma_wait3A_960 = arith.constant 3 : i32
      %dma_wait3A_961 = arith.constant 3 : i32
      %dma_wait3A_962 = arith.constant 0 : i32
      %dma_wait3A_963 = arith.constant 0 : i32
      %dma_wait3A_964 = tpu.memref_slice %arg13[%dma_wait3A_961, %dma_wait3A_962, %dma_wait3A_963] : memref<5x40x128xf32, #tpu.memory_space<vmem>> -> memref<1x40x128xf32, #tpu.memory_space<vmem>>
      %dma_wait3A_965 = tpu.memref_squeeze %dma_wait3A_964 : memref<1x40x128xf32, #tpu.memory_space<vmem>> -> memref<40x128xf32, #tpu.memory_space<vmem>>
      %dma_wait3A_966 = arith.constant 0 : i32
      %dma_wait3A_967 = tpu.memref_slice %arg11[%dma_wait3A_960, %dma_wait3A_966] : memref<5x40xi32, #tpu.memory_space<vmem>> -> memref<1x40xi32, #tpu.memory_space<vmem>>
      %dma_wait3A_968 = tpu.memref_squeeze %dma_wait3A_967 : memref<1x40xi32, #tpu.memory_space<vmem>> -> memref<40xi32, #tpu.memory_space<vmem>>
      %dma_wait3A_969 = arith.constant 0 : i32
      %dma_wait3A_970 = arith.constant 0 : i32
      %dma_wait3A_971 = tpu.memref_slice %arg2[%dma_wait3A_969, %dma_wait3A_970] : memref<80000x128xf32, #tpu.memory_space<hbm>> -> memref<80000x128xf32, #tpu.memory_space<hbm>>
      tpu.wait_indirect_dma semaphore(%arg18 : memref<!tpu.dma_semaphore, #tpu.memory_space<semaphore_mem>>) src(%dma_wait3A_971 : memref<80000x128xf32, #tpu.memory_space<hbm>>) dst(%dma_wait3A_965 : memref<40x128xf32, #tpu.memory_space<vmem>>)
      %dma_start3A_972 = arith.constant 3 : i32
      %dma_start3A_973 = arith.constant 3 : i32
      %dma_start3A_974 = arith.constant 0 : i32
      %dma_start3A_975 = arith.constant 0 : i32
      %dma_start3A_976 = tpu.memref_slice %arg13[%dma_start3A_972, %dma_start3A_974, %dma_start3A_975] : memref<5x40x128xf32, #tpu.memory_space<vmem>> -> memref<1x40x128xf32, #tpu.memory_space<vmem>>
      %dma_start3A_977 = tpu.memref_squeeze %dma_start3A_976 : memref<1x40x128xf32, #tpu.memory_space<vmem>> -> memref<40x128xf32, #tpu.memory_space<vmem>>
      %dma_start3A_978 = arith.constant 0 : i32
      %dma_start3A_979 = tpu.memref_slice %arg12[%dma_start3A_973, %dma_start3A_978] : memref<5x40xi32, #tpu.memory_space<vmem>> -> memref<1x40xi32, #tpu.memory_space<vmem>>
      %dma_start3A_980 = tpu.memref_squeeze %dma_start3A_979 : memref<1x40xi32, #tpu.memory_space<vmem>> -> memref<40xi32, #tpu.memory_space<vmem>>
      %dma_start3A_981 = arith.constant 0 : i32
      %dma_start3A_982 = arith.constant 0 : i32
      %dma_start3A_983 = tpu.memref_slice %arg7[%dma_start3A_981, %dma_start3A_982] : memref<10000x128xf32, #tpu.memory_space<vmem_shared>> -> memref<10000x128xf32, #tpu.memory_space<vmem_shared>>
      tpu.enqueue_indirect_dma source(%dma_start3A_977 : memref<40x128xf32, #tpu.memory_space<vmem>>) target(%dma_start3A_983 : memref<10000x128xf32, #tpu.memory_space<vmem_shared>>) offsets(%dma_start3A_980 : memref<40xi32, #tpu.memory_space<vmem>>) semaphore(%arg23 : memref<!tpu.dma_semaphore, #tpu.memory_space<semaphore_mem>>) {add = true}
      %dma_wait3A_984 = arith.constant 2 : i32
      %dma_wait3A_985 = arith.constant 2 : i32
      %dma_wait3A_986 = arith.constant 0 : i32
      %dma_wait3A_987 = arith.constant 0 : i32
      %dma_wait3A_988 = tpu.memref_slice %arg13[%dma_wait3A_984, %dma_wait3A_986, %dma_wait3A_987] : memref<5x40x128xf32, #tpu.memory_space<vmem>> -> memref<1x40x128xf32, #tpu.memory_space<vmem>>
      %dma_wait3A_989 = tpu.memref_squeeze %dma_wait3A_988 : memref<1x40x128xf32, #tpu.memory_space<vmem>> -> memref<40x128xf32, #tpu.memory_space<vmem>>
      %dma_wait3A_990 = arith.constant 0 : i32
      %dma_wait3A_991 = tpu.memref_slice %arg12[%dma_wait3A_985, %dma_wait3A_990] : memref<5x40xi32, #tpu.memory_space<vmem>> -> memref<1x40xi32, #tpu.memory_space<vmem>>
      %dma_wait3A_992 = tpu.memref_squeeze %dma_wait3A_991 : memref<1x40xi32, #tpu.memory_space<vmem>> -> memref<40xi32, #tpu.memory_space<vmem>>
      %dma_wait3A_993 = arith.constant 0 : i32
      %dma_wait3A_994 = arith.constant 0 : i32
      %dma_wait3A_995 = tpu.memref_slice %arg7[%dma_wait3A_993, %dma_wait3A_994] : memref<10000x128xf32, #tpu.memory_space<vmem_shared>> -> memref<10000x128xf32, #tpu.memory_space<vmem_shared>>
      tpu.wait_indirect_dma semaphore(%arg22 : memref<!tpu.dma_semaphore, #tpu.memory_space<semaphore_mem>>) src(%dma_wait3A_989 : memref<40x128xf32, #tpu.memory_space<vmem>>) dst(%dma_wait3A_995 : memref<10000x128xf32, #tpu.memory_space<vmem_shared>>)
      %mul3A_996 = arith.constant 40 : i32
      %mul3A_997 = arith.muli %add3A_959, %mul3A_996 : i32
      %add3A_998 = arith.constant 0 : i32
      %add3A_999 = arith.addi %mul3A_997, %add3A_998 : i32
      %get3A_1000 = arith.index_cast %add3A_999 : i32 to index
      %get3A_1001 = tpu.vector_load %arg9[%get3A_1000] {strides = array<i32>} : memref<5000xi32, #tpu.memory_space<vmem>>, vector<16xi32>,
      %get3A_1002 = vector.shape_cast %get3A_1001 : vector<16xi32> to vector<16xi32>
      %mul3A_1003 = arith.constant 10000 : i32
      %mul3A_1004 = vector.broadcast %mul3A_1003 : i32 to vector<16xi32>
      %mul3A_1005 = arith.muli %get3A_1002, %mul3A_1004 : vector<16xi32>
      %get3A_1006 = arith.index_cast %add3A_999 : i32 to index
      %get3A_1007 = tpu.vector_load %arg8[%get3A_1006] {strides = array<i32>} : memref<5000xi32, #tpu.memory_space<vmem>>, vector<16xi32>,
      %get3A_1008 = vector.shape_cast %get3A_1007 : vector<16xi32> to vector<16xi32>
      %add3A_1009 = arith.addi %mul3A_1005, %get3A_1008 : vector<16xi32>
      %swap3A_1010 = arith.constant 2 : i32
      %swap3A_1011 = arith.index_cast %swap3A_1010 : i32 to index
      %swap3A_1012 = arith.constant 0 : index
      %swap3A_1013 = tpu.vector_load %arg11[%swap3A_1011, %swap3A_1012] {strides = array<i32>} : memref<5x40xi32, #tpu.memory_space<vmem>>, vector<1x16xi32>,
      %swap3A_1014 = vector.shape_cast %swap3A_1013 : vector<1x16xi32> to vector<16xi32>
      %swap3A_1015 = vector.shape_cast %add3A_1009 : vector<16xi32> to vector<1x16xi32>
      tpu.vector_store %arg11[%swap3A_1011, %swap3A_1012], %swap3A_1015 {strides = array<i32>} : memref<5x40xi32, #tpu.memory_space<vmem>>, vector<1x16xi32>,
      %get3A_1016 = arith.index_cast %add3A_999 : i32 to index
      %get3A_1017 = tpu.vector_load %arg10[%get3A_1016] {strides = array<i32>} : memref<5000xi32, #tpu.memory_space<vmem>>, vector<16xi32>,
      %get3A_1018 = vector.shape_cast %get3A_1017 : vector<16xi32> to vector<16xi32>
      %swap3A_1019 = arith.constant 2 : i32
      %swap3A_1020 = arith.index_cast %swap3A_1019 : i32 to index
      %swap3A_1021 = arith.constant 0 : index
      %swap3A_1022 = tpu.vector_load %arg12[%swap3A_1020, %swap3A_1021] {strides = array<i32>} : memref<5x40xi32, #tpu.memory_space<vmem>>, vector<1x16xi32>,
      %swap3A_1023 = vector.shape_cast %swap3A_1022 : vector<1x16xi32> to vector<16xi32>
      %swap3A_1024 = vector.shape_cast %get3A_1018 : vector<16xi32> to vector<1x16xi32>
      tpu.vector_store %arg12[%swap3A_1020, %swap3A_1021], %swap3A_1024 {strides = array<i32>} : memref<5x40xi32, #tpu.memory_space<vmem>>, vector<1x16xi32>,
      %mul3A_1025 = arith.constant 40 : i32
      %mul3A_1026 = arith.muli %add3A_959, %mul3A_1025 : i32
      %add3A_1027 = arith.constant 16 : i32
      %add3A_1028 = arith.addi %mul3A_1026, %add3A_1027 : i32
      %get3A_1029 = arith.index_cast %add3A_1028 : i32 to index
      %get3A_1030 = tpu.vector_load %arg9[%get3A_1029] {strides = array<i32>} : memref<5000xi32, #tpu.memory_space<vmem>>, vector<16xi32>,
      %get3A_1031 = vector.shape_cast %get3A_1030 : vector<16xi32> to vector<16xi32>
      %mul3A_1032 = arith.constant 10000 : i32
      %mul3A_1033 = vector.broadcast %mul3A_1032 : i32 to vector<16xi32>
      %mul3A_1034 = arith.muli %get3A_1031, %mul3A_1033 : vector<16xi32>
      %get3A_1035 = arith.index_cast %add3A_1028 : i32 to index
      %get3A_1036 = tpu.vector_load %arg8[%get3A_1035] {strides = array<i32>} : memref<5000xi32, #tpu.memory_space<vmem>>, vector<16xi32>,
      %get3A_1037 = vector.shape_cast %get3A_1036 : vector<16xi32> to vector<16xi32>
      %add3A_1038 = arith.addi %mul3A_1034, %get3A_1037 : vector<16xi32>
      %swap3A_1039 = arith.constant 2 : i32
      %swap3A_1040 = arith.index_cast %swap3A_1039 : i32 to index
      %swap3A_1041 = arith.constant 16 : index
      %swap3A_1042 = tpu.vector_load %arg11[%swap3A_1040, %swap3A_1041] {strides = array<i32>} : memref<5x40xi32, #tpu.memory_space<vmem>>, vector<1x16xi32>,
      %swap3A_1043 = vector.shape_cast %swap3A_1042 : vector<1x16xi32> to vector<16xi32>
      %swap3A_1044 = vector.shape_cast %add3A_1038 : vector<16xi32> to vector<1x16xi32>
      tpu.vector_store %arg11[%swap3A_1040, %swap3A_1041], %swap3A_1044 {strides = array<i32>} : memref<5x40xi32, #tpu.memory_space<vmem>>, vector<1x16xi32>,
      %get3A_1045 = arith.index_cast %add3A_1028 : i32 to index
      %get3A_1046 = tpu.vector_load %arg10[%get3A_1045] {strides = array<i32>} : memref<5000xi32, #tpu.memory_space<vmem>>, vector<16xi32>,
      %get3A_1047 = vector.shape_cast %get3A_1046 : vector<16xi32> to vector<16xi32>
      %swap3A_1048 = arith.constant 2 : i32
      %swap3A_1049 = arith.index_cast %swap3A_1048 : i32 to index
      %swap3A_1050 = arith.constant 16 : index
      %swap3A_1051 = tpu.vector_load %arg12[%swap3A_1049, %swap3A_1050] {strides = array<i32>} : memref<5x40xi32, #tpu.memory_space<vmem>>, vector<1x16xi32>,
      %swap3A_1052 = vector.shape_cast %swap3A_1051 : vector<1x16xi32> to vector<16xi32>
      %swap3A_1053 = vector.shape_cast %get3A_1047 : vector<16xi32> to vector<1x16xi32>
      tpu.vector_store %arg12[%swap3A_1049, %swap3A_1050], %swap3A_1053 {strides = array<i32>} : memref<5x40xi32, #tpu.memory_space<vmem>>, vector<1x16xi32>,
      %mul3A_1054 = arith.constant 40 : i32
      %mul3A_1055 = arith.muli %add3A_959, %mul3A_1054 : i32
      %add3A_1056 = arith.constant 24 : i32
      %add3A_1057 = arith.addi %mul3A_1055, %add3A_1056 : i32
      %get3A_1058 = arith.index_cast %add3A_1057 : i32 to index
      %get3A_1059 = tpu.vector_load %arg9[%get3A_1058] {strides = array<i32>} : memref<5000xi32, #tpu.memory_space<vmem>>, vector<16xi32>,
      %get3A_1060 = vector.shape_cast %get3A_1059 : vector<16xi32> to vector<16xi32>
      %mul3A_1061 = arith.constant 10000 : i32
      %mul3A_1062 = vector.broadcast %mul3A_1061 : i32 to vector<16xi32>
      %mul3A_1063 = arith.muli %get3A_1060, %mul3A_1062 : vector<16xi32>
      %get3A_1064 = arith.index_cast %add3A_1057 : i32 to index
      %get3A_1065 = tpu.vector_load %arg8[%get3A_1064] {strides = array<i32>} : memref<5000xi32, #tpu.memory_space<vmem>>, vector<16xi32>,
      %get3A_1066 = vector.shape_cast %get3A_1065 : vector<16xi32> to vector<16xi32>
      %add3A_1067 = arith.addi %mul3A_1063, %get3A_1066 : vector<16xi32>
      %swap3A_1068 = arith.constant 2 : i32
      %swap3A_1069 = arith.index_cast %swap3A_1068 : i32 to index
      %swap3A_1070 = arith.constant 24 : index
      %swap3A_1071 = tpu.vector_load %arg11[%swap3A_1069, %swap3A_1070] {strides = array<i32>} : memref<5x40xi32, #tpu.memory_space<vmem>>, vector<1x16xi32>,
      %swap3A_1072 = vector.shape_cast %swap3A_1071 : vector<1x16xi32> to vector<16xi32>
      %swap3A_1073 = vector.shape_cast %add3A_1067 : vector<16xi32> to vector<1x16xi32>
      tpu.vector_store %arg11[%swap3A_1069, %swap3A_1070], %swap3A_1073 {strides = array<i32>} : memref<5x40xi32, #tpu.memory_space<vmem>>, vector<1x16xi32>,
      %get3A_1074 = arith.index_cast %add3A_1057 : i32 to index
      %get3A_1075 = tpu.vector_load %arg10[%get3A_1074] {strides = array<i32>} : memref<5000xi32, #tpu.memory_space<vmem>>, vector<16xi32>,
      %get3A_1076 = vector.shape_cast %get3A_1075 : vector<16xi32> to vector<16xi32>
      %swap3A_1077 = arith.constant 2 : i32
      %swap3A_1078 = arith.index_cast %swap3A_1077 : i32 to index
      %swap3A_1079 = arith.constant 24 : index
      %swap3A_1080 = tpu.vector_load %arg12[%swap3A_1078, %swap3A_1079] {strides = array<i32>} : memref<5x40xi32, #tpu.memory_space<vmem>>, vector<1x16xi32>,
      %swap3A_1081 = vector.shape_cast %swap3A_1080 : vector<1x16xi32> to vector<16xi32>
      %swap3A_1082 = vector.shape_cast %get3A_1076 : vector<16xi32> to vector<1x16xi32>
      tpu.vector_store %arg12[%swap3A_1078, %swap3A_1079], %swap3A_1082 {strides = array<i32>} : memref<5x40xi32, #tpu.memory_space<vmem>>, vector<1x16xi32>,
      %dma_start3A_1083 = arith.constant 2 : i32
      %dma_start3A_1084 = arith.constant 2 : i32
      %dma_start3A_1085 = arith.constant 0 : i32
      %dma_start3A_1086 = arith.constant 0 : i32
      %dma_start3A_1087 = tpu.memref_slice %arg13[%dma_start3A_1084, %dma_start3A_1085, %dma_start3A_1086] : memref<5x40x128xf32, #tpu.memory_space<vmem>> -> memref<1x40x128xf32, #tpu.memory_space<vmem>>
      %dma_start3A_1088 = tpu.memref_squeeze %dma_start3A_1087 : memref<1x40x128xf32, #tpu.memory_space<vmem>> -> memref<40x128xf32, #tpu.memory_space<vmem>>
      %dma_start3A_1089 = arith.constant 0 : i32
      %dma_start3A_1090 = tpu.memref_slice %arg11[%dma_start3A_1083, %dma_start3A_1089] : memref<5x40xi32, #tpu.memory_space<vmem>> -> memref<1x40xi32, #tpu.memory_space<vmem>>
      %dma_start3A_1091 = tpu.memref_squeeze %dma_start3A_1090 : memref<1x40xi32, #tpu.memory_space<vmem>> -> memref<40xi32, #tpu.memory_space<vmem>>
      %dma_start3A_1092 = arith.constant 0 : i32
      %dma_start3A_1093 = arith.constant 0 : i32
      %dma_start3A_1094 = tpu.memref_slice %arg2[%dma_start3A_1092, %dma_start3A_1093] : memref<80000x128xf32, #tpu.memory_space<hbm>> -> memref<80000x128xf32, #tpu.memory_space<hbm>>
      tpu.enqueue_indirect_dma source(%dma_start3A_1094 : memref<80000x128xf32, #tpu.memory_space<hbm>>) target(%dma_start3A_1088 : memref<40x128xf32, #tpu.memory_space<vmem>>) offsets(%dma_start3A_1091 : memref<40xi32, #tpu.memory_space<vmem>>) semaphore(%arg17 : memref<!tpu.dma_semaphore, #tpu.memory_space<semaphore_mem>>)
      %add3A_1095 = arith.constant 3 : i32
      %add3A_1096 = arith.addi %add3A_683, %add3A_1095 : i32
      %dma_wait3A_1097 = arith.constant 4 : i32
      %dma_wait3A_1098 = arith.constant 4 : i32
      %dma_wait3A_1099 = arith.constant 0 : i32
      %dma_wait3A_1100 = arith.constant 0 : i32
      %dma_wait3A_1101 = tpu.memref_slice %arg13[%dma_wait3A_1098, %dma_wait3A_1099, %dma_wait3A_1100] : memref<5x40x128xf32, #tpu.memory_space<vmem>> -> memref<1x40x128xf32, #tpu.memory_space<vmem>>
      %dma_wait3A_1102 = tpu.memref_squeeze %dma_wait3A_1101 : memref<1x40x128xf32, #tpu.memory_space<vmem>> -> memref<40x128xf32, #tpu.memory_space<vmem>>
      %dma_wait3A_1103 = arith.constant 0 : i32
      %dma_wait3A_1104 = tpu.memref_slice %arg11[%dma_wait3A_1097, %dma_wait3A_1103] : memref<5x40xi32, #tpu.memory_space<vmem>> -> memref<1x40xi32, #tpu.memory_space<vmem>>
      %dma_wait3A_1105 = tpu.memref_squeeze %dma_wait3A_1104 : memref<1x40xi32, #tpu.memory_space<vmem>> -> memref<40xi32, #tpu.memory_space<vmem>>
      %dma_wait3A_1106 = arith.constant 0 : i32
      %dma_wait3A_1107 = arith.constant 0 : i32
      %dma_wait3A_1108 = tpu.memref_slice %arg2[%dma_wait3A_1106, %dma_wait3A_1107] : memref<80000x128xf32, #tpu.memory_space<hbm>> -> memref<80000x128xf32, #tpu.memory_space<hbm>>
      tpu.wait_indirect_dma semaphore(%arg19 : memref<!tpu.dma_semaphore, #tpu.memory_space<semaphore_mem>>) src(%dma_wait3A_1108 : memref<80000x128xf32, #tpu.memory_space<hbm>>) dst(%dma_wait3A_1102 : memref<40x128xf32, #tpu.memory_space<vmem>>)
      %dma_start3A_1109 = arith.constant 4 : i32
      %dma_start3A_1110 = arith.constant 4 : i32
      %dma_start3A_1111 = arith.constant 0 : i32
      %dma_start3A_1112 = arith.constant 0 : i32
      %dma_start3A_1113 = tpu.memref_slice %arg13[%dma_start3A_1109, %dma_start3A_1111, %dma_start3A_1112] : memref<5x40x128xf32, #tpu.memory_space<vmem>> -> memref<1x40x128xf32, #tpu.memory_space<vmem>>
      %dma_start3A_1114 = tpu.memref_squeeze %dma_start3A_1113 : memref<1x40x128xf32, #tpu.memory_space<vmem>> -> memref<40x128xf32, #tpu.memory_space<vmem>>
      %dma_start3A_1115 = arith.constant 0 : i32
      %dma_start3A_1116 = tpu.memref_slice %arg12[%dma_start3A_1110, %dma_start3A_1115] : memref<5x40xi32, #tpu.memory_space<vmem>> -> memref<1x40xi32, #tpu.memory_space<vmem>>
      %dma_start3A_1117 = tpu.memref_squeeze %dma_start3A_1116 : memref<1x40xi32, #tpu.memory_space<vmem>> -> memref<40xi32, #tpu.memory_space<vmem>>
      %dma_start3A_1118 = arith.constant 0 : i32
      %dma_start3A_1119 = arith.constant 0 : i32
      %dma_start3A_1120 = tpu.memref_slice %arg7[%dma_start3A_1118, %dma_start3A_1119] : memref<10000x128xf32, #tpu.memory_space<vmem_shared>> -> memref<10000x128xf32, #tpu.memory_space<vmem_shared>>
      tpu.enqueue_indirect_dma source(%dma_start3A_1114 : memref<40x128xf32, #tpu.memory_space<vmem>>) target(%dma_start3A_1120 : memref<10000x128xf32, #tpu.memory_space<vmem_shared>>) offsets(%dma_start3A_1117 : memref<40xi32, #tpu.memory_space<vmem>>) semaphore(%arg24 : memref<!tpu.dma_semaphore, #tpu.memory_space<semaphore_mem>>) {add = true}
      %dma_wait3A_1121 = arith.constant 3 : i32
      %dma_wait3A_1122 = arith.constant 3 : i32
      %dma_wait3A_1123 = arith.constant 0 : i32
      %dma_wait3A_1124 = arith.constant 0 : i32
      %dma_wait3A_1125 = tpu.memref_slice %arg13[%dma_wait3A_1121, %dma_wait3A_1123, %dma_wait3A_1124] : memref<5x40x128xf32, #tpu.memory_space<vmem>> -> memref<1x40x128xf32, #tpu.memory_space<vmem>>
      %dma_wait3A_1126 = tpu.memref_squeeze %dma_wait3A_1125 : memref<1x40x128xf32, #tpu.memory_space<vmem>> -> memref<40x128xf32, #tpu.memory_space<vmem>>
      %dma_wait3A_1127 = arith.constant 0 : i32
      %dma_wait3A_1128 = tpu.memref_slice %arg12[%dma_wait3A_1122, %dma_wait3A_1127] : memref<5x40xi32, #tpu.memory_space<vmem>> -> memref<1x40xi32, #tpu.memory_space<vmem>>
      %dma_wait3A_1129 = tpu.memref_squeeze %dma_wait3A_1128 : memref<1x40xi32, #tpu.memory_space<vmem>> -> memref<40xi32, #tpu.memory_space<vmem>>
      %dma_wait3A_1130 = arith.constant 0 : i32
      %dma_wait3A_1131 = arith.constant 0 : i32
      %dma_wait3A_1132 = tpu.memref_slice %arg7[%dma_wait3A_1130, %dma_wait3A_1131] : memref<10000x128xf32, #tpu.memory_space<vmem_shared>> -> memref<10000x128xf32, #tpu.memory_space<vmem_shared>>
      tpu.wait_indirect_dma semaphore(%arg23 : memref<!tpu.dma_semaphore, #tpu.memory_space<semaphore_mem>>) src(%dma_wait3A_1126 : memref<40x128xf32, #tpu.memory_space<vmem>>) dst(%dma_wait3A_1132 : memref<10000x128xf32, #tpu.memory_space<vmem_shared>>)
      %mul3A_1133 = arith.constant 40 : i32
      %mul3A_1134 = arith.muli %add3A_1096, %mul3A_1133 : i32
      %add3A_1135 = arith.constant 0 : i32
      %add3A_1136 = arith.addi %mul3A_1134, %add3A_1135 : i32
      %get3A_1137 = arith.index_cast %add3A_1136 : i32 to index
      %get3A_1138 = tpu.vector_load %arg9[%get3A_1137] {strides = array<i32>} : memref<5000xi32, #tpu.memory_space<vmem>>, vector<16xi32>,
      %get3A_1139 = vector.shape_cast %get3A_1138 : vector<16xi32> to vector<16xi32>
      %mul3A_1140 = arith.constant 10000 : i32
      %mul3A_1141 = vector.broadcast %mul3A_1140 : i32 to vector<16xi32>
      %mul3A_1142 = arith.muli %get3A_1139, %mul3A_1141 : vector<16xi32>
      %get3A_1143 = arith.index_cast %add3A_1136 : i32 to index
      %get3A_1144 = tpu.vector_load %arg8[%get3A_1143] {strides = array<i32>} : memref<5000xi32, #tpu.memory_space<vmem>>, vector<16xi32>,
      %get3A_1145 = vector.shape_cast %get3A_1144 : vector<16xi32> to vector<16xi32>
      %add3A_1146 = arith.addi %mul3A_1142, %get3A_1145 : vector<16xi32>
      %swap3A_1147 = arith.constant 3 : i32
      %swap3A_1148 = arith.index_cast %swap3A_1147 : i32 to index
      %swap3A_1149 = arith.constant 0 : index
      %swap3A_1150 = tpu.vector_load %arg11[%swap3A_1148, %swap3A_1149] {strides = array<i32>} : memref<5x40xi32, #tpu.memory_space<vmem>>, vector<1x16xi32>,
      %swap3A_1151 = vector.shape_cast %swap3A_1150 : vector<1x16xi32> to vector<16xi32>
      %swap3A_1152 = vector.shape_cast %add3A_1146 : vector<16xi32> to vector<1x16xi32>
      tpu.vector_store %arg11[%swap3A_1148, %swap3A_1149], %swap3A_1152 {strides = array<i32>} : memref<5x40xi32, #tpu.memory_space<vmem>>, vector<1x16xi32>,
      %get3A_1153 = arith.index_cast %add3A_1136 : i32 to index
      %get3A_1154 = tpu.vector_load %arg10[%get3A_1153] {strides = array<i32>} : memref<5000xi32, #tpu.memory_space<vmem>>, vector<16xi32>,
      %get3A_1155 = vector.shape_cast %get3A_1154 : vector<16xi32> to vector<16xi32>
      %swap3A_1156 = arith.constant 3 : i32
      %swap3A_1157 = arith.index_cast %swap3A_1156 : i32 to index
      %swap3A_1158 = arith.constant 0 : index
      %swap3A_1159 = tpu.vector_load %arg12[%swap3A_1157, %swap3A_1158] {strides = array<i32>} : memref<5x40xi32, #tpu.memory_space<vmem>>, vector<1x16xi32>,
      %swap3A_1160 = vector.shape_cast %swap3A_1159 : vector<1x16xi32> to vector<16xi32>
      %swap3A_1161 = vector.shape_cast %get3A_1155 : vector<16xi32> to vector<1x16xi32>
      tpu.vector_store %arg12[%swap3A_1157, %swap3A_1158], %swap3A_1161 {strides = array<i32>} : memref<5x40xi32, #tpu.memory_space<vmem>>, vector<1x16xi32>,
      %mul3A_1162 = arith.constant 40 : i32
      %mul3A_1163 = arith.muli %add3A_1096, %mul3A_1162 : i32
      %add3A_1164 = arith.constant 16 : i32
      %add3A_1165 = arith.addi %mul3A_1163, %add3A_1164 : i32
      %get3A_1166 = arith.index_cast %add3A_1165 : i32 to index
      %get3A_1167 = tpu.vector_load %arg9[%get3A_1166] {strides = array<i32>} : memref<5000xi32, #tpu.memory_space<vmem>>, vector<16xi32>,
      %get3A_1168 = vector.shape_cast %get3A_1167 : vector<16xi32> to vector<16xi32>
      %mul3A_1169 = arith.constant 10000 : i32
      %mul3A_1170 = vector.broadcast %mul3A_1169 : i32 to vector<16xi32>
      %mul3A_1171 = arith.muli %get3A_1168, %mul3A_1170 : vector<16xi32>
      %get3A_1172 = arith.index_cast %add3A_1165 : i32 to index
      %get3A_1173 = tpu.vector_load %arg8[%get3A_1172] {strides = array<i32>} : memref<5000xi32, #tpu.memory_space<vmem>>, vector<16xi32>,
      %get3A_1174 = vector.shape_cast %get3A_1173 : vector<16xi32> to vector<16xi32>
      %add3A_1175 = arith.addi %mul3A_1171, %get3A_1174 : vector<16xi32>
      %swap3A_1176 = arith.constant 3 : i32
      %swap3A_1177 = arith.index_cast %swap3A_1176 : i32 to index
      %swap3A_1178 = arith.constant 16 : index
      %swap3A_1179 = tpu.vector_load %arg11[%swap3A_1177, %swap3A_1178] {strides = array<i32>} : memref<5x40xi32, #tpu.memory_space<vmem>>, vector<1x16xi32>,
      %swap3A_1180 = vector.shape_cast %swap3A_1179 : vector<1x16xi32> to vector<16xi32>
      %swap3A_1181 = vector.shape_cast %add3A_1175 : vector<16xi32> to vector<1x16xi32>
      tpu.vector_store %arg11[%swap3A_1177, %swap3A_1178], %swap3A_1181 {strides = array<i32>} : memref<5x40xi32, #tpu.memory_space<vmem>>, vector<1x16xi32>,
      %get3A_1182 = arith.index_cast %add3A_1165 : i32 to index
      %get3A_1183 = tpu.vector_load %arg10[%get3A_1182] {strides = array<i32>} : memref<5000xi32, #tpu.memory_space<vmem>>, vector<16xi32>,
      %get3A_1184 = vector.shape_cast %get3A_1183 : vector<16xi32> to vector<16xi32>
      %swap3A_1185 = arith.constant 3 : i32
      %swap3A_1186 = arith.index_cast %swap3A_1185 : i32 to index
      %swap3A_1187 = arith.constant 16 : index
      %swap3A_1188 = tpu.vector_load %arg12[%swap3A_1186, %swap3A_1187] {strides = array<i32>} : memref<5x40xi32, #tpu.memory_space<vmem>>, vector<1x16xi32>,
      %swap3A_1189 = vector.shape_cast %swap3A_1188 : vector<1x16xi32> to vector<16xi32>
      %swap3A_1190 = vector.shape_cast %get3A_1184 : vector<16xi32> to vector<1x16xi32>
      tpu.vector_store %arg12[%swap3A_1186, %swap3A_1187], %swap3A_1190 {strides = array<i32>} : memref<5x40xi32, #tpu.memory_space<vmem>>, vector<1x16xi32>,
      %mul3A_1191 = arith.constant 40 : i32
      %mul3A_1192 = arith.muli %add3A_1096, %mul3A_1191 : i32
      %add3A_1193 = arith.constant 24 : i32
      %add3A_1194 = arith.addi %mul3A_1192, %add3A_1193 : i32
      %get3A_1195 = arith.index_cast %add3A_1194 : i32 to index
      %get3A_1196 = tpu.vector_load %arg9[%get3A_1195] {strides = array<i32>} : memref<5000xi32, #tpu.memory_space<vmem>>, vector<16xi32>,
      %get3A_1197 = vector.shape_cast %get3A_1196 : vector<16xi32> to vector<16xi32>
      %mul3A_1198 = arith.constant 10000 : i32
      %mul3A_1199 = vector.broadcast %mul3A_1198 : i32 to vector<16xi32>
      %mul3A_1200 = arith.muli %get3A_1197, %mul3A_1199 : vector<16xi32>
      %get3A_1201 = arith.index_cast %add3A_1194 : i32 to index
      %get3A_1202 = tpu.vector_load %arg8[%get3A_1201] {strides = array<i32>} : memref<5000xi32, #tpu.memory_space<vmem>>, vector<16xi32>,
      %get3A_1203 = vector.shape_cast %get3A_1202 : vector<16xi32> to vector<16xi32>
      %add3A_1204 = arith.addi %mul3A_1200, %get3A_1203 : vector<16xi32>
      %swap3A_1205 = arith.constant 3 : i32
      %swap3A_1206 = arith.index_cast %swap3A_1205 : i32 to index
      %swap3A_1207 = arith.constant 24 : index
      %swap3A_1208 = tpu.vector_load %arg11[%swap3A_1206, %swap3A_1207] {strides = array<i32>} : memref<5x40xi32, #tpu.memory_space<vmem>>, vector<1x16xi32>,
      %swap3A_1209 = vector.shape_cast %swap3A_1208 : vector<1x16xi32> to vector<16xi32>
      %swap3A_1210 = vector.shape_cast %add3A_1204 : vector<16xi32> to vector<1x16xi32>
      tpu.vector_store %arg11[%swap3A_1206, %swap3A_1207], %swap3A_1210 {strides = array<i32>} : memref<5x40xi32, #tpu.memory_space<vmem>>, vector<1x16xi32>,
      %get3A_1211 = arith.index_cast %add3A_1194 : i32 to index
      %get3A_1212 = tpu.vector_load %arg10[%get3A_1211] {strides = array<i32>} : memref<5000xi32, #tpu.memory_space<vmem>>, vector<16xi32>,
      %get3A_1213 = vector.shape_cast %get3A_1212 : vector<16xi32> to vector<16xi32>
      %swap3A_1214 = arith.constant 3 : i32
      %swap3A_1215 = arith.index_cast %swap3A_1214 : i32 to index
      %swap3A_1216 = arith.constant 24 : index
      %swap3A_1217 = tpu.vector_load %arg12[%swap3A_1215, %swap3A_1216] {strides = array<i32>} : memref<5x40xi32, #tpu.memory_space<vmem>>, vector<1x16xi32>,
      %swap3A_1218 = vector.shape_cast %swap3A_1217 : vector<1x16xi32> to vector<16xi32>
      %swap3A_1219 = vector.shape_cast %get3A_1213 : vector<16xi32> to vector<1x16xi32>
      tpu.vector_store %arg12[%swap3A_1215, %swap3A_1216], %swap3A_1219 {strides = array<i32>} : memref<5x40xi32, #tpu.memory_space<vmem>>, vector<1x16xi32>,
      %dma_start3A_1220 = arith.constant 3 : i32
      %dma_start3A_1221 = arith.constant 3 : i32
      %dma_start3A_1222 = arith.constant 0 : i32
      %dma_start3A_1223 = arith.constant 0 : i32
      %dma_start3A_1224 = tpu.memref_slice %arg13[%dma_start3A_1221, %dma_start3A_1222, %dma_start3A_1223] : memref<5x40x128xf32, #tpu.memory_space<vmem>> -> memref<1x40x128xf32, #tpu.memory_space<vmem>>
      %dma_start3A_1225 = tpu.memref_squeeze %dma_start3A_1224 : memref<1x40x128xf32, #tpu.memory_space<vmem>> -> memref<40x128xf32, #tpu.memory_space<vmem>>
      %dma_start3A_1226 = arith.constant 0 : i32
      %dma_start3A_1227 = tpu.memref_slice %arg11[%dma_start3A_1220, %dma_start3A_1226] : memref<5x40xi32, #tpu.memory_space<vmem>> -> memref<1x40xi32, #tpu.memory_space<vmem>>
      %dma_start3A_1228 = tpu.memref_squeeze %dma_start3A_1227 : memref<1x40xi32, #tpu.memory_space<vmem>> -> memref<40xi32, #tpu.memory_space<vmem>>
      %dma_start3A_1229 = arith.constant 0 : i32
      %dma_start3A_1230 = arith.constant 0 : i32
      %dma_start3A_1231 = tpu.memref_slice %arg2[%dma_start3A_1229, %dma_start3A_1230] : memref<80000x128xf32, #tpu.memory_space<hbm>> -> memref<80000x128xf32, #tpu.memory_space<hbm>>
      tpu.enqueue_indirect_dma source(%dma_start3A_1231 : memref<80000x128xf32, #tpu.memory_space<hbm>>) target(%dma_start3A_1225 : memref<40x128xf32, #tpu.memory_space<vmem>>) offsets(%dma_start3A_1228 : memref<40xi32, #tpu.memory_space<vmem>>) semaphore(%arg18 : memref<!tpu.dma_semaphore, #tpu.memory_space<semaphore_mem>>)
      %add3A_1232 = arith.constant 4 : i32
      %add3A_1233 = arith.addi %add3A_683, %add3A_1232 : i32
      %dma_wait3A_1234 = arith.constant 0 : i32
      %dma_wait3A_1235 = arith.constant 0 : i32
      %dma_wait3A_1236 = arith.constant 0 : i32
      %dma_wait3A_1237 = arith.constant 0 : i32
      %dma_wait3A_1238 = tpu.memref_slice %arg13[%dma_wait3A_1235, %dma_wait3A_1236, %dma_wait3A_1237] : memref<5x40x128xf32, #tpu.memory_space<vmem>> -> memref<1x40x128xf32, #tpu.memory_space<vmem>>
      %dma_wait3A_1239 = tpu.memref_squeeze %dma_wait3A_1238 : memref<1x40x128xf32, #tpu.memory_space<vmem>> -> memref<40x128xf32, #tpu.memory_space<vmem>>
      %dma_wait3A_1240 = arith.constant 0 : i32
      %dma_wait3A_1241 = tpu.memref_slice %arg11[%dma_wait3A_1234, %dma_wait3A_1240] : memref<5x40xi32, #tpu.memory_space<vmem>> -> memref<1x40xi32, #tpu.memory_space<vmem>>
      %dma_wait3A_1242 = tpu.memref_squeeze %dma_wait3A_1241 : memref<1x40xi32, #tpu.memory_space<vmem>> -> memref<40xi32, #tpu.memory_space<vmem>>
      %dma_wait3A_1243 = arith.constant 0 : i32
      %dma_wait3A_1244 = arith.constant 0 : i32
      %dma_wait3A_1245 = tpu.memref_slice %arg2[%dma_wait3A_1243, %dma_wait3A_1244] : memref<80000x128xf32, #tpu.memory_space<hbm>> -> memref<80000x128xf32, #tpu.memory_space<hbm>>
      tpu.wait_indirect_dma semaphore(%arg15 : memref<!tpu.dma_semaphore, #tpu.memory_space<semaphore_mem>>) src(%dma_wait3A_1245 : memref<80000x128xf32, #tpu.memory_space<hbm>>) dst(%dma_wait3A_1239 : memref<40x128xf32, #tpu.memory_space<vmem>>)
      %dma_start3A_1246 = arith.constant 0 : i32
      %dma_start3A_1247 = arith.constant 0 : i32
      %dma_start3A_1248 = arith.constant 0 : i32
      %dma_start3A_1249 = arith.constant 0 : i32
      %dma_start3A_1250 = tpu.memref_slice %arg13[%dma_start3A_1246, %dma_start3A_1248, %dma_start3A_1249] : memref<5x40x128xf32, #tpu.memory_space<vmem>> -> memref<1x40x128xf32, #tpu.memory_space<vmem>>
      %dma_start3A_1251 = tpu.memref_squeeze %dma_start3A_1250 : memref<1x40x128xf32, #tpu.memory_space<vmem>> -> memref<40x128xf32, #tpu.memory_space<vmem>>
      %dma_start3A_1252 = arith.constant 0 : i32
      %dma_start3A_1253 = tpu.memref_slice %arg12[%dma_start3A_1247, %dma_start3A_1252] : memref<5x40xi32, #tpu.memory_space<vmem>> -> memref<1x40xi32, #tpu.memory_space<vmem>>
      %dma_start3A_1254 = tpu.memref_squeeze %dma_start3A_1253 : memref<1x40xi32, #tpu.memory_space<vmem>> -> memref<40xi32, #tpu.memory_space<vmem>>
      %dma_start3A_1255 = arith.constant 0 : i32
      %dma_start3A_1256 = arith.constant 0 : i32
      %dma_start3A_1257 = tpu.memref_slice %arg7[%dma_start3A_1255, %dma_start3A_1256] : memref<10000x128xf32, #tpu.memory_space<vmem_shared>> -> memref<10000x128xf32, #tpu.memory_space<vmem_shared>>
      tpu.enqueue_indirect_dma source(%dma_start3A_1251 : memref<40x128xf32, #tpu.memory_space<vmem>>) target(%dma_start3A_1257 : memref<10000x128xf32, #tpu.memory_space<vmem_shared>>) offsets(%dma_start3A_1254 : memref<40xi32, #tpu.memory_space<vmem>>) semaphore(%arg20 : memref<!tpu.dma_semaphore, #tpu.memory_space<semaphore_mem>>) {add = true}
      %dma_wait3A_1258 = arith.constant 4 : i32
      %dma_wait3A_1259 = arith.constant 4 : i32
      %dma_wait3A_1260 = arith.constant 0 : i32
      %dma_wait3A_1261 = arith.constant 0 : i32
      %dma_wait3A_1262 = tpu.memref_slice %arg13[%dma_wait3A_1258, %dma_wait3A_1260, %dma_wait3A_1261] : memref<5x40x128xf32, #tpu.memory_space<vmem>> -> memref<1x40x128xf32, #tpu.memory_space<vmem>>
      %dma_wait3A_1263 = tpu.memref_squeeze %dma_wait3A_1262 : memref<1x40x128xf32, #tpu.memory_space<vmem>> -> memref<40x128xf32, #tpu.memory_space<vmem>>
      %dma_wait3A_1264 = arith.constant 0 : i32
      %dma_wait3A_1265 = tpu.memref_slice %arg12[%dma_wait3A_1259, %dma_wait3A_1264] : memref<5x40xi32, #tpu.memory_space<vmem>> -> memref<1x40xi32, #tpu.memory_space<vmem>>
      %dma_wait3A_1266 = tpu.memref_squeeze %dma_wait3A_1265 : memref<1x40xi32, #tpu.memory_space<vmem>> -> memref<40xi32, #tpu.memory_space<vmem>>
      %dma_wait3A_1267 = arith.constant 0 : i32
      %dma_wait3A_1268 = arith.constant 0 : i32
      %dma_wait3A_1269 = tpu.memref_slice %arg7[%dma_wait3A_1267, %dma_wait3A_1268] : memref<10000x128xf32, #tpu.memory_space<vmem_shared>> -> memref<10000x128xf32, #tpu.memory_space<vmem_shared>>
      tpu.wait_indirect_dma semaphore(%arg24 : memref<!tpu.dma_semaphore, #tpu.memory_space<semaphore_mem>>) src(%dma_wait3A_1263 : memref<40x128xf32, #tpu.memory_space<vmem>>) dst(%dma_wait3A_1269 : memref<10000x128xf32, #tpu.memory_space<vmem_shared>>)
      %mul3A_1270 = arith.constant 40 : i32
      %mul3A_1271 = arith.muli %add3A_1233, %mul3A_1270 : i32
      %add3A_1272 = arith.constant 0 : i32
      %add3A_1273 = arith.addi %mul3A_1271, %add3A_1272 : i32
      %get3A_1274 = arith.index_cast %add3A_1273 : i32 to index
      %get3A_1275 = tpu.vector_load %arg9[%get3A_1274] {strides = array<i32>} : memref<5000xi32, #tpu.memory_space<vmem>>, vector<16xi32>,
      %get3A_1276 = vector.shape_cast %get3A_1275 : vector<16xi32> to vector<16xi32>
      %mul3A_1277 = arith.constant 10000 : i32
      %mul3A_1278 = vector.broadcast %mul3A_1277 : i32 to vector<16xi32>
      %mul3A_1279 = arith.muli %get3A_1276, %mul3A_1278 : vector<16xi32>
      %get3A_1280 = arith.index_cast %add3A_1273 : i32 to index
      %get3A_1281 = tpu.vector_load %arg8[%get3A_1280] {strides = array<i32>} : memref<5000xi32, #tpu.memory_space<vmem>>, vector<16xi32>,
      %get3A_1282 = vector.shape_cast %get3A_1281 : vector<16xi32> to vector<16xi32>
      %add3A_1283 = arith.addi %mul3A_1279, %get3A_1282 : vector<16xi32>
      %swap3A_1284 = arith.constant 4 : i32
      %swap3A_1285 = arith.index_cast %swap3A_1284 : i32 to index
      %swap3A_1286 = arith.constant 0 : index
      %swap3A_1287 = tpu.vector_load %arg11[%swap3A_1285, %swap3A_1286] {strides = array<i32>} : memref<5x40xi32, #tpu.memory_space<vmem>>, vector<1x16xi32>,
      %swap3A_1288 = vector.shape_cast %swap3A_1287 : vector<1x16xi32> to vector<16xi32>
      %swap3A_1289 = vector.shape_cast %add3A_1283 : vector<16xi32> to vector<1x16xi32>
      tpu.vector_store %arg11[%swap3A_1285, %swap3A_1286], %swap3A_1289 {strides = array<i32>} : memref<5x40xi32, #tpu.memory_space<vmem>>, vector<1x16xi32>,
      %get3A_1290 = arith.index_cast %add3A_1273 : i32 to index
      %get3A_1291 = tpu.vector_load %arg10[%get3A_1290] {strides = array<i32>} : memref<5000xi32, #tpu.memory_space<vmem>>, vector<16xi32>,
      %get3A_1292 = vector.shape_cast %get3A_1291 : vector<16xi32> to vector<16xi32>
      %swap3A_1293 = arith.constant 4 : i32
      %swap3A_1294 = arith.index_cast %swap3A_1293 : i32 to index
      %swap3A_1295 = arith.constant 0 : index
      %swap3A_1296 = tpu.vector_load %arg12[%swap3A_1294, %swap3A_1295] {strides = array<i32>} : memref<5x40xi32, #tpu.memory_space<vmem>>, vector<1x16xi32>,
      %swap3A_1297 = vector.shape_cast %swap3A_1296 : vector<1x16xi32> to vector<16xi32>
      %swap3A_1298 = vector.shape_cast %get3A_1292 : vector<16xi32> to vector<1x16xi32>
      tpu.vector_store %arg12[%swap3A_1294, %swap3A_1295], %swap3A_1298 {strides = array<i32>} : memref<5x40xi32, #tpu.memory_space<vmem>>, vector<1x16xi32>,
      %mul3A_1299 = arith.constant 40 : i32
      %mul3A_1300 = arith.muli %add3A_1233, %mul3A_1299 : i32
      %add3A_1301 = arith.constant 16 : i32
      %add3A_1302 = arith.addi %mul3A_1300, %add3A_1301 : i32
      %get3A_1303 = arith.index_cast %add3A_1302 : i32 to index
      %get3A_1304 = tpu.vector_load %arg9[%get3A_1303] {strides = array<i32>} : memref<5000xi32, #tpu.memory_space<vmem>>, vector<16xi32>,
      %get3A_1305 = vector.shape_cast %get3A_1304 : vector<16xi32> to vector<16xi32>
      %mul3A_1306 = arith.constant 10000 : i32
      %mul3A_1307 = vector.broadcast %mul3A_1306 : i32 to vector<16xi32>
      %mul3A_1308 = arith.muli %get3A_1305, %mul3A_1307 : vector<16xi32>
      %get3A_1309 = arith.index_cast %add3A_1302 : i32 to index
      %get3A_1310 = tpu.vector_load %arg8[%get3A_1309] {strides = array<i32>} : memref<5000xi32, #tpu.memory_space<vmem>>, vector<16xi32>,
      %get3A_1311 = vector.shape_cast %get3A_1310 : vector<16xi32> to vector<16xi32>
      %add3A_1312 = arith.addi %mul3A_1308, %get3A_1311 : vector<16xi32>
      %swap3A_1313 = arith.constant 4 : i32
      %swap3A_1314 = arith.index_cast %swap3A_1313 : i32 to index
      %swap3A_1315 = arith.constant 16 : index
      %swap3A_1316 = tpu.vector_load %arg11[%swap3A_1314, %swap3A_1315] {strides = array<i32>} : memref<5x40xi32, #tpu.memory_space<vmem>>, vector<1x16xi32>,
      %swap3A_1317 = vector.shape_cast %swap3A_1316 : vector<1x16xi32> to vector<16xi32>
      %swap3A_1318 = vector.shape_cast %add3A_1312 : vector<16xi32> to vector<1x16xi32>
      tpu.vector_store %arg11[%swap3A_1314, %swap3A_1315], %swap3A_1318 {strides = array<i32>} : memref<5x40xi32, #tpu.memory_space<vmem>>, vector<1x16xi32>,
      %get3A_1319 = arith.index_cast %add3A_1302 : i32 to index
      %get3A_1320 = tpu.vector_load %arg10[%get3A_1319] {strides = array<i32>} : memref<5000xi32, #tpu.memory_space<vmem>>, vector<16xi32>,
      %get3A_1321 = vector.shape_cast %get3A_1320 : vector<16xi32> to vector<16xi32>
      %swap3A_1322 = arith.constant 4 : i32
      %swap3A_1323 = arith.index_cast %swap3A_1322 : i32 to index
      %swap3A_1324 = arith.constant 16 : index
      %swap3A_1325 = tpu.vector_load %arg12[%swap3A_1323, %swap3A_1324] {strides = array<i32>} : memref<5x40xi32, #tpu.memory_space<vmem>>, vector<1x16xi32>,
      %swap3A_1326 = vector.shape_cast %swap3A_1325 : vector<1x16xi32> to vector<16xi32>
      %swap3A_1327 = vector.shape_cast %get3A_1321 : vector<16xi32> to vector<1x16xi32>
      tpu.vector_store %arg12[%swap3A_1323, %swap3A_1324], %swap3A_1327 {strides = array<i32>} : memref<5x40xi32, #tpu.memory_space<vmem>>, vector<1x16xi32>,
      %mul3A_1328 = arith.constant 40 : i32
      %mul3A_1329 = arith.muli %add3A_1233, %mul3A_1328 : i32
      %add3A_1330 = arith.constant 24 : i32
      %add3A_1331 = arith.addi %mul3A_1329, %add3A_1330 : i32
      %get3A_1332 = arith.index_cast %add3A_1331 : i32 to index
      %get3A_1333 = tpu.vector_load %arg9[%get3A_1332] {strides = array<i32>} : memref<5000xi32, #tpu.memory_space<vmem>>, vector<16xi32>,
      %get3A_1334 = vector.shape_cast %get3A_1333 : vector<16xi32> to vector<16xi32>
      %mul3A_1335 = arith.constant 10000 : i32
      %mul3A_1336 = vector.broadcast %mul3A_1335 : i32 to vector<16xi32>
      %mul3A_1337 = arith.muli %get3A_1334, %mul3A_1336 : vector<16xi32>
      %get3A_1338 = arith.index_cast %add3A_1331 : i32 to index
      %get3A_1339 = tpu.vector_load %arg8[%get3A_1338] {strides = array<i32>} : memref<5000xi32, #tpu.memory_space<vmem>>, vector<16xi32>,
      %get3A_1340 = vector.shape_cast %get3A_1339 : vector<16xi32> to vector<16xi32>
      %add3A_1341 = arith.addi %mul3A_1337, %get3A_1340 : vector<16xi32>
      %swap3A_1342 = arith.constant 4 : i32
      %swap3A_1343 = arith.index_cast %swap3A_1342 : i32 to index
      %swap3A_1344 = arith.constant 24 : index
      %swap3A_1345 = tpu.vector_load %arg11[%swap3A_1343, %swap3A_1344] {strides = array<i32>} : memref<5x40xi32, #tpu.memory_space<vmem>>, vector<1x16xi32>,
      %swap3A_1346 = vector.shape_cast %swap3A_1345 : vector<1x16xi32> to vector<16xi32>
      %swap3A_1347 = vector.shape_cast %add3A_1341 : vector<16xi32> to vector<1x16xi32>
      tpu.vector_store %arg11[%swap3A_1343, %swap3A_1344], %swap3A_1347 {strides = array<i32>} : memref<5x40xi32, #tpu.memory_space<vmem>>, vector<1x16xi32>,
      %get3A_1348 = arith.index_cast %add3A_1331 : i32 to index
      %get3A_1349 = tpu.vector_load %arg10[%get3A_1348] {strides = array<i32>} : memref<5000xi32, #tpu.memory_space<vmem>>, vector<16xi32>,
      %get3A_1350 = vector.shape_cast %get3A_1349 : vector<16xi32> to vector<16xi32>
      %swap3A_1351 = arith.constant 4 : i32
      %swap3A_1352 = arith.index_cast %swap3A_1351 : i32 to index
      %swap3A_1353 = arith.constant 24 : index
      %swap3A_1354 = tpu.vector_load %arg12[%swap3A_1352, %swap3A_1353] {strides = array<i32>} : memref<5x40xi32, #tpu.memory_space<vmem>>, vector<1x16xi32>,
      %swap3A_1355 = vector.shape_cast %swap3A_1354 : vector<1x16xi32> to vector<16xi32>
      %swap3A_1356 = vector.shape_cast %get3A_1350 : vector<16xi32> to vector<1x16xi32>
      tpu.vector_store %arg12[%swap3A_1352, %swap3A_1353], %swap3A_1356 {strides = array<i32>} : memref<5x40xi32, #tpu.memory_space<vmem>>, vector<1x16xi32>,
      %dma_start3A_1357 = arith.constant 4 : i32
      %dma_start3A_1358 = arith.constant 4 : i32
      %dma_start3A_1359 = arith.constant 0 : i32
      %dma_start3A_1360 = arith.constant 0 : i32
      %dma_start3A_1361 = tpu.memref_slice %arg13[%dma_start3A_1358, %dma_start3A_1359, %dma_start3A_1360] : memref<5x40x128xf32, #tpu.memory_space<vmem>> -> memref<1x40x128xf32, #tpu.memory_space<vmem>>
      %dma_start3A_1362 = tpu.memref_squeeze %dma_start3A_1361 : memref<1x40x128xf32, #tpu.memory_space<vmem>> -> memref<40x128xf32, #tpu.memory_space<vmem>>
      %dma_start3A_1363 = arith.constant 0 : i32
      %dma_start3A_1364 = tpu.memref_slice %arg11[%dma_start3A_1357, %dma_start3A_1363] : memref<5x40xi32, #tpu.memory_space<vmem>> -> memref<1x40xi32, #tpu.memory_space<vmem>>
      %dma_start3A_1365 = tpu.memref_squeeze %dma_start3A_1364 : memref<1x40xi32, #tpu.memory_space<vmem>> -> memref<40xi32, #tpu.memory_space<vmem>>
      %dma_start3A_1366 = arith.constant 0 : i32
      %dma_start3A_1367 = arith.constant 0 : i32
      %dma_start3A_1368 = tpu.memref_slice %arg2[%dma_start3A_1366, %dma_start3A_1367] : memref<80000x128xf32, #tpu.memory_space<hbm>> -> memref<80000x128xf32, #tpu.memory_space<hbm>>
      tpu.enqueue_indirect_dma source(%dma_start3A_1368 : memref<80000x128xf32, #tpu.memory_space<hbm>>) target(%dma_start3A_1362 : memref<40x128xf32, #tpu.memory_space<vmem>>) offsets(%dma_start3A_1365 : memref<40xi32, #tpu.memory_space<vmem>>) semaphore(%arg19 : memref<!tpu.dma_semaphore, #tpu.memory_space<semaphore_mem>>)
    }
    %scan3A_511 = arith.constant 24 : i32
    %dma_wait3A_512 = arith.constant 1 : i32
    %dma_wait3A_513 = arith.constant 1 : i32
    %dma_wait3A_514 = arith.constant 0 : i32
    %dma_wait3A_515 = arith.constant 0 : i32
    %dma_wait3A_516 = tpu.memref_slice %arg13[%dma_wait3A_513, %dma_wait3A_514, %dma_wait3A_515] : memref<5x40x128xf32, #tpu.memory_space<vmem>> -> memref<1x40x128xf32, #tpu.memory_space<vmem>>
    %dma_wait3A_517 = tpu.memref_squeeze %dma_wait3A_516 : memref<1x40x128xf32, #tpu.memory_space<vmem>> -> memref<40x128xf32, #tpu.memory_space<vmem>>
    %dma_wait3A_518 = arith.constant 0 : i32
    %dma_wait3A_519 = tpu.memref_slice %arg11[%dma_wait3A_512, %dma_wait3A_518] : memref<5x40xi32, #tpu.memory_space<vmem>> -> memref<1x40xi32, #tpu.memory_space<vmem>>
    %dma_wait3A_520 = tpu.memref_squeeze %dma_wait3A_519 : memref<1x40xi32, #tpu.memory_space<vmem>> -> memref<40xi32, #tpu.memory_space<vmem>>
    %dma_wait3A_521 = arith.constant 0 : i32
    %dma_wait3A_522 = arith.constant 0 : i32
    %dma_wait3A_523 = tpu.memref_slice %arg2[%dma_wait3A_521, %dma_wait3A_522] : memref<80000x128xf32, #tpu.memory_space<hbm>> -> memref<80000x128xf32, #tpu.memory_space<hbm>>
    tpu.wait_indirect_dma semaphore(%arg16 : memref<!tpu.dma_semaphore, #tpu.memory_space<semaphore_mem>>) src(%dma_wait3A_523 : memref<80000x128xf32, #tpu.memory_space<hbm>>) dst(%dma_wait3A_517 : memref<40x128xf32, #tpu.memory_space<vmem>>)
    %dma_start3A_524 = arith.constant 1 : i32
    %dma_start3A_525 = arith.constant 1 : i32
    %dma_start3A_526 = arith.constant 0 : i32
    %dma_start3A_527 = arith.constant 0 : i32
    %dma_start3A_528 = tpu.memref_slice %arg13[%dma_start3A_524, %dma_start3A_526, %dma_start3A_527] : memref<5x40x128xf32, #tpu.memory_space<vmem>> -> memref<1x40x128xf32, #tpu.memory_space<vmem>>
    %dma_start3A_529 = tpu.memref_squeeze %dma_start3A_528 : memref<1x40x128xf32, #tpu.memory_space<vmem>> -> memref<40x128xf32, #tpu.memory_space<vmem>>
    %dma_start3A_530 = arith.constant 0 : i32
    %dma_start3A_531 = tpu.memref_slice %arg12[%dma_start3A_525, %dma_start3A_530] : memref<5x40xi32, #tpu.memory_space<vmem>> -> memref<1x40xi32, #tpu.memory_space<vmem>>
    %dma_start3A_532 = tpu.memref_squeeze %dma_start3A_531 : memref<1x40xi32, #tpu.memory_space<vmem>> -> memref<40xi32, #tpu.memory_space<vmem>>
    %dma_start3A_533 = arith.constant 0 : i32
    %dma_start3A_534 = arith.constant 0 : i32
    %dma_start3A_535 = tpu.memref_slice %arg7[%dma_start3A_533, %dma_start3A_534] : memref<10000x128xf32, #tpu.memory_space<vmem_shared>> -> memref<10000x128xf32, #tpu.memory_space<vmem_shared>>
    tpu.enqueue_indirect_dma source(%dma_start3A_529 : memref<40x128xf32, #tpu.memory_space<vmem>>) target(%dma_start3A_535 : memref<10000x128xf32, #tpu.memory_space<vmem_shared>>) offsets(%dma_start3A_532 : memref<40xi32, #tpu.memory_space<vmem>>) semaphore(%arg21 : memref<!tpu.dma_semaphore, #tpu.memory_space<semaphore_mem>>) {add = true}
    %dma_wait3A_536 = arith.constant 2 : i32
    %dma_wait3A_537 = arith.constant 2 : i32
    %dma_wait3A_538 = arith.constant 0 : i32
    %dma_wait3A_539 = arith.constant 0 : i32
    %dma_wait3A_540 = tpu.memref_slice %arg13[%dma_wait3A_537, %dma_wait3A_538, %dma_wait3A_539] : memref<5x40x128xf32, #tpu.memory_space<vmem>> -> memref<1x40x128xf32, #tpu.memory_space<vmem>>
    %dma_wait3A_541 = tpu.memref_squeeze %dma_wait3A_540 : memref<1x40x128xf32, #tpu.memory_space<vmem>> -> memref<40x128xf32, #tpu.memory_space<vmem>>
    %dma_wait3A_542 = arith.constant 0 : i32
    %dma_wait3A_543 = tpu.memref_slice %arg11[%dma_wait3A_536, %dma_wait3A_542] : memref<5x40xi32, #tpu.memory_space<vmem>> -> memref<1x40xi32, #tpu.memory_space<vmem>>
    %dma_wait3A_544 = tpu.memref_squeeze %dma_wait3A_543 : memref<1x40xi32, #tpu.memory_space<vmem>> -> memref<40xi32, #tpu.memory_space<vmem>>
    %dma_wait3A_545 = arith.constant 0 : i32
    %dma_wait3A_546 = arith.constant 0 : i32
    %dma_wait3A_547 = tpu.memref_slice %arg2[%dma_wait3A_545, %dma_wait3A_546] : memref<80000x128xf32, #tpu.memory_space<hbm>> -> memref<80000x128xf32, #tpu.memory_space<hbm>>
    tpu.wait_indirect_dma semaphore(%arg17 : memref<!tpu.dma_semaphore, #tpu.memory_space<semaphore_mem>>) src(%dma_wait3A_547 : memref<80000x128xf32, #tpu.memory_space<hbm>>) dst(%dma_wait3A_541 : memref<40x128xf32, #tpu.memory_space<vmem>>)
    %dma_start3A_548 = arith.constant 2 : i32
    %dma_start3A_549 = arith.constant 2 : i32
    %dma_start3A_550 = arith.constant 0 : i32
    %dma_start3A_551 = arith.constant 0 : i32
    %dma_start3A_552 = tpu.memref_slice %arg13[%dma_start3A_548, %dma_start3A_550, %dma_start3A_551] : memref<5x40x128xf32, #tpu.memory_space<vmem>> -> memref<1x40x128xf32, #tpu.memory_space<vmem>>
    %dma_start3A_553 = tpu.memref_squeeze %dma_start3A_552 : memref<1x40x128xf32, #tpu.memory_space<vmem>> -> memref<40x128xf32, #tpu.memory_space<vmem>>
    %dma_start3A_554 = arith.constant 0 : i32
    %dma_start3A_555 = tpu.memref_slice %arg12[%dma_start3A_549, %dma_start3A_554] : memref<5x40xi32, #tpu.memory_space<vmem>> -> memref<1x40xi32, #tpu.memory_space<vmem>>
    %dma_start3A_556 = tpu.memref_squeeze %dma_start3A_555 : memref<1x40xi32, #tpu.memory_space<vmem>> -> memref<40xi32, #tpu.memory_space<vmem>>
    %dma_start3A_557 = arith.constant 0 : i32
    %dma_start3A_558 = arith.constant 0 : i32
    %dma_start3A_559 = tpu.memref_slice %arg7[%dma_start3A_557, %dma_start3A_558] : memref<10000x128xf32, #tpu.memory_space<vmem_shared>> -> memref<10000x128xf32, #tpu.memory_space<vmem_shared>>
    tpu.enqueue_indirect_dma source(%dma_start3A_553 : memref<40x128xf32, #tpu.memory_space<vmem>>) target(%dma_start3A_559 : memref<10000x128xf32, #tpu.memory_space<vmem_shared>>) offsets(%dma_start3A_556 : memref<40xi32, #tpu.memory_space<vmem>>) semaphore(%arg22 : memref<!tpu.dma_semaphore, #tpu.memory_space<semaphore_mem>>) {add = true}
    %dma_wait3A_560 = arith.constant 3 : i32
    %dma_wait3A_561 = arith.constant 3 : i32
    %dma_wait3A_562 = arith.constant 0 : i32
    %dma_wait3A_563 = arith.constant 0 : i32
    %dma_wait3A_564 = tpu.memref_slice %arg13[%dma_wait3A_561, %dma_wait3A_562, %dma_wait3A_563] : memref<5x40x128xf32, #tpu.memory_space<vmem>> -> memref<1x40x128xf32, #tpu.memory_space<vmem>>
    %dma_wait3A_565 = tpu.memref_squeeze %dma_wait3A_564 : memref<1x40x128xf32, #tpu.memory_space<vmem>> -> memref<40x128xf32, #tpu.memory_space<vmem>>
    %dma_wait3A_566 = arith.constant 0 : i32
    %dma_wait3A_567 = tpu.memref_slice %arg11[%dma_wait3A_560, %dma_wait3A_566] : memref<5x40xi32, #tpu.memory_space<vmem>> -> memref<1x40xi32, #tpu.memory_space<vmem>>
    %dma_wait3A_568 = tpu.memref_squeeze %dma_wait3A_567 : memref<1x40xi32, #tpu.memory_space<vmem>> -> memref<40xi32, #tpu.memory_space<vmem>>
    %dma_wait3A_569 = arith.constant 0 : i32
    %dma_wait3A_570 = arith.constant 0 : i32
    %dma_wait3A_571 = tpu.memref_slice %arg2[%dma_wait3A_569, %dma_wait3A_570] : memref<80000x128xf32, #tpu.memory_space<hbm>> -> memref<80000x128xf32, #tpu.memory_space<hbm>>
    tpu.wait_indirect_dma semaphore(%arg18 : memref<!tpu.dma_semaphore, #tpu.memory_space<semaphore_mem>>) src(%dma_wait3A_571 : memref<80000x128xf32, #tpu.memory_space<hbm>>) dst(%dma_wait3A_565 : memref<40x128xf32, #tpu.memory_space<vmem>>)
    %dma_start3A_572 = arith.constant 3 : i32
    %dma_start3A_573 = arith.constant 3 : i32
    %dma_start3A_574 = arith.constant 0 : i32
    %dma_start3A_575 = arith.constant 0 : i32
    %dma_start3A_576 = tpu.memref_slice %arg13[%dma_start3A_572, %dma_start3A_574, %dma_start3A_575] : memref<5x40x128xf32, #tpu.memory_space<vmem>> -> memref<1x40x128xf32, #tpu.memory_space<vmem>>
    %dma_start3A_577 = tpu.memref_squeeze %dma_start3A_576 : memref<1x40x128xf32, #tpu.memory_space<vmem>> -> memref<40x128xf32, #tpu.memory_space<vmem>>
    %dma_start3A_578 = arith.constant 0 : i32
    %dma_start3A_579 = tpu.memref_slice %arg12[%dma_start3A_573, %dma_start3A_578] : memref<5x40xi32, #tpu.memory_space<vmem>> -> memref<1x40xi32, #tpu.memory_space<vmem>>
    %dma_start3A_580 = tpu.memref_squeeze %dma_start3A_579 : memref<1x40xi32, #tpu.memory_space<vmem>> -> memref<40xi32, #tpu.memory_space<vmem>>
    %dma_start3A_581 = arith.constant 0 : i32
    %dma_start3A_582 = arith.constant 0 : i32
    %dma_start3A_583 = tpu.memref_slice %arg7[%dma_start3A_581, %dma_start3A_582] : memref<10000x128xf32, #tpu.memory_space<vmem_shared>> -> memref<10000x128xf32, #tpu.memory_space<vmem_shared>>
    tpu.enqueue_indirect_dma source(%dma_start3A_577 : memref<40x128xf32, #tpu.memory_space<vmem>>) target(%dma_start3A_583 : memref<10000x128xf32, #tpu.memory_space<vmem_shared>>) offsets(%dma_start3A_580 : memref<40xi32, #tpu.memory_space<vmem>>) semaphore(%arg23 : memref<!tpu.dma_semaphore, #tpu.memory_space<semaphore_mem>>) {add = true}
    %dma_wait3A_584 = arith.constant 4 : i32
    %dma_wait3A_585 = arith.constant 4 : i32
    %dma_wait3A_586 = arith.constant 0 : i32
    %dma_wait3A_587 = arith.constant 0 : i32
    %dma_wait3A_588 = tpu.memref_slice %arg13[%dma_wait3A_585, %dma_wait3A_586, %dma_wait3A_587] : memref<5x40x128xf32, #tpu.memory_space<vmem>> -> memref<1x40x128xf32, #tpu.memory_space<vmem>>
    %dma_wait3A_589 = tpu.memref_squeeze %dma_wait3A_588 : memref<1x40x128xf32, #tpu.memory_space<vmem>> -> memref<40x128xf32, #tpu.memory_space<vmem>>
    %dma_wait3A_590 = arith.constant 0 : i32
    %dma_wait3A_591 = tpu.memref_slice %arg11[%dma_wait3A_584, %dma_wait3A_590] : memref<5x40xi32, #tpu.memory_space<vmem>> -> memref<1x40xi32, #tpu.memory_space<vmem>>
    %dma_wait3A_592 = tpu.memref_squeeze %dma_wait3A_591 : memref<1x40xi32, #tpu.memory_space<vmem>> -> memref<40xi32, #tpu.memory_space<vmem>>
    %dma_wait3A_593 = arith.constant 0 : i32
    %dma_wait3A_594 = arith.constant 0 : i32
    %dma_wait3A_595 = tpu.memref_slice %arg2[%dma_wait3A_593, %dma_wait3A_594] : memref<80000x128xf32, #tpu.memory_space<hbm>> -> memref<80000x128xf32, #tpu.memory_space<hbm>>
    tpu.wait_indirect_dma semaphore(%arg19 : memref<!tpu.dma_semaphore, #tpu.memory_space<semaphore_mem>>) src(%dma_wait3A_595 : memref<80000x128xf32, #tpu.memory_space<hbm>>) dst(%dma_wait3A_589 : memref<40x128xf32, #tpu.memory_space<vmem>>)
    %dma_start3A_596 = arith.constant 4 : i32
    %dma_start3A_597 = arith.constant 4 : i32
    %dma_start3A_598 = arith.constant 0 : i32
    %dma_start3A_599 = arith.constant 0 : i32
    %dma_start3A_600 = tpu.memref_slice %arg13[%dma_start3A_596, %dma_start3A_598, %dma_start3A_599] : memref<5x40x128xf32, #tpu.memory_space<vmem>> -> memref<1x40x128xf32, #tpu.memory_space<vmem>>
    %dma_start3A_601 = tpu.memref_squeeze %dma_start3A_600 : memref<1x40x128xf32, #tpu.memory_space<vmem>> -> memref<40x128xf32, #tpu.memory_space<vmem>>
    %dma_start3A_602 = arith.constant 0 : i32
    %dma_start3A_603 = tpu.memref_slice %arg12[%dma_start3A_597, %dma_start3A_602] : memref<5x40xi32, #tpu.memory_space<vmem>> -> memref<1x40xi32, #tpu.memory_space<vmem>>
    %dma_start3A_604 = tpu.memref_squeeze %dma_start3A_603 : memref<1x40xi32, #tpu.memory_space<vmem>> -> memref<40xi32, #tpu.memory_space<vmem>>
    %dma_start3A_605 = arith.constant 0 : i32
    %dma_start3A_606 = arith.constant 0 : i32
    %dma_start3A_607 = tpu.memref_slice %arg7[%dma_start3A_605, %dma_start3A_606] : memref<10000x128xf32, #tpu.memory_space<vmem_shared>> -> memref<10000x128xf32, #tpu.memory_space<vmem_shared>>
    tpu.enqueue_indirect_dma source(%dma_start3A_601 : memref<40x128xf32, #tpu.memory_space<vmem>>) target(%dma_start3A_607 : memref<10000x128xf32, #tpu.memory_space<vmem_shared>>) offsets(%dma_start3A_604 : memref<40xi32, #tpu.memory_space<vmem>>) semaphore(%arg24 : memref<!tpu.dma_semaphore, #tpu.memory_space<semaphore_mem>>) {add = true}
    %dma_wait3A_608 = arith.constant 0 : i32
    %dma_wait3A_609 = arith.constant 0 : i32
    %dma_wait3A_610 = arith.constant 0 : i32
    %dma_wait3A_611 = arith.constant 0 : i32
    %dma_wait3A_612 = tpu.memref_slice %arg13[%dma_wait3A_608, %dma_wait3A_610, %dma_wait3A_611] : memref<5x40x128xf32, #tpu.memory_space<vmem>> -> memref<1x40x128xf32, #tpu.memory_space<vmem>>
    %dma_wait3A_613 = tpu.memref_squeeze %dma_wait3A_612 : memref<1x40x128xf32, #tpu.memory_space<vmem>> -> memref<40x128xf32, #tpu.memory_space<vmem>>
    %dma_wait3A_614 = arith.constant 0 : i32
    %dma_wait3A_615 = tpu.memref_slice %arg12[%dma_wait3A_609, %dma_wait3A_614] : memref<5x40xi32, #tpu.memory_space<vmem>> -> memref<1x40xi32, #tpu.memory_space<vmem>>
    %dma_wait3A_616 = tpu.memref_squeeze %dma_wait3A_615 : memref<1x40xi32, #tpu.memory_space<vmem>> -> memref<40xi32, #tpu.memory_space<vmem>>
    %dma_wait3A_617 = arith.constant 0 : i32
    %dma_wait3A_618 = arith.constant 0 : i32
    %dma_wait3A_619 = tpu.memref_slice %arg7[%dma_wait3A_617, %dma_wait3A_618] : memref<10000x128xf32, #tpu.memory_space<vmem_shared>> -> memref<10000x128xf32, #tpu.memory_space<vmem_shared>>
    tpu.wait_indirect_dma semaphore(%arg20 : memref<!tpu.dma_semaphore, #tpu.memory_space<semaphore_mem>>) src(%dma_wait3A_613 : memref<40x128xf32, #tpu.memory_space<vmem>>) dst(%dma_wait3A_619 : memref<10000x128xf32, #tpu.memory_space<vmem_shared>>)
    %dma_wait3A_620 = arith.constant 1 : i32
    %dma_wait3A_621 = arith.constant 1 : i32
    %dma_wait3A_622 = arith.constant 0 : i32
    %dma_wait3A_623 = arith.constant 0 : i32
    %dma_wait3A_624 = tpu.memref_slice %arg13[%dma_wait3A_620, %dma_wait3A_622, %dma_wait3A_623] : memref<5x40x128xf32, #tpu.memory_space<vmem>> -> memref<1x40x128xf32, #tpu.memory_space<vmem>>
    %dma_wait3A_625 = tpu.memref_squeeze %dma_wait3A_624 : memref<1x40x128xf32, #tpu.memory_space<vmem>> -> memref<40x128xf32, #tpu.memory_space<vmem>>
    %dma_wait3A_626 = arith.constant 0 : i32
    %dma_wait3A_627 = tpu.memref_slice %arg12[%dma_wait3A_621, %dma_wait3A_626] : memref<5x40xi32, #tpu.memory_space<vmem>> -> memref<1x40xi32, #tpu.memory_space<vmem>>
    %dma_wait3A_628 = tpu.memref_squeeze %dma_wait3A_627 : memref<1x40xi32, #tpu.memory_space<vmem>> -> memref<40xi32, #tpu.memory_space<vmem>>
    %dma_wait3A_629 = arith.constant 0 : i32
    %dma_wait3A_630 = arith.constant 0 : i32
    %dma_wait3A_631 = tpu.memref_slice %arg7[%dma_wait3A_629, %dma_wait3A_630] : memref<10000x128xf32, #tpu.memory_space<vmem_shared>> -> memref<10000x128xf32, #tpu.memory_space<vmem_shared>>
    tpu.wait_indirect_dma semaphore(%arg21 : memref<!tpu.dma_semaphore, #tpu.memory_space<semaphore_mem>>) src(%dma_wait3A_625 : memref<40x128xf32, #tpu.memory_space<vmem>>) dst(%dma_wait3A_631 : memref<10000x128xf32, #tpu.memory_space<vmem_shared>>)
    %dma_wait3A_632 = arith.constant 2 : i32
    %dma_wait3A_633 = arith.constant 2 : i32
    %dma_wait3A_634 = arith.constant 0 : i32
    %dma_wait3A_635 = arith.constant 0 : i32
    %dma_wait3A_636 = tpu.memref_slice %arg13[%dma_wait3A_632, %dma_wait3A_634, %dma_wait3A_635] : memref<5x40x128xf32, #tpu.memory_space<vmem>> -> memref<1x40x128xf32, #tpu.memory_space<vmem>>
    %dma_wait3A_637 = tpu.memref_squeeze %dma_wait3A_636 : memref<1x40x128xf32, #tpu.memory_space<vmem>> -> memref<40x128xf32, #tpu.memory_space<vmem>>
    %dma_wait3A_638 = arith.constant 0 : i32
    %dma_wait3A_639 = tpu.memref_slice %arg12[%dma_wait3A_633, %dma_wait3A_638] : memref<5x40xi32, #tpu.memory_space<vmem>> -> memref<1x40xi32, #tpu.memory_space<vmem>>
    %dma_wait3A_640 = tpu.memref_squeeze %dma_wait3A_639 : memref<1x40xi32, #tpu.memory_space<vmem>> -> memref<40xi32, #tpu.memory_space<vmem>>
    %dma_wait3A_641 = arith.constant 0 : i32
    %dma_wait3A_642 = arith.constant 0 : i32
    %dma_wait3A_643 = tpu.memref_slice %arg7[%dma_wait3A_641, %dma_wait3A_642] : memref<10000x128xf32, #tpu.memory_space<vmem_shared>> -> memref<10000x128xf32, #tpu.memory_space<vmem_shared>>
    tpu.wait_indirect_dma semaphore(%arg22 : memref<!tpu.dma_semaphore, #tpu.memory_space<semaphore_mem>>) src(%dma_wait3A_637 : memref<40x128xf32, #tpu.memory_space<vmem>>) dst(%dma_wait3A_643 : memref<10000x128xf32, #tpu.memory_space<vmem_shared>>)
    %dma_wait3A_644 = arith.constant 3 : i32
    %dma_wait3A_645 = arith.constant 3 : i32
    %dma_wait3A_646 = arith.constant 0 : i32
    %dma_wait3A_647 = arith.constant 0 : i32
    %dma_wait3A_648 = tpu.memref_slice %arg13[%dma_wait3A_644, %dma_wait3A_646, %dma_wait3A_647] : memref<5x40x128xf32, #tpu.memory_space<vmem>> -> memref<1x40x128xf32, #tpu.memory_space<vmem>>
    %dma_wait3A_649 = tpu.memref_squeeze %dma_wait3A_648 : memref<1x40x128xf32, #tpu.memory_space<vmem>> -> memref<40x128xf32, #tpu.memory_space<vmem>>
    %dma_wait3A_650 = arith.constant 0 : i32
    %dma_wait3A_651 = tpu.memref_slice %arg12[%dma_wait3A_645, %dma_wait3A_650] : memref<5x40xi32, #tpu.memory_space<vmem>> -> memref<1x40xi32, #tpu.memory_space<vmem>>
    %dma_wait3A_652 = tpu.memref_squeeze %dma_wait3A_651 : memref<1x40xi32, #tpu.memory_space<vmem>> -> memref<40xi32, #tpu.memory_space<vmem>>
    %dma_wait3A_653 = arith.constant 0 : i32
    %dma_wait3A_654 = arith.constant 0 : i32
    %dma_wait3A_655 = tpu.memref_slice %arg7[%dma_wait3A_653, %dma_wait3A_654] : memref<10000x128xf32, #tpu.memory_space<vmem_shared>> -> memref<10000x128xf32, #tpu.memory_space<vmem_shared>>
    tpu.wait_indirect_dma semaphore(%arg23 : memref<!tpu.dma_semaphore, #tpu.memory_space<semaphore_mem>>) src(%dma_wait3A_649 : memref<40x128xf32, #tpu.memory_space<vmem>>) dst(%dma_wait3A_655 : memref<10000x128xf32, #tpu.memory_space<vmem_shared>>)
    %dma_wait3A_656 = arith.constant 4 : i32
    %dma_wait3A_657 = arith.constant 4 : i32
    %dma_wait3A_658 = arith.constant 0 : i32
    %dma_wait3A_659 = arith.constant 0 : i32
    %dma_wait3A_660 = tpu.memref_slice %arg13[%dma_wait3A_656, %dma_wait3A_658, %dma_wait3A_659] : memref<5x40x128xf32, #tpu.memory_space<vmem>> -> memref<1x40x128xf32, #tpu.memory_space<vmem>>
    %dma_wait3A_661 = tpu.memref_squeeze %dma_wait3A_660 : memref<1x40x128xf32, #tpu.memory_space<vmem>> -> memref<40x128xf32, #tpu.memory_space<vmem>>
    %dma_wait3A_662 = arith.constant 0 : i32
    %dma_wait3A_663 = tpu.memref_slice %arg12[%dma_wait3A_657, %dma_wait3A_662] : memref<5x40xi32, #tpu.memory_space<vmem>> -> memref<1x40xi32, #tpu.memory_space<vmem>>
    %dma_wait3A_664 = tpu.memref_squeeze %dma_wait3A_663 : memref<1x40xi32, #tpu.memory_space<vmem>> -> memref<40xi32, #tpu.memory_space<vmem>>
    %dma_wait3A_665 = arith.constant 0 : i32
    %dma_wait3A_666 = arith.constant 0 : i32
    %dma_wait3A_667 = tpu.memref_slice %arg7[%dma_wait3A_665, %dma_wait3A_666] : memref<10000x128xf32, #tpu.memory_space<vmem_shared>> -> memref<10000x128xf32, #tpu.memory_space<vmem_shared>>
    tpu.wait_indirect_dma semaphore(%arg24 : memref<!tpu.dma_semaphore, #tpu.memory_space<semaphore_mem>>) src(%dma_wait3A_661 : memref<40x128xf32, #tpu.memory_space<vmem>>) dst(%dma_wait3A_667 : memref<10000x128xf32, #tpu.memory_space<vmem_shared>>)
    %barrier3A_668 = arith.constant 0 : index
    tpu.barrier barrier_id(%barrier3A_668)
    %while3A_669 = arith.constant 0 : i32
    %while3A_670 = arith.constant 0 : i32
    %while3A_671 = arith.subi %select_n3A, %while3A_670 : i32
    %while3A_672 = arith.addi %while3A_670, %while3A_671 : i32
    %while3A_673 = arith.constant 1 : i32
    %while3A_674 = arith.divsi %while3A_671, %while3A_673 : i32
    %while3A_675 = arith.muli %while3A_674, %while3A_673 : i32
    %while3A_676 = arith.addi %while3A_670, %while3A_675 : i32
    %while3A_677 = arith.constant 1 : i32
    scf.for %while3A_679 = %while3A_670 to %while3A_676 step %while3A_677  : i32 {
      %mul3A_680 = arith.constant 16 : i32
      %mul3A_681 = arith.muli %while3A_679, %mul3A_680 : i32
      %add3A_682 = arith.addi %arg1, %mul3A_681 : i32
      %mul3A_683 = arith.constant 40 : i32
      %mul3A_684 = arith.muli %add3A_682, %mul3A_683 : i32
      %run_scoped3A = arith.constant 0 : i32
      "tpu.region"() ({
        %run_scoped3A_686 = tpu.sem_alloc : memref<!tpu.dma_semaphore, #tpu.memory_space<semaphore_mem>>
        %dma_start3A_687 = arith.constant 0 : i32
        %dma_start3A_688 = arith.constant 0 : i32
        %dma_start3A_689 = tpu.memref_slice %arg13[%run_scoped3A, %dma_start3A_687, %dma_start3A_688] : memref<5x40x128xf32, #tpu.memory_space<vmem>> -> memref<1x40x128xf32, #tpu.memory_space<vmem>>
        %dma_start3A_690 = tpu.memref_squeeze %dma_start3A_689 : memref<1x40x128xf32, #tpu.memory_space<vmem>> -> memref<40x128xf32, #tpu.memory_space<vmem>>
        %dma_start3A_691 = arith.constant 0 : i32
        %dma_start3A_692 = tpu.memref_slice %arg7[%mul3A_684, %dma_start3A_691] : memref<10000x128xf32, #tpu.memory_space<vmem_shared>> -> memref<40x128xf32, #tpu.memory_space<vmem_shared>>
        %dma_start3A_693 = arith.constant 0 : i32
        %dma_start3A_694 = arith.constant 0 : i32
        %dma_start3A_695 = tpu.memref_slice %arg13[%run_scoped3A, %dma_start3A_693, %dma_start3A_694] : memref<5x40x128xf32, #tpu.memory_space<vmem>> -> memref<1x40x128xf32, #tpu.memory_space<vmem>>
        %dma_start3A_696 = tpu.memref_squeeze %dma_start3A_695 : memref<1x40x128xf32, #tpu.memory_space<vmem>> -> memref<40x128xf32, #tpu.memory_space<vmem>>
        %dma_start3A_697 = arith.constant 0 : i32
        %dma_start3A_698 = tpu.memref_slice %arg7[%mul3A_684, %dma_start3A_697] : memref<10000x128xf32, #tpu.memory_space<vmem_shared>> -> memref<40x128xf32, #tpu.memory_space<vmem_shared>>
        tpu.enqueue_dma source(%dma_start3A_698 : memref<40x128xf32, #tpu.memory_space<vmem_shared>>) target(%dma_start3A_696 : memref<40x128xf32, #tpu.memory_space<vmem>>) target_semaphore(%run_scoped3A_686 : memref<!tpu.dma_semaphore, #tpu.memory_space<semaphore_mem>>)
        %dma_wait3A_699 = arith.constant 0 : i32
        %dma_wait3A_700 = arith.constant 0 : i32
        %dma_wait3A_701 = tpu.memref_slice %arg13[%run_scoped3A, %dma_wait3A_699, %dma_wait3A_700] : memref<5x40x128xf32, #tpu.memory_space<vmem>> -> memref<1x40x128xf32, #tpu.memory_space<vmem>>
        %dma_wait3A_702 = tpu.memref_squeeze %dma_wait3A_701 : memref<1x40x128xf32, #tpu.memory_space<vmem>> -> memref<40x128xf32, #tpu.memory_space<vmem>>
        %dma_wait3A_703 = arith.constant 0 : i32
        %dma_wait3A_704 = tpu.memref_slice %arg7[%mul3A_684, %dma_wait3A_703] : memref<10000x128xf32, #tpu.memory_space<vmem_shared>> -> memref<40x128xf32, #tpu.memory_space<vmem_shared>>
        %dma_wait3A_705 = arith.constant 0 : i32
        %dma_wait3A_706 = arith.constant 0 : i32
        %dma_wait3A_707 = tpu.memref_slice %arg13[%run_scoped3A, %dma_wait3A_705, %dma_wait3A_706] : memref<5x40x128xf32, #tpu.memory_space<vmem>> -> memref<1x40x128xf32, #tpu.memory_space<vmem>>
        %dma_wait3A_708 = tpu.memref_squeeze %dma_wait3A_707 : memref<1x40x128xf32, #tpu.memory_space<vmem>> -> memref<40x128xf32, #tpu.memory_space<vmem>>
        %dma_wait3A_709 = arith.constant 0 : i32
        %dma_wait3A_710 = tpu.memref_slice %arg7[%mul3A_684, %dma_wait3A_709] : memref<10000x128xf32, #tpu.memory_space<vmem_shared>> -> memref<40x128xf32, #tpu.memory_space<vmem_shared>>
        tpu.wait_dma2 semaphore(%run_scoped3A_686 : memref<!tpu.dma_semaphore, #tpu.memory_space<semaphore_mem>>) src(%dma_wait3A_710 : memref<40x128xf32, #tpu.memory_space<vmem_shared>>) dst(%dma_wait3A_708 : memref<40x128xf32, #tpu.memory_space<vmem>>)
        tpu.yield
      }) : () -> ()
      %run_scoped3A_685 = arith.constant 0 : i32
      "tpu.region"() ({
        %run_scoped3A_686 = tpu.sem_alloc : memref<!tpu.dma_semaphore, #tpu.memory_space<semaphore_mem>>
        %dma_start3A_687 = arith.constant 0 : i32
        %dma_start3A_688 = arith.constant 0 : i32
        %dma_start3A_689 = tpu.memref_slice %arg13[%run_scoped3A_685, %dma_start3A_687, %dma_start3A_688] : memref<5x40x128xf32, #tpu.memory_space<vmem>> -> memref<1x40x128xf32, #tpu.memory_space<vmem>>
        %dma_start3A_690 = tpu.memref_squeeze %dma_start3A_689 : memref<1x40x128xf32, #tpu.memory_space<vmem>> -> memref<40x128xf32, #tpu.memory_space<vmem>>
        %dma_start3A_691 = arith.constant 0 : i32
        %dma_start3A_692 = arith.constant 0 : i32
        %dma_start3A_693 = tpu.memref_slice %arg6[%arg0, %dma_start3A_691, %dma_start3A_692] : memref<2x10000x128xf32, #tpu.memory_space<hbm>> -> memref<1x10000x128xf32, #tpu.memory_space<hbm>>
        %dma_start3A_694 = tpu.memref_squeeze %dma_start3A_693 : memref<1x10000x128xf32, #tpu.memory_space<hbm>> -> memref<10000x128xf32, #tpu.memory_space<hbm>>
        %dma_start3A_695 = arith.constant 0 : i32
        %dma_start3A_696 = tpu.memref_slice %dma_start3A_694[%mul3A_684, %dma_start3A_695] : memref<10000x128xf32, #tpu.memory_space<hbm>> -> memref<40x128xf32, #tpu.memory_space<hbm>>
        %dma_start3A_697 = arith.constant 0 : i32
        %dma_start3A_698 = arith.constant 0 : i32
        %dma_start3A_699 = tpu.memref_slice %arg6[%arg0, %dma_start3A_697, %dma_start3A_698] : memref<2x10000x128xf32, #tpu.memory_space<hbm>> -> memref<1x10000x128xf32, #tpu.memory_space<hbm>>
        %dma_start3A_700 = tpu.memref_squeeze %dma_start3A_699 : memref<1x10000x128xf32, #tpu.memory_space<hbm>> -> memref<10000x128xf32, #tpu.memory_space<hbm>>
        %dma_start3A_701 = arith.constant 0 : i32
        %dma_start3A_702 = tpu.memref_slice %dma_start3A_700[%mul3A_684, %dma_start3A_701] : memref<10000x128xf32, #tpu.memory_space<hbm>> -> memref<40x128xf32, #tpu.memory_space<hbm>>
        %dma_start3A_703 = arith.constant 0 : i32
        %dma_start3A_704 = arith.constant 0 : i32
        %dma_start3A_705 = tpu.memref_slice %arg13[%run_scoped3A_685, %dma_start3A_703, %dma_start3A_704] : memref<5x40x128xf32, #tpu.memory_space<vmem>> -> memref<1x40x128xf32, #tpu.memory_space<vmem>>
        %dma_start3A_706 = tpu.memref_squeeze %dma_start3A_705 : memref<1x40x128xf32, #tpu.memory_space<vmem>> -> memref<40x128xf32, #tpu.memory_space<vmem>>
        tpu.enqueue_dma source(%dma_start3A_706 : memref<40x128xf32, #tpu.memory_space<vmem>>) target(%dma_start3A_702 : memref<40x128xf32, #tpu.memory_space<hbm>>) target_semaphore(%run_scoped3A_686 : memref<!tpu.dma_semaphore, #tpu.memory_space<semaphore_mem>>)
        %dma_wait3A_707 = arith.constant 0 : i32
        %dma_wait3A_708 = arith.constant 0 : i32
        %dma_wait3A_709 = tpu.memref_slice %arg13[%run_scoped3A_685, %dma_wait3A_707, %dma_wait3A_708] : memref<5x40x128xf32, #tpu.memory_space<vmem>> -> memref<1x40x128xf32, #tpu.memory_space<vmem>>
        %dma_wait3A_710 = tpu.memref_squeeze %dma_wait3A_709 : memref<1x40x128xf32, #tpu.memory_space<vmem>> -> memref<40x128xf32, #tpu.memory_space<vmem>>
        %dma_wait3A_711 = arith.constant 0 : i32
        %dma_wait3A_712 = arith.constant 0 : i32
        %dma_wait3A_713 = tpu.memref_slice %arg6[%arg0, %dma_wait3A_711, %dma_wait3A_712] : memref<2x10000x128xf32, #tpu.memory_space<hbm>> -> memref<1x10000x128xf32, #tpu.memory_space<hbm>>
        %dma_wait3A_714 = tpu.memref_squeeze %dma_wait3A_713 : memref<1x10000x128xf32, #tpu.memory_space<hbm>> -> memref<10000x128xf32, #tpu.memory_space<hbm>>
        %dma_wait3A_715 = arith.constant 0 : i32
        %dma_wait3A_716 = tpu.memref_slice %dma_wait3A_714[%mul3A_684, %dma_wait3A_715] : memref<10000x128xf32, #tpu.memory_space<hbm>> -> memref<40x128xf32, #tpu.memory_space<hbm>>
        %dma_wait3A_717 = arith.constant 0 : i32
        %dma_wait3A_718 = arith.constant 0 : i32
        %dma_wait3A_719 = tpu.memref_slice %arg6[%arg0, %dma_wait3A_717, %dma_wait3A_718] : memref<2x10000x128xf32, #tpu.memory_space<hbm>> -> memref<1x10000x128xf32, #tpu.memory_space<hbm>>
        %dma_wait3A_720 = tpu.memref_squeeze %dma_wait3A_719 : memref<1x10000x128xf32, #tpu.memory_space<hbm>> -> memref<10000x128xf32, #tpu.memory_space<hbm>>
        %dma_wait3A_721 = arith.constant 0 : i32
        %dma_wait3A_722 = tpu.memref_slice %dma_wait3A_720[%mul3A_684, %dma_wait3A_721] : memref<10000x128xf32, #tpu.memory_space<hbm>> -> memref<40x128xf32, #tpu.memory_space<hbm>>
        %dma_wait3A_723 = arith.constant 0 : i32
        %dma_wait3A_724 = arith.constant 0 : i32
        %dma_wait3A_725 = tpu.memref_slice %arg13[%run_scoped3A_685, %dma_wait3A_723, %dma_wait3A_724] : memref<5x40x128xf32, #tpu.memory_space<vmem>> -> memref<1x40x128xf32, #tpu.memory_space<vmem>>
        %dma_wait3A_726 = tpu.memref_squeeze %dma_wait3A_725 : memref<1x40x128xf32, #tpu.memory_space<vmem>> -> memref<40x128xf32, #tpu.memory_space<vmem>>
        tpu.wait_dma2 semaphore(%run_scoped3A_686 : memref<!tpu.dma_semaphore, #tpu.memory_space<semaphore_mem>>) src(%dma_wait3A_726 : memref<40x128xf32, #tpu.memory_space<vmem>>) dst(%dma_wait3A_722 : memref<40x128xf32, #tpu.memory_space<hbm>>)
        tpu.yield
      }) : () -> ()
    }
    %while3A_678 = arith.constant 1 : i32
    scf.for %while3A_679 = %while3A_676 to %while3A_672 step %while3A_678  : i32 {
      %mul3A_680 = arith.constant 16 : i32
      %mul3A_681 = arith.muli %while3A_679, %mul3A_680 : i32
      %add3A_682 = arith.addi %arg1, %mul3A_681 : i32
      %mul3A_683 = arith.constant 40 : i32
      %mul3A_684 = arith.muli %add3A_682, %mul3A_683 : i32
      %run_scoped3A = arith.constant 0 : i32
      "tpu.region"() ({
        %run_scoped3A_686 = tpu.sem_alloc : memref<!tpu.dma_semaphore, #tpu.memory_space<semaphore_mem>>
        %dma_start3A_687 = arith.constant 0 : i32
        %dma_start3A_688 = arith.constant 0 : i32
        %dma_start3A_689 = tpu.memref_slice %arg13[%run_scoped3A, %dma_start3A_687, %dma_start3A_688] : memref<5x40x128xf32, #tpu.memory_space<vmem>> -> memref<1x40x128xf32, #tpu.memory_space<vmem>>
        %dma_start3A_690 = tpu.memref_squeeze %dma_start3A_689 : memref<1x40x128xf32, #tpu.memory_space<vmem>> -> memref<40x128xf32, #tpu.memory_space<vmem>>
        %dma_start3A_691 = arith.constant 0 : i32
        %dma_start3A_692 = tpu.memref_slice %arg7[%mul3A_684, %dma_start3A_691] : memref<10000x128xf32, #tpu.memory_space<vmem_shared>> -> memref<40x128xf32, #tpu.memory_space<vmem_shared>>
        %dma_start3A_693 = arith.constant 0 : i32
        %dma_start3A_694 = arith.constant 0 : i32
        %dma_start3A_695 = tpu.memref_slice %arg13[%run_scoped3A, %dma_start3A_693, %dma_start3A_694] : memref<5x40x128xf32, #tpu.memory_space<vmem>> -> memref<1x40x128xf32, #tpu.memory_space<vmem>>
        %dma_start3A_696 = tpu.memref_squeeze %dma_start3A_695 : memref<1x40x128xf32, #tpu.memory_space<vmem>> -> memref<40x128xf32, #tpu.memory_space<vmem>>
        %dma_start3A_697 = arith.constant 0 : i32
        %dma_start3A_698 = tpu.memref_slice %arg7[%mul3A_684, %dma_start3A_697] : memref<10000x128xf32, #tpu.memory_space<vmem_shared>> -> memref<40x128xf32, #tpu.memory_space<vmem_shared>>
        tpu.enqueue_dma source(%dma_start3A_698 : memref<40x128xf32, #tpu.memory_space<vmem_shared>>) target(%dma_start3A_696 : memref<40x128xf32, #tpu.memory_space<vmem>>) target_semaphore(%run_scoped3A_686 : memref<!tpu.dma_semaphore, #tpu.memory_space<semaphore_mem>>)
        %dma_wait3A_699 = arith.constant 0 : i32
        %dma_wait3A_700 = arith.constant 0 : i32
        %dma_wait3A_701 = tpu.memref_slice %arg13[%run_scoped3A, %dma_wait3A_699, %dma_wait3A_700] : memref<5x40x128xf32, #tpu.memory_space<vmem>> -> memref<1x40x128xf32, #tpu.memory_space<vmem>>
        %dma_wait3A_702 = tpu.memref_squeeze %dma_wait3A_701 : memref<1x40x128xf32, #tpu.memory_space<vmem>> -> memref<40x128xf32, #tpu.memory_space<vmem>>
        %dma_wait3A_703 = arith.constant 0 : i32
        %dma_wait3A_704 = tpu.memref_slice %arg7[%mul3A_684, %dma_wait3A_703] : memref<10000x128xf32, #tpu.memory_space<vmem_shared>> -> memref<40x128xf32, #tpu.memory_space<vmem_shared>>
        %dma_wait3A_705 = arith.constant 0 : i32
        %dma_wait3A_706 = arith.constant 0 : i32
        %dma_wait3A_707 = tpu.memref_slice %arg13[%run_scoped3A, %dma_wait3A_705, %dma_wait3A_706] : memref<5x40x128xf32, #tpu.memory_space<vmem>> -> memref<1x40x128xf32, #tpu.memory_space<vmem>>
        %dma_wait3A_708 = tpu.memref_squeeze %dma_wait3A_707 : memref<1x40x128xf32, #tpu.memory_space<vmem>> -> memref<40x128xf32, #tpu.memory_space<vmem>>
        %dma_wait3A_709 = arith.constant 0 : i32
        %dma_wait3A_710 = tpu.memref_slice %arg7[%mul3A_684, %dma_wait3A_709] : memref<10000x128xf32, #tpu.memory_space<vmem_shared>> -> memref<40x128xf32, #tpu.memory_space<vmem_shared>>
        tpu.wait_dma2 semaphore(%run_scoped3A_686 : memref<!tpu.dma_semaphore, #tpu.memory_space<semaphore_mem>>) src(%dma_wait3A_710 : memref<40x128xf32, #tpu.memory_space<vmem_shared>>) dst(%dma_wait3A_708 : memref<40x128xf32, #tpu.memory_space<vmem>>)
        tpu.yield
      }) : () -> ()
      %run_scoped3A_685 = arith.constant 0 : i32
      "tpu.region"() ({
        %run_scoped3A_686 = tpu.sem_alloc : memref<!tpu.dma_semaphore, #tpu.memory_space<semaphore_mem>>
        %dma_start3A_687 = arith.constant 0 : i32
        %dma_start3A_688 = arith.constant 0 : i32
        %dma_start3A_689 = tpu.memref_slice %arg13[%run_scoped3A_685, %dma_start3A_687, %dma_start3A_688] : memref<5x40x128xf32, #tpu.memory_space<vmem>> -> memref<1x40x128xf32, #tpu.memory_space<vmem>>
        %dma_start3A_690 = tpu.memref_squeeze %dma_start3A_689 : memref<1x40x128xf32, #tpu.memory_space<vmem>> -> memref<40x128xf32, #tpu.memory_space<vmem>>
        %dma_start3A_691 = arith.constant 0 : i32
        %dma_start3A_692 = arith.constant 0 : i32
        %dma_start3A_693 = tpu.memref_slice %arg6[%arg0, %dma_start3A_691, %dma_start3A_692] : memref<2x10000x128xf32, #tpu.memory_space<hbm>> -> memref<1x10000x128xf32, #tpu.memory_space<hbm>>
        %dma_start3A_694 = tpu.memref_squeeze %dma_start3A_693 : memref<1x10000x128xf32, #tpu.memory_space<hbm>> -> memref<10000x128xf32, #tpu.memory_space<hbm>>
        %dma_start3A_695 = arith.constant 0 : i32
        %dma_start3A_696 = tpu.memref_slice %dma_start3A_694[%mul3A_684, %dma_start3A_695] : memref<10000x128xf32, #tpu.memory_space<hbm>> -> memref<40x128xf32, #tpu.memory_space<hbm>>
        %dma_start3A_697 = arith.constant 0 : i32
        %dma_start3A_698 = arith.constant 0 : i32
        %dma_start3A_699 = tpu.memref_slice %arg6[%arg0, %dma_start3A_697, %dma_start3A_698] : memref<2x10000x128xf32, #tpu.memory_space<hbm>> -> memref<1x10000x128xf32, #tpu.memory_space<hbm>>
        %dma_start3A_700 = tpu.memref_squeeze %dma_start3A_699 : memref<1x10000x128xf32, #tpu.memory_space<hbm>> -> memref<10000x128xf32, #tpu.memory_space<hbm>>
        %dma_start3A_701 = arith.constant 0 : i32
        %dma_start3A_702 = tpu.memref_slice %dma_start3A_700[%mul3A_684, %dma_start3A_701] : memref<10000x128xf32, #tpu.memory_space<hbm>> -> memref<40x128xf32, #tpu.memory_space<hbm>>
        %dma_start3A_703 = arith.constant 0 : i32
        %dma_start3A_704 = arith.constant 0 : i32
        %dma_start3A_705 = tpu.memref_slice %arg13[%run_scoped3A_685, %dma_start3A_703, %dma_start3A_704] : memref<5x40x128xf32, #tpu.memory_space<vmem>> -> memref<1x40x128xf32, #tpu.memory_space<vmem>>
        %dma_start3A_706 = tpu.memref_squeeze %dma_start3A_705 : memref<1x40x128xf32, #tpu.memory_space<vmem>> -> memref<40x128xf32, #tpu.memory_space<vmem>>
        tpu.enqueue_dma source(%dma_start3A_706 : memref<40x128xf32, #tpu.memory_space<vmem>>) target(%dma_start3A_702 : memref<40x128xf32, #tpu.memory_space<hbm>>) target_semaphore(%run_scoped3A_686 : memref<!tpu.dma_semaphore, #tpu.memory_space<semaphore_mem>>)
        %dma_wait3A_707 = arith.constant 0 : i32
        %dma_wait3A_708 = arith.constant 0 : i32
        %dma_wait3A_709 = tpu.memref_slice %arg13[%run_scoped3A_685, %dma_wait3A_707, %dma_wait3A_708] : memref<5x40x128xf32, #tpu.memory_space<vmem>> -> memref<1x40x128xf32, #tpu.memory_space<vmem>>
        %dma_wait3A_710 = tpu.memref_squeeze %dma_wait3A_709 : memref<1x40x128xf32, #tpu.memory_space<vmem>> -> memref<40x128xf32, #tpu.memory_space<vmem>>
        %dma_wait3A_711 = arith.constant 0 : i32
        %dma_wait3A_712 = arith.constant 0 : i32
        %dma_wait3A_713 = tpu.memref_slice %arg6[%arg0, %dma_wait3A_711, %dma_wait3A_712] : memref<2x10000x128xf32, #tpu.memory_space<hbm>> -> memref<1x10000x128xf32, #tpu.memory_space<hbm>>
        %dma_wait3A_714 = tpu.memref_squeeze %dma_wait3A_713 : memref<1x10000x128xf32, #tpu.memory_space<hbm>> -> memref<10000x128xf32, #tpu.memory_space<hbm>>
        %dma_wait3A_715 = arith.constant 0 : i32
        %dma_wait3A_716 = tpu.memref_slice %dma_wait3A_714[%mul3A_684, %dma_wait3A_715] : memref<10000x128xf32, #tpu.memory_space<hbm>> -> memref<40x128xf32, #tpu.memory_space<hbm>>
        %dma_wait3A_717 = arith.constant 0 : i32
        %dma_wait3A_718 = arith.constant 0 : i32
        %dma_wait3A_719 = tpu.memref_slice %arg6[%arg0, %dma_wait3A_717, %dma_wait3A_718] : memref<2x10000x128xf32, #tpu.memory_space<hbm>> -> memref<1x10000x128xf32, #tpu.memory_space<hbm>>
        %dma_wait3A_720 = tpu.memref_squeeze %dma_wait3A_719 : memref<1x10000x128xf32, #tpu.memory_space<hbm>> -> memref<10000x128xf32, #tpu.memory_space<hbm>>
        %dma_wait3A_721 = arith.constant 0 : i32
        %dma_wait3A_722 = tpu.memref_slice %dma_wait3A_720[%mul3A_684, %dma_wait3A_721] : memref<10000x128xf32, #tpu.memory_space<hbm>> -> memref<40x128xf32, #tpu.memory_space<hbm>>
        %dma_wait3A_723 = arith.constant 0 : i32
        %dma_wait3A_724 = arith.constant 0 : i32
        %dma_wait3A_725 = tpu.memref_slice %arg13[%run_scoped3A_685, %dma_wait3A_723, %dma_wait3A_724] : memref<5x40x128xf32, #tpu.memory_space<vmem>> -> memref<1x40x128xf32, #tpu.memory_space<vmem>>
        %dma_wait3A_726 = tpu.memref_squeeze %dma_wait3A_725 : memref<1x40x128xf32, #tpu.memory_space<vmem>> -> memref<40x128xf32, #tpu.memory_space<vmem>>
        tpu.wait_dma2 semaphore(%run_scoped3A_686 : memref<!tpu.dma_semaphore, #tpu.memory_space<semaphore_mem>>) src(%dma_wait3A_726 : memref<40x128xf32, #tpu.memory_space<vmem>>) dst(%dma_wait3A_722 : memref<40x128xf32, #tpu.memory_space<hbm>>)
        tpu.yield
      }) : () -> ()
    }
    return
  }
}

#map = affine_map<(d0, d1) -> (0, 0)>
#map1 = affine_map<(d0, d1) -> (0)>
#map2 = affine_map<(d0, d1) -> (0, 0, 0)>
module attributes {stable_mosaic.version = 14 : i64} {
  func.func @_sc_body(%arg0: i32, %arg1: i32, %arg2: memref<80000x128xf32, #tpu.memory_space<hbm>>, %arg3: memref<160000xi32, #tpu.memory_space<hbm>>, %arg4: memref<160000xi32, #tpu.memory_space<hbm>>, %arg5: memref<160000xi32, #tpu.memory_space<hbm>>, %arg6: memref<2x10000x128xf32, #tpu.memory_space<hbm>>, %arg7: memref<10000x128xf32, #tpu.memory_space<vmem_shared>>, %arg8: memref<5000xi32, #tpu.memory_space<vmem>>, %arg9: memref<5000xi32, #tpu.memory_space<vmem>>, %arg10: memref<5000xi32, #tpu.memory_space<vmem>>, %arg11: memref<5x40xi32, #tpu.memory_space<vmem>>, %arg12: memref<5x40xi32, #tpu.memory_space<vmem>>, %arg13: memref<5x40x128xf32, #tpu.memory_space<vmem>>, %arg14: memref<!tpu.dma_semaphore, #tpu.memory_space<semaphore_mem>>, %arg15: memref<!tpu.dma_semaphore, #tpu.memory_space<semaphore_mem>>, %arg16: memref<!tpu.dma_semaphore, #tpu.memory_space<semaphore_mem>>, %arg17: memref<!tpu.dma_semaphore, #tpu.memory_space<semaphore_mem>>, %arg18: memref<!tpu.dma_semaphore, #tpu.memory_space<semaphore_mem>>, %arg19: memref<!tpu.dma_semaphore, #tpu.memory_space<semaphore_mem>>, %arg20: memref<!tpu.dma_semaphore, #tpu.memory_space<semaphore_mem>>, %arg21: memref<!tpu.dma_semaphore, #tpu.memory_space<semaphore_mem>>, %arg22: memref<!tpu.dma_semaphore, #tpu.memory_space<semaphore_mem>>, %arg23: memref<!tpu.dma_semaphore, #tpu.memory_space<semaphore_mem>>, %arg24: memref<!tpu.dma_semaphore, #tpu.memory_space<semaphore_mem>>) attributes {dimension_semantics = [#tpu.dimension_semantics<core_parallel>, #tpu.dimension_semantics<subcore_parallel>], iteration_bounds = array<i64: 2, 16>, scalar_prefetch = 0 : i64, scratch_operands = 18 : i64, tpu.core_type = #tpu.core_type<sc_vector_subcore>, window_params = [{transform_indices = #map}, {transform_indices = #map1}, {transform_indices = #map1}, {transform_indices = #map1}, {transform_indices = #map2}]} {
    %mul3A = arith.constant 16 : i32
    %mul3A_0 = arith.muli %arg0, %mul3A : i32
    %add3A = arith.addi %mul3A_0, %arg1 : i32
    %mul3A_1 = arith.constant 5000 : i32
    %mul3A_2 = arith.muli %add3A, %mul3A_1 : i32
    %dma_start3A = tpu.memref_slice %arg3[%mul3A_2] : memref<160000xi32, #tpu.memory_space<hbm>> -> memref<5000xi32, #tpu.memory_space<hbm>>
    %dma_start3A_3 = tpu.memref_slice %arg3[%mul3A_2] : memref<160000xi32, #tpu.memory_space<hbm>> -> memref<5000xi32, #tpu.memory_space<hbm>>
    tpu.enqueue_dma source(%dma_start3A_3 : memref<5000xi32, #tpu.memory_space<hbm>>) target(%arg8 : memref<5000xi32, #tpu.memory_space<vmem>>) target_semaphore(%arg14 : memref<!tpu.dma_semaphore, #tpu.memory_space<semaphore_mem>>)
    %dma_start3A_4 = tpu.memref_slice %arg4[%mul3A_2] : memref<160000xi32, #tpu.memory_space<hbm>> -> memref<5000xi32, #tpu.memory_space<hbm>>
    %dma_start3A_5 = tpu.memref_slice %arg4[%mul3A_2] : memref<160000xi32, #tpu.memory_space<hbm>> -> memref<5000xi32, #tpu.memory_space<hbm>>
    tpu.enqueue_dma source(%dma_start3A_5 : memref<5000xi32, #tpu.memory_space<hbm>>) target(%arg9 : memref<5000xi32, #tpu.memory_space<vmem>>) target_semaphore(%arg14 : memref<!tpu.dma_semaphore, #tpu.memory_space<semaphore_mem>>)
    %dma_start3A_6 = tpu.memref_slice %arg5[%mul3A_2] : memref<160000xi32, #tpu.memory_space<hbm>> -> memref<5000xi32, #tpu.memory_space<hbm>>
    %dma_start3A_7 = tpu.memref_slice %arg5[%mul3A_2] : memref<160000xi32, #tpu.memory_space<hbm>> -> memref<5000xi32, #tpu.memory_space<hbm>>
    tpu.enqueue_dma source(%dma_start3A_7 : memref<5000xi32, #tpu.memory_space<hbm>>) target(%arg10 : memref<5000xi32, #tpu.memory_space<vmem>>) target_semaphore(%arg14 : memref<!tpu.dma_semaphore, #tpu.memory_space<semaphore_mem>>)
    %scan3A = arith.constant 0 : i32
    %scan3A_8 = arith.constant 0 : i32
    %scan3A_9 = arith.constant 40 : i32
    %scan3A_10 = arith.addi %scan3A_8, %scan3A_9 : i32
    %scan3A_11 = arith.constant 1 : i32
    scf.for %scan3A_679 = %scan3A_8 to %scan3A_10 step %scan3A_11  : i32 {
      %broadcast_in_dim3A = arith.constant 0.000000e+00 : f32
      %broadcast_in_dim3A_680 = vector.broadcast %broadcast_in_dim3A : f32 to vector<16xf32>
      %swap3A_681 = arith.constant 0 : i32
      %swap3A_682 = arith.index_cast %swap3A_681 : i32 to index
      %swap3A_683 = arith.index_cast %scan3A_679 : i32 to index
      %swap3A_684 = arith.constant 0 : index
      %swap3A_685 = tpu.vector_load %arg13[%swap3A_682, %swap3A_683, %swap3A_684] {strides = array<i32>} : memref<5x40x128xf32, #tpu.memory_space<vmem>>, vector<1x1x16xf32>,
      %swap3A_686 = vector.shape_cast %swap3A_685 : vector<1x1x16xf32> to vector<16xf32>
      %swap3A_687 = vector.shape_cast %broadcast_in_dim3A_680 : vector<16xf32> to vector<1x1x16xf32>
      tpu.vector_store %arg13[%swap3A_682, %swap3A_683, %swap3A_684], %swap3A_687 {strides = array<i32>} : memref<5x40x128xf32, #tpu.memory_space<vmem>>, vector<1x1x16xf32>,
      %broadcast_in_dim3A_688 = arith.constant 0.000000e+00 : f32
      %broadcast_in_dim3A_689 = vector.broadcast %broadcast_in_dim3A_688 : f32 to vector<16xf32>
      %swap3A_690 = arith.constant 0 : i32
      %swap3A_691 = arith.index_cast %swap3A_690 : i32 to index
      %swap3A_692 = arith.index_cast %scan3A_679 : i32 to index
      %swap3A_693 = arith.constant 16 : index
      %swap3A_694 = tpu.vector_load %arg13[%swap3A_691, %swap3A_692, %swap3A_693] {strides = array<i32>} : memref<5x40x128xf32, #tpu.memory_space<vmem>>, vector<1x1x16xf32>,
      %swap3A_695 = vector.shape_cast %swap3A_694 : vector<1x1x16xf32> to vector<16xf32>
      %swap3A_696 = vector.shape_cast %broadcast_in_dim3A_689 : vector<16xf32> to vector<1x1x16xf32>
      tpu.vector_store %arg13[%swap3A_691, %swap3A_692, %swap3A_693], %swap3A_696 {strides = array<i32>} : memref<5x40x128xf32, #tpu.memory_space<vmem>>, vector<1x1x16xf32>,
      %broadcast_in_dim3A_697 = arith.constant 0.000000e+00 : f32
      %broadcast_in_dim3A_698 = vector.broadcast %broadcast_in_dim3A_697 : f32 to vector<16xf32>
      %swap3A_699 = arith.constant 0 : i32
      %swap3A_700 = arith.index_cast %swap3A_699 : i32 to index
      %swap3A_701 = arith.index_cast %scan3A_679 : i32 to index
      %swap3A_702 = arith.constant 32 : index
      %swap3A_703 = tpu.vector_load %arg13[%swap3A_700, %swap3A_701, %swap3A_702] {strides = array<i32>} : memref<5x40x128xf32, #tpu.memory_space<vmem>>, vector<1x1x16xf32>,
      %swap3A_704 = vector.shape_cast %swap3A_703 : vector<1x1x16xf32> to vector<16xf32>
      %swap3A_705 = vector.shape_cast %broadcast_in_dim3A_698 : vector<16xf32> to vector<1x1x16xf32>
      tpu.vector_store %arg13[%swap3A_700, %swap3A_701, %swap3A_702], %swap3A_705 {strides = array<i32>} : memref<5x40x128xf32, #tpu.memory_space<vmem>>, vector<1x1x16xf32>,
      %broadcast_in_dim3A_706 = arith.constant 0.000000e+00 : f32
      %broadcast_in_dim3A_707 = vector.broadcast %broadcast_in_dim3A_706 : f32 to vector<16xf32>
      %swap3A_708 = arith.constant 0 : i32
      %swap3A_709 = arith.index_cast %swap3A_708 : i32 to index
      %swap3A_710 = arith.index_cast %scan3A_679 : i32 to index
      %swap3A_711 = arith.constant 48 : index
      %swap3A_712 = tpu.vector_load %arg13[%swap3A_709, %swap3A_710, %swap3A_711] {strides = array<i32>} : memref<5x40x128xf32, #tpu.memory_space<vmem>>, vector<1x1x16xf32>,
      %swap3A_713 = vector.shape_cast %swap3A_712 : vector<1x1x16xf32> to vector<16xf32>
      %swap3A_714 = vector.shape_cast %broadcast_in_dim3A_707 : vector<16xf32> to vector<1x1x16xf32>
      tpu.vector_store %arg13[%swap3A_709, %swap3A_710, %swap3A_711], %swap3A_714 {strides = array<i32>} : memref<5x40x128xf32, #tpu.memory_space<vmem>>, vector<1x1x16xf32>,
      %broadcast_in_dim3A_715 = arith.constant 0.000000e+00 : f32
      %broadcast_in_dim3A_716 = vector.broadcast %broadcast_in_dim3A_715 : f32 to vector<16xf32>
      %swap3A_717 = arith.constant 0 : i32
      %swap3A_718 = arith.index_cast %swap3A_717 : i32 to index
      %swap3A_719 = arith.index_cast %scan3A_679 : i32 to index
      %swap3A_720 = arith.constant 64 : index
      %swap3A_721 = tpu.vector_load %arg13[%swap3A_718, %swap3A_719, %swap3A_720] {strides = array<i32>} : memref<5x40x128xf32, #tpu.memory_space<vmem>>, vector<1x1x16xf32>,
      %swap3A_722 = vector.shape_cast %swap3A_721 : vector<1x1x16xf32> to vector<16xf32>
      %swap3A_723 = vector.shape_cast %broadcast_in_dim3A_716 : vector<16xf32> to vector<1x1x16xf32>
      tpu.vector_store %arg13[%swap3A_718, %swap3A_719, %swap3A_720], %swap3A_723 {strides = array<i32>} : memref<5x40x128xf32, #tpu.memory_space<vmem>>, vector<1x1x16xf32>,
      %broadcast_in_dim3A_724 = arith.constant 0.000000e+00 : f32
      %broadcast_in_dim3A_725 = vector.broadcast %broadcast_in_dim3A_724 : f32 to vector<16xf32>
      %swap3A_726 = arith.constant 0 : i32
      %swap3A_727 = arith.index_cast %swap3A_726 : i32 to index
      %swap3A_728 = arith.index_cast %scan3A_679 : i32 to index
      %swap3A_729 = arith.constant 80 : index
      %swap3A_730 = tpu.vector_load %arg13[%swap3A_727, %swap3A_728, %swap3A_729] {strides = array<i32>} : memref<5x40x128xf32, #tpu.memory_space<vmem>>, vector<1x1x16xf32>,
      %swap3A_731 = vector.shape_cast %swap3A_730 : vector<1x1x16xf32> to vector<16xf32>
      %swap3A_732 = vector.shape_cast %broadcast_in_dim3A_725 : vector<16xf32> to vector<1x1x16xf32>
      tpu.vector_store %arg13[%swap3A_727, %swap3A_728, %swap3A_729], %swap3A_732 {strides = array<i32>} : memref<5x40x128xf32, #tpu.memory_space<vmem>>, vector<1x1x16xf32>,
      %broadcast_in_dim3A_733 = arith.constant 0.000000e+00 : f32
      %broadcast_in_dim3A_734 = vector.broadcast %broadcast_in_dim3A_733 : f32 to vector<16xf32>
      %swap3A_735 = arith.constant 0 : i32
      %swap3A_736 = arith.index_cast %swap3A_735 : i32 to index
      %swap3A_737 = arith.index_cast %scan3A_679 : i32 to index
      %swap3A_738 = arith.constant 96 : index
      %swap3A_739 = tpu.vector_load %arg13[%swap3A_736, %swap3A_737, %swap3A_738] {strides = array<i32>} : memref<5x40x128xf32, #tpu.memory_space<vmem>>, vector<1x1x16xf32>,
      %swap3A_740 = vector.shape_cast %swap3A_739 : vector<1x1x16xf32> to vector<16xf32>
      %swap3A_741 = vector.shape_cast %broadcast_in_dim3A_734 : vector<16xf32> to vector<1x1x16xf32>
      tpu.vector_store %arg13[%swap3A_736, %swap3A_737, %swap3A_738], %swap3A_741 {strides = array<i32>} : memref<5x40x128xf32, #tpu.memory_space<vmem>>, vector<1x1x16xf32>,
      %broadcast_in_dim3A_742 = arith.constant 0.000000e+00 : f32
      %broadcast_in_dim3A_743 = vector.broadcast %broadcast_in_dim3A_742 : f32 to vector<16xf32>
      %swap3A_744 = arith.constant 0 : i32
      %swap3A_745 = arith.index_cast %swap3A_744 : i32 to index
      %swap3A_746 = arith.index_cast %scan3A_679 : i32 to index
      %swap3A_747 = arith.constant 112 : index
      %swap3A_748 = tpu.vector_load %arg13[%swap3A_745, %swap3A_746, %swap3A_747] {strides = array<i32>} : memref<5x40x128xf32, #tpu.memory_space<vmem>>, vector<1x1x16xf32>,
      %swap3A_749 = vector.shape_cast %swap3A_748 : vector<1x1x16xf32> to vector<16xf32>
      %swap3A_750 = vector.shape_cast %broadcast_in_dim3A_743 : vector<16xf32> to vector<1x1x16xf32>
      tpu.vector_store %arg13[%swap3A_745, %swap3A_746, %swap3A_747], %swap3A_750 {strides = array<i32>} : memref<5x40x128xf32, #tpu.memory_space<vmem>>, vector<1x1x16xf32>,
    }
    %scan3A_12 = arith.constant 40 : i32
    %sub3A = arith.constant 250 : i32
    %sub3A_13 = arith.subi %sub3A, %arg1 : i32
    %add3A_14 = arith.constant 16 : i32
    %add3A_15 = arith.addi %sub3A_13, %add3A_14 : i32
    %sub3A_16 = arith.constant 1 : i32
    %sub3A_17 = arith.subi %add3A_15, %sub3A_16 : i32
    %jit3A = arith.constant 16 : i32
    %div3A = arith.divsi %sub3A_17, %jit3A : i32
    %sign3A = arith.constant 0 : i32
    %sign3A_18 = arith.cmpi sgt, %sub3A_17, %sign3A : i32
    %sign3A_19 = arith.extui %sign3A_18 : i1 to i32
    %sign3A_20 = arith.constant 0 : i32
    %sign3A_21 = arith.cmpi slt, %sub3A_17, %sign3A_20 : i32
    %sign3A_22 = arith.extui %sign3A_21 : i1 to i32
    %sign3A_23 = arith.subi %sign3A_19, %sign3A_22 : i32
    %sign3A_24 = arith.constant 0 : i32
    %sign3A_25 = arith.cmpi sgt, %jit3A, %sign3A_24 : i32
    %sign3A_26 = arith.extui %sign3A_25 : i1 to i32
    %sign3A_27 = arith.constant 0 : i32
    %sign3A_28 = arith.cmpi slt, %jit3A, %sign3A_27 : i32
    %sign3A_29 = arith.extui %sign3A_28 : i1 to i32
    %sign3A_30 = arith.subi %sign3A_26, %sign3A_29 : i32
    %ne3A = arith.cmpi ne, %sign3A_23, %sign3A_30 : i32
    %rem3A = arith.remsi %sub3A_17, %jit3A : i32
    %ne3A_31 = arith.constant 0 : i32
    %ne3A_32 = arith.cmpi ne, %rem3A, %ne3A_31 : i32
    %and3A = arith.andi %ne3A, %ne3A_32 : i1
    %sub3A_33 = arith.constant 1 : i32
    %sub3A_34 = arith.subi %div3A, %sub3A_33 : i32
    %select_n3A = arith.select %and3A, %sub3A_34, %div3A : i32
    %while3A = arith.constant 0 : i32
    %while3A_35 = arith.constant 0 : i32
    %while3A_36 = arith.subi %select_n3A, %while3A_35 : i32
    %while3A_37 = arith.addi %while3A_35, %while3A_36 : i32
    %while3A_38 = arith.constant 1 : i32
    %while3A_39 = arith.divsi %while3A_36, %while3A_38 : i32
    %while3A_40 = arith.muli %while3A_39, %while3A_38 : i32
    %while3A_41 = arith.addi %while3A_35, %while3A_40 : i32
    %while3A_42 = arith.constant 1 : i32
    scf.for %while3A_679 = %while3A_35 to %while3A_41 step %while3A_42  : i32 {
      %mul3A_680 = arith.constant 16 : i32
      %mul3A_681 = arith.muli %while3A_679, %mul3A_680 : i32
      %add3A_682 = arith.addi %arg1, %mul3A_681 : i32
      %mul3A_683 = arith.constant 40 : i32
      %mul3A_684 = arith.muli %add3A_682, %mul3A_683 : i32
      %run_scoped3A = arith.constant 0 : i32
      "tpu.region"() ({
        %run_scoped3A_685 = tpu.sem_alloc : memref<!tpu.dma_semaphore, #tpu.memory_space<semaphore_mem>>
        %dma_start3A_686 = arith.constant 0 : i32
        %dma_start3A_687 = arith.constant 0 : i32
        %dma_start3A_688 = tpu.memref_slice %arg13[%run_scoped3A, %dma_start3A_686, %dma_start3A_687] : memref<5x40x128xf32, #tpu.memory_space<vmem>> -> memref<1x40x128xf32, #tpu.memory_space<vmem>>
        %dma_start3A_689 = tpu.memref_squeeze %dma_start3A_688 : memref<1x40x128xf32, #tpu.memory_space<vmem>> -> memref<40x128xf32, #tpu.memory_space<vmem>>
        %dma_start3A_690 = arith.constant 0 : i32
        %dma_start3A_691 = tpu.memref_slice %arg7[%mul3A_684, %dma_start3A_690] : memref<10000x128xf32, #tpu.memory_space<vmem_shared>> -> memref<40x128xf32, #tpu.memory_space<vmem_shared>>
        %dma_start3A_692 = arith.constant 0 : i32
        %dma_start3A_693 = tpu.memref_slice %arg7[%mul3A_684, %dma_start3A_692] : memref<10000x128xf32, #tpu.memory_space<vmem_shared>> -> memref<40x128xf32, #tpu.memory_space<vmem_shared>>
        %dma_start3A_694 = arith.constant 0 : i32
        %dma_start3A_695 = arith.constant 0 : i32
        %dma_start3A_696 = tpu.memref_slice %arg13[%run_scoped3A, %dma_start3A_694, %dma_start3A_695] : memref<5x40x128xf32, #tpu.memory_space<vmem>> -> memref<1x40x128xf32, #tpu.memory_space<vmem>>
        %dma_start3A_697 = tpu.memref_squeeze %dma_start3A_696 : memref<1x40x128xf32, #tpu.memory_space<vmem>> -> memref<40x128xf32, #tpu.memory_space<vmem>>
        tpu.enqueue_dma source(%dma_start3A_697 : memref<40x128xf32, #tpu.memory_space<vmem>>) target(%dma_start3A_693 : memref<40x128xf32, #tpu.memory_space<vmem_shared>>) target_semaphore(%run_scoped3A_685 : memref<!tpu.dma_semaphore, #tpu.memory_space<semaphore_mem>>)
        %dma_wait3A_698 = arith.constant 0 : i32
        %dma_wait3A_699 = arith.constant 0 : i32
        %dma_wait3A_700 = tpu.memref_slice %arg13[%run_scoped3A, %dma_wait3A_698, %dma_wait3A_699] : memref<5x40x128xf32, #tpu.memory_space<vmem>> -> memref<1x40x128xf32, #tpu.memory_space<vmem>>
        %dma_wait3A_701 = tpu.memref_squeeze %dma_wait3A_700 : memref<1x40x128xf32, #tpu.memory_space<vmem>> -> memref<40x128xf32, #tpu.memory_space<vmem>>
        %dma_wait3A_702 = arith.constant 0 : i32
        %dma_wait3A_703 = tpu.memref_slice %arg7[%mul3A_684, %dma_wait3A_702] : memref<10000x128xf32, #tpu.memory_space<vmem_shared>> -> memref<40x128xf32, #tpu.memory_space<vmem_shared>>
        %dma_wait3A_704 = arith.constant 0 : i32
        %dma_wait3A_705 = tpu.memref_slice %arg7[%mul3A_684, %dma_wait3A_704] : memref<10000x128xf32, #tpu.memory_space<vmem_shared>> -> memref<40x128xf32, #tpu.memory_space<vmem_shared>>
        %dma_wait3A_706 = arith.constant 0 : i32
        %dma_wait3A_707 = arith.constant 0 : i32
        %dma_wait3A_708 = tpu.memref_slice %arg13[%run_scoped3A, %dma_wait3A_706, %dma_wait3A_707] : memref<5x40x128xf32, #tpu.memory_space<vmem>> -> memref<1x40x128xf32, #tpu.memory_space<vmem>>
        %dma_wait3A_709 = tpu.memref_squeeze %dma_wait3A_708 : memref<1x40x128xf32, #tpu.memory_space<vmem>> -> memref<40x128xf32, #tpu.memory_space<vmem>>
        tpu.wait_dma2 semaphore(%run_scoped3A_685 : memref<!tpu.dma_semaphore, #tpu.memory_space<semaphore_mem>>) src(%dma_wait3A_709 : memref<40x128xf32, #tpu.memory_space<vmem>>) dst(%dma_wait3A_705 : memref<40x128xf32, #tpu.memory_space<vmem_shared>>)
        tpu.yield
      }) : () -> ()
    }
    %while3A_43 = arith.constant 1 : i32
    scf.for %while3A_679 = %while3A_41 to %while3A_37 step %while3A_43  : i32 {
      %mul3A_680 = arith.constant 16 : i32
      %mul3A_681 = arith.muli %while3A_679, %mul3A_680 : i32
      %add3A_682 = arith.addi %arg1, %mul3A_681 : i32
      %mul3A_683 = arith.constant 40 : i32
      %mul3A_684 = arith.muli %add3A_682, %mul3A_683 : i32
      %run_scoped3A = arith.constant 0 : i32
      "tpu.region"() ({
        %run_scoped3A_685 = tpu.sem_alloc : memref<!tpu.dma_semaphore, #tpu.memory_space<semaphore_mem>>
        %dma_start3A_686 = arith.constant 0 : i32
        %dma_start3A_687 = arith.constant 0 : i32
        %dma_start3A_688 = tpu.memref_slice %arg13[%run_scoped3A, %dma_start3A_686, %dma_start3A_687] : memref<5x40x128xf32, #tpu.memory_space<vmem>> -> memref<1x40x128xf32, #tpu.memory_space<vmem>>
        %dma_start3A_689 = tpu.memref_squeeze %dma_start3A_688 : memref<1x40x128xf32, #tpu.memory_space<vmem>> -> memref<40x128xf32, #tpu.memory_space<vmem>>
        %dma_start3A_690 = arith.constant 0 : i32
        %dma_start3A_691 = tpu.memref_slice %arg7[%mul3A_684, %dma_start3A_690] : memref<10000x128xf32, #tpu.memory_space<vmem_shared>> -> memref<40x128xf32, #tpu.memory_space<vmem_shared>>
        %dma_start3A_692 = arith.constant 0 : i32
        %dma_start3A_693 = tpu.memref_slice %arg7[%mul3A_684, %dma_start3A_692] : memref<10000x128xf32, #tpu.memory_space<vmem_shared>> -> memref<40x128xf32, #tpu.memory_space<vmem_shared>>
        %dma_start3A_694 = arith.constant 0 : i32
        %dma_start3A_695 = arith.constant 0 : i32
        %dma_start3A_696 = tpu.memref_slice %arg13[%run_scoped3A, %dma_start3A_694, %dma_start3A_695] : memref<5x40x128xf32, #tpu.memory_space<vmem>> -> memref<1x40x128xf32, #tpu.memory_space<vmem>>
        %dma_start3A_697 = tpu.memref_squeeze %dma_start3A_696 : memref<1x40x128xf32, #tpu.memory_space<vmem>> -> memref<40x128xf32, #tpu.memory_space<vmem>>
        tpu.enqueue_dma source(%dma_start3A_697 : memref<40x128xf32, #tpu.memory_space<vmem>>) target(%dma_start3A_693 : memref<40x128xf32, #tpu.memory_space<vmem_shared>>) target_semaphore(%run_scoped3A_685 : memref<!tpu.dma_semaphore, #tpu.memory_space<semaphore_mem>>)
        %dma_wait3A_698 = arith.constant 0 : i32
        %dma_wait3A_699 = arith.constant 0 : i32
        %dma_wait3A_700 = tpu.memref_slice %arg13[%run_scoped3A, %dma_wait3A_698, %dma_wait3A_699] : memref<5x40x128xf32, #tpu.memory_space<vmem>> -> memref<1x40x128xf32, #tpu.memory_space<vmem>>
        %dma_wait3A_701 = tpu.memref_squeeze %dma_wait3A_700 : memref<1x40x128xf32, #tpu.memory_space<vmem>> -> memref<40x128xf32, #tpu.memory_space<vmem>>
        %dma_wait3A_702 = arith.constant 0 : i32
        %dma_wait3A_703 = tpu.memref_slice %arg7[%mul3A_684, %dma_wait3A_702] : memref<10000x128xf32, #tpu.memory_space<vmem_shared>> -> memref<40x128xf32, #tpu.memory_space<vmem_shared>>
        %dma_wait3A_704 = arith.constant 0 : i32
        %dma_wait3A_705 = tpu.memref_slice %arg7[%mul3A_684, %dma_wait3A_704] : memref<10000x128xf32, #tpu.memory_space<vmem_shared>> -> memref<40x128xf32, #tpu.memory_space<vmem_shared>>
        %dma_wait3A_706 = arith.constant 0 : i32
        %dma_wait3A_707 = arith.constant 0 : i32
        %dma_wait3A_708 = tpu.memref_slice %arg13[%run_scoped3A, %dma_wait3A_706, %dma_wait3A_707] : memref<5x40x128xf32, #tpu.memory_space<vmem>> -> memref<1x40x128xf32, #tpu.memory_space<vmem>>
        %dma_wait3A_709 = tpu.memref_squeeze %dma_wait3A_708 : memref<1x40x128xf32, #tpu.memory_space<vmem>> -> memref<40x128xf32, #tpu.memory_space<vmem>>
        tpu.wait_dma2 semaphore(%run_scoped3A_685 : memref<!tpu.dma_semaphore, #tpu.memory_space<semaphore_mem>>) src(%dma_wait3A_709 : memref<40x128xf32, #tpu.memory_space<vmem>>) dst(%dma_wait3A_705 : memref<40x128xf32, #tpu.memory_space<vmem_shared>>)
        tpu.yield
      }) : () -> ()
    }
    %dma_wait3A = tpu.memref_slice %arg3[%mul3A_2] : memref<160000xi32, #tpu.memory_space<hbm>> -> memref<5000xi32, #tpu.memory_space<hbm>>
    %dma_wait3A_44 = tpu.memref_slice %arg3[%mul3A_2] : memref<160000xi32, #tpu.memory_space<hbm>> -> memref<5000xi32, #tpu.memory_space<hbm>>
    tpu.wait_dma2 semaphore(%arg14 : memref<!tpu.dma_semaphore, #tpu.memory_space<semaphore_mem>>) src(%dma_wait3A_44 : memref<5000xi32, #tpu.memory_space<hbm>>) dst(%arg8 : memref<5000xi32, #tpu.memory_space<vmem>>)
    %dma_wait3A_45 = tpu.memref_slice %arg4[%mul3A_2] : memref<160000xi32, #tpu.memory_space<hbm>> -> memref<5000xi32, #tpu.memory_space<hbm>>
    %dma_wait3A_46 = tpu.memref_slice %arg4[%mul3A_2] : memref<160000xi32, #tpu.memory_space<hbm>> -> memref<5000xi32, #tpu.memory_space<hbm>>
    tpu.wait_dma2 semaphore(%arg14 : memref<!tpu.dma_semaphore, #tpu.memory_space<semaphore_mem>>) src(%dma_wait3A_46 : memref<5000xi32, #tpu.memory_space<hbm>>) dst(%arg9 : memref<5000xi32, #tpu.memory_space<vmem>>)
    %dma_wait3A_47 = tpu.memref_slice %arg5[%mul3A_2] : memref<160000xi32, #tpu.memory_space<hbm>> -> memref<5000xi32, #tpu.memory_space<hbm>>
    %dma_wait3A_48 = tpu.memref_slice %arg5[%mul3A_2] : memref<160000xi32, #tpu.memory_space<hbm>> -> memref<5000xi32, #tpu.memory_space<hbm>>
    tpu.wait_dma2 semaphore(%arg14 : memref<!tpu.dma_semaphore, #tpu.memory_space<semaphore_mem>>) src(%dma_wait3A_48 : memref<5000xi32, #tpu.memory_space<hbm>>) dst(%arg10 : memref<5000xi32, #tpu.memory_space<vmem>>)
    %barrier3A = arith.constant 0 : index
    tpu.barrier barrier_id(%barrier3A)
    %get3A = arith.constant 0 : index
    %get3A_49 = tpu.vector_load %arg9[%get3A] {strides = array<i32>} : memref<5000xi32, #tpu.memory_space<vmem>>, vector<16xi32>,
    %get3A_50 = vector.shape_cast %get3A_49 : vector<16xi32> to vector<16xi32>
    %mul3A_51 = arith.constant 10000 : i32
    %mul3A_52 = vector.broadcast %mul3A_51 : i32 to vector<16xi32>
    %mul3A_53 = arith.muli %get3A_50, %mul3A_52 : vector<16xi32>
    %get3A_54 = arith.constant 0 : index
    %get3A_55 = tpu.vector_load %arg8[%get3A_54] {strides = array<i32>} : memref<5000xi32, #tpu.memory_space<vmem>>, vector<16xi32>,
    %get3A_56 = vector.shape_cast %get3A_55 : vector<16xi32> to vector<16xi32>
    %add3A_57 = arith.addi %mul3A_53, %get3A_56 : vector<16xi32>
    %swap3A = arith.constant 0 : i32
    %swap3A_58 = arith.index_cast %swap3A : i32 to index
    %swap3A_59 = arith.constant 0 : index
    %swap3A_60 = tpu.vector_load %arg11[%swap3A_58, %swap3A_59] {strides = array<i32>} : memref<5x40xi32, #tpu.memory_space<vmem>>, vector<1x16xi32>,
    %swap3A_61 = vector.shape_cast %swap3A_60 : vector<1x16xi32> to vector<16xi32>
    %swap3A_62 = vector.shape_cast %add3A_57 : vector<16xi32> to vector<1x16xi32>
    tpu.vector_store %arg11[%swap3A_58, %swap3A_59], %swap3A_62 {strides = array<i32>} : memref<5x40xi32, #tpu.memory_space<vmem>>, vector<1x16xi32>,
    %get3A_63 = arith.constant 0 : index
    %get3A_64 = tpu.vector_load %arg10[%get3A_63] {strides = array<i32>} : memref<5000xi32, #tpu.memory_space<vmem>>, vector<16xi32>,
    %get3A_65 = vector.shape_cast %get3A_64 : vector<16xi32> to vector<16xi32>
    %swap3A_66 = arith.constant 0 : i32
    %swap3A_67 = arith.index_cast %swap3A_66 : i32 to index
    %swap3A_68 = arith.constant 0 : index
    %swap3A_69 = tpu.vector_load %arg12[%swap3A_67, %swap3A_68] {strides = array<i32>} : memref<5x40xi32, #tpu.memory_space<vmem>>, vector<1x16xi32>,
    %swap3A_70 = vector.shape_cast %swap3A_69 : vector<1x16xi32> to vector<16xi32>
    %swap3A_71 = vector.shape_cast %get3A_65 : vector<16xi32> to vector<1x16xi32>
    tpu.vector_store %arg12[%swap3A_67, %swap3A_68], %swap3A_71 {strides = array<i32>} : memref<5x40xi32, #tpu.memory_space<vmem>>, vector<1x16xi32>,
    %get3A_72 = arith.constant 16 : index
    %get3A_73 = tpu.vector_load %arg9[%get3A_72] {strides = array<i32>} : memref<5000xi32, #tpu.memory_space<vmem>>, vector<16xi32>,
    %get3A_74 = vector.shape_cast %get3A_73 : vector<16xi32> to vector<16xi32>
    %mul3A_75 = arith.constant 10000 : i32
    %mul3A_76 = vector.broadcast %mul3A_75 : i32 to vector<16xi32>
    %mul3A_77 = arith.muli %get3A_74, %mul3A_76 : vector<16xi32>
    %get3A_78 = arith.constant 16 : index
    %get3A_79 = tpu.vector_load %arg8[%get3A_78] {strides = array<i32>} : memref<5000xi32, #tpu.memory_space<vmem>>, vector<16xi32>,
    %get3A_80 = vector.shape_cast %get3A_79 : vector<16xi32> to vector<16xi32>
    %add3A_81 = arith.addi %mul3A_77, %get3A_80 : vector<16xi32>
    %swap3A_82 = arith.constant 0 : i32
    %swap3A_83 = arith.index_cast %swap3A_82 : i32 to index
    %swap3A_84 = arith.constant 16 : index
    %swap3A_85 = tpu.vector_load %arg11[%swap3A_83, %swap3A_84] {strides = array<i32>} : memref<5x40xi32, #tpu.memory_space<vmem>>, vector<1x16xi32>,
    %swap3A_86 = vector.shape_cast %swap3A_85 : vector<1x16xi32> to vector<16xi32>
    %swap3A_87 = vector.shape_cast %add3A_81 : vector<16xi32> to vector<1x16xi32>
    tpu.vector_store %arg11[%swap3A_83, %swap3A_84], %swap3A_87 {strides = array<i32>} : memref<5x40xi32, #tpu.memory_space<vmem>>, vector<1x16xi32>,
    %get3A_88 = arith.constant 16 : index
    %get3A_89 = tpu.vector_load %arg10[%get3A_88] {strides = array<i32>} : memref<5000xi32, #tpu.memory_space<vmem>>, vector<16xi32>,
    %get3A_90 = vector.shape_cast %get3A_89 : vector<16xi32> to vector<16xi32>
    %swap3A_91 = arith.constant 0 : i32
    %swap3A_92 = arith.index_cast %swap3A_91 : i32 to index
    %swap3A_93 = arith.constant 16 : index
    %swap3A_94 = tpu.vector_load %arg12[%swap3A_92, %swap3A_93] {strides = array<i32>} : memref<5x40xi32, #tpu.memory_space<vmem>>, vector<1x16xi32>,
    %swap3A_95 = vector.shape_cast %swap3A_94 : vector<1x16xi32> to vector<16xi32>
    %swap3A_96 = vector.shape_cast %get3A_90 : vector<16xi32> to vector<1x16xi32>
    tpu.vector_store %arg12[%swap3A_92, %swap3A_93], %swap3A_96 {strides = array<i32>} : memref<5x40xi32, #tpu.memory_space<vmem>>, vector<1x16xi32>,
    %get3A_97 = arith.constant 24 : index
    %get3A_98 = tpu.vector_load %arg9[%get3A_97] {strides = array<i32>} : memref<5000xi32, #tpu.memory_space<vmem>>, vector<16xi32>,
    %get3A_99 = vector.shape_cast %get3A_98 : vector<16xi32> to vector<16xi32>
    %mul3A_100 = arith.constant 10000 : i32
    %mul3A_101 = vector.broadcast %mul3A_100 : i32 to vector<16xi32>
    %mul3A_102 = arith.muli %get3A_99, %mul3A_101 : vector<16xi32>
    %get3A_103 = arith.constant 24 : index
    %get3A_104 = tpu.vector_load %arg8[%get3A_103] {strides = array<i32>} : memref<5000xi32, #tpu.memory_space<vmem>>, vector<16xi32>,
    %get3A_105 = vector.shape_cast %get3A_104 : vector<16xi32> to vector<16xi32>
    %add3A_106 = arith.addi %mul3A_102, %get3A_105 : vector<16xi32>
    %swap3A_107 = arith.constant 0 : i32
    %swap3A_108 = arith.index_cast %swap3A_107 : i32 to index
    %swap3A_109 = arith.constant 24 : index
    %swap3A_110 = tpu.vector_load %arg11[%swap3A_108, %swap3A_109] {strides = array<i32>} : memref<5x40xi32, #tpu.memory_space<vmem>>, vector<1x16xi32>,
    %swap3A_111 = vector.shape_cast %swap3A_110 : vector<1x16xi32> to vector<16xi32>
    %swap3A_112 = vector.shape_cast %add3A_106 : vector<16xi32> to vector<1x16xi32>
    tpu.vector_store %arg11[%swap3A_108, %swap3A_109], %swap3A_112 {strides = array<i32>} : memref<5x40xi32, #tpu.memory_space<vmem>>, vector<1x16xi32>,
    %get3A_113 = arith.constant 24 : index
    %get3A_114 = tpu.vector_load %arg10[%get3A_113] {strides = array<i32>} : memref<5000xi32, #tpu.memory_space<vmem>>, vector<16xi32>,
    %get3A_115 = vector.shape_cast %get3A_114 : vector<16xi32> to vector<16xi32>
    %swap3A_116 = arith.constant 0 : i32
    %swap3A_117 = arith.index_cast %swap3A_116 : i32 to index
    %swap3A_118 = arith.constant 24 : index
    %swap3A_119 = tpu.vector_load %arg12[%swap3A_117, %swap3A_118] {strides = array<i32>} : memref<5x40xi32, #tpu.memory_space<vmem>>, vector<1x16xi32>,
    %swap3A_120 = vector.shape_cast %swap3A_119 : vector<1x16xi32> to vector<16xi32>
    %swap3A_121 = vector.shape_cast %get3A_115 : vector<16xi32> to vector<1x16xi32>
    tpu.vector_store %arg12[%swap3A_117, %swap3A_118], %swap3A_121 {strides = array<i32>} : memref<5x40xi32, #tpu.memory_space<vmem>>, vector<1x16xi32>,
    %dma_start3A_122 = arith.constant 0 : i32
    %dma_start3A_123 = arith.constant 0 : i32
    %dma_start3A_124 = arith.constant 0 : i32
    %dma_start3A_125 = arith.constant 0 : i32
    %dma_start3A_126 = tpu.memref_slice %arg13[%dma_start3A_123, %dma_start3A_124, %dma_start3A_125] : memref<5x40x128xf32, #tpu.memory_space<vmem>> -> memref<1x40x128xf32, #tpu.memory_space<vmem>>
    %dma_start3A_127 = tpu.memref_squeeze %dma_start3A_126 : memref<1x40x128xf32, #tpu.memory_space<vmem>> -> memref<40x128xf32, #tpu.memory_space<vmem>>
    %dma_start3A_128 = arith.constant 0 : i32
    %dma_start3A_129 = tpu.memref_slice %arg11[%dma_start3A_122, %dma_start3A_128] : memref<5x40xi32, #tpu.memory_space<vmem>> -> memref<1x40xi32, #tpu.memory_space<vmem>>
    %dma_start3A_130 = tpu.memref_squeeze %dma_start3A_129 : memref<1x40xi32, #tpu.memory_space<vmem>> -> memref<40xi32, #tpu.memory_space<vmem>>
    %dma_start3A_131 = arith.constant 0 : i32
    %dma_start3A_132 = arith.constant 0 : i32
    %dma_start3A_133 = tpu.memref_slice %arg2[%dma_start3A_131, %dma_start3A_132] : memref<80000x128xf32, #tpu.memory_space<hbm>> -> memref<80000x128xf32, #tpu.memory_space<hbm>>
    tpu.enqueue_indirect_dma source(%dma_start3A_133 : memref<80000x128xf32, #tpu.memory_space<hbm>>) target(%dma_start3A_127 : memref<40x128xf32, #tpu.memory_space<vmem>>) offsets(%dma_start3A_130 : memref<40xi32, #tpu.memory_space<vmem>>) semaphore(%arg15 : memref<!tpu.dma_semaphore, #tpu.memory_space<semaphore_mem>>)
    %get3A_134 = arith.constant 40 : index
    %get3A_135 = tpu.vector_load %arg9[%get3A_134] {strides = array<i32>} : memref<5000xi32, #tpu.memory_space<vmem>>, vector<16xi32>,
    %get3A_136 = vector.shape_cast %get3A_135 : vector<16xi32> to vector<16xi32>
    %mul3A_137 = arith.constant 10000 : i32
    %mul3A_138 = vector.broadcast %mul3A_137 : i32 to vector<16xi32>
    %mul3A_139 = arith.muli %get3A_136, %mul3A_138 : vector<16xi32>
    %get3A_140 = arith.constant 40 : index
    %get3A_141 = tpu.vector_load %arg8[%get3A_140] {strides = array<i32>} : memref<5000xi32, #tpu.memory_space<vmem>>, vector<16xi32>,
    %get3A_142 = vector.shape_cast %get3A_141 : vector<16xi32> to vector<16xi32>
    %add3A_143 = arith.addi %mul3A_139, %get3A_142 : vector<16xi32>
    %swap3A_144 = arith.constant 1 : i32
    %swap3A_145 = arith.index_cast %swap3A_144 : i32 to index
    %swap3A_146 = arith.constant 0 : index
    %swap3A_147 = tpu.vector_load %arg11[%swap3A_145, %swap3A_146] {strides = array<i32>} : memref<5x40xi32, #tpu.memory_space<vmem>>, vector<1x16xi32>,
    %swap3A_148 = vector.shape_cast %swap3A_147 : vector<1x16xi32> to vector<16xi32>
    %swap3A_149 = vector.shape_cast %add3A_143 : vector<16xi32> to vector<1x16xi32>
    tpu.vector_store %arg11[%swap3A_145, %swap3A_146], %swap3A_149 {strides = array<i32>} : memref<5x40xi32, #tpu.memory_space<vmem>>, vector<1x16xi32>,
    %get3A_150 = arith.constant 40 : index
    %get3A_151 = tpu.vector_load %arg10[%get3A_150] {strides = array<i32>} : memref<5000xi32, #tpu.memory_space<vmem>>, vector<16xi32>,
    %get3A_152 = vector.shape_cast %get3A_151 : vector<16xi32> to vector<16xi32>
    %swap3A_153 = arith.constant 1 : i32
    %swap3A_154 = arith.index_cast %swap3A_153 : i32 to index
    %swap3A_155 = arith.constant 0 : index
    %swap3A_156 = tpu.vector_load %arg12[%swap3A_154, %swap3A_155] {strides = array<i32>} : memref<5x40xi32, #tpu.memory_space<vmem>>, vector<1x16xi32>,
    %swap3A_157 = vector.shape_cast %swap3A_156 : vector<1x16xi32> to vector<16xi32>
    %swap3A_158 = vector.shape_cast %get3A_152 : vector<16xi32> to vector<1x16xi32>
    tpu.vector_store %arg12[%swap3A_154, %swap3A_155], %swap3A_158 {strides = array<i32>} : memref<5x40xi32, #tpu.memory_space<vmem>>, vector<1x16xi32>,
    %get3A_159 = arith.constant 56 : index
    %get3A_160 = tpu.vector_load %arg9[%get3A_159] {strides = array<i32>} : memref<5000xi32, #tpu.memory_space<vmem>>, vector<16xi32>,
    %get3A_161 = vector.shape_cast %get3A_160 : vector<16xi32> to vector<16xi32>
    %mul3A_162 = arith.constant 10000 : i32
    %mul3A_163 = vector.broadcast %mul3A_162 : i32 to vector<16xi32>
    %mul3A_164 = arith.muli %get3A_161, %mul3A_163 : vector<16xi32>
    %get3A_165 = arith.constant 56 : index
    %get3A_166 = tpu.vector_load %arg8[%get3A_165] {strides = array<i32>} : memref<5000xi32, #tpu.memory_space<vmem>>, vector<16xi32>,
    %get3A_167 = vector.shape_cast %get3A_166 : vector<16xi32> to vector<16xi32>
    %add3A_168 = arith.addi %mul3A_164, %get3A_167 : vector<16xi32>
    %swap3A_169 = arith.constant 1 : i32
    %swap3A_170 = arith.index_cast %swap3A_169 : i32 to index
    %swap3A_171 = arith.constant 16 : index
    %swap3A_172 = tpu.vector_load %arg11[%swap3A_170, %swap3A_171] {strides = array<i32>} : memref<5x40xi32, #tpu.memory_space<vmem>>, vector<1x16xi32>,
    %swap3A_173 = vector.shape_cast %swap3A_172 : vector<1x16xi32> to vector<16xi32>
    %swap3A_174 = vector.shape_cast %add3A_168 : vector<16xi32> to vector<1x16xi32>
    tpu.vector_store %arg11[%swap3A_170, %swap3A_171], %swap3A_174 {strides = array<i32>} : memref<5x40xi32, #tpu.memory_space<vmem>>, vector<1x16xi32>,
    %get3A_175 = arith.constant 56 : index
    %get3A_176 = tpu.vector_load %arg10[%get3A_175] {strides = array<i32>} : memref<5000xi32, #tpu.memory_space<vmem>>, vector<16xi32>,
    %get3A_177 = vector.shape_cast %get3A_176 : vector<16xi32> to vector<16xi32>
    %swap3A_178 = arith.constant 1 : i32
    %swap3A_179 = arith.index_cast %swap3A_178 : i32 to index
    %swap3A_180 = arith.constant 16 : index
    %swap3A_181 = tpu.vector_load %arg12[%swap3A_179, %swap3A_180] {strides = array<i32>} : memref<5x40xi32, #tpu.memory_space<vmem>>, vector<1x16xi32>,
    %swap3A_182 = vector.shape_cast %swap3A_181 : vector<1x16xi32> to vector<16xi32>
    %swap3A_183 = vector.shape_cast %get3A_177 : vector<16xi32> to vector<1x16xi32>
    tpu.vector_store %arg12[%swap3A_179, %swap3A_180], %swap3A_183 {strides = array<i32>} : memref<5x40xi32, #tpu.memory_space<vmem>>, vector<1x16xi32>,
    %get3A_184 = arith.constant 64 : index
    %get3A_185 = tpu.vector_load %arg9[%get3A_184] {strides = array<i32>} : memref<5000xi32, #tpu.memory_space<vmem>>, vector<16xi32>,
    %get3A_186 = vector.shape_cast %get3A_185 : vector<16xi32> to vector<16xi32>
    %mul3A_187 = arith.constant 10000 : i32
    %mul3A_188 = vector.broadcast %mul3A_187 : i32 to vector<16xi32>
    %mul3A_189 = arith.muli %get3A_186, %mul3A_188 : vector<16xi32>
    %get3A_190 = arith.constant 64 : index
    %get3A_191 = tpu.vector_load %arg8[%get3A_190] {strides = array<i32>} : memref<5000xi32, #tpu.memory_space<vmem>>, vector<16xi32>,
    %get3A_192 = vector.shape_cast %get3A_191 : vector<16xi32> to vector<16xi32>
    %add3A_193 = arith.addi %mul3A_189, %get3A_192 : vector<16xi32>
    %swap3A_194 = arith.constant 1 : i32
    %swap3A_195 = arith.index_cast %swap3A_194 : i32 to index
    %swap3A_196 = arith.constant 24 : index
    %swap3A_197 = tpu.vector_load %arg11[%swap3A_195, %swap3A_196] {strides = array<i32>} : memref<5x40xi32, #tpu.memory_space<vmem>>, vector<1x16xi32>,
    %swap3A_198 = vector.shape_cast %swap3A_197 : vector<1x16xi32> to vector<16xi32>
    %swap3A_199 = vector.shape_cast %add3A_193 : vector<16xi32> to vector<1x16xi32>
    tpu.vector_store %arg11[%swap3A_195, %swap3A_196], %swap3A_199 {strides = array<i32>} : memref<5x40xi32, #tpu.memory_space<vmem>>, vector<1x16xi32>,
    %get3A_200 = arith.constant 64 : index
    %get3A_201 = tpu.vector_load %arg10[%get3A_200] {strides = array<i32>} : memref<5000xi32, #tpu.memory_space<vmem>>, vector<16xi32>,
    %get3A_202 = vector.shape_cast %get3A_201 : vector<16xi32> to vector<16xi32>
    %swap3A_203 = arith.constant 1 : i32
    %swap3A_204 = arith.index_cast %swap3A_203 : i32 to index
    %swap3A_205 = arith.constant 24 : index
    %swap3A_206 = tpu.vector_load %arg12[%swap3A_204, %swap3A_205] {strides = array<i32>} : memref<5x40xi32, #tpu.memory_space<vmem>>, vector<1x16xi32>,
    %swap3A_207 = vector.shape_cast %swap3A_206 : vector<1x16xi32> to vector<16xi32>
    %swap3A_208 = vector.shape_cast %get3A_202 : vector<16xi32> to vector<1x16xi32>
    tpu.vector_store %arg12[%swap3A_204, %swap3A_205], %swap3A_208 {strides = array<i32>} : memref<5x40xi32, #tpu.memory_space<vmem>>, vector<1x16xi32>,
    %dma_start3A_209 = arith.constant 1 : i32
    %dma_start3A_210 = arith.constant 1 : i32
    %dma_start3A_211 = arith.constant 0 : i32
    %dma_start3A_212 = arith.constant 0 : i32
    %dma_start3A_213 = tpu.memref_slice %arg13[%dma_start3A_210, %dma_start3A_211, %dma_start3A_212] : memref<5x40x128xf32, #tpu.memory_space<vmem>> -> memref<1x40x128xf32, #tpu.memory_space<vmem>>
    %dma_start3A_214 = tpu.memref_squeeze %dma_start3A_213 : memref<1x40x128xf32, #tpu.memory_space<vmem>> -> memref<40x128xf32, #tpu.memory_space<vmem>>
    %dma_start3A_215 = arith.constant 0 : i32
    %dma_start3A_216 = tpu.memref_slice %arg11[%dma_start3A_209, %dma_start3A_215] : memref<5x40xi32, #tpu.memory_space<vmem>> -> memref<1x40xi32, #tpu.memory_space<vmem>>
    %dma_start3A_217 = tpu.memref_squeeze %dma_start3A_216 : memref<1x40xi32, #tpu.memory_space<vmem>> -> memref<40xi32, #tpu.memory_space<vmem>>
    %dma_start3A_218 = arith.constant 0 : i32
    %dma_start3A_219 = arith.constant 0 : i32
    %dma_start3A_220 = tpu.memref_slice %arg2[%dma_start3A_218, %dma_start3A_219] : memref<80000x128xf32, #tpu.memory_space<hbm>> -> memref<80000x128xf32, #tpu.memory_space<hbm>>
    tpu.enqueue_indirect_dma source(%dma_start3A_220 : memref<80000x128xf32, #tpu.memory_space<hbm>>) target(%dma_start3A_214 : memref<40x128xf32, #tpu.memory_space<vmem>>) offsets(%dma_start3A_217 : memref<40xi32, #tpu.memory_space<vmem>>) semaphore(%arg16 : memref<!tpu.dma_semaphore, #tpu.memory_space<semaphore_mem>>)
    %get3A_221 = arith.constant 80 : index
    %get3A_222 = tpu.vector_load %arg9[%get3A_221] {strides = array<i32>} : memref<5000xi32, #tpu.memory_space<vmem>>, vector<16xi32>,
    %get3A_223 = vector.shape_cast %get3A_222 : vector<16xi32> to vector<16xi32>
    %mul3A_224 = arith.constant 10000 : i32
    %mul3A_225 = vector.broadcast %mul3A_224 : i32 to vector<16xi32>
    %mul3A_226 = arith.muli %get3A_223, %mul3A_225 : vector<16xi32>
    %get3A_227 = arith.constant 80 : index
    %get3A_228 = tpu.vector_load %arg8[%get3A_227] {strides = array<i32>} : memref<5000xi32, #tpu.memory_space<vmem>>, vector<16xi32>,
    %get3A_229 = vector.shape_cast %get3A_228 : vector<16xi32> to vector<16xi32>
    %add3A_230 = arith.addi %mul3A_226, %get3A_229 : vector<16xi32>
    %swap3A_231 = arith.constant 2 : i32
    %swap3A_232 = arith.index_cast %swap3A_231 : i32 to index
    %swap3A_233 = arith.constant 0 : index
    %swap3A_234 = tpu.vector_load %arg11[%swap3A_232, %swap3A_233] {strides = array<i32>} : memref<5x40xi32, #tpu.memory_space<vmem>>, vector<1x16xi32>,
    %swap3A_235 = vector.shape_cast %swap3A_234 : vector<1x16xi32> to vector<16xi32>
    %swap3A_236 = vector.shape_cast %add3A_230 : vector<16xi32> to vector<1x16xi32>
    tpu.vector_store %arg11[%swap3A_232, %swap3A_233], %swap3A_236 {strides = array<i32>} : memref<5x40xi32, #tpu.memory_space<vmem>>, vector<1x16xi32>,
    %get3A_237 = arith.constant 80 : index
    %get3A_238 = tpu.vector_load %arg10[%get3A_237] {strides = array<i32>} : memref<5000xi32, #tpu.memory_space<vmem>>, vector<16xi32>,
    %get3A_239 = vector.shape_cast %get3A_238 : vector<16xi32> to vector<16xi32>
    %swap3A_240 = arith.constant 2 : i32
    %swap3A_241 = arith.index_cast %swap3A_240 : i32 to index
    %swap3A_242 = arith.constant 0 : index
    %swap3A_243 = tpu.vector_load %arg12[%swap3A_241, %swap3A_242] {strides = array<i32>} : memref<5x40xi32, #tpu.memory_space<vmem>>, vector<1x16xi32>,
    %swap3A_244 = vector.shape_cast %swap3A_243 : vector<1x16xi32> to vector<16xi32>
    %swap3A_245 = vector.shape_cast %get3A_239 : vector<16xi32> to vector<1x16xi32>
    tpu.vector_store %arg12[%swap3A_241, %swap3A_242], %swap3A_245 {strides = array<i32>} : memref<5x40xi32, #tpu.memory_space<vmem>>, vector<1x16xi32>,
    %get3A_246 = arith.constant 96 : index
    %get3A_247 = tpu.vector_load %arg9[%get3A_246] {strides = array<i32>} : memref<5000xi32, #tpu.memory_space<vmem>>, vector<16xi32>,
    %get3A_248 = vector.shape_cast %get3A_247 : vector<16xi32> to vector<16xi32>
    %mul3A_249 = arith.constant 10000 : i32
    %mul3A_250 = vector.broadcast %mul3A_249 : i32 to vector<16xi32>
    %mul3A_251 = arith.muli %get3A_248, %mul3A_250 : vector<16xi32>
    %get3A_252 = arith.constant 96 : index
    %get3A_253 = tpu.vector_load %arg8[%get3A_252] {strides = array<i32>} : memref<5000xi32, #tpu.memory_space<vmem>>, vector<16xi32>,
    %get3A_254 = vector.shape_cast %get3A_253 : vector<16xi32> to vector<16xi32>
    %add3A_255 = arith.addi %mul3A_251, %get3A_254 : vector<16xi32>
    %swap3A_256 = arith.constant 2 : i32
    %swap3A_257 = arith.index_cast %swap3A_256 : i32 to index
    %swap3A_258 = arith.constant 16 : index
    %swap3A_259 = tpu.vector_load %arg11[%swap3A_257, %swap3A_258] {strides = array<i32>} : memref<5x40xi32, #tpu.memory_space<vmem>>, vector<1x16xi32>,
    %swap3A_260 = vector.shape_cast %swap3A_259 : vector<1x16xi32> to vector<16xi32>
    %swap3A_261 = vector.shape_cast %add3A_255 : vector<16xi32> to vector<1x16xi32>
    tpu.vector_store %arg11[%swap3A_257, %swap3A_258], %swap3A_261 {strides = array<i32>} : memref<5x40xi32, #tpu.memory_space<vmem>>, vector<1x16xi32>,
    %get3A_262 = arith.constant 96 : index
    %get3A_263 = tpu.vector_load %arg10[%get3A_262] {strides = array<i32>} : memref<5000xi32, #tpu.memory_space<vmem>>, vector<16xi32>,
    %get3A_264 = vector.shape_cast %get3A_263 : vector<16xi32> to vector<16xi32>
    %swap3A_265 = arith.constant 2 : i32
    %swap3A_266 = arith.index_cast %swap3A_265 : i32 to index
    %swap3A_267 = arith.constant 16 : index
    %swap3A_268 = tpu.vector_load %arg12[%swap3A_266, %swap3A_267] {strides = array<i32>} : memref<5x40xi32, #tpu.memory_space<vmem>>, vector<1x16xi32>,
    %swap3A_269 = vector.shape_cast %swap3A_268 : vector<1x16xi32> to vector<16xi32>
    %swap3A_270 = vector.shape_cast %get3A_264 : vector<16xi32> to vector<1x16xi32>
    tpu.vector_store %arg12[%swap3A_266, %swap3A_267], %swap3A_270 {strides = array<i32>} : memref<5x40xi32, #tpu.memory_space<vmem>>, vector<1x16xi32>,
    %get3A_271 = arith.constant 104 : index
    %get3A_272 = tpu.vector_load %arg9[%get3A_271] {strides = array<i32>} : memref<5000xi32, #tpu.memory_space<vmem>>, vector<16xi32>,
    %get3A_273 = vector.shape_cast %get3A_272 : vector<16xi32> to vector<16xi32>
    %mul3A_274 = arith.constant 10000 : i32
    %mul3A_275 = vector.broadcast %mul3A_274 : i32 to vector<16xi32>
    %mul3A_276 = arith.muli %get3A_273, %mul3A_275 : vector<16xi32>
    %get3A_277 = arith.constant 104 : index
    %get3A_278 = tpu.vector_load %arg8[%get3A_277] {strides = array<i32>} : memref<5000xi32, #tpu.memory_space<vmem>>, vector<16xi32>,
    %get3A_279 = vector.shape_cast %get3A_278 : vector<16xi32> to vector<16xi32>
    %add3A_280 = arith.addi %mul3A_276, %get3A_279 : vector<16xi32>
    %swap3A_281 = arith.constant 2 : i32
    %swap3A_282 = arith.index_cast %swap3A_281 : i32 to index
    %swap3A_283 = arith.constant 24 : index
    %swap3A_284 = tpu.vector_load %arg11[%swap3A_282, %swap3A_283] {strides = array<i32>} : memref<5x40xi32, #tpu.memory_space<vmem>>, vector<1x16xi32>,
    %swap3A_285 = vector.shape_cast %swap3A_284 : vector<1x16xi32> to vector<16xi32>
    %swap3A_286 = vector.shape_cast %add3A_280 : vector<16xi32> to vector<1x16xi32>
    tpu.vector_store %arg11[%swap3A_282, %swap3A_283], %swap3A_286 {strides = array<i32>} : memref<5x40xi32, #tpu.memory_space<vmem>>, vector<1x16xi32>,
    %get3A_287 = arith.constant 104 : index
    %get3A_288 = tpu.vector_load %arg10[%get3A_287] {strides = array<i32>} : memref<5000xi32, #tpu.memory_space<vmem>>, vector<16xi32>,
    %get3A_289 = vector.shape_cast %get3A_288 : vector<16xi32> to vector<16xi32>
    %swap3A_290 = arith.constant 2 : i32
    %swap3A_291 = arith.index_cast %swap3A_290 : i32 to index
    %swap3A_292 = arith.constant 24 : index
    %swap3A_293 = tpu.vector_load %arg12[%swap3A_291, %swap3A_292] {strides = array<i32>} : memref<5x40xi32, #tpu.memory_space<vmem>>, vector<1x16xi32>,
    %swap3A_294 = vector.shape_cast %swap3A_293 : vector<1x16xi32> to vector<16xi32>
    %swap3A_295 = vector.shape_cast %get3A_289 : vector<16xi32> to vector<1x16xi32>
    tpu.vector_store %arg12[%swap3A_291, %swap3A_292], %swap3A_295 {strides = array<i32>} : memref<5x40xi32, #tpu.memory_space<vmem>>, vector<1x16xi32>,
    %dma_start3A_296 = arith.constant 2 : i32
    %dma_start3A_297 = arith.constant 2 : i32
    %dma_start3A_298 = arith.constant 0 : i32
    %dma_start3A_299 = arith.constant 0 : i32
    %dma_start3A_300 = tpu.memref_slice %arg13[%dma_start3A_297, %dma_start3A_298, %dma_start3A_299] : memref<5x40x128xf32, #tpu.memory_space<vmem>> -> memref<1x40x128xf32, #tpu.memory_space<vmem>>
    %dma_start3A_301 = tpu.memref_squeeze %dma_start3A_300 : memref<1x40x128xf32, #tpu.memory_space<vmem>> -> memref<40x128xf32, #tpu.memory_space<vmem>>
    %dma_start3A_302 = arith.constant 0 : i32
    %dma_start3A_303 = tpu.memref_slice %arg11[%dma_start3A_296, %dma_start3A_302] : memref<5x40xi32, #tpu.memory_space<vmem>> -> memref<1x40xi32, #tpu.memory_space<vmem>>
    %dma_start3A_304 = tpu.memref_squeeze %dma_start3A_303 : memref<1x40xi32, #tpu.memory_space<vmem>> -> memref<40xi32, #tpu.memory_space<vmem>>
    %dma_start3A_305 = arith.constant 0 : i32
    %dma_start3A_306 = arith.constant 0 : i32
    %dma_start3A_307 = tpu.memref_slice %arg2[%dma_start3A_305, %dma_start3A_306] : memref<80000x128xf32, #tpu.memory_space<hbm>> -> memref<80000x128xf32, #tpu.memory_space<hbm>>
    tpu.enqueue_indirect_dma source(%dma_start3A_307 : memref<80000x128xf32, #tpu.memory_space<hbm>>) target(%dma_start3A_301 : memref<40x128xf32, #tpu.memory_space<vmem>>) offsets(%dma_start3A_304 : memref<40xi32, #tpu.memory_space<vmem>>) semaphore(%arg17 : memref<!tpu.dma_semaphore, #tpu.memory_space<semaphore_mem>>)
    %get3A_308 = arith.constant 120 : index
    %get3A_309 = tpu.vector_load %arg9[%get3A_308] {strides = array<i32>} : memref<5000xi32, #tpu.memory_space<vmem>>, vector<16xi32>,
    %get3A_310 = vector.shape_cast %get3A_309 : vector<16xi32> to vector<16xi32>
    %mul3A_311 = arith.constant 10000 : i32
    %mul3A_312 = vector.broadcast %mul3A_311 : i32 to vector<16xi32>
    %mul3A_313 = arith.muli %get3A_310, %mul3A_312 : vector<16xi32>
    %get3A_314 = arith.constant 120 : index
    %get3A_315 = tpu.vector_load %arg8[%get3A_314] {strides = array<i32>} : memref<5000xi32, #tpu.memory_space<vmem>>, vector<16xi32>,
    %get3A_316 = vector.shape_cast %get3A_315 : vector<16xi32> to vector<16xi32>
    %add3A_317 = arith.addi %mul3A_313, %get3A_316 : vector<16xi32>
    %swap3A_318 = arith.constant 3 : i32
    %swap3A_319 = arith.index_cast %swap3A_318 : i32 to index
    %swap3A_320 = arith.constant 0 : index
    %swap3A_321 = tpu.vector_load %arg11[%swap3A_319, %swap3A_320] {strides = array<i32>} : memref<5x40xi32, #tpu.memory_space<vmem>>, vector<1x16xi32>,
    %swap3A_322 = vector.shape_cast %swap3A_321 : vector<1x16xi32> to vector<16xi32>
    %swap3A_323 = vector.shape_cast %add3A_317 : vector<16xi32> to vector<1x16xi32>
    tpu.vector_store %arg11[%swap3A_319, %swap3A_320], %swap3A_323 {strides = array<i32>} : memref<5x40xi32, #tpu.memory_space<vmem>>, vector<1x16xi32>,
    %get3A_324 = arith.constant 120 : index
    %get3A_325 = tpu.vector_load %arg10[%get3A_324] {strides = array<i32>} : memref<5000xi32, #tpu.memory_space<vmem>>, vector<16xi32>,
    %get3A_326 = vector.shape_cast %get3A_325 : vector<16xi32> to vector<16xi32>
    %swap3A_327 = arith.constant 3 : i32
    %swap3A_328 = arith.index_cast %swap3A_327 : i32 to index
    %swap3A_329 = arith.constant 0 : index
    %swap3A_330 = tpu.vector_load %arg12[%swap3A_328, %swap3A_329] {strides = array<i32>} : memref<5x40xi32, #tpu.memory_space<vmem>>, vector<1x16xi32>,
    %swap3A_331 = vector.shape_cast %swap3A_330 : vector<1x16xi32> to vector<16xi32>
    %swap3A_332 = vector.shape_cast %get3A_326 : vector<16xi32> to vector<1x16xi32>
    tpu.vector_store %arg12[%swap3A_328, %swap3A_329], %swap3A_332 {strides = array<i32>} : memref<5x40xi32, #tpu.memory_space<vmem>>, vector<1x16xi32>,
    %get3A_333 = arith.constant 136 : index
    %get3A_334 = tpu.vector_load %arg9[%get3A_333] {strides = array<i32>} : memref<5000xi32, #tpu.memory_space<vmem>>, vector<16xi32>,
    %get3A_335 = vector.shape_cast %get3A_334 : vector<16xi32> to vector<16xi32>
    %mul3A_336 = arith.constant 10000 : i32
    %mul3A_337 = vector.broadcast %mul3A_336 : i32 to vector<16xi32>
    %mul3A_338 = arith.muli %get3A_335, %mul3A_337 : vector<16xi32>
    %get3A_339 = arith.constant 136 : index
    %get3A_340 = tpu.vector_load %arg8[%get3A_339] {strides = array<i32>} : memref<5000xi32, #tpu.memory_space<vmem>>, vector<16xi32>,
    %get3A_341 = vector.shape_cast %get3A_340 : vector<16xi32> to vector<16xi32>
    %add3A_342 = arith.addi %mul3A_338, %get3A_341 : vector<16xi32>
    %swap3A_343 = arith.constant 3 : i32
    %swap3A_344 = arith.index_cast %swap3A_343 : i32 to index
    %swap3A_345 = arith.constant 16 : index
    %swap3A_346 = tpu.vector_load %arg11[%swap3A_344, %swap3A_345] {strides = array<i32>} : memref<5x40xi32, #tpu.memory_space<vmem>>, vector<1x16xi32>,
    %swap3A_347 = vector.shape_cast %swap3A_346 : vector<1x16xi32> to vector<16xi32>
    %swap3A_348 = vector.shape_cast %add3A_342 : vector<16xi32> to vector<1x16xi32>
    tpu.vector_store %arg11[%swap3A_344, %swap3A_345], %swap3A_348 {strides = array<i32>} : memref<5x40xi32, #tpu.memory_space<vmem>>, vector<1x16xi32>,
    %get3A_349 = arith.constant 136 : index
    %get3A_350 = tpu.vector_load %arg10[%get3A_349] {strides = array<i32>} : memref<5000xi32, #tpu.memory_space<vmem>>, vector<16xi32>,
    %get3A_351 = vector.shape_cast %get3A_350 : vector<16xi32> to vector<16xi32>
    %swap3A_352 = arith.constant 3 : i32
    %swap3A_353 = arith.index_cast %swap3A_352 : i32 to index
    %swap3A_354 = arith.constant 16 : index
    %swap3A_355 = tpu.vector_load %arg12[%swap3A_353, %swap3A_354] {strides = array<i32>} : memref<5x40xi32, #tpu.memory_space<vmem>>, vector<1x16xi32>,
    %swap3A_356 = vector.shape_cast %swap3A_355 : vector<1x16xi32> to vector<16xi32>
    %swap3A_357 = vector.shape_cast %get3A_351 : vector<16xi32> to vector<1x16xi32>
    tpu.vector_store %arg12[%swap3A_353, %swap3A_354], %swap3A_357 {strides = array<i32>} : memref<5x40xi32, #tpu.memory_space<vmem>>, vector<1x16xi32>,
    %get3A_358 = arith.constant 144 : index
    %get3A_359 = tpu.vector_load %arg9[%get3A_358] {strides = array<i32>} : memref<5000xi32, #tpu.memory_space<vmem>>, vector<16xi32>,
    %get3A_360 = vector.shape_cast %get3A_359 : vector<16xi32> to vector<16xi32>
    %mul3A_361 = arith.constant 10000 : i32
    %mul3A_362 = vector.broadcast %mul3A_361 : i32 to vector<16xi32>
    %mul3A_363 = arith.muli %get3A_360, %mul3A_362 : vector<16xi32>
    %get3A_364 = arith.constant 144 : index
    %get3A_365 = tpu.vector_load %arg8[%get3A_364] {strides = array<i32>} : memref<5000xi32, #tpu.memory_space<vmem>>, vector<16xi32>,
    %get3A_366 = vector.shape_cast %get3A_365 : vector<16xi32> to vector<16xi32>
    %add3A_367 = arith.addi %mul3A_363, %get3A_366 : vector<16xi32>
    %swap3A_368 = arith.constant 3 : i32
    %swap3A_369 = arith.index_cast %swap3A_368 : i32 to index
    %swap3A_370 = arith.constant 24 : index
    %swap3A_371 = tpu.vector_load %arg11[%swap3A_369, %swap3A_370] {strides = array<i32>} : memref<5x40xi32, #tpu.memory_space<vmem>>, vector<1x16xi32>,
    %swap3A_372 = vector.shape_cast %swap3A_371 : vector<1x16xi32> to vector<16xi32>
    %swap3A_373 = vector.shape_cast %add3A_367 : vector<16xi32> to vector<1x16xi32>
    tpu.vector_store %arg11[%swap3A_369, %swap3A_370], %swap3A_373 {strides = array<i32>} : memref<5x40xi32, #tpu.memory_space<vmem>>, vector<1x16xi32>,
    %get3A_374 = arith.constant 144 : index
    %get3A_375 = tpu.vector_load %arg10[%get3A_374] {strides = array<i32>} : memref<5000xi32, #tpu.memory_space<vmem>>, vector<16xi32>,
    %get3A_376 = vector.shape_cast %get3A_375 : vector<16xi32> to vector<16xi32>
    %swap3A_377 = arith.constant 3 : i32
    %swap3A_378 = arith.index_cast %swap3A_377 : i32 to index
    %swap3A_379 = arith.constant 24 : index
    %swap3A_380 = tpu.vector_load %arg12[%swap3A_378, %swap3A_379] {strides = array<i32>} : memref<5x40xi32, #tpu.memory_space<vmem>>, vector<1x16xi32>,
    %swap3A_381 = vector.shape_cast %swap3A_380 : vector<1x16xi32> to vector<16xi32>
    %swap3A_382 = vector.shape_cast %get3A_376 : vector<16xi32> to vector<1x16xi32>
    tpu.vector_store %arg12[%swap3A_378, %swap3A_379], %swap3A_382 {strides = array<i32>} : memref<5x40xi32, #tpu.memory_space<vmem>>, vector<1x16xi32>,
    %dma_start3A_383 = arith.constant 3 : i32
    %dma_start3A_384 = arith.constant 3 : i32
    %dma_start3A_385 = arith.constant 0 : i32
    %dma_start3A_386 = arith.constant 0 : i32
    %dma_start3A_387 = tpu.memref_slice %arg13[%dma_start3A_384, %dma_start3A_385, %dma_start3A_386] : memref<5x40x128xf32, #tpu.memory_space<vmem>> -> memref<1x40x128xf32, #tpu.memory_space<vmem>>
    %dma_start3A_388 = tpu.memref_squeeze %dma_start3A_387 : memref<1x40x128xf32, #tpu.memory_space<vmem>> -> memref<40x128xf32, #tpu.memory_space<vmem>>
    %dma_start3A_389 = arith.constant 0 : i32
    %dma_start3A_390 = tpu.memref_slice %arg11[%dma_start3A_383, %dma_start3A_389] : memref<5x40xi32, #tpu.memory_space<vmem>> -> memref<1x40xi32, #tpu.memory_space<vmem>>
    %dma_start3A_391 = tpu.memref_squeeze %dma_start3A_390 : memref<1x40xi32, #tpu.memory_space<vmem>> -> memref<40xi32, #tpu.memory_space<vmem>>
    %dma_start3A_392 = arith.constant 0 : i32
    %dma_start3A_393 = arith.constant 0 : i32
    %dma_start3A_394 = tpu.memref_slice %arg2[%dma_start3A_392, %dma_start3A_393] : memref<80000x128xf32, #tpu.memory_space<hbm>> -> memref<80000x128xf32, #tpu.memory_space<hbm>>
    tpu.enqueue_indirect_dma source(%dma_start3A_394 : memref<80000x128xf32, #tpu.memory_space<hbm>>) target(%dma_start3A_388 : memref<40x128xf32, #tpu.memory_space<vmem>>) offsets(%dma_start3A_391 : memref<40xi32, #tpu.memory_space<vmem>>) semaphore(%arg18 : memref<!tpu.dma_semaphore, #tpu.memory_space<semaphore_mem>>)
    %dma_wait3A_395 = arith.constant 0 : i32
    %dma_wait3A_396 = arith.constant 0 : i32
    %dma_wait3A_397 = arith.constant 0 : i32
    %dma_wait3A_398 = arith.constant 0 : i32
    %dma_wait3A_399 = tpu.memref_slice %arg13[%dma_wait3A_396, %dma_wait3A_397, %dma_wait3A_398] : memref<5x40x128xf32, #tpu.memory_space<vmem>> -> memref<1x40x128xf32, #tpu.memory_space<vmem>>
    %dma_wait3A_400 = tpu.memref_squeeze %dma_wait3A_399 : memref<1x40x128xf32, #tpu.memory_space<vmem>> -> memref<40x128xf32, #tpu.memory_space<vmem>>
    %dma_wait3A_401 = arith.constant 0 : i32
    %dma_wait3A_402 = tpu.memref_slice %arg11[%dma_wait3A_395, %dma_wait3A_401] : memref<5x40xi32, #tpu.memory_space<vmem>> -> memref<1x40xi32, #tpu.memory_space<vmem>>
    %dma_wait3A_403 = tpu.memref_squeeze %dma_wait3A_402 : memref<1x40xi32, #tpu.memory_space<vmem>> -> memref<40xi32, #tpu.memory_space<vmem>>
    %dma_wait3A_404 = arith.constant 0 : i32
    %dma_wait3A_405 = arith.constant 0 : i32
    %dma_wait3A_406 = tpu.memref_slice %arg2[%dma_wait3A_404, %dma_wait3A_405] : memref<80000x128xf32, #tpu.memory_space<hbm>> -> memref<80000x128xf32, #tpu.memory_space<hbm>>
    tpu.wait_indirect_dma semaphore(%arg15 : memref<!tpu.dma_semaphore, #tpu.memory_space<semaphore_mem>>) src(%dma_wait3A_406 : memref<80000x128xf32, #tpu.memory_space<hbm>>) dst(%dma_wait3A_400 : memref<40x128xf32, #tpu.memory_space<vmem>>)
    %dma_start3A_407 = arith.constant 0 : i32
    %dma_start3A_408 = arith.constant 0 : i32
    %dma_start3A_409 = arith.constant 0 : i32
    %dma_start3A_410 = arith.constant 0 : i32
    %dma_start3A_411 = tpu.memref_slice %arg13[%dma_start3A_407, %dma_start3A_409, %dma_start3A_410] : memref<5x40x128xf32, #tpu.memory_space<vmem>> -> memref<1x40x128xf32, #tpu.memory_space<vmem>>
    %dma_start3A_412 = tpu.memref_squeeze %dma_start3A_411 : memref<1x40x128xf32, #tpu.memory_space<vmem>> -> memref<40x128xf32, #tpu.memory_space<vmem>>
    %dma_start3A_413 = arith.constant 0 : i32
    %dma_start3A_414 = tpu.memref_slice %arg12[%dma_start3A_408, %dma_start3A_413] : memref<5x40xi32, #tpu.memory_space<vmem>> -> memref<1x40xi32, #tpu.memory_space<vmem>>
    %dma_start3A_415 = tpu.memref_squeeze %dma_start3A_414 : memref<1x40xi32, #tpu.memory_space<vmem>> -> memref<40xi32, #tpu.memory_space<vmem>>
    %dma_start3A_416 = arith.constant 0 : i32
    %dma_start3A_417 = arith.constant 0 : i32
    %dma_start3A_418 = tpu.memref_slice %arg7[%dma_start3A_416, %dma_start3A_417] : memref<10000x128xf32, #tpu.memory_space<vmem_shared>> -> memref<10000x128xf32, #tpu.memory_space<vmem_shared>>
    tpu.enqueue_indirect_dma source(%dma_start3A_412 : memref<40x128xf32, #tpu.memory_space<vmem>>) target(%dma_start3A_418 : memref<10000x128xf32, #tpu.memory_space<vmem_shared>>) offsets(%dma_start3A_415 : memref<40xi32, #tpu.memory_space<vmem>>) semaphore(%arg20 : memref<!tpu.dma_semaphore, #tpu.memory_space<semaphore_mem>>) {add = true}
    %get3A_419 = arith.constant 160 : index
    %get3A_420 = tpu.vector_load %arg9[%get3A_419] {strides = array<i32>} : memref<5000xi32, #tpu.memory_space<vmem>>, vector<16xi32>,
    %get3A_421 = vector.shape_cast %get3A_420 : vector<16xi32> to vector<16xi32>
    %mul3A_422 = arith.constant 10000 : i32
    %mul3A_423 = vector.broadcast %mul3A_422 : i32 to vector<16xi32>
    %mul3A_424 = arith.muli %get3A_421, %mul3A_423 : vector<16xi32>
    %get3A_425 = arith.constant 160 : index
    %get3A_426 = tpu.vector_load %arg8[%get3A_425] {strides = array<i32>} : memref<5000xi32, #tpu.memory_space<vmem>>, vector<16xi32>,
    %get3A_427 = vector.shape_cast %get3A_426 : vector<16xi32> to vector<16xi32>
    %add3A_428 = arith.addi %mul3A_424, %get3A_427 : vector<16xi32>
    %swap3A_429 = arith.constant 4 : i32
    %swap3A_430 = arith.index_cast %swap3A_429 : i32 to index
    %swap3A_431 = arith.constant 0 : index
    %swap3A_432 = tpu.vector_load %arg11[%swap3A_430, %swap3A_431] {strides = array<i32>} : memref<5x40xi32, #tpu.memory_space<vmem>>, vector<1x16xi32>,
    %swap3A_433 = vector.shape_cast %swap3A_432 : vector<1x16xi32> to vector<16xi32>
    %swap3A_434 = vector.shape_cast %add3A_428 : vector<16xi32> to vector<1x16xi32>
    tpu.vector_store %arg11[%swap3A_430, %swap3A_431], %swap3A_434 {strides = array<i32>} : memref<5x40xi32, #tpu.memory_space<vmem>>, vector<1x16xi32>,
    %get3A_435 = arith.constant 160 : index
    %get3A_436 = tpu.vector_load %arg10[%get3A_435] {strides = array<i32>} : memref<5000xi32, #tpu.memory_space<vmem>>, vector<16xi32>,
    %get3A_437 = vector.shape_cast %get3A_436 : vector<16xi32> to vector<16xi32>
    %swap3A_438 = arith.constant 4 : i32
    %swap3A_439 = arith.index_cast %swap3A_438 : i32 to index
    %swap3A_440 = arith.constant 0 : index
    %swap3A_441 = tpu.vector_load %arg12[%swap3A_439, %swap3A_440] {strides = array<i32>} : memref<5x40xi32, #tpu.memory_space<vmem>>, vector<1x16xi32>,
    %swap3A_442 = vector.shape_cast %swap3A_441 : vector<1x16xi32> to vector<16xi32>
    %swap3A_443 = vector.shape_cast %get3A_437 : vector<16xi32> to vector<1x16xi32>
    tpu.vector_store %arg12[%swap3A_439, %swap3A_440], %swap3A_443 {strides = array<i32>} : memref<5x40xi32, #tpu.memory_space<vmem>>, vector<1x16xi32>,
    %get3A_444 = arith.constant 176 : index
    %get3A_445 = tpu.vector_load %arg9[%get3A_444] {strides = array<i32>} : memref<5000xi32, #tpu.memory_space<vmem>>, vector<16xi32>,
    %get3A_446 = vector.shape_cast %get3A_445 : vector<16xi32> to vector<16xi32>
    %mul3A_447 = arith.constant 10000 : i32
    %mul3A_448 = vector.broadcast %mul3A_447 : i32 to vector<16xi32>
    %mul3A_449 = arith.muli %get3A_446, %mul3A_448 : vector<16xi32>
    %get3A_450 = arith.constant 176 : index
    %get3A_451 = tpu.vector_load %arg8[%get3A_450] {strides = array<i32>} : memref<5000xi32, #tpu.memory_space<vmem>>, vector<16xi32>,
    %get3A_452 = vector.shape_cast %get3A_451 : vector<16xi32> to vector<16xi32>
    %add3A_453 = arith.addi %mul3A_449, %get3A_452 : vector<16xi32>
    %swap3A_454 = arith.constant 4 : i32
    %swap3A_455 = arith.index_cast %swap3A_454 : i32 to index
    %swap3A_456 = arith.constant 16 : index
    %swap3A_457 = tpu.vector_load %arg11[%swap3A_455, %swap3A_456] {strides = array<i32>} : memref<5x40xi32, #tpu.memory_space<vmem>>, vector<1x16xi32>,
    %swap3A_458 = vector.shape_cast %swap3A_457 : vector<1x16xi32> to vector<16xi32>
    %swap3A_459 = vector.shape_cast %add3A_453 : vector<16xi32> to vector<1x16xi32>
    tpu.vector_store %arg11[%swap3A_455, %swap3A_456], %swap3A_459 {strides = array<i32>} : memref<5x40xi32, #tpu.memory_space<vmem>>, vector<1x16xi32>,
    %get3A_460 = arith.constant 176 : index
    %get3A_461 = tpu.vector_load %arg10[%get3A_460] {strides = array<i32>} : memref<5000xi32, #tpu.memory_space<vmem>>, vector<16xi32>,
    %get3A_462 = vector.shape_cast %get3A_461 : vector<16xi32> to vector<16xi32>
    %swap3A_463 = arith.constant 4 : i32
    %swap3A_464 = arith.index_cast %swap3A_463 : i32 to index
    %swap3A_465 = arith.constant 16 : index
    %swap3A_466 = tpu.vector_load %arg12[%swap3A_464, %swap3A_465] {strides = array<i32>} : memref<5x40xi32, #tpu.memory_space<vmem>>, vector<1x16xi32>,
    %swap3A_467 = vector.shape_cast %swap3A_466 : vector<1x16xi32> to vector<16xi32>
    %swap3A_468 = vector.shape_cast %get3A_462 : vector<16xi32> to vector<1x16xi32>
    tpu.vector_store %arg12[%swap3A_464, %swap3A_465], %swap3A_468 {strides = array<i32>} : memref<5x40xi32, #tpu.memory_space<vmem>>, vector<1x16xi32>,
    %get3A_469 = arith.constant 184 : index
    %get3A_470 = tpu.vector_load %arg9[%get3A_469] {strides = array<i32>} : memref<5000xi32, #tpu.memory_space<vmem>>, vector<16xi32>,
    %get3A_471 = vector.shape_cast %get3A_470 : vector<16xi32> to vector<16xi32>
    %mul3A_472 = arith.constant 10000 : i32
    %mul3A_473 = vector.broadcast %mul3A_472 : i32 to vector<16xi32>
    %mul3A_474 = arith.muli %get3A_471, %mul3A_473 : vector<16xi32>
    %get3A_475 = arith.constant 184 : index
    %get3A_476 = tpu.vector_load %arg8[%get3A_475] {strides = array<i32>} : memref<5000xi32, #tpu.memory_space<vmem>>, vector<16xi32>,
    %get3A_477 = vector.shape_cast %get3A_476 : vector<16xi32> to vector<16xi32>
    %add3A_478 = arith.addi %mul3A_474, %get3A_477 : vector<16xi32>
    %swap3A_479 = arith.constant 4 : i32
    %swap3A_480 = arith.index_cast %swap3A_479 : i32 to index
    %swap3A_481 = arith.constant 24 : index
    %swap3A_482 = tpu.vector_load %arg11[%swap3A_480, %swap3A_481] {strides = array<i32>} : memref<5x40xi32, #tpu.memory_space<vmem>>, vector<1x16xi32>,
    %swap3A_483 = vector.shape_cast %swap3A_482 : vector<1x16xi32> to vector<16xi32>
    %swap3A_484 = vector.shape_cast %add3A_478 : vector<16xi32> to vector<1x16xi32>
    tpu.vector_store %arg11[%swap3A_480, %swap3A_481], %swap3A_484 {strides = array<i32>} : memref<5x40xi32, #tpu.memory_space<vmem>>, vector<1x16xi32>,
    %get3A_485 = arith.constant 184 : index
    %get3A_486 = tpu.vector_load %arg10[%get3A_485] {strides = array<i32>} : memref<5000xi32, #tpu.memory_space<vmem>>, vector<16xi32>,
    %get3A_487 = vector.shape_cast %get3A_486 : vector<16xi32> to vector<16xi32>
    %swap3A_488 = arith.constant 4 : i32
    %swap3A_489 = arith.index_cast %swap3A_488 : i32 to index
    %swap3A_490 = arith.constant 24 : index
    %swap3A_491 = tpu.vector_load %arg12[%swap3A_489, %swap3A_490] {strides = array<i32>} : memref<5x40xi32, #tpu.memory_space<vmem>>, vector<1x16xi32>,
    %swap3A_492 = vector.shape_cast %swap3A_491 : vector<1x16xi32> to vector<16xi32>
    %swap3A_493 = vector.shape_cast %get3A_487 : vector<16xi32> to vector<1x16xi32>
    tpu.vector_store %arg12[%swap3A_489, %swap3A_490], %swap3A_493 {strides = array<i32>} : memref<5x40xi32, #tpu.memory_space<vmem>>, vector<1x16xi32>,
    %dma_start3A_494 = arith.constant 4 : i32
    %dma_start3A_495 = arith.constant 4 : i32
    %dma_start3A_496 = arith.constant 0 : i32
    %dma_start3A_497 = arith.constant 0 : i32
    %dma_start3A_498 = tpu.memref_slice %arg13[%dma_start3A_495, %dma_start3A_496, %dma_start3A_497] : memref<5x40x128xf32, #tpu.memory_space<vmem>> -> memref<1x40x128xf32, #tpu.memory_space<vmem>>
    %dma_start3A_499 = tpu.memref_squeeze %dma_start3A_498 : memref<1x40x128xf32, #tpu.memory_space<vmem>> -> memref<40x128xf32, #tpu.memory_space<vmem>>
    %dma_start3A_500 = arith.constant 0 : i32
    %dma_start3A_501 = tpu.memref_slice %arg11[%dma_start3A_494, %dma_start3A_500] : memref<5x40xi32, #tpu.memory_space<vmem>> -> memref<1x40xi32, #tpu.memory_space<vmem>>
    %dma_start3A_502 = tpu.memref_squeeze %dma_start3A_501 : memref<1x40xi32, #tpu.memory_space<vmem>> -> memref<40xi32, #tpu.memory_space<vmem>>
    %dma_start3A_503 = arith.constant 0 : i32
    %dma_start3A_504 = arith.constant 0 : i32
    %dma_start3A_505 = tpu.memref_slice %arg2[%dma_start3A_503, %dma_start3A_504] : memref<80000x128xf32, #tpu.memory_space<hbm>> -> memref<80000x128xf32, #tpu.memory_space<hbm>>
    tpu.enqueue_indirect_dma source(%dma_start3A_505 : memref<80000x128xf32, #tpu.memory_space<hbm>>) target(%dma_start3A_499 : memref<40x128xf32, #tpu.memory_space<vmem>>) offsets(%dma_start3A_502 : memref<40xi32, #tpu.memory_space<vmem>>) semaphore(%arg19 : memref<!tpu.dma_semaphore, #tpu.memory_space<semaphore_mem>>)
    %scan3A_506 = arith.constant 0 : i32
    %scan3A_507 = arith.constant 0 : i32
    %scan3A_508 = arith.constant 24 : i32
    %scan3A_509 = arith.addi %scan3A_507, %scan3A_508 : i32
    %scan3A_510 = arith.constant 1 : i32
    scf.for %scan3A_679 = %scan3A_507 to %scan3A_509 step %scan3A_510  : i32 {
      %mul3A_680 = arith.constant 5 : i32
      %mul3A_681 = arith.muli %mul3A_680, %scan3A_679 : i32
      %add3A_682 = arith.constant 5 : i32
      %add3A_683 = arith.addi %add3A_682, %mul3A_681 : i32
      %add3A_684 = arith.constant 0 : i32
      %add3A_685 = arith.addi %add3A_683, %add3A_684 : i32
      %dma_wait3A_686 = arith.constant 1 : i32
      %dma_wait3A_687 = arith.constant 1 : i32
      %dma_wait3A_688 = arith.constant 0 : i32
      %dma_wait3A_689 = arith.constant 0 : i32
      %dma_wait3A_690 = tpu.memref_slice %arg13[%dma_wait3A_687, %dma_wait3A_688, %dma_wait3A_689] : memref<5x40x128xf32, #tpu.memory_space<vmem>> -> memref<1x40x128xf32, #tpu.memory_space<vmem>>
      %dma_wait3A_691 = tpu.memref_squeeze %dma_wait3A_690 : memref<1x40x128xf32, #tpu.memory_space<vmem>> -> memref<40x128xf32, #tpu.memory_space<vmem>>
      %dma_wait3A_692 = arith.constant 0 : i32
      %dma_wait3A_693 = tpu.memref_slice %arg11[%dma_wait3A_686, %dma_wait3A_692] : memref<5x40xi32, #tpu.memory_space<vmem>> -> memref<1x40xi32, #tpu.memory_space<vmem>>
      %dma_wait3A_694 = tpu.memref_squeeze %dma_wait3A_693 : memref<1x40xi32, #tpu.memory_space<vmem>> -> memref<40xi32, #tpu.memory_space<vmem>>
      %dma_wait3A_695 = arith.constant 0 : i32
      %dma_wait3A_696 = arith.constant 0 : i32
      %dma_wait3A_697 = tpu.memref_slice %arg2[%dma_wait3A_695, %dma_wait3A_696] : memref<80000x128xf32, #tpu.memory_space<hbm>> -> memref<80000x128xf32, #tpu.memory_space<hbm>>
      tpu.wait_indirect_dma semaphore(%arg16 : memref<!tpu.dma_semaphore, #tpu.memory_space<semaphore_mem>>) src(%dma_wait3A_697 : memref<80000x128xf32, #tpu.memory_space<hbm>>) dst(%dma_wait3A_691 : memref<40x128xf32, #tpu.memory_space<vmem>>)
      %dma_start3A_698 = arith.constant 1 : i32
      %dma_start3A_699 = arith.constant 1 : i32
      %dma_start3A_700 = arith.constant 0 : i32
      %dma_start3A_701 = arith.constant 0 : i32
      %dma_start3A_702 = tpu.memref_slice %arg13[%dma_start3A_698, %dma_start3A_700, %dma_start3A_701] : memref<5x40x128xf32, #tpu.memory_space<vmem>> -> memref<1x40x128xf32, #tpu.memory_space<vmem>>
      %dma_start3A_703 = tpu.memref_squeeze %dma_start3A_702 : memref<1x40x128xf32, #tpu.memory_space<vmem>> -> memref<40x128xf32, #tpu.memory_space<vmem>>
      %dma_start3A_704 = arith.constant 0 : i32
      %dma_start3A_705 = tpu.memref_slice %arg12[%dma_start3A_699, %dma_start3A_704] : memref<5x40xi32, #tpu.memory_space<vmem>> -> memref<1x40xi32, #tpu.memory_space<vmem>>
      %dma_start3A_706 = tpu.memref_squeeze %dma_start3A_705 : memref<1x40xi32, #tpu.memory_space<vmem>> -> memref<40xi32, #tpu.memory_space<vmem>>
      %dma_start3A_707 = arith.constant 0 : i32
      %dma_start3A_708 = arith.constant 0 : i32
      %dma_start3A_709 = tpu.memref_slice %arg7[%dma_start3A_707, %dma_start3A_708] : memref<10000x128xf32, #tpu.memory_space<vmem_shared>> -> memref<10000x128xf32, #tpu.memory_space<vmem_shared>>
      tpu.enqueue_indirect_dma source(%dma_start3A_703 : memref<40x128xf32, #tpu.memory_space<vmem>>) target(%dma_start3A_709 : memref<10000x128xf32, #tpu.memory_space<vmem_shared>>) offsets(%dma_start3A_706 : memref<40xi32, #tpu.memory_space<vmem>>) semaphore(%arg21 : memref<!tpu.dma_semaphore, #tpu.memory_space<semaphore_mem>>) {add = true}
      %dma_wait3A_710 = arith.constant 0 : i32
      %dma_wait3A_711 = arith.constant 0 : i32
      %dma_wait3A_712 = arith.constant 0 : i32
      %dma_wait3A_713 = arith.constant 0 : i32
      %dma_wait3A_714 = tpu.memref_slice %arg13[%dma_wait3A_710, %dma_wait3A_712, %dma_wait3A_713] : memref<5x40x128xf32, #tpu.memory_space<vmem>> -> memref<1x40x128xf32, #tpu.memory_space<vmem>>
      %dma_wait3A_715 = tpu.memref_squeeze %dma_wait3A_714 : memref<1x40x128xf32, #tpu.memory_space<vmem>> -> memref<40x128xf32, #tpu.memory_space<vmem>>
      %dma_wait3A_716 = arith.constant 0 : i32
      %dma_wait3A_717 = tpu.memref_slice %arg12[%dma_wait3A_711, %dma_wait3A_716] : memref<5x40xi32, #tpu.memory_space<vmem>> -> memref<1x40xi32, #tpu.memory_space<vmem>>
      %dma_wait3A_718 = tpu.memref_squeeze %dma_wait3A_717 : memref<1x40xi32, #tpu.memory_space<vmem>> -> memref<40xi32, #tpu.memory_space<vmem>>
      %dma_wait3A_719 = arith.constant 0 : i32
      %dma_wait3A_720 = arith.constant 0 : i32
      %dma_wait3A_721 = tpu.memref_slice %arg7[%dma_wait3A_719, %dma_wait3A_720] : memref<10000x128xf32, #tpu.memory_space<vmem_shared>> -> memref<10000x128xf32, #tpu.memory_space<vmem_shared>>
      tpu.wait_indirect_dma semaphore(%arg20 : memref<!tpu.dma_semaphore, #tpu.memory_space<semaphore_mem>>) src(%dma_wait3A_715 : memref<40x128xf32, #tpu.memory_space<vmem>>) dst(%dma_wait3A_721 : memref<10000x128xf32, #tpu.memory_space<vmem_shared>>)
      %mul3A_722 = arith.constant 40 : i32
      %mul3A_723 = arith.muli %add3A_685, %mul3A_722 : i32
      %add3A_724 = arith.constant 0 : i32
      %add3A_725 = arith.addi %mul3A_723, %add3A_724 : i32
      %get3A_726 = arith.index_cast %add3A_725 : i32 to index
      %get3A_727 = tpu.vector_load %arg9[%get3A_726] {strides = array<i32>} : memref<5000xi32, #tpu.memory_space<vmem>>, vector<16xi32>,
      %get3A_728 = vector.shape_cast %get3A_727 : vector<16xi32> to vector<16xi32>
      %mul3A_729 = arith.constant 10000 : i32
      %mul3A_730 = vector.broadcast %mul3A_729 : i32 to vector<16xi32>
      %mul3A_731 = arith.muli %get3A_728, %mul3A_730 : vector<16xi32>
      %get3A_732 = arith.index_cast %add3A_725 : i32 to index
      %get3A_733 = tpu.vector_load %arg8[%get3A_732] {strides = array<i32>} : memref<5000xi32, #tpu.memory_space<vmem>>, vector<16xi32>,
      %get3A_734 = vector.shape_cast %get3A_733 : vector<16xi32> to vector<16xi32>
      %add3A_735 = arith.addi %mul3A_731, %get3A_734 : vector<16xi32>
      %swap3A_736 = arith.constant 0 : i32
      %swap3A_737 = arith.index_cast %swap3A_736 : i32 to index
      %swap3A_738 = arith.constant 0 : index
      %swap3A_739 = tpu.vector_load %arg11[%swap3A_737, %swap3A_738] {strides = array<i32>} : memref<5x40xi32, #tpu.memory_space<vmem>>, vector<1x16xi32>,
      %swap3A_740 = vector.shape_cast %swap3A_739 : vector<1x16xi32> to vector<16xi32>
      %swap3A_741 = vector.shape_cast %add3A_735 : vector<16xi32> to vector<1x16xi32>
      tpu.vector_store %arg11[%swap3A_737, %swap3A_738], %swap3A_741 {strides = array<i32>} : memref<5x40xi32, #tpu.memory_space<vmem>>, vector<1x16xi32>,
      %get3A_742 = arith.index_cast %add3A_725 : i32 to index
      %get3A_743 = tpu.vector_load %arg10[%get3A_742] {strides = array<i32>} : memref<5000xi32, #tpu.memory_space<vmem>>, vector<16xi32>,
      %get3A_744 = vector.shape_cast %get3A_743 : vector<16xi32> to vector<16xi32>
      %swap3A_745 = arith.constant 0 : i32
      %swap3A_746 = arith.index_cast %swap3A_745 : i32 to index
      %swap3A_747 = arith.constant 0 : index
      %swap3A_748 = tpu.vector_load %arg12[%swap3A_746, %swap3A_747] {strides = array<i32>} : memref<5x40xi32, #tpu.memory_space<vmem>>, vector<1x16xi32>,
      %swap3A_749 = vector.shape_cast %swap3A_748 : vector<1x16xi32> to vector<16xi32>
      %swap3A_750 = vector.shape_cast %get3A_744 : vector<16xi32> to vector<1x16xi32>
      tpu.vector_store %arg12[%swap3A_746, %swap3A_747], %swap3A_750 {strides = array<i32>} : memref<5x40xi32, #tpu.memory_space<vmem>>, vector<1x16xi32>,
      %mul3A_751 = arith.constant 40 : i32
      %mul3A_752 = arith.muli %add3A_685, %mul3A_751 : i32
      %add3A_753 = arith.constant 16 : i32
      %add3A_754 = arith.addi %mul3A_752, %add3A_753 : i32
      %get3A_755 = arith.index_cast %add3A_754 : i32 to index
      %get3A_756 = tpu.vector_load %arg9[%get3A_755] {strides = array<i32>} : memref<5000xi32, #tpu.memory_space<vmem>>, vector<16xi32>,
      %get3A_757 = vector.shape_cast %get3A_756 : vector<16xi32> to vector<16xi32>
      %mul3A_758 = arith.constant 10000 : i32
      %mul3A_759 = vector.broadcast %mul3A_758 : i32 to vector<16xi32>
      %mul3A_760 = arith.muli %get3A_757, %mul3A_759 : vector<16xi32>
      %get3A_761 = arith.index_cast %add3A_754 : i32 to index
      %get3A_762 = tpu.vector_load %arg8[%get3A_761] {strides = array<i32>} : memref<5000xi32, #tpu.memory_space<vmem>>, vector<16xi32>,
      %get3A_763 = vector.shape_cast %get3A_762 : vector<16xi32> to vector<16xi32>
      %add3A_764 = arith.addi %mul3A_760, %get3A_763 : vector<16xi32>
      %swap3A_765 = arith.constant 0 : i32
      %swap3A_766 = arith.index_cast %swap3A_765 : i32 to index
      %swap3A_767 = arith.constant 16 : index
      %swap3A_768 = tpu.vector_load %arg11[%swap3A_766, %swap3A_767] {strides = array<i32>} : memref<5x40xi32, #tpu.memory_space<vmem>>, vector<1x16xi32>,
      %swap3A_769 = vector.shape_cast %swap3A_768 : vector<1x16xi32> to vector<16xi32>
      %swap3A_770 = vector.shape_cast %add3A_764 : vector<16xi32> to vector<1x16xi32>
      tpu.vector_store %arg11[%swap3A_766, %swap3A_767], %swap3A_770 {strides = array<i32>} : memref<5x40xi32, #tpu.memory_space<vmem>>, vector<1x16xi32>,
      %get3A_771 = arith.index_cast %add3A_754 : i32 to index
      %get3A_772 = tpu.vector_load %arg10[%get3A_771] {strides = array<i32>} : memref<5000xi32, #tpu.memory_space<vmem>>, vector<16xi32>,
      %get3A_773 = vector.shape_cast %get3A_772 : vector<16xi32> to vector<16xi32>
      %swap3A_774 = arith.constant 0 : i32
      %swap3A_775 = arith.index_cast %swap3A_774 : i32 to index
      %swap3A_776 = arith.constant 16 : index
      %swap3A_777 = tpu.vector_load %arg12[%swap3A_775, %swap3A_776] {strides = array<i32>} : memref<5x40xi32, #tpu.memory_space<vmem>>, vector<1x16xi32>,
      %swap3A_778 = vector.shape_cast %swap3A_777 : vector<1x16xi32> to vector<16xi32>
      %swap3A_779 = vector.shape_cast %get3A_773 : vector<16xi32> to vector<1x16xi32>
      tpu.vector_store %arg12[%swap3A_775, %swap3A_776], %swap3A_779 {strides = array<i32>} : memref<5x40xi32, #tpu.memory_space<vmem>>, vector<1x16xi32>,
      %mul3A_780 = arith.constant 40 : i32
      %mul3A_781 = arith.muli %add3A_685, %mul3A_780 : i32
      %add3A_782 = arith.constant 24 : i32
      %add3A_783 = arith.addi %mul3A_781, %add3A_782 : i32
      %get3A_784 = arith.index_cast %add3A_783 : i32 to index
      %get3A_785 = tpu.vector_load %arg9[%get3A_784] {strides = array<i32>} : memref<5000xi32, #tpu.memory_space<vmem>>, vector<16xi32>,
      %get3A_786 = vector.shape_cast %get3A_785 : vector<16xi32> to vector<16xi32>
      %mul3A_787 = arith.constant 10000 : i32
      %mul3A_788 = vector.broadcast %mul3A_787 : i32 to vector<16xi32>
      %mul3A_789 = arith.muli %get3A_786, %mul3A_788 : vector<16xi32>
      %get3A_790 = arith.index_cast %add3A_783 : i32 to index
      %get3A_791 = tpu.vector_load %arg8[%get3A_790] {strides = array<i32>} : memref<5000xi32, #tpu.memory_space<vmem>>, vector<16xi32>,
      %get3A_792 = vector.shape_cast %get3A_791 : vector<16xi32> to vector<16xi32>
      %add3A_793 = arith.addi %mul3A_789, %get3A_792 : vector<16xi32>
      %swap3A_794 = arith.constant 0 : i32
      %swap3A_795 = arith.index_cast %swap3A_794 : i32 to index
      %swap3A_796 = arith.constant 24 : index
      %swap3A_797 = tpu.vector_load %arg11[%swap3A_795, %swap3A_796] {strides = array<i32>} : memref<5x40xi32, #tpu.memory_space<vmem>>, vector<1x16xi32>,
      %swap3A_798 = vector.shape_cast %swap3A_797 : vector<1x16xi32> to vector<16xi32>
      %swap3A_799 = vector.shape_cast %add3A_793 : vector<16xi32> to vector<1x16xi32>
      tpu.vector_store %arg11[%swap3A_795, %swap3A_796], %swap3A_799 {strides = array<i32>} : memref<5x40xi32, #tpu.memory_space<vmem>>, vector<1x16xi32>,
      %get3A_800 = arith.index_cast %add3A_783 : i32 to index
      %get3A_801 = tpu.vector_load %arg10[%get3A_800] {strides = array<i32>} : memref<5000xi32, #tpu.memory_space<vmem>>, vector<16xi32>,
      %get3A_802 = vector.shape_cast %get3A_801 : vector<16xi32> to vector<16xi32>
      %swap3A_803 = arith.constant 0 : i32
      %swap3A_804 = arith.index_cast %swap3A_803 : i32 to index
      %swap3A_805 = arith.constant 24 : index
      %swap3A_806 = tpu.vector_load %arg12[%swap3A_804, %swap3A_805] {strides = array<i32>} : memref<5x40xi32, #tpu.memory_space<vmem>>, vector<1x16xi32>,
      %swap3A_807 = vector.shape_cast %swap3A_806 : vector<1x16xi32> to vector<16xi32>
      %swap3A_808 = vector.shape_cast %get3A_802 : vector<16xi32> to vector<1x16xi32>
      tpu.vector_store %arg12[%swap3A_804, %swap3A_805], %swap3A_808 {strides = array<i32>} : memref<5x40xi32, #tpu.memory_space<vmem>>, vector<1x16xi32>,
      %dma_start3A_809 = arith.constant 0 : i32
      %dma_start3A_810 = arith.constant 0 : i32
      %dma_start3A_811 = arith.constant 0 : i32
      %dma_start3A_812 = arith.constant 0 : i32
      %dma_start3A_813 = tpu.memref_slice %arg13[%dma_start3A_810, %dma_start3A_811, %dma_start3A_812] : memref<5x40x128xf32, #tpu.memory_space<vmem>> -> memref<1x40x128xf32, #tpu.memory_space<vmem>>
      %dma_start3A_814 = tpu.memref_squeeze %dma_start3A_813 : memref<1x40x128xf32, #tpu.memory_space<vmem>> -> memref<40x128xf32, #tpu.memory_space<vmem>>
      %dma_start3A_815 = arith.constant 0 : i32
      %dma_start3A_816 = tpu.memref_slice %arg11[%dma_start3A_809, %dma_start3A_815] : memref<5x40xi32, #tpu.memory_space<vmem>> -> memref<1x40xi32, #tpu.memory_space<vmem>>
      %dma_start3A_817 = tpu.memref_squeeze %dma_start3A_816 : memref<1x40xi32, #tpu.memory_space<vmem>> -> memref<40xi32, #tpu.memory_space<vmem>>
      %dma_start3A_818 = arith.constant 0 : i32
      %dma_start3A_819 = arith.constant 0 : i32
      %dma_start3A_820 = tpu.memref_slice %arg2[%dma_start3A_818, %dma_start3A_819] : memref<80000x128xf32, #tpu.memory_space<hbm>> -> memref<80000x128xf32, #tpu.memory_space<hbm>>
      tpu.enqueue_indirect_dma source(%dma_start3A_820 : memref<80000x128xf32, #tpu.memory_space<hbm>>) target(%dma_start3A_814 : memref<40x128xf32, #tpu.memory_space<vmem>>) offsets(%dma_start3A_817 : memref<40xi32, #tpu.memory_space<vmem>>) semaphore(%arg15 : memref<!tpu.dma_semaphore, #tpu.memory_space<semaphore_mem>>)
      %add3A_821 = arith.constant 1 : i32
      %add3A_822 = arith.addi %add3A_683, %add3A_821 : i32
      %dma_wait3A_823 = arith.constant 2 : i32
      %dma_wait3A_824 = arith.constant 2 : i32
      %dma_wait3A_825 = arith.constant 0 : i32
      %dma_wait3A_826 = arith.constant 0 : i32
      %dma_wait3A_827 = tpu.memref_slice %arg13[%dma_wait3A_824, %dma_wait3A_825, %dma_wait3A_826] : memref<5x40x128xf32, #tpu.memory_space<vmem>> -> memref<1x40x128xf32, #tpu.memory_space<vmem>>
      %dma_wait3A_828 = tpu.memref_squeeze %dma_wait3A_827 : memref<1x40x128xf32, #tpu.memory_space<vmem>> -> memref<40x128xf32, #tpu.memory_space<vmem>>
      %dma_wait3A_829 = arith.constant 0 : i32
      %dma_wait3A_830 = tpu.memref_slice %arg11[%dma_wait3A_823, %dma_wait3A_829] : memref<5x40xi32, #tpu.memory_space<vmem>> -> memref<1x40xi32, #tpu.memory_space<vmem>>
      %dma_wait3A_831 = tpu.memref_squeeze %dma_wait3A_830 : memref<1x40xi32, #tpu.memory_space<vmem>> -> memref<40xi32, #tpu.memory_space<vmem>>
      %dma_wait3A_832 = arith.constant 0 : i32
      %dma_wait3A_833 = arith.constant 0 : i32
      %dma_wait3A_834 = tpu.memref_slice %arg2[%dma_wait3A_832, %dma_wait3A_833] : memref<80000x128xf32, #tpu.memory_space<hbm>> -> memref<80000x128xf32, #tpu.memory_space<hbm>>
      tpu.wait_indirect_dma semaphore(%arg17 : memref<!tpu.dma_semaphore, #tpu.memory_space<semaphore_mem>>) src(%dma_wait3A_834 : memref<80000x128xf32, #tpu.memory_space<hbm>>) dst(%dma_wait3A_828 : memref<40x128xf32, #tpu.memory_space<vmem>>)
      %dma_start3A_835 = arith.constant 2 : i32
      %dma_start3A_836 = arith.constant 2 : i32
      %dma_start3A_837 = arith.constant 0 : i32
      %dma_start3A_838 = arith.constant 0 : i32
      %dma_start3A_839 = tpu.memref_slice %arg13[%dma_start3A_835, %dma_start3A_837, %dma_start3A_838] : memref<5x40x128xf32, #tpu.memory_space<vmem>> -> memref<1x40x128xf32, #tpu.memory_space<vmem>>
      %dma_start3A_840 = tpu.memref_squeeze %dma_start3A_839 : memref<1x40x128xf32, #tpu.memory_space<vmem>> -> memref<40x128xf32, #tpu.memory_space<vmem>>
      %dma_start3A_841 = arith.constant 0 : i32
      %dma_start3A_842 = tpu.memref_slice %arg12[%dma_start3A_836, %dma_start3A_841] : memref<5x40xi32, #tpu.memory_space<vmem>> -> memref<1x40xi32, #tpu.memory_space<vmem>>
      %dma_start3A_843 = tpu.memref_squeeze %dma_start3A_842 : memref<1x40xi32, #tpu.memory_space<vmem>> -> memref<40xi32, #tpu.memory_space<vmem>>
      %dma_start3A_844 = arith.constant 0 : i32
      %dma_start3A_845 = arith.constant 0 : i32
      %dma_start3A_846 = tpu.memref_slice %arg7[%dma_start3A_844, %dma_start3A_845] : memref<10000x128xf32, #tpu.memory_space<vmem_shared>> -> memref<10000x128xf32, #tpu.memory_space<vmem_shared>>
      tpu.enqueue_indirect_dma source(%dma_start3A_840 : memref<40x128xf32, #tpu.memory_space<vmem>>) target(%dma_start3A_846 : memref<10000x128xf32, #tpu.memory_space<vmem_shared>>) offsets(%dma_start3A_843 : memref<40xi32, #tpu.memory_space<vmem>>) semaphore(%arg22 : memref<!tpu.dma_semaphore, #tpu.memory_space<semaphore_mem>>) {add = true}
      %dma_wait3A_847 = arith.constant 1 : i32
      %dma_wait3A_848 = arith.constant 1 : i32
      %dma_wait3A_849 = arith.constant 0 : i32
      %dma_wait3A_850 = arith.constant 0 : i32
      %dma_wait3A_851 = tpu.memref_slice %arg13[%dma_wait3A_847, %dma_wait3A_849, %dma_wait3A_850] : memref<5x40x128xf32, #tpu.memory_space<vmem>> -> memref<1x40x128xf32, #tpu.memory_space<vmem>>
      %dma_wait3A_852 = tpu.memref_squeeze %dma_wait3A_851 : memref<1x40x128xf32, #tpu.memory_space<vmem>> -> memref<40x128xf32, #tpu.memory_space<vmem>>
      %dma_wait3A_853 = arith.constant 0 : i32
      %dma_wait3A_854 = tpu.memref_slice %arg12[%dma_wait3A_848, %dma_wait3A_853] : memref<5x40xi32, #tpu.memory_space<vmem>> -> memref<1x40xi32, #tpu.memory_space<vmem>>
      %dma_wait3A_855 = tpu.memref_squeeze %dma_wait3A_854 : memref<1x40xi32, #tpu.memory_space<vmem>> -> memref<40xi32, #tpu.memory_space<vmem>>
      %dma_wait3A_856 = arith.constant 0 : i32
      %dma_wait3A_857 = arith.constant 0 : i32
      %dma_wait3A_858 = tpu.memref_slice %arg7[%dma_wait3A_856, %dma_wait3A_857] : memref<10000x128xf32, #tpu.memory_space<vmem_shared>> -> memref<10000x128xf32, #tpu.memory_space<vmem_shared>>
      tpu.wait_indirect_dma semaphore(%arg21 : memref<!tpu.dma_semaphore, #tpu.memory_space<semaphore_mem>>) src(%dma_wait3A_852 : memref<40x128xf32, #tpu.memory_space<vmem>>) dst(%dma_wait3A_858 : memref<10000x128xf32, #tpu.memory_space<vmem_shared>>)
      %mul3A_859 = arith.constant 40 : i32
      %mul3A_860 = arith.muli %add3A_822, %mul3A_859 : i32
      %add3A_861 = arith.constant 0 : i32
      %add3A_862 = arith.addi %mul3A_860, %add3A_861 : i32
      %get3A_863 = arith.index_cast %add3A_862 : i32 to index
      %get3A_864 = tpu.vector_load %arg9[%get3A_863] {strides = array<i32>} : memref<5000xi32, #tpu.memory_space<vmem>>, vector<16xi32>,
      %get3A_865 = vector.shape_cast %get3A_864 : vector<16xi32> to vector<16xi32>
      %mul3A_866 = arith.constant 10000 : i32
      %mul3A_867 = vector.broadcast %mul3A_866 : i32 to vector<16xi32>
      %mul3A_868 = arith.muli %get3A_865, %mul3A_867 : vector<16xi32>
      %get3A_869 = arith.index_cast %add3A_862 : i32 to index
      %get3A_870 = tpu.vector_load %arg8[%get3A_869] {strides = array<i32>} : memref<5000xi32, #tpu.memory_space<vmem>>, vector<16xi32>,
      %get3A_871 = vector.shape_cast %get3A_870 : vector<16xi32> to vector<16xi32>
      %add3A_872 = arith.addi %mul3A_868, %get3A_871 : vector<16xi32>
      %swap3A_873 = arith.constant 1 : i32
      %swap3A_874 = arith.index_cast %swap3A_873 : i32 to index
      %swap3A_875 = arith.constant 0 : index
      %swap3A_876 = tpu.vector_load %arg11[%swap3A_874, %swap3A_875] {strides = array<i32>} : memref<5x40xi32, #tpu.memory_space<vmem>>, vector<1x16xi32>,
      %swap3A_877 = vector.shape_cast %swap3A_876 : vector<1x16xi32> to vector<16xi32>
      %swap3A_878 = vector.shape_cast %add3A_872 : vector<16xi32> to vector<1x16xi32>
      tpu.vector_store %arg11[%swap3A_874, %swap3A_875], %swap3A_878 {strides = array<i32>} : memref<5x40xi32, #tpu.memory_space<vmem>>, vector<1x16xi32>,
      %get3A_879 = arith.index_cast %add3A_862 : i32 to index
      %get3A_880 = tpu.vector_load %arg10[%get3A_879] {strides = array<i32>} : memref<5000xi32, #tpu.memory_space<vmem>>, vector<16xi32>,
      %get3A_881 = vector.shape_cast %get3A_880 : vector<16xi32> to vector<16xi32>
      %swap3A_882 = arith.constant 1 : i32
      %swap3A_883 = arith.index_cast %swap3A_882 : i32 to index
      %swap3A_884 = arith.constant 0 : index
      %swap3A_885 = tpu.vector_load %arg12[%swap3A_883, %swap3A_884] {strides = array<i32>} : memref<5x40xi32, #tpu.memory_space<vmem>>, vector<1x16xi32>,
      %swap3A_886 = vector.shape_cast %swap3A_885 : vector<1x16xi32> to vector<16xi32>
      %swap3A_887 = vector.shape_cast %get3A_881 : vector<16xi32> to vector<1x16xi32>
      tpu.vector_store %arg12[%swap3A_883, %swap3A_884], %swap3A_887 {strides = array<i32>} : memref<5x40xi32, #tpu.memory_space<vmem>>, vector<1x16xi32>,
      %mul3A_888 = arith.constant 40 : i32
      %mul3A_889 = arith.muli %add3A_822, %mul3A_888 : i32
      %add3A_890 = arith.constant 16 : i32
      %add3A_891 = arith.addi %mul3A_889, %add3A_890 : i32
      %get3A_892 = arith.index_cast %add3A_891 : i32 to index
      %get3A_893 = tpu.vector_load %arg9[%get3A_892] {strides = array<i32>} : memref<5000xi32, #tpu.memory_space<vmem>>, vector<16xi32>,
      %get3A_894 = vector.shape_cast %get3A_893 : vector<16xi32> to vector<16xi32>
      %mul3A_895 = arith.constant 10000 : i32
      %mul3A_896 = vector.broadcast %mul3A_895 : i32 to vector<16xi32>
      %mul3A_897 = arith.muli %get3A_894, %mul3A_896 : vector<16xi32>
      %get3A_898 = arith.index_cast %add3A_891 : i32 to index
      %get3A_899 = tpu.vector_load %arg8[%get3A_898] {strides = array<i32>} : memref<5000xi32, #tpu.memory_space<vmem>>, vector<16xi32>,
      %get3A_900 = vector.shape_cast %get3A_899 : vector<16xi32> to vector<16xi32>
      %add3A_901 = arith.addi %mul3A_897, %get3A_900 : vector<16xi32>
      %swap3A_902 = arith.constant 1 : i32
      %swap3A_903 = arith.index_cast %swap3A_902 : i32 to index
      %swap3A_904 = arith.constant 16 : index
      %swap3A_905 = tpu.vector_load %arg11[%swap3A_903, %swap3A_904] {strides = array<i32>} : memref<5x40xi32, #tpu.memory_space<vmem>>, vector<1x16xi32>,
      %swap3A_906 = vector.shape_cast %swap3A_905 : vector<1x16xi32> to vector<16xi32>
      %swap3A_907 = vector.shape_cast %add3A_901 : vector<16xi32> to vector<1x16xi32>
      tpu.vector_store %arg11[%swap3A_903, %swap3A_904], %swap3A_907 {strides = array<i32>} : memref<5x40xi32, #tpu.memory_space<vmem>>, vector<1x16xi32>,
      %get3A_908 = arith.index_cast %add3A_891 : i32 to index
      %get3A_909 = tpu.vector_load %arg10[%get3A_908] {strides = array<i32>} : memref<5000xi32, #tpu.memory_space<vmem>>, vector<16xi32>,
      %get3A_910 = vector.shape_cast %get3A_909 : vector<16xi32> to vector<16xi32>
      %swap3A_911 = arith.constant 1 : i32
      %swap3A_912 = arith.index_cast %swap3A_911 : i32 to index
      %swap3A_913 = arith.constant 16 : index
      %swap3A_914 = tpu.vector_load %arg12[%swap3A_912, %swap3A_913] {strides = array<i32>} : memref<5x40xi32, #tpu.memory_space<vmem>>, vector<1x16xi32>,
      %swap3A_915 = vector.shape_cast %swap3A_914 : vector<1x16xi32> to vector<16xi32>
      %swap3A_916 = vector.shape_cast %get3A_910 : vector<16xi32> to vector<1x16xi32>
      tpu.vector_store %arg12[%swap3A_912, %swap3A_913], %swap3A_916 {strides = array<i32>} : memref<5x40xi32, #tpu.memory_space<vmem>>, vector<1x16xi32>,
      %mul3A_917 = arith.constant 40 : i32
      %mul3A_918 = arith.muli %add3A_822, %mul3A_917 : i32
      %add3A_919 = arith.constant 24 : i32
      %add3A_920 = arith.addi %mul3A_918, %add3A_919 : i32
      %get3A_921 = arith.index_cast %add3A_920 : i32 to index
      %get3A_922 = tpu.vector_load %arg9[%get3A_921] {strides = array<i32>} : memref<5000xi32, #tpu.memory_space<vmem>>, vector<16xi32>,
      %get3A_923 = vector.shape_cast %get3A_922 : vector<16xi32> to vector<16xi32>
      %mul3A_924 = arith.constant 10000 : i32
      %mul3A_925 = vector.broadcast %mul3A_924 : i32 to vector<16xi32>
      %mul3A_926 = arith.muli %get3A_923, %mul3A_925 : vector<16xi32>
      %get3A_927 = arith.index_cast %add3A_920 : i32 to index
      %get3A_928 = tpu.vector_load %arg8[%get3A_927] {strides = array<i32>} : memref<5000xi32, #tpu.memory_space<vmem>>, vector<16xi32>,
      %get3A_929 = vector.shape_cast %get3A_928 : vector<16xi32> to vector<16xi32>
      %add3A_930 = arith.addi %mul3A_926, %get3A_929 : vector<16xi32>
      %swap3A_931 = arith.constant 1 : i32
      %swap3A_932 = arith.index_cast %swap3A_931 : i32 to index
      %swap3A_933 = arith.constant 24 : index
      %swap3A_934 = tpu.vector_load %arg11[%swap3A_932, %swap3A_933] {strides = array<i32>} : memref<5x40xi32, #tpu.memory_space<vmem>>, vector<1x16xi32>,
      %swap3A_935 = vector.shape_cast %swap3A_934 : vector<1x16xi32> to vector<16xi32>
      %swap3A_936 = vector.shape_cast %add3A_930 : vector<16xi32> to vector<1x16xi32>
      tpu.vector_store %arg11[%swap3A_932, %swap3A_933], %swap3A_936 {strides = array<i32>} : memref<5x40xi32, #tpu.memory_space<vmem>>, vector<1x16xi32>,
      %get3A_937 = arith.index_cast %add3A_920 : i32 to index
      %get3A_938 = tpu.vector_load %arg10[%get3A_937] {strides = array<i32>} : memref<5000xi32, #tpu.memory_space<vmem>>, vector<16xi32>,
      %get3A_939 = vector.shape_cast %get3A_938 : vector<16xi32> to vector<16xi32>
      %swap3A_940 = arith.constant 1 : i32
      %swap3A_941 = arith.index_cast %swap3A_940 : i32 to index
      %swap3A_942 = arith.constant 24 : index
      %swap3A_943 = tpu.vector_load %arg12[%swap3A_941, %swap3A_942] {strides = array<i32>} : memref<5x40xi32, #tpu.memory_space<vmem>>, vector<1x16xi32>,
      %swap3A_944 = vector.shape_cast %swap3A_943 : vector<1x16xi32> to vector<16xi32>
      %swap3A_945 = vector.shape_cast %get3A_939 : vector<16xi32> to vector<1x16xi32>
      tpu.vector_store %arg12[%swap3A_941, %swap3A_942], %swap3A_945 {strides = array<i32>} : memref<5x40xi32, #tpu.memory_space<vmem>>, vector<1x16xi32>,
      %dma_start3A_946 = arith.constant 1 : i32
      %dma_start3A_947 = arith.constant 1 : i32
      %dma_start3A_948 = arith.constant 0 : i32
      %dma_start3A_949 = arith.constant 0 : i32
      %dma_start3A_950 = tpu.memref_slice %arg13[%dma_start3A_947, %dma_start3A_948, %dma_start3A_949] : memref<5x40x128xf32, #tpu.memory_space<vmem>> -> memref<1x40x128xf32, #tpu.memory_space<vmem>>
      %dma_start3A_951 = tpu.memref_squeeze %dma_start3A_950 : memref<1x40x128xf32, #tpu.memory_space<vmem>> -> memref<40x128xf32, #tpu.memory_space<vmem>>
      %dma_start3A_952 = arith.constant 0 : i32
      %dma_start3A_953 = tpu.memref_slice %arg11[%dma_start3A_946, %dma_start3A_952] : memref<5x40xi32, #tpu.memory_space<vmem>> -> memref<1x40xi32, #tpu.memory_space<vmem>>
      %dma_start3A_954 = tpu.memref_squeeze %dma_start3A_953 : memref<1x40xi32, #tpu.memory_space<vmem>> -> memref<40xi32, #tpu.memory_space<vmem>>
      %dma_start3A_955 = arith.constant 0 : i32
      %dma_start3A_956 = arith.constant 0 : i32
      %dma_start3A_957 = tpu.memref_slice %arg2[%dma_start3A_955, %dma_start3A_956] : memref<80000x128xf32, #tpu.memory_space<hbm>> -> memref<80000x128xf32, #tpu.memory_space<hbm>>
      tpu.enqueue_indirect_dma source(%dma_start3A_957 : memref<80000x128xf32, #tpu.memory_space<hbm>>) target(%dma_start3A_951 : memref<40x128xf32, #tpu.memory_space<vmem>>) offsets(%dma_start3A_954 : memref<40xi32, #tpu.memory_space<vmem>>) semaphore(%arg16 : memref<!tpu.dma_semaphore, #tpu.memory_space<semaphore_mem>>)
      %add3A_958 = arith.constant 2 : i32
      %add3A_959 = arith.addi %add3A_683, %add3A_958 : i32
      %dma_wait3A_960 = arith.constant 3 : i32
      %dma_wait3A_961 = arith.constant 3 : i32
      %dma_wait3A_962 = arith.constant 0 : i32
      %dma_wait3A_963 = arith.constant 0 : i32
      %dma_wait3A_964 = tpu.memref_slice %arg13[%dma_wait3A_961, %dma_wait3A_962, %dma_wait3A_963] : memref<5x40x128xf32, #tpu.memory_space<vmem>> -> memref<1x40x128xf32, #tpu.memory_space<vmem>>
      %dma_wait3A_965 = tpu.memref_squeeze %dma_wait3A_964 : memref<1x40x128xf32, #tpu.memory_space<vmem>> -> memref<40x128xf32, #tpu.memory_space<vmem>>
      %dma_wait3A_966 = arith.constant 0 : i32
      %dma_wait3A_967 = tpu.memref_slice %arg11[%dma_wait3A_960, %dma_wait3A_966] : memref<5x40xi32, #tpu.memory_space<vmem>> -> memref<1x40xi32, #tpu.memory_space<vmem>>
      %dma_wait3A_968 = tpu.memref_squeeze %dma_wait3A_967 : memref<1x40xi32, #tpu.memory_space<vmem>> -> memref<40xi32, #tpu.memory_space<vmem>>
      %dma_wait3A_969 = arith.constant 0 : i32
      %dma_wait3A_970 = arith.constant 0 : i32
      %dma_wait3A_971 = tpu.memref_slice %arg2[%dma_wait3A_969, %dma_wait3A_970] : memref<80000x128xf32, #tpu.memory_space<hbm>> -> memref<80000x128xf32, #tpu.memory_space<hbm>>
      tpu.wait_indirect_dma semaphore(%arg18 : memref<!tpu.dma_semaphore, #tpu.memory_space<semaphore_mem>>) src(%dma_wait3A_971 : memref<80000x128xf32, #tpu.memory_space<hbm>>) dst(%dma_wait3A_965 : memref<40x128xf32, #tpu.memory_space<vmem>>)
      %dma_start3A_972 = arith.constant 3 : i32
      %dma_start3A_973 = arith.constant 3 : i32
      %dma_start3A_974 = arith.constant 0 : i32
      %dma_start3A_975 = arith.constant 0 : i32
      %dma_start3A_976 = tpu.memref_slice %arg13[%dma_start3A_972, %dma_start3A_974, %dma_start3A_975] : memref<5x40x128xf32, #tpu.memory_space<vmem>> -> memref<1x40x128xf32, #tpu.memory_space<vmem>>
      %dma_start3A_977 = tpu.memref_squeeze %dma_start3A_976 : memref<1x40x128xf32, #tpu.memory_space<vmem>> -> memref<40x128xf32, #tpu.memory_space<vmem>>
      %dma_start3A_978 = arith.constant 0 : i32
      %dma_start3A_979 = tpu.memref_slice %arg12[%dma_start3A_973, %dma_start3A_978] : memref<5x40xi32, #tpu.memory_space<vmem>> -> memref<1x40xi32, #tpu.memory_space<vmem>>
      %dma_start3A_980 = tpu.memref_squeeze %dma_start3A_979 : memref<1x40xi32, #tpu.memory_space<vmem>> -> memref<40xi32, #tpu.memory_space<vmem>>
      %dma_start3A_981 = arith.constant 0 : i32
      %dma_start3A_982 = arith.constant 0 : i32
      %dma_start3A_983 = tpu.memref_slice %arg7[%dma_start3A_981, %dma_start3A_982] : memref<10000x128xf32, #tpu.memory_space<vmem_shared>> -> memref<10000x128xf32, #tpu.memory_space<vmem_shared>>
      tpu.enqueue_indirect_dma source(%dma_start3A_977 : memref<40x128xf32, #tpu.memory_space<vmem>>) target(%dma_start3A_983 : memref<10000x128xf32, #tpu.memory_space<vmem_shared>>) offsets(%dma_start3A_980 : memref<40xi32, #tpu.memory_space<vmem>>) semaphore(%arg23 : memref<!tpu.dma_semaphore, #tpu.memory_space<semaphore_mem>>) {add = true}
      %dma_wait3A_984 = arith.constant 2 : i32
      %dma_wait3A_985 = arith.constant 2 : i32
      %dma_wait3A_986 = arith.constant 0 : i32
      %dma_wait3A_987 = arith.constant 0 : i32
      %dma_wait3A_988 = tpu.memref_slice %arg13[%dma_wait3A_984, %dma_wait3A_986, %dma_wait3A_987] : memref<5x40x128xf32, #tpu.memory_space<vmem>> -> memref<1x40x128xf32, #tpu.memory_space<vmem>>
      %dma_wait3A_989 = tpu.memref_squeeze %dma_wait3A_988 : memref<1x40x128xf32, #tpu.memory_space<vmem>> -> memref<40x128xf32, #tpu.memory_space<vmem>>
      %dma_wait3A_990 = arith.constant 0 : i32
      %dma_wait3A_991 = tpu.memref_slice %arg12[%dma_wait3A_985, %dma_wait3A_990] : memref<5x40xi32, #tpu.memory_space<vmem>> -> memref<1x40xi32, #tpu.memory_space<vmem>>
      %dma_wait3A_992 = tpu.memref_squeeze %dma_wait3A_991 : memref<1x40xi32, #tpu.memory_space<vmem>> -> memref<40xi32, #tpu.memory_space<vmem>>
      %dma_wait3A_993 = arith.constant 0 : i32
      %dma_wait3A_994 = arith.constant 0 : i32
      %dma_wait3A_995 = tpu.memref_slice %arg7[%dma_wait3A_993, %dma_wait3A_994] : memref<10000x128xf32, #tpu.memory_space<vmem_shared>> -> memref<10000x128xf32, #tpu.memory_space<vmem_shared>>
      tpu.wait_indirect_dma semaphore(%arg22 : memref<!tpu.dma_semaphore, #tpu.memory_space<semaphore_mem>>) src(%dma_wait3A_989 : memref<40x128xf32, #tpu.memory_space<vmem>>) dst(%dma_wait3A_995 : memref<10000x128xf32, #tpu.memory_space<vmem_shared>>)
      %mul3A_996 = arith.constant 40 : i32
      %mul3A_997 = arith.muli %add3A_959, %mul3A_996 : i32
      %add3A_998 = arith.constant 0 : i32
      %add3A_999 = arith.addi %mul3A_997, %add3A_998 : i32
      %get3A_1000 = arith.index_cast %add3A_999 : i32 to index
      %get3A_1001 = tpu.vector_load %arg9[%get3A_1000] {strides = array<i32>} : memref<5000xi32, #tpu.memory_space<vmem>>, vector<16xi32>,
      %get3A_1002 = vector.shape_cast %get3A_1001 : vector<16xi32> to vector<16xi32>
      %mul3A_1003 = arith.constant 10000 : i32
      %mul3A_1004 = vector.broadcast %mul3A_1003 : i32 to vector<16xi32>
      %mul3A_1005 = arith.muli %get3A_1002, %mul3A_1004 : vector<16xi32>
      %get3A_1006 = arith.index_cast %add3A_999 : i32 to index
      %get3A_1007 = tpu.vector_load %arg8[%get3A_1006] {strides = array<i32>} : memref<5000xi32, #tpu.memory_space<vmem>>, vector<16xi32>,
      %get3A_1008 = vector.shape_cast %get3A_1007 : vector<16xi32> to vector<16xi32>
      %add3A_1009 = arith.addi %mul3A_1005, %get3A_1008 : vector<16xi32>
      %swap3A_1010 = arith.constant 2 : i32
      %swap3A_1011 = arith.index_cast %swap3A_1010 : i32 to index
      %swap3A_1012 = arith.constant 0 : index
      %swap3A_1013 = tpu.vector_load %arg11[%swap3A_1011, %swap3A_1012] {strides = array<i32>} : memref<5x40xi32, #tpu.memory_space<vmem>>, vector<1x16xi32>,
      %swap3A_1014 = vector.shape_cast %swap3A_1013 : vector<1x16xi32> to vector<16xi32>
      %swap3A_1015 = vector.shape_cast %add3A_1009 : vector<16xi32> to vector<1x16xi32>
      tpu.vector_store %arg11[%swap3A_1011, %swap3A_1012], %swap3A_1015 {strides = array<i32>} : memref<5x40xi32, #tpu.memory_space<vmem>>, vector<1x16xi32>,
      %get3A_1016 = arith.index_cast %add3A_999 : i32 to index
      %get3A_1017 = tpu.vector_load %arg10[%get3A_1016] {strides = array<i32>} : memref<5000xi32, #tpu.memory_space<vmem>>, vector<16xi32>,
      %get3A_1018 = vector.shape_cast %get3A_1017 : vector<16xi32> to vector<16xi32>
      %swap3A_1019 = arith.constant 2 : i32
      %swap3A_1020 = arith.index_cast %swap3A_1019 : i32 to index
      %swap3A_1021 = arith.constant 0 : index
      %swap3A_1022 = tpu.vector_load %arg12[%swap3A_1020, %swap3A_1021] {strides = array<i32>} : memref<5x40xi32, #tpu.memory_space<vmem>>, vector<1x16xi32>,
      %swap3A_1023 = vector.shape_cast %swap3A_1022 : vector<1x16xi32> to vector<16xi32>
      %swap3A_1024 = vector.shape_cast %get3A_1018 : vector<16xi32> to vector<1x16xi32>
      tpu.vector_store %arg12[%swap3A_1020, %swap3A_1021], %swap3A_1024 {strides = array<i32>} : memref<5x40xi32, #tpu.memory_space<vmem>>, vector<1x16xi32>,
      %mul3A_1025 = arith.constant 40 : i32
      %mul3A_1026 = arith.muli %add3A_959, %mul3A_1025 : i32
      %add3A_1027 = arith.constant 16 : i32
      %add3A_1028 = arith.addi %mul3A_1026, %add3A_1027 : i32
      %get3A_1029 = arith.index_cast %add3A_1028 : i32 to index
      %get3A_1030 = tpu.vector_load %arg9[%get3A_1029] {strides = array<i32>} : memref<5000xi32, #tpu.memory_space<vmem>>, vector<16xi32>,
      %get3A_1031 = vector.shape_cast %get3A_1030 : vector<16xi32> to vector<16xi32>
      %mul3A_1032 = arith.constant 10000 : i32
      %mul3A_1033 = vector.broadcast %mul3A_1032 : i32 to vector<16xi32>
      %mul3A_1034 = arith.muli %get3A_1031, %mul3A_1033 : vector<16xi32>
      %get3A_1035 = arith.index_cast %add3A_1028 : i32 to index
      %get3A_1036 = tpu.vector_load %arg8[%get3A_1035] {strides = array<i32>} : memref<5000xi32, #tpu.memory_space<vmem>>, vector<16xi32>,
      %get3A_1037 = vector.shape_cast %get3A_1036 : vector<16xi32> to vector<16xi32>
      %add3A_1038 = arith.addi %mul3A_1034, %get3A_1037 : vector<16xi32>
      %swap3A_1039 = arith.constant 2 : i32
      %swap3A_1040 = arith.index_cast %swap3A_1039 : i32 to index
      %swap3A_1041 = arith.constant 16 : index
      %swap3A_1042 = tpu.vector_load %arg11[%swap3A_1040, %swap3A_1041] {strides = array<i32>} : memref<5x40xi32, #tpu.memory_space<vmem>>, vector<1x16xi32>,
      %swap3A_1043 = vector.shape_cast %swap3A_1042 : vector<1x16xi32> to vector<16xi32>
      %swap3A_1044 = vector.shape_cast %add3A_1038 : vector<16xi32> to vector<1x16xi32>
      tpu.vector_store %arg11[%swap3A_1040, %swap3A_1041], %swap3A_1044 {strides = array<i32>} : memref<5x40xi32, #tpu.memory_space<vmem>>, vector<1x16xi32>,
      %get3A_1045 = arith.index_cast %add3A_1028 : i32 to index
      %get3A_1046 = tpu.vector_load %arg10[%get3A_1045] {strides = array<i32>} : memref<5000xi32, #tpu.memory_space<vmem>>, vector<16xi32>,
      %get3A_1047 = vector.shape_cast %get3A_1046 : vector<16xi32> to vector<16xi32>
      %swap3A_1048 = arith.constant 2 : i32
      %swap3A_1049 = arith.index_cast %swap3A_1048 : i32 to index
      %swap3A_1050 = arith.constant 16 : index
      %swap3A_1051 = tpu.vector_load %arg12[%swap3A_1049, %swap3A_1050] {strides = array<i32>} : memref<5x40xi32, #tpu.memory_space<vmem>>, vector<1x16xi32>,
      %swap3A_1052 = vector.shape_cast %swap3A_1051 : vector<1x16xi32> to vector<16xi32>
      %swap3A_1053 = vector.shape_cast %get3A_1047 : vector<16xi32> to vector<1x16xi32>
      tpu.vector_store %arg12[%swap3A_1049, %swap3A_1050], %swap3A_1053 {strides = array<i32>} : memref<5x40xi32, #tpu.memory_space<vmem>>, vector<1x16xi32>,
      %mul3A_1054 = arith.constant 40 : i32
      %mul3A_1055 = arith.muli %add3A_959, %mul3A_1054 : i32
      %add3A_1056 = arith.constant 24 : i32
      %add3A_1057 = arith.addi %mul3A_1055, %add3A_1056 : i32
      %get3A_1058 = arith.index_cast %add3A_1057 : i32 to index
      %get3A_1059 = tpu.vector_load %arg9[%get3A_1058] {strides = array<i32>} : memref<5000xi32, #tpu.memory_space<vmem>>, vector<16xi32>,
      %get3A_1060 = vector.shape_cast %get3A_1059 : vector<16xi32> to vector<16xi32>
      %mul3A_1061 = arith.constant 10000 : i32
      %mul3A_1062 = vector.broadcast %mul3A_1061 : i32 to vector<16xi32>
      %mul3A_1063 = arith.muli %get3A_1060, %mul3A_1062 : vector<16xi32>
      %get3A_1064 = arith.index_cast %add3A_1057 : i32 to index
      %get3A_1065 = tpu.vector_load %arg8[%get3A_1064] {strides = array<i32>} : memref<5000xi32, #tpu.memory_space<vmem>>, vector<16xi32>,
      %get3A_1066 = vector.shape_cast %get3A_1065 : vector<16xi32> to vector<16xi32>
      %add3A_1067 = arith.addi %mul3A_1063, %get3A_1066 : vector<16xi32>
      %swap3A_1068 = arith.constant 2 : i32
      %swap3A_1069 = arith.index_cast %swap3A_1068 : i32 to index
      %swap3A_1070 = arith.constant 24 : index
      %swap3A_1071 = tpu.vector_load %arg11[%swap3A_1069, %swap3A_1070] {strides = array<i32>} : memref<5x40xi32, #tpu.memory_space<vmem>>, vector<1x16xi32>,
      %swap3A_1072 = vector.shape_cast %swap3A_1071 : vector<1x16xi32> to vector<16xi32>
      %swap3A_1073 = vector.shape_cast %add3A_1067 : vector<16xi32> to vector<1x16xi32>
      tpu.vector_store %arg11[%swap3A_1069, %swap3A_1070], %swap3A_1073 {strides = array<i32>} : memref<5x40xi32, #tpu.memory_space<vmem>>, vector<1x16xi32>,
      %get3A_1074 = arith.index_cast %add3A_1057 : i32 to index
      %get3A_1075 = tpu.vector_load %arg10[%get3A_1074] {strides = array<i32>} : memref<5000xi32, #tpu.memory_space<vmem>>, vector<16xi32>,
      %get3A_1076 = vector.shape_cast %get3A_1075 : vector<16xi32> to vector<16xi32>
      %swap3A_1077 = arith.constant 2 : i32
      %swap3A_1078 = arith.index_cast %swap3A_1077 : i32 to index
      %swap3A_1079 = arith.constant 24 : index
      %swap3A_1080 = tpu.vector_load %arg12[%swap3A_1078, %swap3A_1079] {strides = array<i32>} : memref<5x40xi32, #tpu.memory_space<vmem>>, vector<1x16xi32>,
      %swap3A_1081 = vector.shape_cast %swap3A_1080 : vector<1x16xi32> to vector<16xi32>
      %swap3A_1082 = vector.shape_cast %get3A_1076 : vector<16xi32> to vector<1x16xi32>
      tpu.vector_store %arg12[%swap3A_1078, %swap3A_1079], %swap3A_1082 {strides = array<i32>} : memref<5x40xi32, #tpu.memory_space<vmem>>, vector<1x16xi32>,
      %dma_start3A_1083 = arith.constant 2 : i32
      %dma_start3A_1084 = arith.constant 2 : i32
      %dma_start3A_1085 = arith.constant 0 : i32
      %dma_start3A_1086 = arith.constant 0 : i32
      %dma_start3A_1087 = tpu.memref_slice %arg13[%dma_start3A_1084, %dma_start3A_1085, %dma_start3A_1086] : memref<5x40x128xf32, #tpu.memory_space<vmem>> -> memref<1x40x128xf32, #tpu.memory_space<vmem>>
      %dma_start3A_1088 = tpu.memref_squeeze %dma_start3A_1087 : memref<1x40x128xf32, #tpu.memory_space<vmem>> -> memref<40x128xf32, #tpu.memory_space<vmem>>
      %dma_start3A_1089 = arith.constant 0 : i32
      %dma_start3A_1090 = tpu.memref_slice %arg11[%dma_start3A_1083, %dma_start3A_1089] : memref<5x40xi32, #tpu.memory_space<vmem>> -> memref<1x40xi32, #tpu.memory_space<vmem>>
      %dma_start3A_1091 = tpu.memref_squeeze %dma_start3A_1090 : memref<1x40xi32, #tpu.memory_space<vmem>> -> memref<40xi32, #tpu.memory_space<vmem>>
      %dma_start3A_1092 = arith.constant 0 : i32
      %dma_start3A_1093 = arith.constant 0 : i32
      %dma_start3A_1094 = tpu.memref_slice %arg2[%dma_start3A_1092, %dma_start3A_1093] : memref<80000x128xf32, #tpu.memory_space<hbm>> -> memref<80000x128xf32, #tpu.memory_space<hbm>>
      tpu.enqueue_indirect_dma source(%dma_start3A_1094 : memref<80000x128xf32, #tpu.memory_space<hbm>>) target(%dma_start3A_1088 : memref<40x128xf32, #tpu.memory_space<vmem>>) offsets(%dma_start3A_1091 : memref<40xi32, #tpu.memory_space<vmem>>) semaphore(%arg17 : memref<!tpu.dma_semaphore, #tpu.memory_space<semaphore_mem>>)
      %add3A_1095 = arith.constant 3 : i32
      %add3A_1096 = arith.addi %add3A_683, %add3A_1095 : i32
      %dma_wait3A_1097 = arith.constant 4 : i32
      %dma_wait3A_1098 = arith.constant 4 : i32
      %dma_wait3A_1099 = arith.constant 0 : i32
      %dma_wait3A_1100 = arith.constant 0 : i32
      %dma_wait3A_1101 = tpu.memref_slice %arg13[%dma_wait3A_1098, %dma_wait3A_1099, %dma_wait3A_1100] : memref<5x40x128xf32, #tpu.memory_space<vmem>> -> memref<1x40x128xf32, #tpu.memory_space<vmem>>
      %dma_wait3A_1102 = tpu.memref_squeeze %dma_wait3A_1101 : memref<1x40x128xf32, #tpu.memory_space<vmem>> -> memref<40x128xf32, #tpu.memory_space<vmem>>
      %dma_wait3A_1103 = arith.constant 0 : i32
      %dma_wait3A_1104 = tpu.memref_slice %arg11[%dma_wait3A_1097, %dma_wait3A_1103] : memref<5x40xi32, #tpu.memory_space<vmem>> -> memref<1x40xi32, #tpu.memory_space<vmem>>
      %dma_wait3A_1105 = tpu.memref_squeeze %dma_wait3A_1104 : memref<1x40xi32, #tpu.memory_space<vmem>> -> memref<40xi32, #tpu.memory_space<vmem>>
      %dma_wait3A_1106 = arith.constant 0 : i32
      %dma_wait3A_1107 = arith.constant 0 : i32
      %dma_wait3A_1108 = tpu.memref_slice %arg2[%dma_wait3A_1106, %dma_wait3A_1107] : memref<80000x128xf32, #tpu.memory_space<hbm>> -> memref<80000x128xf32, #tpu.memory_space<hbm>>
      tpu.wait_indirect_dma semaphore(%arg19 : memref<!tpu.dma_semaphore, #tpu.memory_space<semaphore_mem>>) src(%dma_wait3A_1108 : memref<80000x128xf32, #tpu.memory_space<hbm>>) dst(%dma_wait3A_1102 : memref<40x128xf32, #tpu.memory_space<vmem>>)
      %dma_start3A_1109 = arith.constant 4 : i32
      %dma_start3A_1110 = arith.constant 4 : i32
      %dma_start3A_1111 = arith.constant 0 : i32
      %dma_start3A_1112 = arith.constant 0 : i32
      %dma_start3A_1113 = tpu.memref_slice %arg13[%dma_start3A_1109, %dma_start3A_1111, %dma_start3A_1112] : memref<5x40x128xf32, #tpu.memory_space<vmem>> -> memref<1x40x128xf32, #tpu.memory_space<vmem>>
      %dma_start3A_1114 = tpu.memref_squeeze %dma_start3A_1113 : memref<1x40x128xf32, #tpu.memory_space<vmem>> -> memref<40x128xf32, #tpu.memory_space<vmem>>
      %dma_start3A_1115 = arith.constant 0 : i32
      %dma_start3A_1116 = tpu.memref_slice %arg12[%dma_start3A_1110, %dma_start3A_1115] : memref<5x40xi32, #tpu.memory_space<vmem>> -> memref<1x40xi32, #tpu.memory_space<vmem>>
      %dma_start3A_1117 = tpu.memref_squeeze %dma_start3A_1116 : memref<1x40xi32, #tpu.memory_space<vmem>> -> memref<40xi32, #tpu.memory_space<vmem>>
      %dma_start3A_1118 = arith.constant 0 : i32
      %dma_start3A_1119 = arith.constant 0 : i32
      %dma_start3A_1120 = tpu.memref_slice %arg7[%dma_start3A_1118, %dma_start3A_1119] : memref<10000x128xf32, #tpu.memory_space<vmem_shared>> -> memref<10000x128xf32, #tpu.memory_space<vmem_shared>>
      tpu.enqueue_indirect_dma source(%dma_start3A_1114 : memref<40x128xf32, #tpu.memory_space<vmem>>) target(%dma_start3A_1120 : memref<10000x128xf32, #tpu.memory_space<vmem_shared>>) offsets(%dma_start3A_1117 : memref<40xi32, #tpu.memory_space<vmem>>) semaphore(%arg24 : memref<!tpu.dma_semaphore, #tpu.memory_space<semaphore_mem>>) {add = true}
      %dma_wait3A_1121 = arith.constant 3 : i32
      %dma_wait3A_1122 = arith.constant 3 : i32
      %dma_wait3A_1123 = arith.constant 0 : i32
      %dma_wait3A_1124 = arith.constant 0 : i32
      %dma_wait3A_1125 = tpu.memref_slice %arg13[%dma_wait3A_1121, %dma_wait3A_1123, %dma_wait3A_1124] : memref<5x40x128xf32, #tpu.memory_space<vmem>> -> memref<1x40x128xf32, #tpu.memory_space<vmem>>
      %dma_wait3A_1126 = tpu.memref_squeeze %dma_wait3A_1125 : memref<1x40x128xf32, #tpu.memory_space<vmem>> -> memref<40x128xf32, #tpu.memory_space<vmem>>
      %dma_wait3A_1127 = arith.constant 0 : i32
      %dma_wait3A_1128 = tpu.memref_slice %arg12[%dma_wait3A_1122, %dma_wait3A_1127] : memref<5x40xi32, #tpu.memory_space<vmem>> -> memref<1x40xi32, #tpu.memory_space<vmem>>
      %dma_wait3A_1129 = tpu.memref_squeeze %dma_wait3A_1128 : memref<1x40xi32, #tpu.memory_space<vmem>> -> memref<40xi32, #tpu.memory_space<vmem>>
      %dma_wait3A_1130 = arith.constant 0 : i32
      %dma_wait3A_1131 = arith.constant 0 : i32
      %dma_wait3A_1132 = tpu.memref_slice %arg7[%dma_wait3A_1130, %dma_wait3A_1131] : memref<10000x128xf32, #tpu.memory_space<vmem_shared>> -> memref<10000x128xf32, #tpu.memory_space<vmem_shared>>
      tpu.wait_indirect_dma semaphore(%arg23 : memref<!tpu.dma_semaphore, #tpu.memory_space<semaphore_mem>>) src(%dma_wait3A_1126 : memref<40x128xf32, #tpu.memory_space<vmem>>) dst(%dma_wait3A_1132 : memref<10000x128xf32, #tpu.memory_space<vmem_shared>>)
      %mul3A_1133 = arith.constant 40 : i32
      %mul3A_1134 = arith.muli %add3A_1096, %mul3A_1133 : i32
      %add3A_1135 = arith.constant 0 : i32
      %add3A_1136 = arith.addi %mul3A_1134, %add3A_1135 : i32
      %get3A_1137 = arith.index_cast %add3A_1136 : i32 to index
      %get3A_1138 = tpu.vector_load %arg9[%get3A_1137] {strides = array<i32>} : memref<5000xi32, #tpu.memory_space<vmem>>, vector<16xi32>,
      %get3A_1139 = vector.shape_cast %get3A_1138 : vector<16xi32> to vector<16xi32>
      %mul3A_1140 = arith.constant 10000 : i32
      %mul3A_1141 = vector.broadcast %mul3A_1140 : i32 to vector<16xi32>
      %mul3A_1142 = arith.muli %get3A_1139, %mul3A_1141 : vector<16xi32>
      %get3A_1143 = arith.index_cast %add3A_1136 : i32 to index
      %get3A_1144 = tpu.vector_load %arg8[%get3A_1143] {strides = array<i32>} : memref<5000xi32, #tpu.memory_space<vmem>>, vector<16xi32>,
      %get3A_1145 = vector.shape_cast %get3A_1144 : vector<16xi32> to vector<16xi32>
      %add3A_1146 = arith.addi %mul3A_1142, %get3A_1145 : vector<16xi32>
      %swap3A_1147 = arith.constant 3 : i32
      %swap3A_1148 = arith.index_cast %swap3A_1147 : i32 to index
      %swap3A_1149 = arith.constant 0 : index
      %swap3A_1150 = tpu.vector_load %arg11[%swap3A_1148, %swap3A_1149] {strides = array<i32>} : memref<5x40xi32, #tpu.memory_space<vmem>>, vector<1x16xi32>,
      %swap3A_1151 = vector.shape_cast %swap3A_1150 : vector<1x16xi32> to vector<16xi32>
      %swap3A_1152 = vector.shape_cast %add3A_1146 : vector<16xi32> to vector<1x16xi32>
      tpu.vector_store %arg11[%swap3A_1148, %swap3A_1149], %swap3A_1152 {strides = array<i32>} : memref<5x40xi32, #tpu.memory_space<vmem>>, vector<1x16xi32>,
      %get3A_1153 = arith.index_cast %add3A_1136 : i32 to index
      %get3A_1154 = tpu.vector_load %arg10[%get3A_1153] {strides = array<i32>} : memref<5000xi32, #tpu.memory_space<vmem>>, vector<16xi32>,
      %get3A_1155 = vector.shape_cast %get3A_1154 : vector<16xi32> to vector<16xi32>
      %swap3A_1156 = arith.constant 3 : i32
      %swap3A_1157 = arith.index_cast %swap3A_1156 : i32 to index
      %swap3A_1158 = arith.constant 0 : index
      %swap3A_1159 = tpu.vector_load %arg12[%swap3A_1157, %swap3A_1158] {strides = array<i32>} : memref<5x40xi32, #tpu.memory_space<vmem>>, vector<1x16xi32>,
      %swap3A_1160 = vector.shape_cast %swap3A_1159 : vector<1x16xi32> to vector<16xi32>
      %swap3A_1161 = vector.shape_cast %get3A_1155 : vector<16xi32> to vector<1x16xi32>
      tpu.vector_store %arg12[%swap3A_1157, %swap3A_1158], %swap3A_1161 {strides = array<i32>} : memref<5x40xi32, #tpu.memory_space<vmem>>, vector<1x16xi32>,
      %mul3A_1162 = arith.constant 40 : i32
      %mul3A_1163 = arith.muli %add3A_1096, %mul3A_1162 : i32
      %add3A_1164 = arith.constant 16 : i32
      %add3A_1165 = arith.addi %mul3A_1163, %add3A_1164 : i32
      %get3A_1166 = arith.index_cast %add3A_1165 : i32 to index
      %get3A_1167 = tpu.vector_load %arg9[%get3A_1166] {strides = array<i32>} : memref<5000xi32, #tpu.memory_space<vmem>>, vector<16xi32>,
      %get3A_1168 = vector.shape_cast %get3A_1167 : vector<16xi32> to vector<16xi32>
      %mul3A_1169 = arith.constant 10000 : i32
      %mul3A_1170 = vector.broadcast %mul3A_1169 : i32 to vector<16xi32>
      %mul3A_1171 = arith.muli %get3A_1168, %mul3A_1170 : vector<16xi32>
      %get3A_1172 = arith.index_cast %add3A_1165 : i32 to index
      %get3A_1173 = tpu.vector_load %arg8[%get3A_1172] {strides = array<i32>} : memref<5000xi32, #tpu.memory_space<vmem>>, vector<16xi32>,
      %get3A_1174 = vector.shape_cast %get3A_1173 : vector<16xi32> to vector<16xi32>
      %add3A_1175 = arith.addi %mul3A_1171, %get3A_1174 : vector<16xi32>
      %swap3A_1176 = arith.constant 3 : i32
      %swap3A_1177 = arith.index_cast %swap3A_1176 : i32 to index
      %swap3A_1178 = arith.constant 16 : index
      %swap3A_1179 = tpu.vector_load %arg11[%swap3A_1177, %swap3A_1178] {strides = array<i32>} : memref<5x40xi32, #tpu.memory_space<vmem>>, vector<1x16xi32>,
      %swap3A_1180 = vector.shape_cast %swap3A_1179 : vector<1x16xi32> to vector<16xi32>
      %swap3A_1181 = vector.shape_cast %add3A_1175 : vector<16xi32> to vector<1x16xi32>
      tpu.vector_store %arg11[%swap3A_1177, %swap3A_1178], %swap3A_1181 {strides = array<i32>} : memref<5x40xi32, #tpu.memory_space<vmem>>, vector<1x16xi32>,
      %get3A_1182 = arith.index_cast %add3A_1165 : i32 to index
      %get3A_1183 = tpu.vector_load %arg10[%get3A_1182] {strides = array<i32>} : memref<5000xi32, #tpu.memory_space<vmem>>, vector<16xi32>,
      %get3A_1184 = vector.shape_cast %get3A_1183 : vector<16xi32> to vector<16xi32>
      %swap3A_1185 = arith.constant 3 : i32
      %swap3A_1186 = arith.index_cast %swap3A_1185 : i32 to index
      %swap3A_1187 = arith.constant 16 : index
      %swap3A_1188 = tpu.vector_load %arg12[%swap3A_1186, %swap3A_1187] {strides = array<i32>} : memref<5x40xi32, #tpu.memory_space<vmem>>, vector<1x16xi32>,
      %swap3A_1189 = vector.shape_cast %swap3A_1188 : vector<1x16xi32> to vector<16xi32>
      %swap3A_1190 = vector.shape_cast %get3A_1184 : vector<16xi32> to vector<1x16xi32>
      tpu.vector_store %arg12[%swap3A_1186, %swap3A_1187], %swap3A_1190 {strides = array<i32>} : memref<5x40xi32, #tpu.memory_space<vmem>>, vector<1x16xi32>,
      %mul3A_1191 = arith.constant 40 : i32
      %mul3A_1192 = arith.muli %add3A_1096, %mul3A_1191 : i32
      %add3A_1193 = arith.constant 24 : i32
      %add3A_1194 = arith.addi %mul3A_1192, %add3A_1193 : i32
      %get3A_1195 = arith.index_cast %add3A_1194 : i32 to index
      %get3A_1196 = tpu.vector_load %arg9[%get3A_1195] {strides = array<i32>} : memref<5000xi32, #tpu.memory_space<vmem>>, vector<16xi32>,
      %get3A_1197 = vector.shape_cast %get3A_1196 : vector<16xi32> to vector<16xi32>
      %mul3A_1198 = arith.constant 10000 : i32
      %mul3A_1199 = vector.broadcast %mul3A_1198 : i32 to vector<16xi32>
      %mul3A_1200 = arith.muli %get3A_1197, %mul3A_1199 : vector<16xi32>
      %get3A_1201 = arith.index_cast %add3A_1194 : i32 to index
      %get3A_1202 = tpu.vector_load %arg8[%get3A_1201] {strides = array<i32>} : memref<5000xi32, #tpu.memory_space<vmem>>, vector<16xi32>,
      %get3A_1203 = vector.shape_cast %get3A_1202 : vector<16xi32> to vector<16xi32>
      %add3A_1204 = arith.addi %mul3A_1200, %get3A_1203 : vector<16xi32>
      %swap3A_1205 = arith.constant 3 : i32
      %swap3A_1206 = arith.index_cast %swap3A_1205 : i32 to index
      %swap3A_1207 = arith.constant 24 : index
      %swap3A_1208 = tpu.vector_load %arg11[%swap3A_1206, %swap3A_1207] {strides = array<i32>} : memref<5x40xi32, #tpu.memory_space<vmem>>, vector<1x16xi32>,
      %swap3A_1209 = vector.shape_cast %swap3A_1208 : vector<1x16xi32> to vector<16xi32>
      %swap3A_1210 = vector.shape_cast %add3A_1204 : vector<16xi32> to vector<1x16xi32>
      tpu.vector_store %arg11[%swap3A_1206, %swap3A_1207], %swap3A_1210 {strides = array<i32>} : memref<5x40xi32, #tpu.memory_space<vmem>>, vector<1x16xi32>,
      %get3A_1211 = arith.index_cast %add3A_1194 : i32 to index
      %get3A_1212 = tpu.vector_load %arg10[%get3A_1211] {strides = array<i32>} : memref<5000xi32, #tpu.memory_space<vmem>>, vector<16xi32>,
      %get3A_1213 = vector.shape_cast %get3A_1212 : vector<16xi32> to vector<16xi32>
      %swap3A_1214 = arith.constant 3 : i32
      %swap3A_1215 = arith.index_cast %swap3A_1214 : i32 to index
      %swap3A_1216 = arith.constant 24 : index
      %swap3A_1217 = tpu.vector_load %arg12[%swap3A_1215, %swap3A_1216] {strides = array<i32>} : memref<5x40xi32, #tpu.memory_space<vmem>>, vector<1x16xi32>,
      %swap3A_1218 = vector.shape_cast %swap3A_1217 : vector<1x16xi32> to vector<16xi32>
      %swap3A_1219 = vector.shape_cast %get3A_1213 : vector<16xi32> to vector<1x16xi32>
      tpu.vector_store %arg12[%swap3A_1215, %swap3A_1216], %swap3A_1219 {strides = array<i32>} : memref<5x40xi32, #tpu.memory_space<vmem>>, vector<1x16xi32>,
      %dma_start3A_1220 = arith.constant 3 : i32
      %dma_start3A_1221 = arith.constant 3 : i32
      %dma_start3A_1222 = arith.constant 0 : i32
      %dma_start3A_1223 = arith.constant 0 : i32
      %dma_start3A_1224 = tpu.memref_slice %arg13[%dma_start3A_1221, %dma_start3A_1222, %dma_start3A_1223] : memref<5x40x128xf32, #tpu.memory_space<vmem>> -> memref<1x40x128xf32, #tpu.memory_space<vmem>>
      %dma_start3A_1225 = tpu.memref_squeeze %dma_start3A_1224 : memref<1x40x128xf32, #tpu.memory_space<vmem>> -> memref<40x128xf32, #tpu.memory_space<vmem>>
      %dma_start3A_1226 = arith.constant 0 : i32
      %dma_start3A_1227 = tpu.memref_slice %arg11[%dma_start3A_1220, %dma_start3A_1226] : memref<5x40xi32, #tpu.memory_space<vmem>> -> memref<1x40xi32, #tpu.memory_space<vmem>>
      %dma_start3A_1228 = tpu.memref_squeeze %dma_start3A_1227 : memref<1x40xi32, #tpu.memory_space<vmem>> -> memref<40xi32, #tpu.memory_space<vmem>>
      %dma_start3A_1229 = arith.constant 0 : i32
      %dma_start3A_1230 = arith.constant 0 : i32
      %dma_start3A_1231 = tpu.memref_slice %arg2[%dma_start3A_1229, %dma_start3A_1230] : memref<80000x128xf32, #tpu.memory_space<hbm>> -> memref<80000x128xf32, #tpu.memory_space<hbm>>
      tpu.enqueue_indirect_dma source(%dma_start3A_1231 : memref<80000x128xf32, #tpu.memory_space<hbm>>) target(%dma_start3A_1225 : memref<40x128xf32, #tpu.memory_space<vmem>>) offsets(%dma_start3A_1228 : memref<40xi32, #tpu.memory_space<vmem>>) semaphore(%arg18 : memref<!tpu.dma_semaphore, #tpu.memory_space<semaphore_mem>>)
      %add3A_1232 = arith.constant 4 : i32
      %add3A_1233 = arith.addi %add3A_683, %add3A_1232 : i32
      %dma_wait3A_1234 = arith.constant 0 : i32
      %dma_wait3A_1235 = arith.constant 0 : i32
      %dma_wait3A_1236 = arith.constant 0 : i32
      %dma_wait3A_1237 = arith.constant 0 : i32
      %dma_wait3A_1238 = tpu.memref_slice %arg13[%dma_wait3A_1235, %dma_wait3A_1236, %dma_wait3A_1237] : memref<5x40x128xf32, #tpu.memory_space<vmem>> -> memref<1x40x128xf32, #tpu.memory_space<vmem>>
      %dma_wait3A_1239 = tpu.memref_squeeze %dma_wait3A_1238 : memref<1x40x128xf32, #tpu.memory_space<vmem>> -> memref<40x128xf32, #tpu.memory_space<vmem>>
      %dma_wait3A_1240 = arith.constant 0 : i32
      %dma_wait3A_1241 = tpu.memref_slice %arg11[%dma_wait3A_1234, %dma_wait3A_1240] : memref<5x40xi32, #tpu.memory_space<vmem>> -> memref<1x40xi32, #tpu.memory_space<vmem>>
      %dma_wait3A_1242 = tpu.memref_squeeze %dma_wait3A_1241 : memref<1x40xi32, #tpu.memory_space<vmem>> -> memref<40xi32, #tpu.memory_space<vmem>>
      %dma_wait3A_1243 = arith.constant 0 : i32
      %dma_wait3A_1244 = arith.constant 0 : i32
      %dma_wait3A_1245 = tpu.memref_slice %arg2[%dma_wait3A_1243, %dma_wait3A_1244] : memref<80000x128xf32, #tpu.memory_space<hbm>> -> memref<80000x128xf32, #tpu.memory_space<hbm>>
      tpu.wait_indirect_dma semaphore(%arg15 : memref<!tpu.dma_semaphore, #tpu.memory_space<semaphore_mem>>) src(%dma_wait3A_1245 : memref<80000x128xf32, #tpu.memory_space<hbm>>) dst(%dma_wait3A_1239 : memref<40x128xf32, #tpu.memory_space<vmem>>)
      %dma_start3A_1246 = arith.constant 0 : i32
      %dma_start3A_1247 = arith.constant 0 : i32
      %dma_start3A_1248 = arith.constant 0 : i32
      %dma_start3A_1249 = arith.constant 0 : i32
      %dma_start3A_1250 = tpu.memref_slice %arg13[%dma_start3A_1246, %dma_start3A_1248, %dma_start3A_1249] : memref<5x40x128xf32, #tpu.memory_space<vmem>> -> memref<1x40x128xf32, #tpu.memory_space<vmem>>
      %dma_start3A_1251 = tpu.memref_squeeze %dma_start3A_1250 : memref<1x40x128xf32, #tpu.memory_space<vmem>> -> memref<40x128xf32, #tpu.memory_space<vmem>>
      %dma_start3A_1252 = arith.constant 0 : i32
      %dma_start3A_1253 = tpu.memref_slice %arg12[%dma_start3A_1247, %dma_start3A_1252] : memref<5x40xi32, #tpu.memory_space<vmem>> -> memref<1x40xi32, #tpu.memory_space<vmem>>
      %dma_start3A_1254 = tpu.memref_squeeze %dma_start3A_1253 : memref<1x40xi32, #tpu.memory_space<vmem>> -> memref<40xi32, #tpu.memory_space<vmem>>
      %dma_start3A_1255 = arith.constant 0 : i32
      %dma_start3A_1256 = arith.constant 0 : i32
      %dma_start3A_1257 = tpu.memref_slice %arg7[%dma_start3A_1255, %dma_start3A_1256] : memref<10000x128xf32, #tpu.memory_space<vmem_shared>> -> memref<10000x128xf32, #tpu.memory_space<vmem_shared>>
      tpu.enqueue_indirect_dma source(%dma_start3A_1251 : memref<40x128xf32, #tpu.memory_space<vmem>>) target(%dma_start3A_1257 : memref<10000x128xf32, #tpu.memory_space<vmem_shared>>) offsets(%dma_start3A_1254 : memref<40xi32, #tpu.memory_space<vmem>>) semaphore(%arg20 : memref<!tpu.dma_semaphore, #tpu.memory_space<semaphore_mem>>) {add = true}
      %dma_wait3A_1258 = arith.constant 4 : i32
      %dma_wait3A_1259 = arith.constant 4 : i32
      %dma_wait3A_1260 = arith.constant 0 : i32
      %dma_wait3A_1261 = arith.constant 0 : i32
      %dma_wait3A_1262 = tpu.memref_slice %arg13[%dma_wait3A_1258, %dma_wait3A_1260, %dma_wait3A_1261] : memref<5x40x128xf32, #tpu.memory_space<vmem>> -> memref<1x40x128xf32, #tpu.memory_space<vmem>>
      %dma_wait3A_1263 = tpu.memref_squeeze %dma_wait3A_1262 : memref<1x40x128xf32, #tpu.memory_space<vmem>> -> memref<40x128xf32, #tpu.memory_space<vmem>>
      %dma_wait3A_1264 = arith.constant 0 : i32
      %dma_wait3A_1265 = tpu.memref_slice %arg12[%dma_wait3A_1259, %dma_wait3A_1264] : memref<5x40xi32, #tpu.memory_space<vmem>> -> memref<1x40xi32, #tpu.memory_space<vmem>>
      %dma_wait3A_1266 = tpu.memref_squeeze %dma_wait3A_1265 : memref<1x40xi32, #tpu.memory_space<vmem>> -> memref<40xi32, #tpu.memory_space<vmem>>
      %dma_wait3A_1267 = arith.constant 0 : i32
      %dma_wait3A_1268 = arith.constant 0 : i32
      %dma_wait3A_1269 = tpu.memref_slice %arg7[%dma_wait3A_1267, %dma_wait3A_1268] : memref<10000x128xf32, #tpu.memory_space<vmem_shared>> -> memref<10000x128xf32, #tpu.memory_space<vmem_shared>>
      tpu.wait_indirect_dma semaphore(%arg24 : memref<!tpu.dma_semaphore, #tpu.memory_space<semaphore_mem>>) src(%dma_wait3A_1263 : memref<40x128xf32, #tpu.memory_space<vmem>>) dst(%dma_wait3A_1269 : memref<10000x128xf32, #tpu.memory_space<vmem_shared>>)
      %mul3A_1270 = arith.constant 40 : i32
      %mul3A_1271 = arith.muli %add3A_1233, %mul3A_1270 : i32
      %add3A_1272 = arith.constant 0 : i32
      %add3A_1273 = arith.addi %mul3A_1271, %add3A_1272 : i32
      %get3A_1274 = arith.index_cast %add3A_1273 : i32 to index
      %get3A_1275 = tpu.vector_load %arg9[%get3A_1274] {strides = array<i32>} : memref<5000xi32, #tpu.memory_space<vmem>>, vector<16xi32>,
      %get3A_1276 = vector.shape_cast %get3A_1275 : vector<16xi32> to vector<16xi32>
      %mul3A_1277 = arith.constant 10000 : i32
      %mul3A_1278 = vector.broadcast %mul3A_1277 : i32 to vector<16xi32>
      %mul3A_1279 = arith.muli %get3A_1276, %mul3A_1278 : vector<16xi32>
      %get3A_1280 = arith.index_cast %add3A_1273 : i32 to index
      %get3A_1281 = tpu.vector_load %arg8[%get3A_1280] {strides = array<i32>} : memref<5000xi32, #tpu.memory_space<vmem>>, vector<16xi32>,
      %get3A_1282 = vector.shape_cast %get3A_1281 : vector<16xi32> to vector<16xi32>
      %add3A_1283 = arith.addi %mul3A_1279, %get3A_1282 : vector<16xi32>
      %swap3A_1284 = arith.constant 4 : i32
      %swap3A_1285 = arith.index_cast %swap3A_1284 : i32 to index
      %swap3A_1286 = arith.constant 0 : index
      %swap3A_1287 = tpu.vector_load %arg11[%swap3A_1285, %swap3A_1286] {strides = array<i32>} : memref<5x40xi32, #tpu.memory_space<vmem>>, vector<1x16xi32>,
      %swap3A_1288 = vector.shape_cast %swap3A_1287 : vector<1x16xi32> to vector<16xi32>
      %swap3A_1289 = vector.shape_cast %add3A_1283 : vector<16xi32> to vector<1x16xi32>
      tpu.vector_store %arg11[%swap3A_1285, %swap3A_1286], %swap3A_1289 {strides = array<i32>} : memref<5x40xi32, #tpu.memory_space<vmem>>, vector<1x16xi32>,
      %get3A_1290 = arith.index_cast %add3A_1273 : i32 to index
      %get3A_1291 = tpu.vector_load %arg10[%get3A_1290] {strides = array<i32>} : memref<5000xi32, #tpu.memory_space<vmem>>, vector<16xi32>,
      %get3A_1292 = vector.shape_cast %get3A_1291 : vector<16xi32> to vector<16xi32>
      %swap3A_1293 = arith.constant 4 : i32
      %swap3A_1294 = arith.index_cast %swap3A_1293 : i32 to index
      %swap3A_1295 = arith.constant 0 : index
      %swap3A_1296 = tpu.vector_load %arg12[%swap3A_1294, %swap3A_1295] {strides = array<i32>} : memref<5x40xi32, #tpu.memory_space<vmem>>, vector<1x16xi32>,
      %swap3A_1297 = vector.shape_cast %swap3A_1296 : vector<1x16xi32> to vector<16xi32>
      %swap3A_1298 = vector.shape_cast %get3A_1292 : vector<16xi32> to vector<1x16xi32>
      tpu.vector_store %arg12[%swap3A_1294, %swap3A_1295], %swap3A_1298 {strides = array<i32>} : memref<5x40xi32, #tpu.memory_space<vmem>>, vector<1x16xi32>,
      %mul3A_1299 = arith.constant 40 : i32
      %mul3A_1300 = arith.muli %add3A_1233, %mul3A_1299 : i32
      %add3A_1301 = arith.constant 16 : i32
      %add3A_1302 = arith.addi %mul3A_1300, %add3A_1301 : i32
      %get3A_1303 = arith.index_cast %add3A_1302 : i32 to index
      %get3A_1304 = tpu.vector_load %arg9[%get3A_1303] {strides = array<i32>} : memref<5000xi32, #tpu.memory_space<vmem>>, vector<16xi32>,
      %get3A_1305 = vector.shape_cast %get3A_1304 : vector<16xi32> to vector<16xi32>
      %mul3A_1306 = arith.constant 10000 : i32
      %mul3A_1307 = vector.broadcast %mul3A_1306 : i32 to vector<16xi32>
      %mul3A_1308 = arith.muli %get3A_1305, %mul3A_1307 : vector<16xi32>
      %get3A_1309 = arith.index_cast %add3A_1302 : i32 to index
      %get3A_1310 = tpu.vector_load %arg8[%get3A_1309] {strides = array<i32>} : memref<5000xi32, #tpu.memory_space<vmem>>, vector<16xi32>,
      %get3A_1311 = vector.shape_cast %get3A_1310 : vector<16xi32> to vector<16xi32>
      %add3A_1312 = arith.addi %mul3A_1308, %get3A_1311 : vector<16xi32>
      %swap3A_1313 = arith.constant 4 : i32
      %swap3A_1314 = arith.index_cast %swap3A_1313 : i32 to index
      %swap3A_1315 = arith.constant 16 : index
      %swap3A_1316 = tpu.vector_load %arg11[%swap3A_1314, %swap3A_1315] {strides = array<i32>} : memref<5x40xi32, #tpu.memory_space<vmem>>, vector<1x16xi32>,
      %swap3A_1317 = vector.shape_cast %swap3A_1316 : vector<1x16xi32> to vector<16xi32>
      %swap3A_1318 = vector.shape_cast %add3A_1312 : vector<16xi32> to vector<1x16xi32>
      tpu.vector_store %arg11[%swap3A_1314, %swap3A_1315], %swap3A_1318 {strides = array<i32>} : memref<5x40xi32, #tpu.memory_space<vmem>>, vector<1x16xi32>,
      %get3A_1319 = arith.index_cast %add3A_1302 : i32 to index
      %get3A_1320 = tpu.vector_load %arg10[%get3A_1319] {strides = array<i32>} : memref<5000xi32, #tpu.memory_space<vmem>>, vector<16xi32>,
      %get3A_1321 = vector.shape_cast %get3A_1320 : vector<16xi32> to vector<16xi32>
      %swap3A_1322 = arith.constant 4 : i32
      %swap3A_1323 = arith.index_cast %swap3A_1322 : i32 to index
      %swap3A_1324 = arith.constant 16 : index
      %swap3A_1325 = tpu.vector_load %arg12[%swap3A_1323, %swap3A_1324] {strides = array<i32>} : memref<5x40xi32, #tpu.memory_space<vmem>>, vector<1x16xi32>,
      %swap3A_1326 = vector.shape_cast %swap3A_1325 : vector<1x16xi32> to vector<16xi32>
      %swap3A_1327 = vector.shape_cast %get3A_1321 : vector<16xi32> to vector<1x16xi32>
      tpu.vector_store %arg12[%swap3A_1323, %swap3A_1324], %swap3A_1327 {strides = array<i32>} : memref<5x40xi32, #tpu.memory_space<vmem>>, vector<1x16xi32>,
      %mul3A_1328 = arith.constant 40 : i32
      %mul3A_1329 = arith.muli %add3A_1233, %mul3A_1328 : i32
      %add3A_1330 = arith.constant 24 : i32
      %add3A_1331 = arith.addi %mul3A_1329, %add3A_1330 : i32
      %get3A_1332 = arith.index_cast %add3A_1331 : i32 to index
      %get3A_1333 = tpu.vector_load %arg9[%get3A_1332] {strides = array<i32>} : memref<5000xi32, #tpu.memory_space<vmem>>, vector<16xi32>,
      %get3A_1334 = vector.shape_cast %get3A_1333 : vector<16xi32> to vector<16xi32>
      %mul3A_1335 = arith.constant 10000 : i32
      %mul3A_1336 = vector.broadcast %mul3A_1335 : i32 to vector<16xi32>
      %mul3A_1337 = arith.muli %get3A_1334, %mul3A_1336 : vector<16xi32>
      %get3A_1338 = arith.index_cast %add3A_1331 : i32 to index
      %get3A_1339 = tpu.vector_load %arg8[%get3A_1338] {strides = array<i32>} : memref<5000xi32, #tpu.memory_space<vmem>>, vector<16xi32>,
      %get3A_1340 = vector.shape_cast %get3A_1339 : vector<16xi32> to vector<16xi32>
      %add3A_1341 = arith.addi %mul3A_1337, %get3A_1340 : vector<16xi32>
      %swap3A_1342 = arith.constant 4 : i32
      %swap3A_1343 = arith.index_cast %swap3A_1342 : i32 to index
      %swap3A_1344 = arith.constant 24 : index
      %swap3A_1345 = tpu.vector_load %arg11[%swap3A_1343, %swap3A_1344] {strides = array<i32>} : memref<5x40xi32, #tpu.memory_space<vmem>>, vector<1x16xi32>,
      %swap3A_1346 = vector.shape_cast %swap3A_1345 : vector<1x16xi32> to vector<16xi32>
      %swap3A_1347 = vector.shape_cast %add3A_1341 : vector<16xi32> to vector<1x16xi32>
      tpu.vector_store %arg11[%swap3A_1343, %swap3A_1344], %swap3A_1347 {strides = array<i32>} : memref<5x40xi32, #tpu.memory_space<vmem>>, vector<1x16xi32>,
      %get3A_1348 = arith.index_cast %add3A_1331 : i32 to index
      %get3A_1349 = tpu.vector_load %arg10[%get3A_1348] {strides = array<i32>} : memref<5000xi32, #tpu.memory_space<vmem>>, vector<16xi32>,
      %get3A_1350 = vector.shape_cast %get3A_1349 : vector<16xi32> to vector<16xi32>
      %swap3A_1351 = arith.constant 4 : i32
      %swap3A_1352 = arith.index_cast %swap3A_1351 : i32 to index
      %swap3A_1353 = arith.constant 24 : index
      %swap3A_1354 = tpu.vector_load %arg12[%swap3A_1352, %swap3A_1353] {strides = array<i32>} : memref<5x40xi32, #tpu.memory_space<vmem>>, vector<1x16xi32>,
      %swap3A_1355 = vector.shape_cast %swap3A_1354 : vector<1x16xi32> to vector<16xi32>
      %swap3A_1356 = vector.shape_cast %get3A_1350 : vector<16xi32> to vector<1x16xi32>
      tpu.vector_store %arg12[%swap3A_1352, %swap3A_1353], %swap3A_1356 {strides = array<i32>} : memref<5x40xi32, #tpu.memory_space<vmem>>, vector<1x16xi32>,
      %dma_start3A_1357 = arith.constant 4 : i32
      %dma_start3A_1358 = arith.constant 4 : i32
      %dma_start3A_1359 = arith.constant 0 : i32
      %dma_start3A_1360 = arith.constant 0 : i32
      %dma_start3A_1361 = tpu.memref_slice %arg13[%dma_start3A_1358, %dma_start3A_1359, %dma_start3A_1360] : memref<5x40x128xf32, #tpu.memory_space<vmem>> -> memref<1x40x128xf32, #tpu.memory_space<vmem>>
      %dma_start3A_1362 = tpu.memref_squeeze %dma_start3A_1361 : memref<1x40x128xf32, #tpu.memory_space<vmem>> -> memref<40x128xf32, #tpu.memory_space<vmem>>
      %dma_start3A_1363 = arith.constant 0 : i32
      %dma_start3A_1364 = tpu.memref_slice %arg11[%dma_start3A_1357, %dma_start3A_1363] : memref<5x40xi32, #tpu.memory_space<vmem>> -> memref<1x40xi32, #tpu.memory_space<vmem>>
      %dma_start3A_1365 = tpu.memref_squeeze %dma_start3A_1364 : memref<1x40xi32, #tpu.memory_space<vmem>> -> memref<40xi32, #tpu.memory_space<vmem>>
      %dma_start3A_1366 = arith.constant 0 : i32
      %dma_start3A_1367 = arith.constant 0 : i32
      %dma_start3A_1368 = tpu.memref_slice %arg2[%dma_start3A_1366, %dma_start3A_1367] : memref<80000x128xf32, #tpu.memory_space<hbm>> -> memref<80000x128xf32, #tpu.memory_space<hbm>>
      tpu.enqueue_indirect_dma source(%dma_start3A_1368 : memref<80000x128xf32, #tpu.memory_space<hbm>>) target(%dma_start3A_1362 : memref<40x128xf32, #tpu.memory_space<vmem>>) offsets(%dma_start3A_1365 : memref<40xi32, #tpu.memory_space<vmem>>) semaphore(%arg19 : memref<!tpu.dma_semaphore, #tpu.memory_space<semaphore_mem>>)
    }
    %scan3A_511 = arith.constant 24 : i32
    %dma_wait3A_512 = arith.constant 1 : i32
    %dma_wait3A_513 = arith.constant 1 : i32
    %dma_wait3A_514 = arith.constant 0 : i32
    %dma_wait3A_515 = arith.constant 0 : i32
    %dma_wait3A_516 = tpu.memref_slice %arg13[%dma_wait3A_513, %dma_wait3A_514, %dma_wait3A_515] : memref<5x40x128xf32, #tpu.memory_space<vmem>> -> memref<1x40x128xf32, #tpu.memory_space<vmem>>
    %dma_wait3A_517 = tpu.memref_squeeze %dma_wait3A_516 : memref<1x40x128xf32, #tpu.memory_space<vmem>> -> memref<40x128xf32, #tpu.memory_space<vmem>>
    %dma_wait3A_518 = arith.constant 0 : i32
    %dma_wait3A_519 = tpu.memref_slice %arg11[%dma_wait3A_512, %dma_wait3A_518] : memref<5x40xi32, #tpu.memory_space<vmem>> -> memref<1x40xi32, #tpu.memory_space<vmem>>
    %dma_wait3A_520 = tpu.memref_squeeze %dma_wait3A_519 : memref<1x40xi32, #tpu.memory_space<vmem>> -> memref<40xi32, #tpu.memory_space<vmem>>
    %dma_wait3A_521 = arith.constant 0 : i32
    %dma_wait3A_522 = arith.constant 0 : i32
    %dma_wait3A_523 = tpu.memref_slice %arg2[%dma_wait3A_521, %dma_wait3A_522] : memref<80000x128xf32, #tpu.memory_space<hbm>> -> memref<80000x128xf32, #tpu.memory_space<hbm>>
    tpu.wait_indirect_dma semaphore(%arg16 : memref<!tpu.dma_semaphore, #tpu.memory_space<semaphore_mem>>) src(%dma_wait3A_523 : memref<80000x128xf32, #tpu.memory_space<hbm>>) dst(%dma_wait3A_517 : memref<40x128xf32, #tpu.memory_space<vmem>>)
    %dma_start3A_524 = arith.constant 1 : i32
    %dma_start3A_525 = arith.constant 1 : i32
    %dma_start3A_526 = arith.constant 0 : i32
    %dma_start3A_527 = arith.constant 0 : i32
    %dma_start3A_528 = tpu.memref_slice %arg13[%dma_start3A_524, %dma_start3A_526, %dma_start3A_527] : memref<5x40x128xf32, #tpu.memory_space<vmem>> -> memref<1x40x128xf32, #tpu.memory_space<vmem>>
    %dma_start3A_529 = tpu.memref_squeeze %dma_start3A_528 : memref<1x40x128xf32, #tpu.memory_space<vmem>> -> memref<40x128xf32, #tpu.memory_space<vmem>>
    %dma_start3A_530 = arith.constant 0 : i32
    %dma_start3A_531 = tpu.memref_slice %arg12[%dma_start3A_525, %dma_start3A_530] : memref<5x40xi32, #tpu.memory_space<vmem>> -> memref<1x40xi32, #tpu.memory_space<vmem>>
    %dma_start3A_532 = tpu.memref_squeeze %dma_start3A_531 : memref<1x40xi32, #tpu.memory_space<vmem>> -> memref<40xi32, #tpu.memory_space<vmem>>
    %dma_start3A_533 = arith.constant 0 : i32
    %dma_start3A_534 = arith.constant 0 : i32
    %dma_start3A_535 = tpu.memref_slice %arg7[%dma_start3A_533, %dma_start3A_534] : memref<10000x128xf32, #tpu.memory_space<vmem_shared>> -> memref<10000x128xf32, #tpu.memory_space<vmem_shared>>
    tpu.enqueue_indirect_dma source(%dma_start3A_529 : memref<40x128xf32, #tpu.memory_space<vmem>>) target(%dma_start3A_535 : memref<10000x128xf32, #tpu.memory_space<vmem_shared>>) offsets(%dma_start3A_532 : memref<40xi32, #tpu.memory_space<vmem>>) semaphore(%arg21 : memref<!tpu.dma_semaphore, #tpu.memory_space<semaphore_mem>>) {add = true}
    %dma_wait3A_536 = arith.constant 2 : i32
    %dma_wait3A_537 = arith.constant 2 : i32
    %dma_wait3A_538 = arith.constant 0 : i32
    %dma_wait3A_539 = arith.constant 0 : i32
    %dma_wait3A_540 = tpu.memref_slice %arg13[%dma_wait3A_537, %dma_wait3A_538, %dma_wait3A_539] : memref<5x40x128xf32, #tpu.memory_space<vmem>> -> memref<1x40x128xf32, #tpu.memory_space<vmem>>
    %dma_wait3A_541 = tpu.memref_squeeze %dma_wait3A_540 : memref<1x40x128xf32, #tpu.memory_space<vmem>> -> memref<40x128xf32, #tpu.memory_space<vmem>>
    %dma_wait3A_542 = arith.constant 0 : i32
    %dma_wait3A_543 = tpu.memref_slice %arg11[%dma_wait3A_536, %dma_wait3A_542] : memref<5x40xi32, #tpu.memory_space<vmem>> -> memref<1x40xi32, #tpu.memory_space<vmem>>
    %dma_wait3A_544 = tpu.memref_squeeze %dma_wait3A_543 : memref<1x40xi32, #tpu.memory_space<vmem>> -> memref<40xi32, #tpu.memory_space<vmem>>
    %dma_wait3A_545 = arith.constant 0 : i32
    %dma_wait3A_546 = arith.constant 0 : i32
    %dma_wait3A_547 = tpu.memref_slice %arg2[%dma_wait3A_545, %dma_wait3A_546] : memref<80000x128xf32, #tpu.memory_space<hbm>> -> memref<80000x128xf32, #tpu.memory_space<hbm>>
    tpu.wait_indirect_dma semaphore(%arg17 : memref<!tpu.dma_semaphore, #tpu.memory_space<semaphore_mem>>) src(%dma_wait3A_547 : memref<80000x128xf32, #tpu.memory_space<hbm>>) dst(%dma_wait3A_541 : memref<40x128xf32, #tpu.memory_space<vmem>>)
    %dma_start3A_548 = arith.constant 2 : i32
    %dma_start3A_549 = arith.constant 2 : i32
    %dma_start3A_550 = arith.constant 0 : i32
    %dma_start3A_551 = arith.constant 0 : i32
    %dma_start3A_552 = tpu.memref_slice %arg13[%dma_start3A_548, %dma_start3A_550, %dma_start3A_551] : memref<5x40x128xf32, #tpu.memory_space<vmem>> -> memref<1x40x128xf32, #tpu.memory_space<vmem>>
    %dma_start3A_553 = tpu.memref_squeeze %dma_start3A_552 : memref<1x40x128xf32, #tpu.memory_space<vmem>> -> memref<40x128xf32, #tpu.memory_space<vmem>>
    %dma_start3A_554 = arith.constant 0 : i32
    %dma_start3A_555 = tpu.memref_slice %arg12[%dma_start3A_549, %dma_start3A_554] : memref<5x40xi32, #tpu.memory_space<vmem>> -> memref<1x40xi32, #tpu.memory_space<vmem>>
    %dma_start3A_556 = tpu.memref_squeeze %dma_start3A_555 : memref<1x40xi32, #tpu.memory_space<vmem>> -> memref<40xi32, #tpu.memory_space<vmem>>
    %dma_start3A_557 = arith.constant 0 : i32
    %dma_start3A_558 = arith.constant 0 : i32
    %dma_start3A_559 = tpu.memref_slice %arg7[%dma_start3A_557, %dma_start3A_558] : memref<10000x128xf32, #tpu.memory_space<vmem_shared>> -> memref<10000x128xf32, #tpu.memory_space<vmem_shared>>
    tpu.enqueue_indirect_dma source(%dma_start3A_553 : memref<40x128xf32, #tpu.memory_space<vmem>>) target(%dma_start3A_559 : memref<10000x128xf32, #tpu.memory_space<vmem_shared>>) offsets(%dma_start3A_556 : memref<40xi32, #tpu.memory_space<vmem>>) semaphore(%arg22 : memref<!tpu.dma_semaphore, #tpu.memory_space<semaphore_mem>>) {add = true}
    %dma_wait3A_560 = arith.constant 3 : i32
    %dma_wait3A_561 = arith.constant 3 : i32
    %dma_wait3A_562 = arith.constant 0 : i32
    %dma_wait3A_563 = arith.constant 0 : i32
    %dma_wait3A_564 = tpu.memref_slice %arg13[%dma_wait3A_561, %dma_wait3A_562, %dma_wait3A_563] : memref<5x40x128xf32, #tpu.memory_space<vmem>> -> memref<1x40x128xf32, #tpu.memory_space<vmem>>
    %dma_wait3A_565 = tpu.memref_squeeze %dma_wait3A_564 : memref<1x40x128xf32, #tpu.memory_space<vmem>> -> memref<40x128xf32, #tpu.memory_space<vmem>>
    %dma_wait3A_566 = arith.constant 0 : i32
    %dma_wait3A_567 = tpu.memref_slice %arg11[%dma_wait3A_560, %dma_wait3A_566] : memref<5x40xi32, #tpu.memory_space<vmem>> -> memref<1x40xi32, #tpu.memory_space<vmem>>
    %dma_wait3A_568 = tpu.memref_squeeze %dma_wait3A_567 : memref<1x40xi32, #tpu.memory_space<vmem>> -> memref<40xi32, #tpu.memory_space<vmem>>
    %dma_wait3A_569 = arith.constant 0 : i32
    %dma_wait3A_570 = arith.constant 0 : i32
    %dma_wait3A_571 = tpu.memref_slice %arg2[%dma_wait3A_569, %dma_wait3A_570] : memref<80000x128xf32, #tpu.memory_space<hbm>> -> memref<80000x128xf32, #tpu.memory_space<hbm>>
    tpu.wait_indirect_dma semaphore(%arg18 : memref<!tpu.dma_semaphore, #tpu.memory_space<semaphore_mem>>) src(%dma_wait3A_571 : memref<80000x128xf32, #tpu.memory_space<hbm>>) dst(%dma_wait3A_565 : memref<40x128xf32, #tpu.memory_space<vmem>>)
    %dma_start3A_572 = arith.constant 3 : i32
    %dma_start3A_573 = arith.constant 3 : i32
    %dma_start3A_574 = arith.constant 0 : i32
    %dma_start3A_575 = arith.constant 0 : i32
    %dma_start3A_576 = tpu.memref_slice %arg13[%dma_start3A_572, %dma_start3A_574, %dma_start3A_575] : memref<5x40x128xf32, #tpu.memory_space<vmem>> -> memref<1x40x128xf32, #tpu.memory_space<vmem>>
    %dma_start3A_577 = tpu.memref_squeeze %dma_start3A_576 : memref<1x40x128xf32, #tpu.memory_space<vmem>> -> memref<40x128xf32, #tpu.memory_space<vmem>>
    %dma_start3A_578 = arith.constant 0 : i32
    %dma_start3A_579 = tpu.memref_slice %arg12[%dma_start3A_573, %dma_start3A_578] : memref<5x40xi32, #tpu.memory_space<vmem>> -> memref<1x40xi32, #tpu.memory_space<vmem>>
    %dma_start3A_580 = tpu.memref_squeeze %dma_start3A_579 : memref<1x40xi32, #tpu.memory_space<vmem>> -> memref<40xi32, #tpu.memory_space<vmem>>
    %dma_start3A_581 = arith.constant 0 : i32
    %dma_start3A_582 = arith.constant 0 : i32
    %dma_start3A_583 = tpu.memref_slice %arg7[%dma_start3A_581, %dma_start3A_582] : memref<10000x128xf32, #tpu.memory_space<vmem_shared>> -> memref<10000x128xf32, #tpu.memory_space<vmem_shared>>
    tpu.enqueue_indirect_dma source(%dma_start3A_577 : memref<40x128xf32, #tpu.memory_space<vmem>>) target(%dma_start3A_583 : memref<10000x128xf32, #tpu.memory_space<vmem_shared>>) offsets(%dma_start3A_580 : memref<40xi32, #tpu.memory_space<vmem>>) semaphore(%arg23 : memref<!tpu.dma_semaphore, #tpu.memory_space<semaphore_mem>>) {add = true}
    %dma_wait3A_584 = arith.constant 4 : i32
    %dma_wait3A_585 = arith.constant 4 : i32
    %dma_wait3A_586 = arith.constant 0 : i32
    %dma_wait3A_587 = arith.constant 0 : i32
    %dma_wait3A_588 = tpu.memref_slice %arg13[%dma_wait3A_585, %dma_wait3A_586, %dma_wait3A_587] : memref<5x40x128xf32, #tpu.memory_space<vmem>> -> memref<1x40x128xf32, #tpu.memory_space<vmem>>
    %dma_wait3A_589 = tpu.memref_squeeze %dma_wait3A_588 : memref<1x40x128xf32, #tpu.memory_space<vmem>> -> memref<40x128xf32, #tpu.memory_space<vmem>>
    %dma_wait3A_590 = arith.constant 0 : i32
    %dma_wait3A_591 = tpu.memref_slice %arg11[%dma_wait3A_584, %dma_wait3A_590] : memref<5x40xi32, #tpu.memory_space<vmem>> -> memref<1x40xi32, #tpu.memory_space<vmem>>
    %dma_wait3A_592 = tpu.memref_squeeze %dma_wait3A_591 : memref<1x40xi32, #tpu.memory_space<vmem>> -> memref<40xi32, #tpu.memory_space<vmem>>
    %dma_wait3A_593 = arith.constant 0 : i32
    %dma_wait3A_594 = arith.constant 0 : i32
    %dma_wait3A_595 = tpu.memref_slice %arg2[%dma_wait3A_593, %dma_wait3A_594] : memref<80000x128xf32, #tpu.memory_space<hbm>> -> memref<80000x128xf32, #tpu.memory_space<hbm>>
    tpu.wait_indirect_dma semaphore(%arg19 : memref<!tpu.dma_semaphore, #tpu.memory_space<semaphore_mem>>) src(%dma_wait3A_595 : memref<80000x128xf32, #tpu.memory_space<hbm>>) dst(%dma_wait3A_589 : memref<40x128xf32, #tpu.memory_space<vmem>>)
    %dma_start3A_596 = arith.constant 4 : i32
    %dma_start3A_597 = arith.constant 4 : i32
    %dma_start3A_598 = arith.constant 0 : i32
    %dma_start3A_599 = arith.constant 0 : i32
    %dma_start3A_600 = tpu.memref_slice %arg13[%dma_start3A_596, %dma_start3A_598, %dma_start3A_599] : memref<5x40x128xf32, #tpu.memory_space<vmem>> -> memref<1x40x128xf32, #tpu.memory_space<vmem>>
    %dma_start3A_601 = tpu.memref_squeeze %dma_start3A_600 : memref<1x40x128xf32, #tpu.memory_space<vmem>> -> memref<40x128xf32, #tpu.memory_space<vmem>>
    %dma_start3A_602 = arith.constant 0 : i32
    %dma_start3A_603 = tpu.memref_slice %arg12[%dma_start3A_597, %dma_start3A_602] : memref<5x40xi32, #tpu.memory_space<vmem>> -> memref<1x40xi32, #tpu.memory_space<vmem>>
    %dma_start3A_604 = tpu.memref_squeeze %dma_start3A_603 : memref<1x40xi32, #tpu.memory_space<vmem>> -> memref<40xi32, #tpu.memory_space<vmem>>
    %dma_start3A_605 = arith.constant 0 : i32
    %dma_start3A_606 = arith.constant 0 : i32
    %dma_start3A_607 = tpu.memref_slice %arg7[%dma_start3A_605, %dma_start3A_606] : memref<10000x128xf32, #tpu.memory_space<vmem_shared>> -> memref<10000x128xf32, #tpu.memory_space<vmem_shared>>
    tpu.enqueue_indirect_dma source(%dma_start3A_601 : memref<40x128xf32, #tpu.memory_space<vmem>>) target(%dma_start3A_607 : memref<10000x128xf32, #tpu.memory_space<vmem_shared>>) offsets(%dma_start3A_604 : memref<40xi32, #tpu.memory_space<vmem>>) semaphore(%arg24 : memref<!tpu.dma_semaphore, #tpu.memory_space<semaphore_mem>>) {add = true}
    %dma_wait3A_608 = arith.constant 0 : i32
    %dma_wait3A_609 = arith.constant 0 : i32
    %dma_wait3A_610 = arith.constant 0 : i32
    %dma_wait3A_611 = arith.constant 0 : i32
    %dma_wait3A_612 = tpu.memref_slice %arg13[%dma_wait3A_608, %dma_wait3A_610, %dma_wait3A_611] : memref<5x40x128xf32, #tpu.memory_space<vmem>> -> memref<1x40x128xf32, #tpu.memory_space<vmem>>
    %dma_wait3A_613 = tpu.memref_squeeze %dma_wait3A_612 : memref<1x40x128xf32, #tpu.memory_space<vmem>> -> memref<40x128xf32, #tpu.memory_space<vmem>>
    %dma_wait3A_614 = arith.constant 0 : i32
    %dma_wait3A_615 = tpu.memref_slice %arg12[%dma_wait3A_609, %dma_wait3A_614] : memref<5x40xi32, #tpu.memory_space<vmem>> -> memref<1x40xi32, #tpu.memory_space<vmem>>
    %dma_wait3A_616 = tpu.memref_squeeze %dma_wait3A_615 : memref<1x40xi32, #tpu.memory_space<vmem>> -> memref<40xi32, #tpu.memory_space<vmem>>
    %dma_wait3A_617 = arith.constant 0 : i32
    %dma_wait3A_618 = arith.constant 0 : i32
    %dma_wait3A_619 = tpu.memref_slice %arg7[%dma_wait3A_617, %dma_wait3A_618] : memref<10000x128xf32, #tpu.memory_space<vmem_shared>> -> memref<10000x128xf32, #tpu.memory_space<vmem_shared>>
    tpu.wait_indirect_dma semaphore(%arg20 : memref<!tpu.dma_semaphore, #tpu.memory_space<semaphore_mem>>) src(%dma_wait3A_613 : memref<40x128xf32, #tpu.memory_space<vmem>>) dst(%dma_wait3A_619 : memref<10000x128xf32, #tpu.memory_space<vmem_shared>>)
    %dma_wait3A_620 = arith.constant 1 : i32
    %dma_wait3A_621 = arith.constant 1 : i32
    %dma_wait3A_622 = arith.constant 0 : i32
    %dma_wait3A_623 = arith.constant 0 : i32
    %dma_wait3A_624 = tpu.memref_slice %arg13[%dma_wait3A_620, %dma_wait3A_622, %dma_wait3A_623] : memref<5x40x128xf32, #tpu.memory_space<vmem>> -> memref<1x40x128xf32, #tpu.memory_space<vmem>>
    %dma_wait3A_625 = tpu.memref_squeeze %dma_wait3A_624 : memref<1x40x128xf32, #tpu.memory_space<vmem>> -> memref<40x128xf32, #tpu.memory_space<vmem>>
    %dma_wait3A_626 = arith.constant 0 : i32
    %dma_wait3A_627 = tpu.memref_slice %arg12[%dma_wait3A_621, %dma_wait3A_626] : memref<5x40xi32, #tpu.memory_space<vmem>> -> memref<1x40xi32, #tpu.memory_space<vmem>>
    %dma_wait3A_628 = tpu.memref_squeeze %dma_wait3A_627 : memref<1x40xi32, #tpu.memory_space<vmem>> -> memref<40xi32, #tpu.memory_space<vmem>>
    %dma_wait3A_629 = arith.constant 0 : i32
    %dma_wait3A_630 = arith.constant 0 : i32
    %dma_wait3A_631 = tpu.memref_slice %arg7[%dma_wait3A_629, %dma_wait3A_630] : memref<10000x128xf32, #tpu.memory_space<vmem_shared>> -> memref<10000x128xf32, #tpu.memory_space<vmem_shared>>
    tpu.wait_indirect_dma semaphore(%arg21 : memref<!tpu.dma_semaphore, #tpu.memory_space<semaphore_mem>>) src(%dma_wait3A_625 : memref<40x128xf32, #tpu.memory_space<vmem>>) dst(%dma_wait3A_631 : memref<10000x128xf32, #tpu.memory_space<vmem_shared>>)
    %dma_wait3A_632 = arith.constant 2 : i32
    %dma_wait3A_633 = arith.constant 2 : i32
    %dma_wait3A_634 = arith.constant 0 : i32
    %dma_wait3A_635 = arith.constant 0 : i32
    %dma_wait3A_636 = tpu.memref_slice %arg13[%dma_wait3A_632, %dma_wait3A_634, %dma_wait3A_635] : memref<5x40x128xf32, #tpu.memory_space<vmem>> -> memref<1x40x128xf32, #tpu.memory_space<vmem>>
    %dma_wait3A_637 = tpu.memref_squeeze %dma_wait3A_636 : memref<1x40x128xf32, #tpu.memory_space<vmem>> -> memref<40x128xf32, #tpu.memory_space<vmem>>
    %dma_wait3A_638 = arith.constant 0 : i32
    %dma_wait3A_639 = tpu.memref_slice %arg12[%dma_wait3A_633, %dma_wait3A_638] : memref<5x40xi32, #tpu.memory_space<vmem>> -> memref<1x40xi32, #tpu.memory_space<vmem>>
    %dma_wait3A_640 = tpu.memref_squeeze %dma_wait3A_639 : memref<1x40xi32, #tpu.memory_space<vmem>> -> memref<40xi32, #tpu.memory_space<vmem>>
    %dma_wait3A_641 = arith.constant 0 : i32
    %dma_wait3A_642 = arith.constant 0 : i32
    %dma_wait3A_643 = tpu.memref_slice %arg7[%dma_wait3A_641, %dma_wait3A_642] : memref<10000x128xf32, #tpu.memory_space<vmem_shared>> -> memref<10000x128xf32, #tpu.memory_space<vmem_shared>>
    tpu.wait_indirect_dma semaphore(%arg22 : memref<!tpu.dma_semaphore, #tpu.memory_space<semaphore_mem>>) src(%dma_wait3A_637 : memref<40x128xf32, #tpu.memory_space<vmem>>) dst(%dma_wait3A_643 : memref<10000x128xf32, #tpu.memory_space<vmem_shared>>)
    %dma_wait3A_644 = arith.constant 3 : i32
    %dma_wait3A_645 = arith.constant 3 : i32
    %dma_wait3A_646 = arith.constant 0 : i32
    %dma_wait3A_647 = arith.constant 0 : i32
    %dma_wait3A_648 = tpu.memref_slice %arg13[%dma_wait3A_644, %dma_wait3A_646, %dma_wait3A_647] : memref<5x40x128xf32, #tpu.memory_space<vmem>> -> memref<1x40x128xf32, #tpu.memory_space<vmem>>
    %dma_wait3A_649 = tpu.memref_squeeze %dma_wait3A_648 : memref<1x40x128xf32, #tpu.memory_space<vmem>> -> memref<40x128xf32, #tpu.memory_space<vmem>>
    %dma_wait3A_650 = arith.constant 0 : i32
    %dma_wait3A_651 = tpu.memref_slice %arg12[%dma_wait3A_645, %dma_wait3A_650] : memref<5x40xi32, #tpu.memory_space<vmem>> -> memref<1x40xi32, #tpu.memory_space<vmem>>
    %dma_wait3A_652 = tpu.memref_squeeze %dma_wait3A_651 : memref<1x40xi32, #tpu.memory_space<vmem>> -> memref<40xi32, #tpu.memory_space<vmem>>
    %dma_wait3A_653 = arith.constant 0 : i32
    %dma_wait3A_654 = arith.constant 0 : i32
    %dma_wait3A_655 = tpu.memref_slice %arg7[%dma_wait3A_653, %dma_wait3A_654] : memref<10000x128xf32, #tpu.memory_space<vmem_shared>> -> memref<10000x128xf32, #tpu.memory_space<vmem_shared>>
    tpu.wait_indirect_dma semaphore(%arg23 : memref<!tpu.dma_semaphore, #tpu.memory_space<semaphore_mem>>) src(%dma_wait3A_649 : memref<40x128xf32, #tpu.memory_space<vmem>>) dst(%dma_wait3A_655 : memref<10000x128xf32, #tpu.memory_space<vmem_shared>>)
    %dma_wait3A_656 = arith.constant 4 : i32
    %dma_wait3A_657 = arith.constant 4 : i32
    %dma_wait3A_658 = arith.constant 0 : i32
    %dma_wait3A_659 = arith.constant 0 : i32
    %dma_wait3A_660 = tpu.memref_slice %arg13[%dma_wait3A_656, %dma_wait3A_658, %dma_wait3A_659] : memref<5x40x128xf32, #tpu.memory_space<vmem>> -> memref<1x40x128xf32, #tpu.memory_space<vmem>>
    %dma_wait3A_661 = tpu.memref_squeeze %dma_wait3A_660 : memref<1x40x128xf32, #tpu.memory_space<vmem>> -> memref<40x128xf32, #tpu.memory_space<vmem>>
    %dma_wait3A_662 = arith.constant 0 : i32
    %dma_wait3A_663 = tpu.memref_slice %arg12[%dma_wait3A_657, %dma_wait3A_662] : memref<5x40xi32, #tpu.memory_space<vmem>> -> memref<1x40xi32, #tpu.memory_space<vmem>>
    %dma_wait3A_664 = tpu.memref_squeeze %dma_wait3A_663 : memref<1x40xi32, #tpu.memory_space<vmem>> -> memref<40xi32, #tpu.memory_space<vmem>>
    %dma_wait3A_665 = arith.constant 0 : i32
    %dma_wait3A_666 = arith.constant 0 : i32
    %dma_wait3A_667 = tpu.memref_slice %arg7[%dma_wait3A_665, %dma_wait3A_666] : memref<10000x128xf32, #tpu.memory_space<vmem_shared>> -> memref<10000x128xf32, #tpu.memory_space<vmem_shared>>
    tpu.wait_indirect_dma semaphore(%arg24 : memref<!tpu.dma_semaphore, #tpu.memory_space<semaphore_mem>>) src(%dma_wait3A_661 : memref<40x128xf32, #tpu.memory_space<vmem>>) dst(%dma_wait3A_667 : memref<10000x128xf32, #tpu.memory_space<vmem_shared>>)
    %barrier3A_668 = arith.constant 0 : index
    tpu.barrier barrier_id(%barrier3A_668)
    %while3A_669 = arith.constant 0 : i32
    %while3A_670 = arith.constant 0 : i32
    %while3A_671 = arith.subi %select_n3A, %while3A_670 : i32
    %while3A_672 = arith.addi %while3A_670, %while3A_671 : i32
    %while3A_673 = arith.constant 1 : i32
    %while3A_674 = arith.divsi %while3A_671, %while3A_673 : i32
    %while3A_675 = arith.muli %while3A_674, %while3A_673 : i32
    %while3A_676 = arith.addi %while3A_670, %while3A_675 : i32
    %while3A_677 = arith.constant 1 : i32
    scf.for %while3A_679 = %while3A_670 to %while3A_676 step %while3A_677  : i32 {
      %mul3A_680 = arith.constant 16 : i32
      %mul3A_681 = arith.muli %while3A_679, %mul3A_680 : i32
      %add3A_682 = arith.addi %arg1, %mul3A_681 : i32
      %mul3A_683 = arith.constant 40 : i32
      %mul3A_684 = arith.muli %add3A_682, %mul3A_683 : i32
      %run_scoped3A = arith.constant 0 : i32
      "tpu.region"() ({
        %run_scoped3A_686 = tpu.sem_alloc : memref<!tpu.dma_semaphore, #tpu.memory_space<semaphore_mem>>
        %dma_start3A_687 = arith.constant 0 : i32
        %dma_start3A_688 = arith.constant 0 : i32
        %dma_start3A_689 = tpu.memref_slice %arg13[%run_scoped3A, %dma_start3A_687, %dma_start3A_688] : memref<5x40x128xf32, #tpu.memory_space<vmem>> -> memref<1x40x128xf32, #tpu.memory_space<vmem>>
        %dma_start3A_690 = tpu.memref_squeeze %dma_start3A_689 : memref<1x40x128xf32, #tpu.memory_space<vmem>> -> memref<40x128xf32, #tpu.memory_space<vmem>>
        %dma_start3A_691 = arith.constant 0 : i32
        %dma_start3A_692 = tpu.memref_slice %arg7[%mul3A_684, %dma_start3A_691] : memref<10000x128xf32, #tpu.memory_space<vmem_shared>> -> memref<40x128xf32, #tpu.memory_space<vmem_shared>>
        %dma_start3A_693 = arith.constant 0 : i32
        %dma_start3A_694 = arith.constant 0 : i32
        %dma_start3A_695 = tpu.memref_slice %arg13[%run_scoped3A, %dma_start3A_693, %dma_start3A_694] : memref<5x40x128xf32, #tpu.memory_space<vmem>> -> memref<1x40x128xf32, #tpu.memory_space<vmem>>
        %dma_start3A_696 = tpu.memref_squeeze %dma_start3A_695 : memref<1x40x128xf32, #tpu.memory_space<vmem>> -> memref<40x128xf32, #tpu.memory_space<vmem>>
        %dma_start3A_697 = arith.constant 0 : i32
        %dma_start3A_698 = tpu.memref_slice %arg7[%mul3A_684, %dma_start3A_697] : memref<10000x128xf32, #tpu.memory_space<vmem_shared>> -> memref<40x128xf32, #tpu.memory_space<vmem_shared>>
        tpu.enqueue_dma source(%dma_start3A_698 : memref<40x128xf32, #tpu.memory_space<vmem_shared>>) target(%dma_start3A_696 : memref<40x128xf32, #tpu.memory_space<vmem>>) target_semaphore(%run_scoped3A_686 : memref<!tpu.dma_semaphore, #tpu.memory_space<semaphore_mem>>)
        %dma_wait3A_699 = arith.constant 0 : i32
        %dma_wait3A_700 = arith.constant 0 : i32
        %dma_wait3A_701 = tpu.memref_slice %arg13[%run_scoped3A, %dma_wait3A_699, %dma_wait3A_700] : memref<5x40x128xf32, #tpu.memory_space<vmem>> -> memref<1x40x128xf32, #tpu.memory_space<vmem>>
        %dma_wait3A_702 = tpu.memref_squeeze %dma_wait3A_701 : memref<1x40x128xf32, #tpu.memory_space<vmem>> -> memref<40x128xf32, #tpu.memory_space<vmem>>
        %dma_wait3A_703 = arith.constant 0 : i32
        %dma_wait3A_704 = tpu.memref_slice %arg7[%mul3A_684, %dma_wait3A_703] : memref<10000x128xf32, #tpu.memory_space<vmem_shared>> -> memref<40x128xf32, #tpu.memory_space<vmem_shared>>
        %dma_wait3A_705 = arith.constant 0 : i32
        %dma_wait3A_706 = arith.constant 0 : i32
        %dma_wait3A_707 = tpu.memref_slice %arg13[%run_scoped3A, %dma_wait3A_705, %dma_wait3A_706] : memref<5x40x128xf32, #tpu.memory_space<vmem>> -> memref<1x40x128xf32, #tpu.memory_space<vmem>>
        %dma_wait3A_708 = tpu.memref_squeeze %dma_wait3A_707 : memref<1x40x128xf32, #tpu.memory_space<vmem>> -> memref<40x128xf32, #tpu.memory_space<vmem>>
        %dma_wait3A_709 = arith.constant 0 : i32
        %dma_wait3A_710 = tpu.memref_slice %arg7[%mul3A_684, %dma_wait3A_709] : memref<10000x128xf32, #tpu.memory_space<vmem_shared>> -> memref<40x128xf32, #tpu.memory_space<vmem_shared>>
        tpu.wait_dma2 semaphore(%run_scoped3A_686 : memref<!tpu.dma_semaphore, #tpu.memory_space<semaphore_mem>>) src(%dma_wait3A_710 : memref<40x128xf32, #tpu.memory_space<vmem_shared>>) dst(%dma_wait3A_708 : memref<40x128xf32, #tpu.memory_space<vmem>>)
        tpu.yield
      }) : () -> ()
      %run_scoped3A_685 = arith.constant 0 : i32
      "tpu.region"() ({
        %run_scoped3A_686 = tpu.sem_alloc : memref<!tpu.dma_semaphore, #tpu.memory_space<semaphore_mem>>
        %dma_start3A_687 = arith.constant 0 : i32
        %dma_start3A_688 = arith.constant 0 : i32
        %dma_start3A_689 = tpu.memref_slice %arg13[%run_scoped3A_685, %dma_start3A_687, %dma_start3A_688] : memref<5x40x128xf32, #tpu.memory_space<vmem>> -> memref<1x40x128xf32, #tpu.memory_space<vmem>>
        %dma_start3A_690 = tpu.memref_squeeze %dma_start3A_689 : memref<1x40x128xf32, #tpu.memory_space<vmem>> -> memref<40x128xf32, #tpu.memory_space<vmem>>
        %dma_start3A_691 = arith.constant 0 : i32
        %dma_start3A_692 = arith.constant 0 : i32
        %dma_start3A_693 = tpu.memref_slice %arg6[%arg0, %dma_start3A_691, %dma_start3A_692] : memref<2x10000x128xf32, #tpu.memory_space<hbm>> -> memref<1x10000x128xf32, #tpu.memory_space<hbm>>
        %dma_start3A_694 = tpu.memref_squeeze %dma_start3A_693 : memref<1x10000x128xf32, #tpu.memory_space<hbm>> -> memref<10000x128xf32, #tpu.memory_space<hbm>>
        %dma_start3A_695 = arith.constant 0 : i32
        %dma_start3A_696 = tpu.memref_slice %dma_start3A_694[%mul3A_684, %dma_start3A_695] : memref<10000x128xf32, #tpu.memory_space<hbm>> -> memref<40x128xf32, #tpu.memory_space<hbm>>
        %dma_start3A_697 = arith.constant 0 : i32
        %dma_start3A_698 = arith.constant 0 : i32
        %dma_start3A_699 = tpu.memref_slice %arg6[%arg0, %dma_start3A_697, %dma_start3A_698] : memref<2x10000x128xf32, #tpu.memory_space<hbm>> -> memref<1x10000x128xf32, #tpu.memory_space<hbm>>
        %dma_start3A_700 = tpu.memref_squeeze %dma_start3A_699 : memref<1x10000x128xf32, #tpu.memory_space<hbm>> -> memref<10000x128xf32, #tpu.memory_space<hbm>>
        %dma_start3A_701 = arith.constant 0 : i32
        %dma_start3A_702 = tpu.memref_slice %dma_start3A_700[%mul3A_684, %dma_start3A_701] : memref<10000x128xf32, #tpu.memory_space<hbm>> -> memref<40x128xf32, #tpu.memory_space<hbm>>
        %dma_start3A_703 = arith.constant 0 : i32
        %dma_start3A_704 = arith.constant 0 : i32
        %dma_start3A_705 = tpu.memref_slice %arg13[%run_scoped3A_685, %dma_start3A_703, %dma_start3A_704] : memref<5x40x128xf32, #tpu.memory_space<vmem>> -> memref<1x40x128xf32, #tpu.memory_space<vmem>>
        %dma_start3A_706 = tpu.memref_squeeze %dma_start3A_705 : memref<1x40x128xf32, #tpu.memory_space<vmem>> -> memref<40x128xf32, #tpu.memory_space<vmem>>
        tpu.enqueue_dma source(%dma_start3A_706 : memref<40x128xf32, #tpu.memory_space<vmem>>) target(%dma_start3A_702 : memref<40x128xf32, #tpu.memory_space<hbm>>) target_semaphore(%run_scoped3A_686 : memref<!tpu.dma_semaphore, #tpu.memory_space<semaphore_mem>>)
        %dma_wait3A_707 = arith.constant 0 : i32
        %dma_wait3A_708 = arith.constant 0 : i32
        %dma_wait3A_709 = tpu.memref_slice %arg13[%run_scoped3A_685, %dma_wait3A_707, %dma_wait3A_708] : memref<5x40x128xf32, #tpu.memory_space<vmem>> -> memref<1x40x128xf32, #tpu.memory_space<vmem>>
        %dma_wait3A_710 = tpu.memref_squeeze %dma_wait3A_709 : memref<1x40x128xf32, #tpu.memory_space<vmem>> -> memref<40x128xf32, #tpu.memory_space<vmem>>
        %dma_wait3A_711 = arith.constant 0 : i32
        %dma_wait3A_712 = arith.constant 0 : i32
        %dma_wait3A_713 = tpu.memref_slice %arg6[%arg0, %dma_wait3A_711, %dma_wait3A_712] : memref<2x10000x128xf32, #tpu.memory_space<hbm>> -> memref<1x10000x128xf32, #tpu.memory_space<hbm>>
        %dma_wait3A_714 = tpu.memref_squeeze %dma_wait3A_713 : memref<1x10000x128xf32, #tpu.memory_space<hbm>> -> memref<10000x128xf32, #tpu.memory_space<hbm>>
        %dma_wait3A_715 = arith.constant 0 : i32
        %dma_wait3A_716 = tpu.memref_slice %dma_wait3A_714[%mul3A_684, %dma_wait3A_715] : memref<10000x128xf32, #tpu.memory_space<hbm>> -> memref<40x128xf32, #tpu.memory_space<hbm>>
        %dma_wait3A_717 = arith.constant 0 : i32
        %dma_wait3A_718 = arith.constant 0 : i32
        %dma_wait3A_719 = tpu.memref_slice %arg6[%arg0, %dma_wait3A_717, %dma_wait3A_718] : memref<2x10000x128xf32, #tpu.memory_space<hbm>> -> memref<1x10000x128xf32, #tpu.memory_space<hbm>>
        %dma_wait3A_720 = tpu.memref_squeeze %dma_wait3A_719 : memref<1x10000x128xf32, #tpu.memory_space<hbm>> -> memref<10000x128xf32, #tpu.memory_space<hbm>>
        %dma_wait3A_721 = arith.constant 0 : i32
        %dma_wait3A_722 = tpu.memref_slice %dma_wait3A_720[%mul3A_684, %dma_wait3A_721] : memref<10000x128xf32, #tpu.memory_space<hbm>> -> memref<40x128xf32, #tpu.memory_space<hbm>>
        %dma_wait3A_723 = arith.constant 0 : i32
        %dma_wait3A_724 = arith.constant 0 : i32
        %dma_wait3A_725 = tpu.memref_slice %arg13[%run_scoped3A_685, %dma_wait3A_723, %dma_wait3A_724] : memref<5x40x128xf32, #tpu.memory_space<vmem>> -> memref<1x40x128xf32, #tpu.memory_space<vmem>>
        %dma_wait3A_726 = tpu.memref_squeeze %dma_wait3A_725 : memref<1x40x128xf32, #tpu.memory_space<vmem>> -> memref<40x128xf32, #tpu.memory_space<vmem>>
        tpu.wait_dma2 semaphore(%run_scoped3A_686 : memref<!tpu.dma_semaphore, #tpu.memory_space<semaphore_mem>>) src(%dma_wait3A_726 : memref<40x128xf32, #tpu.memory_space<vmem>>) dst(%dma_wait3A_722 : memref<40x128xf32, #tpu.memory_space<hbm>>)
        tpu.yield
      }) : () -> ()
    }
    %while3A_678 = arith.constant 1 : i32
    scf.for %while3A_679 = %while3A_676 to %while3A_672 step %while3A_678  : i32 {
      %mul3A_680 = arith.constant 16 : i32
      %mul3A_681 = arith.muli %while3A_679, %mul3A_680 : i32
      %add3A_682 = arith.addi %arg1, %mul3A_681 : i32
      %mul3A_683 = arith.constant 40 : i32
      %mul3A_684 = arith.muli %add3A_682, %mul3A_683 : i32
      %run_scoped3A = arith.constant 0 : i32
      "tpu.region"() ({
        %run_scoped3A_686 = tpu.sem_alloc : memref<!tpu.dma_semaphore, #tpu.memory_space<semaphore_mem>>
        %dma_start3A_687 = arith.constant 0 : i32
        %dma_start3A_688 = arith.constant 0 : i32
        %dma_start3A_689 = tpu.memref_slice %arg13[%run_scoped3A, %dma_start3A_687, %dma_start3A_688] : memref<5x40x128xf32, #tpu.memory_space<vmem>> -> memref<1x40x128xf32, #tpu.memory_space<vmem>>
        %dma_start3A_690 = tpu.memref_squeeze %dma_start3A_689 : memref<1x40x128xf32, #tpu.memory_space<vmem>> -> memref<40x128xf32, #tpu.memory_space<vmem>>
        %dma_start3A_691 = arith.constant 0 : i32
        %dma_start3A_692 = tpu.memref_slice %arg7[%mul3A_684, %dma_start3A_691] : memref<10000x128xf32, #tpu.memory_space<vmem_shared>> -> memref<40x128xf32, #tpu.memory_space<vmem_shared>>
        %dma_start3A_693 = arith.constant 0 : i32
        %dma_start3A_694 = arith.constant 0 : i32
        %dma_start3A_695 = tpu.memref_slice %arg13[%run_scoped3A, %dma_start3A_693, %dma_start3A_694] : memref<5x40x128xf32, #tpu.memory_space<vmem>> -> memref<1x40x128xf32, #tpu.memory_space<vmem>>
        %dma_start3A_696 = tpu.memref_squeeze %dma_start3A_695 : memref<1x40x128xf32, #tpu.memory_space<vmem>> -> memref<40x128xf32, #tpu.memory_space<vmem>>
        %dma_start3A_697 = arith.constant 0 : i32
        %dma_start3A_698 = tpu.memref_slice %arg7[%mul3A_684, %dma_start3A_697] : memref<10000x128xf32, #tpu.memory_space<vmem_shared>> -> memref<40x128xf32, #tpu.memory_space<vmem_shared>>
        tpu.enqueue_dma source(%dma_start3A_698 : memref<40x128xf32, #tpu.memory_space<vmem_shared>>) target(%dma_start3A_696 : memref<40x128xf32, #tpu.memory_space<vmem>>) target_semaphore(%run_scoped3A_686 : memref<!tpu.dma_semaphore, #tpu.memory_space<semaphore_mem>>)
        %dma_wait3A_699 = arith.constant 0 : i32
        %dma_wait3A_700 = arith.constant 0 : i32
        %dma_wait3A_701 = tpu.memref_slice %arg13[%run_scoped3A, %dma_wait3A_699, %dma_wait3A_700] : memref<5x40x128xf32, #tpu.memory_space<vmem>> -> memref<1x40x128xf32, #tpu.memory_space<vmem>>
        %dma_wait3A_702 = tpu.memref_squeeze %dma_wait3A_701 : memref<1x40x128xf32, #tpu.memory_space<vmem>> -> memref<40x128xf32, #tpu.memory_space<vmem>>
        %dma_wait3A_703 = arith.constant 0 : i32
        %dma_wait3A_704 = tpu.memref_slice %arg7[%mul3A_684, %dma_wait3A_703] : memref<10000x128xf32, #tpu.memory_space<vmem_shared>> -> memref<40x128xf32, #tpu.memory_space<vmem_shared>>
        %dma_wait3A_705 = arith.constant 0 : i32
        %dma_wait3A_706 = arith.constant 0 : i32
        %dma_wait3A_707 = tpu.memref_slice %arg13[%run_scoped3A, %dma_wait3A_705, %dma_wait3A_706] : memref<5x40x128xf32, #tpu.memory_space<vmem>> -> memref<1x40x128xf32, #tpu.memory_space<vmem>>
        %dma_wait3A_708 = tpu.memref_squeeze %dma_wait3A_707 : memref<1x40x128xf32, #tpu.memory_space<vmem>> -> memref<40x128xf32, #tpu.memory_space<vmem>>
        %dma_wait3A_709 = arith.constant 0 : i32
        %dma_wait3A_710 = tpu.memref_slice %arg7[%mul3A_684, %dma_wait3A_709] : memref<10000x128xf32, #tpu.memory_space<vmem_shared>> -> memref<40x128xf32, #tpu.memory_space<vmem_shared>>
        tpu.wait_dma2 semaphore(%run_scoped3A_686 : memref<!tpu.dma_semaphore, #tpu.memory_space<semaphore_mem>>) src(%dma_wait3A_710 : memref<40x128xf32, #tpu.memory_space<vmem_shared>>) dst(%dma_wait3A_708 : memref<40x128xf32, #tpu.memory_space<vmem>>)
        tpu.yield
      }) : () -> ()
      %run_scoped3A_685 = arith.constant 0 : i32
      "tpu.region"() ({
        %run_scoped3A_686 = tpu.sem_alloc : memref<!tpu.dma_semaphore, #tpu.memory_space<semaphore_mem>>
        %dma_start3A_687 = arith.constant 0 : i32
        %dma_start3A_688 = arith.constant 0 : i32
        %dma_start3A_689 = tpu.memref_slice %arg13[%run_scoped3A_685, %dma_start3A_687, %dma_start3A_688] : memref<5x40x128xf32, #tpu.memory_space<vmem>> -> memref<1x40x128xf32, #tpu.memory_space<vmem>>
        %dma_start3A_690 = tpu.memref_squeeze %dma_start3A_689 : memref<1x40x128xf32, #tpu.memory_space<vmem>> -> memref<40x128xf32, #tpu.memory_space<vmem>>
        %dma_start3A_691 = arith.constant 0 : i32
        %dma_start3A_692 = arith.constant 0 : i32
        %dma_start3A_693 = tpu.memref_slice %arg6[%arg0, %dma_start3A_691, %dma_start3A_692] : memref<2x10000x128xf32, #tpu.memory_space<hbm>> -> memref<1x10000x128xf32, #tpu.memory_space<hbm>>
        %dma_start3A_694 = tpu.memref_squeeze %dma_start3A_693 : memref<1x10000x128xf32, #tpu.memory_space<hbm>> -> memref<10000x128xf32, #tpu.memory_space<hbm>>
        %dma_start3A_695 = arith.constant 0 : i32
        %dma_start3A_696 = tpu.memref_slice %dma_start3A_694[%mul3A_684, %dma_start3A_695] : memref<10000x128xf32, #tpu.memory_space<hbm>> -> memref<40x128xf32, #tpu.memory_space<hbm>>
        %dma_start3A_697 = arith.constant 0 : i32
        %dma_start3A_698 = arith.constant 0 : i32
        %dma_start3A_699 = tpu.memref_slice %arg6[%arg0, %dma_start3A_697, %dma_start3A_698] : memref<2x10000x128xf32, #tpu.memory_space<hbm>> -> memref<1x10000x128xf32, #tpu.memory_space<hbm>>
        %dma_start3A_700 = tpu.memref_squeeze %dma_start3A_699 : memref<1x10000x128xf32, #tpu.memory_space<hbm>> -> memref<10000x128xf32, #tpu.memory_space<hbm>>
        %dma_start3A_701 = arith.constant 0 : i32
        %dma_start3A_702 = tpu.memref_slice %dma_start3A_700[%mul3A_684, %dma_start3A_701] : memref<10000x128xf32, #tpu.memory_space<hbm>> -> memref<40x128xf32, #tpu.memory_space<hbm>>
        %dma_start3A_703 = arith.constant 0 : i32
        %dma_start3A_704 = arith.constant 0 : i32
        %dma_start3A_705 = tpu.memref_slice %arg13[%run_scoped3A_685, %dma_start3A_703, %dma_start3A_704] : memref<5x40x128xf32, #tpu.memory_space<vmem>> -> memref<1x40x128xf32, #tpu.memory_space<vmem>>
        %dma_start3A_706 = tpu.memref_squeeze %dma_start3A_705 : memref<1x40x128xf32, #tpu.memory_space<vmem>> -> memref<40x128xf32, #tpu.memory_space<vmem>>
        tpu.enqueue_dma source(%dma_start3A_706 : memref<40x128xf32, #tpu.memory_space<vmem>>) target(%dma_start3A_702 : memref<40x128xf32, #tpu.memory_space<hbm>>) target_semaphore(%run_scoped3A_686 : memref<!tpu.dma_semaphore, #tpu.memory_space<semaphore_mem>>)
        %dma_wait3A_707 = arith.constant 0 : i32
        %dma_wait3A_708 = arith.constant 0 : i32
        %dma_wait3A_709 = tpu.memref_slice %arg13[%run_scoped3A_685, %dma_wait3A_707, %dma_wait3A_708] : memref<5x40x128xf32, #tpu.memory_space<vmem>> -> memref<1x40x128xf32, #tpu.memory_space<vmem>>
        %dma_wait3A_710 = tpu.memref_squeeze %dma_wait3A_709 : memref<1x40x128xf32, #tpu.memory_space<vmem>> -> memref<40x128xf32, #tpu.memory_space<vmem>>
        %dma_wait3A_711 = arith.constant 0 : i32
        %dma_wait3A_712 = arith.constant 0 : i32
        %dma_wait3A_713 = tpu.memref_slice %arg6[%arg0, %dma_wait3A_711, %dma_wait3A_712] : memref<2x10000x128xf32, #tpu.memory_space<hbm>> -> memref<1x10000x128xf32, #tpu.memory_space<hbm>>
        %dma_wait3A_714 = tpu.memref_squeeze %dma_wait3A_713 : memref<1x10000x128xf32, #tpu.memory_space<hbm>> -> memref<10000x128xf32, #tpu.memory_space<hbm>>
        %dma_wait3A_715 = arith.constant 0 : i32
        %dma_wait3A_716 = tpu.memref_slice %dma_wait3A_714[%mul3A_684, %dma_wait3A_715] : memref<10000x128xf32, #tpu.memory_space<hbm>> -> memref<40x128xf32, #tpu.memory_space<hbm>>
        %dma_wait3A_717 = arith.constant 0 : i32
        %dma_wait3A_718 = arith.constant 0 : i32
        %dma_wait3A_719 = tpu.memref_slice %arg6[%arg0, %dma_wait3A_717, %dma_wait3A_718] : memref<2x10000x128xf32, #tpu.memory_space<hbm>> -> memref<1x10000x128xf32, #tpu.memory_space<hbm>>
        %dma_wait3A_720 = tpu.memref_squeeze %dma_wait3A_719 : memref<1x10000x128xf32, #tpu.memory_space<hbm>> -> memref<10000x128xf32, #tpu.memory_space<hbm>>
        %dma_wait3A_721 = arith.constant 0 : i32
        %dma_wait3A_722 = tpu.memref_slice %dma_wait3A_720[%mul3A_684, %dma_wait3A_721] : memref<10000x128xf32, #tpu.memory_space<hbm>> -> memref<40x128xf32, #tpu.memory_space<hbm>>
        %dma_wait3A_723 = arith.constant 0 : i32
        %dma_wait3A_724 = arith.constant 0 : i32
        %dma_wait3A_725 = tpu.memref_slice %arg13[%run_scoped3A_685, %dma_wait3A_723, %dma_wait3A_724] : memref<5x40x128xf32, #tpu.memory_space<vmem>> -> memref<1x40x128xf32, #tpu.memory_space<vmem>>
        %dma_wait3A_726 = tpu.memref_squeeze %dma_wait3A_725 : memref<1x40x128xf32, #tpu.memory_space<vmem>> -> memref<40x128xf32, #tpu.memory_space<vmem>>
        tpu.wait_dma2 semaphore(%run_scoped3A_686 : memref<!tpu.dma_semaphore, #tpu.memory_space<semaphore_mem>>) src(%dma_wait3A_726 : memref<40x128xf32, #tpu.memory_space<vmem>>) dst(%dma_wait3A_722 : memref<40x128xf32, #tpu.memory_space<hbm>>)
        tpu.yield
      }) : () -> ()
    }
    return
  }
}

module attributes {stable_mosaic.version = 14 : i64} {
  func.func @_mm_body(%arg0: i32, %arg1: i32, %arg2: memref<2000x256xf32, #tpu.memory_space<vmem>>, %arg3: memref<1x256x128xf32, #tpu.memory_space<vmem>>, %arg4: memref<2000x128xf32, #tpu.memory_space<vmem>>) attributes {dimension_semantics = [#tpu.dimension_semantics<arbitrary>, #tpu.dimension_semantics<arbitrary>], iteration_bounds = array<i64: 5, 8>, scalar_prefetch = 0 : i64, scratch_operands = 0 : i64, tpu.core_type = #tpu.core_type<tc>, window_params = [{transform_indices = @transform_0, window_bounds = array<i64: 2000, 256>}, {transform_indices = @transform_1, window_bounds = array<i64: 1, 256, 128>}, {transform_indices = @transform_2, window_bounds = array<i64: 2000, 128>}]} {
    %get3A = arith.constant 0 : index
    %get3A_0 = arith.constant 0 : index
    %get3A_1 = vector.load %arg2[%get3A, %get3A_0] : memref<2000x256xf32, #tpu.memory_space<vmem>>, vector<2000x256xf32>
    %get3A_2 = arith.constant 0 : index
    %get3A_3 = arith.constant 0 : index
    %get3A_4 = arith.constant 0 : index
    %get3A_5 = vector.load %arg3[%get3A_2, %get3A_3, %get3A_4] : memref<1x256x128xf32, #tpu.memory_space<vmem>>, vector<1x256x128xf32>
    %get3A_6 = vector.shape_cast %get3A_5 : vector<1x256x128xf32> to vector<256x128xf32>
    %dot_general3A = arith.constant dense<0.000000e+00> : vector<2000x128xf32>
    %dot_general3A_7 = tpu.matmul %get3A_1, %get3A_6, %dot_general3A {dimension_numbers = #tpu.dot_dimension_numbers<[1], [0], [0], [1], [0, 0, 1, 1], [], []>, transpose_lhs_hint = false} : vector<2000x256xf32>, vector<256x128xf32>, vector<2000x128xf32> -> vector<2000x128xf32>
    %swap3A = arith.constant 0 : index
    %swap3A_8 = arith.constant 0 : index
    %swap3A_9 = vector.load %arg4[%swap3A, %swap3A_8] : memref<2000x128xf32, #tpu.memory_space<vmem>>, vector<2000x128xf32>
    tpu.vector_store %arg4[%swap3A, %swap3A_8], %dot_general3A_7 {strides = array<i32>} : memref<2000x128xf32, #tpu.memory_space<vmem>>, vector<2000x128xf32>,
    return
  }
  func.func @transform_0(%arg0: i32, %arg1: i32) -> (i32, i32) {
    %c0_i32 = arith.constant 0 : i32
    %c0_i32_0 = arith.constant 0 : i32
    return %arg0, %c0_i32 : i32, i32
  }
  func.func @transform_1(%arg0: i32, %arg1: i32) -> (i32, i32, i32) {
    %c0_i32 = arith.constant 0 : i32
    %c0_i32_0 = arith.constant 0 : i32
    %c0_i32_1 = arith.constant 0 : i32
    return %arg1, %c0_i32, %c0_i32_0 : i32, i32, i32
  }
  func.func @transform_2(%arg0: i32, %arg1: i32) -> (i32, i32) {
    %mul3A = arith.constant 5 : i32
    %mul3A_0 = arith.muli %arg1, %mul3A : i32
    %add3A = arith.addi %mul3A_0, %arg0 : i32
    %c0_i32 = arith.constant 0 : i32
    %c0_i32_1 = arith.constant 0 : i32
    return %add3A, %c0_i32 : i32, i32
  }
}

module attributes {stable_mosaic.version = 14 : i64} {
  func.func @_mm_body(%arg0: i32, %arg1: i32, %arg2: memref<2000x256xf32, #tpu.memory_space<vmem>>, %arg3: memref<1x256x128xf32, #tpu.memory_space<vmem>>, %arg4: memref<2000x128xf32, #tpu.memory_space<vmem>>) attributes {dimension_semantics = [#tpu.dimension_semantics<arbitrary>, #tpu.dimension_semantics<arbitrary>], iteration_bounds = array<i64: 5, 8>, scalar_prefetch = 0 : i64, scratch_operands = 0 : i64, tpu.core_type = #tpu.core_type<tc>, window_params = [{transform_indices = @transform_0, window_bounds = array<i64: 2000, 256>}, {transform_indices = @transform_1, window_bounds = array<i64: 1, 256, 128>}, {transform_indices = @transform_2, window_bounds = array<i64: 2000, 128>}]} {
    %get3A = arith.constant 0 : index
    %get3A_0 = arith.constant 0 : index
    %get3A_1 = vector.load %arg2[%get3A, %get3A_0] : memref<2000x256xf32, #tpu.memory_space<vmem>>, vector<2000x256xf32>
    %get3A_2 = arith.constant 0 : index
    %get3A_3 = arith.constant 0 : index
    %get3A_4 = arith.constant 0 : index
    %get3A_5 = vector.load %arg3[%get3A_2, %get3A_3, %get3A_4] : memref<1x256x128xf32, #tpu.memory_space<vmem>>, vector<1x256x128xf32>
    %get3A_6 = vector.shape_cast %get3A_5 : vector<1x256x128xf32> to vector<256x128xf32>
    %dot_general3A = arith.constant dense<0.000000e+00> : vector<2000x128xf32>
    %dot_general3A_7 = tpu.matmul %get3A_1, %get3A_6, %dot_general3A {dimension_numbers = #tpu.dot_dimension_numbers<[1], [0], [0], [1], [0, 0, 1, 1], [], []>, transpose_lhs_hint = false} : vector<2000x256xf32>, vector<256x128xf32>, vector<2000x128xf32> -> vector<2000x128xf32>
    %swap3A = arith.constant 0 : index
    %swap3A_8 = arith.constant 0 : index
    %swap3A_9 = vector.load %arg4[%swap3A, %swap3A_8] : memref<2000x128xf32, #tpu.memory_space<vmem>>, vector<2000x128xf32>
    tpu.vector_store %arg4[%swap3A, %swap3A_8], %dot_general3A_7 {strides = array<i32>} : memref<2000x128xf32, #tpu.memory_space<vmem>>, vector<2000x128xf32>,
    return
  }
  func.func @transform_0(%arg0: i32, %arg1: i32) -> (i32, i32) {
    %c0_i32 = arith.constant 0 : i32
    %c0_i32_0 = arith.constant 0 : i32
    return %arg0, %c0_i32 : i32, i32
  }
  func.func @transform_1(%arg0: i32, %arg1: i32) -> (i32, i32, i32) {
    %c0_i32 = arith.constant 0 : i32
    %c1_i32 = arith.constant 1 : i32
    %c0_i32_0 = arith.constant 0 : i32
    return %arg1, %c0_i32, %c1_i32 : i32, i32, i32
  }
  func.func @transform_2(%arg0: i32, %arg1: i32) -> (i32, i32) {
    %mul3A = arith.constant 5 : i32
    %mul3A_0 = arith.muli %arg1, %mul3A : i32
    %add3A = arith.addi %mul3A_0, %arg0 : i32
    %c0_i32 = arith.constant 0 : i32
    %c0_i32_1 = arith.constant 0 : i32
    return %add3A, %c0_i32 : i32, i32
  }
}

module attributes {stable_mosaic.version = 14 : i64} {
  func.func @_cmb_body(%arg0: i32, %arg1: memref<2x2000x128xf32, #tpu.memory_space<vmem>>, %arg2: memref<2x2000x128xf32, #tpu.memory_space<vmem>>, %arg3: memref<2000x256xf32, #tpu.memory_space<vmem>>) attributes {dimension_semantics = [#tpu.dimension_semantics<arbitrary>], iteration_bounds = array<i64: 5>, scalar_prefetch = 0 : i64, scratch_operands = 0 : i64, tpu.core_type = #tpu.core_type<tc>, window_params = [{transform_indices = @transform_0, window_bounds = array<i64: 2, 2000, 128>}, {transform_indices = @transform_1, window_bounds = array<i64: 2, 2000, 128>}, {transform_indices = @transform_2, window_bounds = array<i64: 2000, 256>}]} {
    %get3A = arith.constant 0 : index
    %get3A_0 = arith.constant 0 : index
    %get3A_1 = arith.constant 0 : index
    %get3A_2 = vector.load %arg1[%get3A, %get3A_0, %get3A_1] : memref<2x2000x128xf32, #tpu.memory_space<vmem>>, vector<1x2000x128xf32>
    %get3A_3 = vector.shape_cast %get3A_2 : vector<1x2000x128xf32> to vector<2000x128xf32>
    %get3A_4 = arith.constant 1 : index
    %get3A_5 = arith.constant 0 : index
    %get3A_6 = arith.constant 0 : index
    %get3A_7 = vector.load %arg1[%get3A_4, %get3A_5, %get3A_6] : memref<2x2000x128xf32, #tpu.memory_space<vmem>>, vector<1x2000x128xf32>
    %get3A_8 = vector.shape_cast %get3A_7 : vector<1x2000x128xf32> to vector<2000x128xf32>
    %add3A = arith.addf %get3A_3, %get3A_8 : vector<2000x128xf32>
    %swap3A = arith.constant 0 : index
    %swap3A_9 = arith.constant 0 : index
    %swap3A_10 = vector.load %arg3[%swap3A, %swap3A_9] : memref<2000x256xf32, #tpu.memory_space<vmem>>, vector<2000x128xf32>
    tpu.vector_store %arg3[%swap3A, %swap3A_9], %add3A {strides = array<i32>} : memref<2000x256xf32, #tpu.memory_space<vmem>>, vector<2000x128xf32>,
    %get3A_11 = arith.constant 0 : index
    %get3A_12 = arith.constant 0 : index
    %get3A_13 = arith.constant 0 : index
    %get3A_14 = vector.load %arg2[%get3A_11, %get3A_12, %get3A_13] : memref<2x2000x128xf32, #tpu.memory_space<vmem>>, vector<1x2000x128xf32>
    %get3A_15 = vector.shape_cast %get3A_14 : vector<1x2000x128xf32> to vector<2000x128xf32>
    %get3A_16 = arith.constant 1 : index
    %get3A_17 = arith.constant 0 : index
    %get3A_18 = arith.constant 0 : index
    %get3A_19 = vector.load %arg2[%get3A_16, %get3A_17, %get3A_18] : memref<2x2000x128xf32, #tpu.memory_space<vmem>>, vector<1x2000x128xf32>
    %get3A_20 = vector.shape_cast %get3A_19 : vector<1x2000x128xf32> to vector<2000x128xf32>
    %add3A_21 = arith.addf %get3A_15, %get3A_20 : vector<2000x128xf32>
    %swap3A_22 = arith.constant 0 : index
    %swap3A_23 = arith.constant 128 : index
    %swap3A_24 = vector.load %arg3[%swap3A_22, %swap3A_23] : memref<2000x256xf32, #tpu.memory_space<vmem>>, vector<2000x128xf32>
    tpu.vector_store %arg3[%swap3A_22, %swap3A_23], %add3A_21 {strides = array<i32>} : memref<2000x256xf32, #tpu.memory_space<vmem>>, vector<2000x128xf32>,
    return
  }
  func.func @transform_0(%arg0: i32) -> (i32, i32, i32) {
    %c0_i32 = arith.constant 0 : i32
    %c0_i32_0 = arith.constant 0 : i32
    %c0_i32_1 = arith.constant 0 : i32
    return %c0_i32, %arg0, %c0_i32_0 : i32, i32, i32
  }
  func.func @transform_1(%arg0: i32) -> (i32, i32, i32) {
    %c0_i32 = arith.constant 0 : i32
    %c0_i32_0 = arith.constant 0 : i32
    %c0_i32_1 = arith.constant 0 : i32
    return %c0_i32, %arg0, %c0_i32_0 : i32, i32, i32
  }
  func.func @transform_2(%arg0: i32) -> (i32, i32) {
    %c0_i32 = arith.constant 0 : i32
    %c0_i32_0 = arith.constant 0 : i32
    return %arg0, %c0_i32 : i32, i32
  }
}

</mosaic_0001>

<sc_bundles>
// kernel: kernel.10.cloned.1.call-start
scs
__scs_entry_jumppad:
0x0: {  	(pc) =	sbr.rel $0x88, $3  }
0x1: {  	(tag) =	ssettag $0x0;
	lr =	simm.s32 $0x1  }
0x2: {  	[smem:$0x3F9D] =	sst lr;
	_ =	strace $0xD0000000  }
0x3: {  	_ = 	snop  }
0x4: {  	_ = 	snop  }
0x5: {  	_ = 	snop  }
0x6: {  	_ = 	snop  }
0x7: {  	_ = 	snop  }
__scs_overlays_trampoline_lowered:
0x8: {  	[smem:$0x3FAC] =	sst s0  }
0x9: {  	[smem:$0x3FAD] =	sst s1  }
0xa: {  	[smem:$0x3FAE] =	sst s2  }
0xb: {  	[smem:$0x3FAF] =	sst s3  }
0xc: {  	[smem:$0x3FB0] =	sst s4  }
0xd: {  	[smem:$0x3FB1] =	sst s5  }
0xe: {  	[smem:$0x3FB2] =	sst s6  }
0xf: {  	[smem:$0x3FB3] =	sst s7  }
0x10: {  	[smem:$0x3FB4] =	sst s8  }
0x11: {  	[smem:$0x3FB5] =	sst s9;
	s0 =	simm.s32 @!p0 $0x0  }
0x12: {  	s1 =	sld [smem:$0x3F9B];
	s0 =	simm.s32 @p0 $0x1  }
0x13: {  	[smem:$0x3FB6] =	sst s0;
	s0 =	simm.s32 @!p1 $0x0  }
0x14: {  	s2 =	sld [smem:$0x3F9A];
	s0 =	simm.s32 @p1 $0x1  }
0x15: {  	[smem:$0x3FB7] =	sst s0;
	s0 =	simm.s32 @!p2 $0x0  }
0x16: {  	s3 =	sld [smem:$0x3FDB];
	s0 =	simm.s32 @p2 $0x1  }
0x17: {  	s4 =	simm.s32 $0x1BF5;
	[smem:$0x3FB9] =	sst s0  }
0x18: {  	s0 =	sld [smem:$0x3F9C];
	_ =	swait.ge [sflag:s4], $0x0  }
0x19: {  	s7 =	sld [smem:$0x3F9D]  }
0x1a: {  	s8 =	sadd.s32 $0xFFFFE003, lr  }
0x1b: {  	s9 =	sadd.s32 $0xFFFFFEF7, lr;
	s5 =	simm.s32 $0xFFFFFFFF;
	p2 =	slt.u32 s8, $0xFFFFF086  }
0x1c: {  	p1 =	slt.u32 s9, $0xF7A;
	s5 =	simm.s32 @!p2 $0x0  }
0x1d: {  	s5 =	simm.s32 @p1 $0x1;
	p0 =	seq.s32 s7, s2  }
0x1e: {  	s7 =	smul.u32 @!p0 $0xF7A, s2;
	p2 =	seq.s32 @!p0 s5, $0x0  }
0x1f: {  	s9 =	smul.u32 $0xF7A, s1;
	s8 =	simm.s32 @!p0 $0x1BF5;
	p2 =	por !p2, p0  }
0x20: {  	[sflag:s8] =	ssyncset.s32 @!p0 $0xFFFFF086;
	s6 =	sadd.s32 @!p0 s3, s7;
	s7 =	simm.s32 @!p0 $0x108  }
0x21: {  	s3 =	sadd.s32 s3, s9;
	s6 =	sadd.s32 @!p0 $0x88, s6;
	s7 =	simm.s32 @p2 $0x1082  }
0x22: {  	[simem:s7], [sflag:s8] =	dma.local @!p0 [hbm:s6], $0xF7A  }
0x23: {  	s9 =	sor.u32 $0xD0000000, s2;
	s6 =	simm.s32 $0x108;
	_ =	swait.ge @!p0 [sflag:s8], $0x0  }
0x24: {  	s3 =	sadd.s32 $0x88, s3;
	s6 =	simm.s32 @!p1 $0x1082;
	[sflag:s4] =	ssyncset.s32 $0xFFFFF086  }
0x25: {  	[simem:s6], [sflag:s4] =	dma.local [hbm:s3], $0xF7A  }
0x26: {  	[smem:$0x3F9D] =	sst s1;
	(tag) =	ssettag s2;
	_ =	strace s9  }
0x27: {  	s1 =	sld [smem:$0x3FAD]  }
0x28: {  	s2 =	sld [smem:$0x3FAE]  }
0x29: {  	s4 =	sld [smem:$0x3FB0]  }
0x2a: {  	p0 =	seq.s32 s5, $0x0;
	s5 =	sld [smem:$0x3FB1]  }
0x2b: {  	s6 =	sld [smem:$0x3FB2]  }
0x2c: {  	s7 =	sld [smem:$0x3FB3]  }
0x2d: {  	s3 =	simm.s32 $0x108;
	s8 =	sld [smem:$0x3FB4]  }
0x2e: {  	s3 =	simm.s32 @!p0 $0x1082;
	s9 =	sld [smem:$0x3FB5]  }
0x2f: {  	lr =	sadd.s32 s0, s3;
	s0 =	sld [smem:$0x3FAC]  }
0x30: {  	s3 =	sld [smem:$0x3FAF]  }
0x31: {  	[smem:$0x3FB8] =	sst s10  }
0x32: {  	s10 =	sld [smem:$0x3FB6];
	_ =	sdelay $0x3  }
0x33: {  	p0 =	seq.s32 s10, $0x1;
	s10 =	sld [smem:$0x3FB8];
	_ =	sdelay $0x3  }
0x34: {  	[smem:$0x3FB8] =	sst s10  }
0x35: {  	s10 =	sld [smem:$0x3FB7];
	_ =	sdelay $0x3  }
0x36: {  	p1 =	seq.s32 s10, $0x1;
	s10 =	sld [smem:$0x3FB8];
	_ =	sdelay $0x3  }
0x37: {  	[smem:$0x3FB8] =	sst s10  }
0x38: {  	s10 =	sld [smem:$0x3FB9]  }
0x39: {  	_ = 	snop;
	(pc) =	sbr.ind lr, $3  }
0x3a: {  	_ = 	snop  }
0x3b: {  	_ = 	snop  }
0x3c: {  	p2 =	seq.s32 s10, $0x1;
	s10 =	sld [smem:$0x3FB8]  }
0x3d: {  	_ =	shalt  }
0x3e: {  	_ =	shalt  }
0x3f: {  	_ =	shalt  }
0x40: {  	_ =	shalt  }
0x41: {  	_ =	shalt  }
0x42: {  	_ =	shalt  }
0x43: {  	_ =	shalt  }
0x44: {  	_ =	shalt  }
0x45: {  	_ =	shalt  }
0x46: {  	_ =	shalt  }
0x47: {  	_ =	shalt  }
0x48: {  	_ =	shalt  }
0x49: {  	_ =	shalt  }
0x4a: {  	_ =	shalt  }
0x4b: {  	_ =	shalt  }
0x4c: {  	_ =	shalt  }
0x4d: {  	_ =	shalt  }
0x4e: {  	_ =	shalt  }
0x4f: {  	_ =	shalt  }
0x50: {  	_ =	shalt  }
0x51: {  	_ =	shalt  }
0x52: {  	_ =	shalt  }
0x53: {  	_ =	shalt  }
0x54: {  	_ =	shalt  }
0x55: {  	_ =	shalt  }
0x56: {  	_ =	shalt  }
0x57: {  	_ =	shalt  }
0x58: {  	_ =	shalt  }
0x59: {  	_ =	shalt  }
0x5a: {  	_ =	shalt  }
0x5b: {  	_ =	shalt  }
0x5c: {  	_ =	shalt  }
0x5d: {  	_ =	shalt  }
0x5e: {  	_ =	shalt  }
0x5f: {  	_ =	shalt  }
0x60: {  	_ =	shalt  }
0x61: {  	_ =	shalt  }
0x62: {  	_ =	shalt  }
0x63: {  	_ =	shalt  }
0x64: {  	_ =	shalt  }
0x65: {  	_ =	shalt  }
0x66: {  	_ =	shalt  }
0x67: {  	_ =	shalt  }
0x68: {  	_ =	shalt  }
0x69: {  	_ =	shalt  }
0x6a: {  	_ =	shalt  }
0x6b: {  	_ =	shalt  }
0x6c: {  	_ =	shalt  }
0x6d: {  	_ =	shalt  }
0x6e: {  	_ =	shalt  }
0x6f: {  	_ =	shalt  }
0x70: {  	_ =	shalt  }
0x71: {  	_ =	shalt  }
0x72: {  	_ =	shalt  }
0x73: {  	_ =	shalt  }
0x74: {  	_ =	shalt  }
0x75: {  	_ =	shalt  }
0x76: {  	_ =	shalt  }
0x77: {  	_ =	shalt  }
0x78: {  	_ =	shalt  }
0x79: {  	_ =	shalt  }
0x7a: {  	_ =	shalt  }
0x7b: {  	_ =	shalt  }
0x7c: {  	_ =	shalt  }
0x7d: {  	_ =	shalt  }
0x7e: {  	_ =	shalt  }
0x7f: {  	_ =	shalt  }
0x80: {  	_ =	shalt  }
0x81: {  	_ =	shalt  }
0x82: {  	_ =	shalt  }
0x83: {  	_ =	shalt  }
0x84: {  	_ =	shalt  }
0x85: {  	_ =	shalt  }
0x86: {  	_ =	shalt  }
0x87: {  	_ =	shalt  }
.Lfunc_end0:
.L_simem_size_0:
called_computation.1_lowered:
.L_overlay_start_0:
0x88: {  	s2 =	sld [smem:$0x3FD9]  }
0x89: {  	s3 =	sld [smem:$0x3FFE];
	_ =	sdelay $0x1  }
0x8a: {  	s1 =	srdreg.scid  }
0x8b: {  	s0 =	sand.u32 $0x1, s1  }
0x8c: {  	s17 =	sshll.u32 s0, $0xA;
	s2 =	sadd.s32 s3, s2  }
0x8d: {  	s2 =	sadd.s32 s2, s17  }
0x8e: {  	[smem:$0x3FC4] =	sst s2  }
0x8f: {  	_ = 	snop  }
0x90: {  	s2 =	sld [smem:$0x3FC7];
	(tm) =	ssettm $0x1  }
0x91: {  	s18 =	sld [smem:$0x3FFB];
	_ =	sdelay $0x3  }
0x92: {  	_ =	strace s18  }
0x93: {  	s3 =	sld [smem:$0x3FFC];
	_ =	sdelay $0x3  }
0x94: {  	_ =	strace s3  }
0x95: {  	s3 =	sld [smem:$0x3FFD];
	_ =	sdelay $0x3  }
0x96: {  	_ =	strace s3  }
0x97: {  	_ =	strace $0x8FFFFFFF  }
0x98: {  	s19 =	sld [smem:$0x3FDB];
	_ =	sdelay $0x1  }
0x99: {  	s4 =	simm.s32 $_scs_section_size  }
0x9a: {  	s5 =	simm.s32 $_size__tile_overlayer_lowered;
	s6 =	simm.s32 $_tile_overlayer_lowered  }
0x9b: {  	s22 =	simm.s32 $0x1BFF;
	s21 =	sshll.u32 s6, $0x1;
	s3 =	sadd.s32 s4, s19  }
0x9c: {  	s7 =	simm.s32 $0x0;
	s20 =	sshll.u32 s5, $0x1;
	s5 =	sadd.s32 s21, s3  }
0x9d: {  	[timem:s7], [sflag:s22] =	dma.local [hbm:s5], s20  }
0x9e: {  	_ =	swait.ge [sflag:s22], s20  }
0x9f: {  	s4 =	ssub.s32 $0x0, s20;
	[sflag:s22] =	ssyncset.done $0x0  }
0xa0: {  	[sflag:s22] =	ssyncadd.s32 s4;
	_ =	sdelay $0x1  }
0xa1: {  	s23 =	simm.s32 $0x1B8B  }
0xa2: {  	_ =	swait.ge [sflag:s23], $0x1  }
0xa3: {  	[sflag:s23] =	ssyncset.done $0x0  }
0xa4: {  	s25 =	simm.s32 $0x1B8E;
	s24 =	sld [smem:$0x3FFE];
	[sflag:s23] =	ssyncadd.s32 $0xFFFFFFFF  }
0xa5: {  	s26 =	simm.s32 $execute0_lowered;
	[smem:$0x3FD2] =	sst s25  }
0xa6: {  	s5 =	sshll.u32 s26, $0x1;
	_ =	strace $0x80000046;
	[dreg:$0x1] =	wrdreg $0xFFFFFFFF  }
0xa7: {  	s28 =	simm.s32 $_size_execute0_lowered;
	s3 =	sadd.s32 s3, s5;
	[dreg:$0x0] =	wrdreg $0x0  }
0xa8: {  	s5 =	sshll.u32 s28, $0x1;
	[dreg:$0x2] =	wrdreg s3  }
0xa9: {  	[dreg:$0x3] =	wrdreg s5  }
0xaa: {  	[dreg:$0x4] =	wrdreg $0xC0  }
0xab: {  	_ =	task [dreg:s7], $0x5FFFF  }
0xac: {  	[dreg:$0x1] =	wrdreg $0xFFFFFFFF  }
0xad: {  	[dreg:$0x0] =	wrdreg $0x60  }
0xae: {  	[dreg:$0x2] =	wrdreg s24  }
0xaf: {  	[dreg:$0x3] =	wrdreg s2  }
0xb0: {  	[dreg:$0x4] =	wrdreg $0x0  }
0xb1: {  	[dreg:$0x5] =	wrdreg $0xA  }
0xb2: {  	_ =	task.clear_ibuf [dreg:s7], $0x6FFFF;
	_ =	strace $0x90000046  }
0xb3: {  	s29 =	simm.s32 $0xA;
	_ =	strace $0x80000048  }
0xb4: {  	_ =	swait.ge [sflag:s29], $0x1  }
0xb5: {  	[sflag:s29] =	ssyncadd.s32 $0xFFFFFFFF  }
0xb6: {  	_ =	strace $0x90000048  }
0xb7: {  	_ =	sfence  }
0xb8: {  	s30 =	sld [smem:$0x0];
	_ =	sdelay $0x2  }
0xb9: {  	s31 =	sshll.u32 s1, $0xD;
	s1 =	sshrl.u32 s1, $0x2  }
0xba: {  	s3 =	sand.u32 $0x4000, s31;
	s1 =	sadd.s32 s1, s30  }
0xbb: {  	s0 =	sor.u32 s3, s0;
	s1 =	sshll.u32 s1, $0x11  }
0xbc: {  	s0 =	sor.u32 s1, s0  }
0xbd: {  	s0 =	sadd.s32 $0x8F2B, s0  }
0xbe: {  	[sflag:s0] =	ssyncadd.remote.s32 $0x1  }
0xbf: {  	_ =	sfence.sel $0xFFFF  }
0xc0: {  	[dreg:$0x0] =	wrdreg $0xFFFFFFFF;
	(pc) =	sbr.abs _section_cstart, $3  }
0xc1: {  	[dreg:$0x1] =	wrdreg $0xFFFFFFFF  }
0xc2: {  	_ =	task.clear_ibuf [dreg:s7], $0x2FFFF;
	_ =	strace $0x9FFFFFFF  }
0xc3: {  	(tm) =	ssettm $0x7FFFFFFF  }
tec
execute0_lowered:
.L_overlay_start_1:
0x0: {  	(tag) =	ssettag $0x1  }
0x1: {  	s0 =	rddreg [dreg:$0x0]  }
0x2: {  	s1 =	srdreg.scid;
	s3 =	rddreg [dreg:$0x1]  }
0x3: {  	s2 =	rddreg [dreg:$0x2];
	s10 =	stileid.u32  }
0x4: {  	s25 =	simm.s32 $0x0;
	s16 =	simm.s32 $0x17C80;
	s17 =	simm.s32 $0xC  }
0x5: {  	s15 =	simm.s32 $0x17600;
	s28 =	simm.s32 $0x2;
	s31 =	simm.s32 $0x1CC80  }
0x6: {  	s29 =	simm.s32 $0x17900;
	s13 =	simm.s32 $0x7;
	s14 =	simm.s32 $0x4  }
0x7: {  	s30 =	simm.s32 $0x17980;
	s12 =	simm.s32 $0x6;
	s11 =	simm.s32 $0xA  }
0x8: {  	s1 =	sand.u32 $0x1, s1;
	[smem:$0x7FF] =	sst s25;
	s18 =	smul.u32 $0x5000, s10  }
0x9: {  	s20 =	ssub.s32 $0x109, s10;
	s26 =	smul.u32 $0x280, s10;
	s4 =	sshll.u32 s1, $0x4  }
0xa: {  	_ =	strace $0x80000047;
	s6 =	smul.u32 $0x27100, s1;
	s1 =	ssub.s32 $0x2, s1  }
0xb: {  	s4 =	sor.u32 s10, s4;
	s8 =	sshrl.u32 s1, $0x1;
	s22 =	sshrl.u32 s18, $0x2  }
0xc: {  	[dreg:$0xa] =	wrdreg s26;
	s26 =	simm.s32 $0x1B880;
	s10 =	simm.s32 $0x9  }
0xd: {  	s18 =	simm.s32 $0xB;
	s5 =	smul.u32 $0x271, s4;
	s4 =	sadd.s32 $0xA800, s0  }
0xe: {  	s1 =	ssub.s32 s1, s8;
	s24 =	sadd.s32 s22, s2;
	s22 =	simm.s32 $0x19080  }
0xf: {  	s8 =	simm.s32 $0x17680;
	s23 =	smax.u32 s1, $0x1;
	[dreg:$0x9] =	wrdreg s24  }
0x10: {  	s1 =	simm.s32 $0x17580;
	s24 =	simm.s32 $0x1A480;
	s7 =	sadd.s32 s5, s0  }
0x11: {  	s0 =	sadd.s32 s6, s0;
	s3 =	sadd.s32 s3, s5;
	[dreg:$0x8] =	wrdreg s23  }
0x12: {  	s23 =	simm.s32 $0x17480;
	s5 =	simm.s32 $0x8;
	s6 =	simm.s32 $0x5  }
0x13: {  	s19 =	sadd.s32 $0x5800, s7;
	[dreg:$0x5] =	wrdreg s3;
	s21 =	sadd.s32 $0x800, s7  }
0x14: {  	s3 =	sshrl.u32 s20, $0x4;
	s9 =	sadd.s32 $0x143000, s0;
	[dreg:$0x4] =	wrdreg s19  }
0x15: {  	s7 =	simm.s32 $0x17880;
	s0 =	simm.s32 $0x3;
	[dreg:$0x6] =	wrdreg s21  }
0x16: {  	v0 =	vimm.f32 $0.0e+00;
	s20 =	simm.s32 $0x0;
	[dreg:$0x7] =	wrdreg s3;
	s19 =	simm.s32 $0x28  }
.LBB2_1:
0x17: {  	[dreg:$0xb] =	wrdreg s20  }
0x18: {  	s3 =	rddreg [dreg:$0x4];
	s21 =	simm.s32 $0x13880  }
0x19: {  	[tilespmem:s21], [sflag:$0x1] =	stream.linear.gather [hbm4b:s3+s25], $0x1388, $0x38;
	[tilespmem:$0x1E080] =	vst v63  }
0x1a: {  	s20 =	rddreg [dreg:$0x5];
	s21 =	simm.s32 $0x14C80  }
0x1b: {  	[tilespmem:s21], [sflag:$0x1] =	stream.linear.gather [hbm4b:s20+s25], $0x1388, $0x38;
	[tilespmem:$0x1E080] =	vst v63  }
0x1c: {  	s20 =	rddreg [dreg:$0x6];
	s21 =	simm.s32 $0x16080  }
0x1d: {  	[tilespmem:s21], [sflag:$0x1] =	stream.linear.gather [hbm4b:s20+s25], $0x1388, $0x38;
	[tilespmem:$0x1E080] =	vst v63  }
0x1e: {  	s3 =	simm.s32 $0x0;
	s20 =	simm.s32 $0x200  }
.LBB2_2:
0x1f: {  	p0 =	sne.s32 s20, $0x4E00;
	[tilespmem:s3+$0x17CF0] =	vst v0  }
0x20: {  	[tilespmem:s3+$0x17C80] =	vst v0  }
0x21: {  	[tilespmem:s3+$0x17C90] =	vst v0  }
.Ltmp0:
0x22: {  	[tilespmem:s3+$0x17CA0] =	vst v0;
	(pc) =	sbr.rel @p0 .LBB2_2-.Ltmp0, $4  }
0x23: {  	[tilespmem:s3+$0x17CB0] =	vst v0  }
0x24: {  	[tilespmem:s3+$0x17CC0] =	vst v0  }
0x25: {  	[tilespmem:s3+$0x17CD0] =	vst v0  }
0x26: {  	[tilespmem:s3+$0x17CE0] =	vst v0;
	s3 =	sshra.s32 s20, $0x2;
	s20 =	sadd.s32 $0x200, s20  }
0x27: {  	[tilespmem:s3+$0x17CF0] =	vst v0  }
0x28: {  	[tilespmem:s3+$0x17C80] =	vst v0  }
0x29: {  	[tilespmem:s3+$0x17C90] =	vst v0  }
0x2a: {  	[tilespmem:s3+$0x17CA0] =	vst v0  }
0x2b: {  	[tilespmem:s3+$0x17CB0] =	vst v0;
	s25 =	rddreg [dreg:$0x7]  }
0x2c: {  	[tilespmem:s3+$0x17CC0] =	vst v0;
	p0 =	sne.s32 s25, $0x1  }
.Ltmp1:
0x2d: {  	[tilespmem:s3+$0x17CD0] =	vst v0;
	(pc) =	sbr.rel @!p0 .LBB2_5-.Ltmp1, $4  }
0x2e: {  	[tilespmem:s3+$0x17CE0] =	vst v0;
	s20 =	rddreg [dreg:$0x9]  }
0x2f: {  	[spmem:s20] =	stream.linear.scatter [tilespmem:s16], [sflag:$0xC], $0x1400, $0x38;
	[tilespmem:$0x1E080] =	vst v63  }
0x30: {  	_ =	swait.ge [sflag:s17], $0x1400  }
0x31: {  	s3 =	sadd.s32 $0xFFFFFFFF, s25;
	s25 =	simm.s32 $0x17500;
	[sflag:s17] =	ssyncset.done $0x0  }
.LBB2_4:
0x32: {  	p1 =	sne.s32 s3, $0x1;
	[sflag:s17] =	ssyncadd.s32 $0xFFFFEC00;
	s20 =	sadd.s32 $0x14000, s20  }
.Ltmp2:
0x33: {  	s3 =	sadd.s32 $0xFFFFFFFF, s3;
	(pc) =	sbr.rel @p1 .LBB2_4-.Ltmp2, $4  }
0x34: {  	_ = 	snop  }
0x35: {  	[spmem:s20] =	stream.linear.scatter [tilespmem:s16], [sflag:$0xC], $0x1400, $0x38;
	[tilespmem:$0x1E080] =	vst v63  }
0x36: {  	_ =	swait.ge [sflag:s17], $0x1400  }
0x37: {  	[sflag:s17] =	ssyncset.done $0x0  }
.LBB2_5:
0x38: {  	[sflag:s17] =	ssyncadd.s32 $0xFFFFEC00;
	s3 =	simm.s32 $0x1  }
0x39: {  	_ =	swait.ge [sflag:s3], $0x1388  }
0x3a: {  	[sflag:s3] =	ssyncset.done $0x0  }
0x3b: {  	[sflag:s3] =	ssyncadd.s32 $0xFFFFEC78  }
0x3c: {  	_ =	swait.ge [sflag:s3], $0x1388  }
0x3d: {  	[sflag:s3] =	ssyncset.done $0x0  }
0x3e: {  	[sflag:s3] =	ssyncadd.s32 $0xFFFFEC78  }
0x3f: {  	_ =	swait.ge [sflag:s3], $0x1388  }
0x40: {  	[sflag:s3] =	ssyncset.done $0x0  }
0x41: {  	[sflag:s3] =	ssyncadd.s32 $0xFFFFEC78  }
0x42: {  	[bflag:$0x0] =	sbarrier.arrive $0xFFFF  }
0x43: {  	v1 =	vld [tilespmem:$0x14C80]  }
0x44: {  	v2 =	vld [tilespmem:$0x13880]  }
0x45: {  	v3 =	vld [tilespmem:$0x16080]  }
0x46: {  	v4 =	vld [tilespmem:$0x14C90]  }
0x47: {  	v5 =	vld [tilespmem:$0x13890]  }
0x48: {  	v6 =	vld [tilespmem:$0x14C98]  }
0x49: {  	v7 =	vld [tilespmem:$0x16090];
	v1 =	vmul.u32 $0x2710, v1  }
0x4a: {  	v8 =	vld [tilespmem:$0x13898]  }
0x4b: {  	v1 =	vadd.s32 v2, v1  }
0x4c: {  	v2 =	vmul.u32 $0x2710, v4;
	[tilespmem:$0x17480] =	vst v1;
	v1 =	vld [tilespmem:$0x16098]  }
0x4d: {  	[tilespmem:$0x17880] =	vst v3;
	v3 =	vmul.u32 $0x2710, v6  }
0x4e: {  	[tilespmem:$0x17890] =	vst v7;
	v2 =	vadd.s32 v5, v2  }
0x4f: {  	[tilespmem:$0x17490] =	vst v2;
	v2 =	vadd.s32 v8, v3  }
0x50: {  	[tilespmem:$0x17498] =	vst v2  }
0x51: {  	[tilespmem:$0x17898] =	vst v1  }
0x52: {  	[tilespmem:s16], [sflag:$0x2] =	stream.indirect.gather [hbm4b:s4+s19], $0x80, s23, s19, $0xb8;
	[tilespmem:$0x1E080] =	vst v63  }
0x53: {  	v1 =	vld [tilespmem:$0x14CA8]  }
0x54: {  	v2 =	vld [tilespmem:$0x138A8]  }
0x55: {  	v3 =	vld [tilespmem:$0x160A8]  }
0x56: {  	v44 =	vld [tilespmem:$0x14CB8]  }
0x57: {  	v45 =	vld [tilespmem:$0x138B8]  }
0x58: {  	v46 =	vld [tilespmem:$0x14CC0]  }
0x59: {  	v47 =	vld [tilespmem:$0x160B8];
	v1 =	vmul.u32 $0x2710, v1  }
0x5a: {  	v48 =	vld [tilespmem:$0x138C0]  }
0x5b: {  	v1 =	vadd.s32 v2, v1  }
0x5c: {  	v2 =	vmul.u32 $0x2710, v44;
	[tilespmem:$0x17500] =	vst v1;
	v1 =	vld [tilespmem:$0x160C0]  }
0x5d: {  	[tilespmem:$0x17900] =	vst v3;
	v3 =	vmul.u32 $0x2710, v46  }
0x5e: {  	[tilespmem:$0x17910] =	vst v47;
	v2 =	vadd.s32 v45, v2  }
0x5f: {  	[tilespmem:$0x17510] =	vst v2;
	v2 =	vadd.s32 v48, v3  }
0x60: {  	[tilespmem:$0x17518] =	vst v2  }
0x61: {  	[tilespmem:$0x17918] =	vst v1  }
0x62: {  	[tilespmem:s22], [sflag:$0x3] =	stream.indirect.gather [hbm4b:s4+s19], $0x80, s25, s19, $0xb8;
	[tilespmem:$0x1E080] =	vst v63  }
0x63: {  	v1 =	vld [tilespmem:$0x14CD0]  }
0x64: {  	v2 =	vld [tilespmem:$0x138D0]  }
0x65: {  	v3 =	vld [tilespmem:$0x160D0]  }
0x66: {  	v49 =	vld [tilespmem:$0x14CE0]  }
0x67: {  	v50 =	vld [tilespmem:$0x138E0]  }
0x68: {  	v51 =	vld [tilespmem:$0x14CE8]  }
0x69: {  	v52 =	vld [tilespmem:$0x160E0];
	v1 =	vmul.u32 $0x2710, v1  }
0x6a: {  	v53 =	vld [tilespmem:$0x138E8]  }
0x6b: {  	v1 =	vadd.s32 v2, v1  }
0x6c: {  	v2 =	vmul.u32 $0x2710, v49;
	[tilespmem:$0x17580] =	vst v1;
	v1 =	vld [tilespmem:$0x160E8]  }
0x6d: {  	[tilespmem:$0x17980] =	vst v3;
	v3 =	vmul.u32 $0x2710, v51  }
0x6e: {  	[tilespmem:$0x17990] =	vst v52;
	v2 =	vadd.s32 v50, v2  }
0x6f: {  	[tilespmem:$0x17590] =	vst v2;
	v2 =	vadd.s32 v53, v3  }
0x70: {  	[tilespmem:$0x17598] =	vst v2  }
0x71: {  	[tilespmem:$0x17998] =	vst v1  }
0x72: {  	[tilespmem:s24], [sflag:$0x4] =	stream.indirect.gather [hbm4b:s4+s19], $0x80, s1, s19, $0xb8;
	[tilespmem:$0x1E080] =	vst v63  }
0x73: {  	v1 =	vld [tilespmem:$0x14CF8]  }
0x74: {  	v2 =	vld [tilespmem:$0x138F8]  }
0x75: {  	v3 =	vld [tilespmem:$0x160F8]  }
0x76: {  	v54 =	vld [tilespmem:$0x14D08]  }
0x77: {  	v55 =	vld [tilespmem:$0x13908]  }
0x78: {  	v56 =	vld [tilespmem:$0x14D10]  }
0x79: {  	v57 =	vld [tilespmem:$0x16108];
	v1 =	vmul.u32 $0x2710, v1  }
0x7a: {  	v58 =	vld [tilespmem:$0x13910]  }
0x7b: {  	v1 =	vadd.s32 v2, v1  }
0x7c: {  	v2 =	vmul.u32 $0x2710, v54;
	[tilespmem:$0x17600] =	vst v1;
	v1 =	vld [tilespmem:$0x16110]  }
0x7d: {  	[tilespmem:$0x17A00] =	vst v3;
	v3 =	vmul.u32 $0x2710, v56  }
0x7e: {  	[tilespmem:$0x17A10] =	vst v57;
	v2 =	vadd.s32 v55, v2  }
0x7f: {  	[tilespmem:$0x17610] =	vst v2;
	v2 =	vadd.s32 v58, v3  }
0x80: {  	[tilespmem:$0x17618] =	vst v2  }
0x81: {  	[tilespmem:$0x17A18] =	vst v1  }
0x82: {  	[tilespmem:s26], [sflag:$0x5] =	stream.indirect.gather [hbm4b:s4+s19], $0x80, s15, s19, $0xb8;
	[tilespmem:$0x1E080] =	vst v63  }
0x83: {  	_ =	swait.ge [sflag:s28], $0x1400  }
0x84: {  	[sflag:s28] =	ssyncset.done $0x0  }
0x85: {  	[sflag:s28] =	ssyncadd.s32 $0xFFFFEC00  }
0x86: {  	[spmem:s2] =	stream.indirect.scatter.add.f32 [tilespmem:s16], [sflag:$0x7], $0x80, s7, s19, $0xb8;
	[tilespmem:$0x1E080] =	vst v63  }
0x87: {  	v1 =	vld [tilespmem:$0x14D20]  }
0x88: {  	v2 =	vld [tilespmem:$0x13920]  }
0x89: {  	v3 =	vld [tilespmem:$0x16120]  }
0x8a: {  	v59 =	vld [tilespmem:$0x14D30]  }
0x8b: {  	v60 =	vld [tilespmem:$0x13930]  }
0x8c: {  	v61 =	vld [tilespmem:$0x14D38]  }
0x8d: {  	v62 =	vld [tilespmem:$0x16130];
	v1 =	vmul.u32 $0x2710, v1  }
0x8e: {  	v63 =	vld [tilespmem:$0x13938]  }
0x8f: {  	v1 =	vadd.s32 v2, v1  }
0x90: {  	v2 =	vmul.u32 $0x2710, v59;
	[tilespmem:$0x17680] =	vst v1;
	v1 =	vld [tilespmem:$0x16138]  }
0x91: {  	[tilespmem:$0x17A80] =	vst v3;
	v3 =	vmul.u32 $0x2710, v61  }
0x92: {  	[tilespmem:$0x17A90] =	vst v62;
	v2 =	vadd.s32 v60, v2  }
0x93: {  	[tilespmem:$0x17690] =	vst v2;
	v2 =	vadd.s32 v63, v3  }
0x94: {  	[tilespmem:$0x17698] =	vst v2  }
0x95: {  	[tilespmem:$0x17A98] =	vst v1  }
0x96: {  	[tilespmem:s31], [sflag:$0x6] =	stream.indirect.gather [hbm4b:s4+s19], $0x80, s8, s19, $0xb8;
	[tilespmem:$0x1E080] =	vst v63  }
0x97: {  	_ =	swait.ge [sflag:s0], $0x1400  }
0x98: {  	[sflag:s0] =	ssyncset.done $0x0  }
0x99: {  	[sflag:s0] =	ssyncadd.s32 $0xFFFFEC00  }
0x9a: {  	[spmem:s2] =	stream.indirect.scatter.add.f32 [tilespmem:s22], [sflag:$0x8], $0x80, s29, s19, $0xb8;
	[tilespmem:$0x1E080] =	vst v63  }
0x9b: {  	_ =	swait.ge [sflag:s13], $0x1400  }
0x9c: {  	[sflag:s13] =	ssyncset.done $0x0  }
0x9d: {  	s3 =	simm.s32 $0x14DF8;
	[sflag:s13] =	ssyncadd.s32 $0xFFFFEC00  }
0x9e: {  	v1 =	vld [tilespmem:s3+$0xFFFFFF50]  }
0x9f: {  	s20 =	simm.s32 $0x139F8  }
0xa0: {  	v2 =	vld [tilespmem:s20+$0xFFFFFF50];
	_ =	sdelay $0x2  }
0xa1: {  	v1 =	vmul.u32 $0x2710, v1;
	_ =	sdelay $0x1  }
0xa2: {  	v1 =	vadd.s32 v2, v1  }
0xa3: {  	s21 =	simm.s32 $0x161F8;
	[tilespmem:$0x17480] =	vst v1  }
0xa4: {  	v1 =	vld [tilespmem:s21+$0xFFFFFF50];
	_ =	sdelay $0x4  }
0xa5: {  	[tilespmem:$0x17880] =	vst v1  }
0xa6: {  	v1 =	vld [tilespmem:s3+$0xFFFFFF60];
	_ =	sdelay $0x1  }
0xa7: {  	v2 =	vld [tilespmem:s20+$0xFFFFFF60];
	_ =	sdelay $0x2  }
0xa8: {  	v1 =	vmul.u32 $0x2710, v1;
	_ =	sdelay $0x1  }
0xa9: {  	v1 =	vadd.s32 v2, v1  }
0xaa: {  	[tilespmem:$0x17490] =	vst v1  }
0xab: {  	v1 =	vld [tilespmem:s21+$0xFFFFFF60];
	_ =	sdelay $0x4  }
0xac: {  	[tilespmem:$0x17890] =	vst v1  }
0xad: {  	v1 =	vld [tilespmem:s3+$0xFFFFFF68];
	_ =	sdelay $0x1  }
0xae: {  	v2 =	vld [tilespmem:s20+$0xFFFFFF68];
	_ =	sdelay $0x2  }
0xaf: {  	v1 =	vmul.u32 $0x2710, v1;
	_ =	sdelay $0x1  }
0xb0: {  	v1 =	vadd.s32 v2, v1  }
0xb1: {  	[tilespmem:$0x17498] =	vst v1  }
0xb2: {  	v1 =	vld [tilespmem:s21+$0xFFFFFF68];
	_ =	sdelay $0x4  }
0xb3: {  	[tilespmem:$0x17898] =	vst v1  }
0xb4: {  	[tilespmem:s16], [sflag:$0x2] =	stream.indirect.gather [hbm4b:s4+s19], $0x80, s23, s19, $0xb8;
	[tilespmem:$0x1E080] =	vst v63  }
0xb5: {  	_ =	swait.ge [sflag:s14], $0x1400  }
0xb6: {  	[sflag:s14] =	ssyncset.done $0x0  }
0xb7: {  	[sflag:s14] =	ssyncadd.s32 $0xFFFFEC00  }
0xb8: {  	[spmem:s2] =	stream.indirect.scatter.add.f32 [tilespmem:s24], [sflag:$0x9], $0x80, s30, s19, $0xb8;
	[tilespmem:$0x1E080] =	vst v63  }
0xb9: {  	_ =	swait.ge [sflag:s5], $0x1400  }
0xba: {  	[sflag:s5] =	ssyncset.done $0x0  }
0xbb: {  	[sflag:s5] =	ssyncadd.s32 $0xFFFFEC00  }
0xbc: {  	v1 =	vld [tilespmem:s3+$0xFFFFFF78];
	_ =	sdelay $0x1  }
0xbd: {  	v2 =	vld [tilespmem:s20+$0xFFFFFF78];
	_ =	sdelay $0x2  }
0xbe: {  	v1 =	vmul.u32 $0x2710, v1;
	_ =	sdelay $0x1  }
0xbf: {  	v1 =	vadd.s32 v2, v1  }
0xc0: {  	[tilespmem:$0x17500] =	vst v1  }
0xc1: {  	v1 =	vld [tilespmem:s21+$0xFFFFFF78];
	_ =	sdelay $0x3  }
0xc2: {  	s8 =	simm.s32 $0x0  }
0xc3: {  	s23 =	sand.u32 $0x1FF8, s8;
	[tilespmem:$0x17900] =	vst v1  }
0xc4: {  	v1 =	vld [tilespmem:s23+$0x14D80];
	_ =	sdelay $0x1  }
0xc5: {  	v2 =	vld [tilespmem:s23+$0x13980];
	_ =	sdelay $0x2  }
0xc6: {  	v1 =	vmul.u32 $0x2710, v1;
	_ =	sdelay $0x1  }
0xc7: {  	v1 =	vadd.s32 v2, v1  }
0xc8: {  	[tilespmem:$0x17510] =	vst v1  }
0xc9: {  	v1 =	vld [tilespmem:s23+$0x16180];
	_ =	sdelay $0x4  }
0xca: {  	[tilespmem:$0x17910] =	vst v1  }
0xcb: {  	v1 =	vld [tilespmem:s3+$0xFFFFFF90];
	_ =	sdelay $0x1  }
0xcc: {  	v2 =	vld [tilespmem:s20+$0xFFFFFF90];
	_ =	sdelay $0x2  }
0xcd: {  	v1 =	vmul.u32 $0x2710, v1;
	_ =	sdelay $0x1  }
0xce: {  	v1 =	vadd.s32 v2, v1  }
0xcf: {  	[tilespmem:$0x17518] =	vst v1  }
0xd0: {  	v1 =	vld [tilespmem:s21+$0xFFFFFF90];
	_ =	sdelay $0x4  }
0xd1: {  	[tilespmem:$0x17918] =	vst v1  }
0xd2: {  	[tilespmem:s22], [sflag:$0x3] =	stream.indirect.gather [hbm4b:s4+s19], $0x80, s25, s19, $0xb8;
	[tilespmem:$0x1E080] =	vst v63  }
0xd3: {  	_ =	swait.ge [sflag:s6], $0x1400  }
0xd4: {  	[sflag:s6] =	ssyncset.done $0x0  }
0xd5: {  	s25 =	simm.s32 $0x17A00;
	[sflag:s6] =	ssyncadd.s32 $0xFFFFEC00  }
0xd6: {  	[spmem:s2] =	stream.indirect.scatter.add.f32 [tilespmem:s26], [sflag:$0xA], $0x80, s25, s19, $0xb8;
	[tilespmem:$0x1E080] =	vst v63  }
0xd7: {  	_ =	swait.ge [sflag:s10], $0x1400  }
0xd8: {  	[sflag:s10] =	ssyncset.done $0x0  }
0xd9: {  	[sflag:s10] =	ssyncadd.s32 $0xFFFFEC00  }
0xda: {  	v1 =	vld [tilespmem:s3+$0xFFFFFFA0];
	_ =	sdelay $0x1  }
0xdb: {  	v2 =	vld [tilespmem:s20+$0xFFFFFFA0];
	_ =	sdelay $0x2  }
0xdc: {  	v1 =	vmul.u32 $0x2710, v1;
	_ =	sdelay $0x1  }
0xdd: {  	v1 =	vadd.s32 v2, v1  }
0xde: {  	[tilespmem:$0x17580] =	vst v1  }
0xdf: {  	v1 =	vld [tilespmem:s21+$0xFFFFFFA0];
	_ =	sdelay $0x4  }
0xe0: {  	[tilespmem:$0x17980] =	vst v1  }
0xe1: {  	v1 =	vld [tilespmem:s3+$0xFFFFFFB0];
	_ =	sdelay $0x1  }
0xe2: {  	v2 =	vld [tilespmem:s20+$0xFFFFFFB0];
	_ =	sdelay $0x2  }
0xe3: {  	v1 =	vmul.u32 $0x2710, v1;
	_ =	sdelay $0x1  }
0xe4: {  	v1 =	vadd.s32 v2, v1  }
0xe5: {  	[tilespmem:$0x17590] =	vst v1  }
0xe6: {  	v1 =	vld [tilespmem:s21+$0xFFFFFFB0];
	_ =	sdelay $0x4  }
0xe7: {  	[tilespmem:$0x17990] =	vst v1  }
0xe8: {  	v1 =	vld [tilespmem:s3+$0xFFFFFFB8];
	_ =	sdelay $0x1  }
0xe9: {  	v2 =	vld [tilespmem:s20+$0xFFFFFFB8];
	_ =	sdelay $0x2  }
0xea: {  	v1 =	vmul.u32 $0x2710, v1;
	_ =	sdelay $0x1  }
0xeb: {  	v1 =	vadd.s32 v2, v1  }
0xec: {  	[tilespmem:$0x17598] =	vst v1  }
0xed: {  	v1 =	vld [tilespmem:s21+$0xFFFFFFB8];
	_ =	sdelay $0x4  }
0xee: {  	[tilespmem:$0x17998] =	vst v1  }
0xef: {  	[tilespmem:s24], [sflag:$0x4] =	stream.indirect.gather [hbm4b:s4+s19], $0x80, s1, s19, $0xb8;
	[tilespmem:$0x1E080] =	vst v63  }
0xf0: {  	_ =	swait.ge [sflag:s12], $0x1400  }
0xf1: {  	[sflag:s12] =	ssyncset.done $0x0  }
0xf2: {  	s29 =	simm.s32 $0x17A80;
	[sflag:s12] =	ssyncadd.s32 $0xFFFFEC00  }
0xf3: {  	[spmem:s2] =	stream.indirect.scatter.add.f32 [tilespmem:s31], [sflag:$0xB], $0x80, s29, s19, $0xb8;
	[tilespmem:$0x1E080] =	vst v63  }
0xf4: {  	_ =	swait.ge [sflag:s11], $0x1400  }
0xf5: {  	[sflag:s11] =	ssyncset.done $0x0  }
0xf6: {  	[sflag:s11] =	ssyncadd.s32 $0xFFFFEC00  }
0xf7: {  	v1 =	vld [tilespmem:s3+$0xFFFFFFC8];
	_ =	sdelay $0x1  }
0xf8: {  	v2 =	vld [tilespmem:s20+$0xFFFFFFC8];
	_ =	sdelay $0x2  }
0xf9: {  	v1 =	vmul.u32 $0x2710, v1;
	_ =	sdelay $0x1  }
0xfa: {  	v1 =	vadd.s32 v2, v1  }
0xfb: {  	[tilespmem:$0x17600] =	vst v1  }
0xfc: {  	v1 =	vld [tilespmem:s21+$0xFFFFFFC8];
	_ =	sdelay $0x4  }
0xfd: {  	[tilespmem:$0x17A00] =	vst v1  }
0xfe: {  	v1 =	vld [tilespmem:s3+$0xFFFFFFD8];
	_ =	sdelay $0x1  }
0xff: {  	v2 =	vld [tilespmem:s20+$0xFFFFFFD8];
	_ =	sdelay $0x2  }
0x100: {  	v1 =	vmul.u32 $0x2710, v1;
	_ =	sdelay $0x1  }
0x101: {  	v1 =	vadd.s32 v2, v1  }
0x102: {  	[tilespmem:$0x17610] =	vst v1  }
0x103: {  	v1 =	vld [tilespmem:s21+$0xFFFFFFD8];
	_ =	sdelay $0x4  }
0x104: {  	[tilespmem:$0x17A10] =	vst v1  }
0x105: {  	v1 =	vld [tilespmem:s3+$0xFFFFFFE0];
	_ =	sdelay $0x1  }
0x106: {  	v2 =	vld [tilespmem:s20+$0xFFFFFFE0];
	_ =	sdelay $0x2  }
0x107: {  	v1 =	vmul.u32 $0x2710, v1;
	_ =	sdelay $0x1  }
0x108: {  	v1 =	vadd.s32 v2, v1  }
0x109: {  	[tilespmem:$0x17618] =	vst v1  }
0x10a: {  	v1 =	vld [tilespmem:s21+$0xFFFFFFE0];
	_ =	sdelay $0x4  }
0x10b: {  	[tilespmem:$0x17A18] =	vst v1  }
0x10c: {  	[tilespmem:s26], [sflag:$0x5] =	stream.indirect.gather [hbm4b:s4+s19], $0x80, s15, s19, $0xb8;
	[tilespmem:$0x1E080] =	vst v63  }
0x10d: {  	_ =	swait.ge [sflag:s28], $0x1400  }
0x10e: {  	[sflag:s28] =	ssyncset.done $0x0  }
0x10f: {  	[sflag:s28] =	ssyncadd.s32 $0xFFFFEC00  }
0x110: {  	[spmem:s2] =	stream.indirect.scatter.add.f32 [tilespmem:s16], [sflag:$0x7], $0x80, s7, s19, $0xb8;
	[tilespmem:$0x1E080] =	vst v63  }
0x111: {  	_ =	swait.ge [sflag:s18], $0x1400  }
0x112: {  	[sflag:s18] =	ssyncset.done $0x0  }
0x113: {  	[sflag:s18] =	ssyncadd.s32 $0xFFFFEC00  }
0x114: {  	v1 =	vld [tilespmem:s3+$0xFFFFFFF0];
	_ =	sdelay $0x1  }
0x115: {  	v2 =	vld [tilespmem:s20+$0xFFFFFFF0];
	_ =	sdelay $0x2  }
0x116: {  	v1 =	vmul.u32 $0x2710, v1;
	_ =	sdelay $0x1  }
0x117: {  	v1 =	vadd.s32 v2, v1  }
0x118: {  	[tilespmem:$0x17680] =	vst v1  }
0x119: {  	v1 =	vld [tilespmem:s21+$0xFFFFFFF0];
	_ =	sdelay $0x4  }
0x11a: {  	[tilespmem:$0x17A80] =	vst v1  }
0x11b: {  	v1 =	vld [tilespmem:s3+$0x0];
	_ =	sdelay $0x1  }
0x11c: {  	v2 =	vld [tilespmem:s20+$0x0];
	_ =	sdelay $0x2  }
0x11d: {  	v1 =	vmul.u32 $0x2710, v1;
	_ =	sdelay $0x1  }
0x11e: {  	v1 =	vadd.s32 v2, v1  }
0x11f: {  	[tilespmem:$0x17690] =	vst v1  }
0x120: {  	v1 =	vld [tilespmem:s21+$0x0];
	_ =	sdelay $0x4  }
0x121: {  	[tilespmem:$0x17A90] =	vst v1  }
0x122: {  	v1 =	vld [tilespmem:s23+$0x14E00];
	_ =	sdelay $0x1  }
0x123: {  	v2 =	vld [tilespmem:s23+$0x13A00];
	_ =	sdelay $0x2  }
0x124: {  	v1 =	vmul.u32 $0x2710, v1;
	_ =	sdelay $0x1  }
0x125: {  	v1 =	vadd.s32 v2, v1  }
0x126: {  	[tilespmem:$0x17698] =	vst v1  }
0x127: {  	v1 =	vld [tilespmem:s23+$0x16200];
	_ =	sdelay $0x2  }
0x128: {  	s8 =	simm.s32 $0x17980;
	s30 =	simm.s32 $0x17500;
	s1 =	simm.s32 $0x17580  }
0x129: {  	s15 =	simm.s32 $0x17600;
	s7 =	simm.s32 $0x17880;
	s3 =	simm.s32 $0xC8  }
0x12a: {  	s20 =	simm.s32 $0x162C0;
	s21 =	simm.s32 $0x13AC0;
	s23 =	simm.s32 $0x14EC0;
	[tilespmem:$0x17A98] =	vst v1  }
.LBB2_6:
0x12b: {  	s25 =	simm.s32 $0x17680  }
0x12c: {  	[tilespmem:s31], [sflag:$0x6] =	stream.indirect.gather [hbm4b:s4+s19], $0x80, s25, s19, $0xb8;
	[tilespmem:$0x1E080] =	vst v63  }
0x12d: {  	s25 =	smov.u32 s3  }
0x12e: {  	p1 =	sne.s32 s3, $0x11F8;
	s3 =	sadd.s32 $0xC8, s3;
	_ =	swait.ge [sflag:s0], $0x1400  }
0x12f: {  	[sflag:s0] =	ssyncset.done $0x0  }
0x130: {  	s29 =	simm.s32 $0x17900;
	[sflag:s0] =	ssyncadd.s32 $0xFFFFEC00  }
0x131: {  	[spmem:s2] =	stream.indirect.scatter.add.f32 [tilespmem:s22], [sflag:$0x8], $0x80, s29, s19, $0xb8;
	[tilespmem:$0x1E080] =	vst v63  }
0x132: {  	_ =	swait.ge [sflag:s13], $0x1400  }
0x133: {  	[sflag:s13] =	ssyncset.done $0x0  }
0x134: {  	[sflag:s13] =	ssyncadd.s32 $0xFFFFEC00  }
0x135: {  	v1 =	vld [tilespmem:s23+$0xFFFFFF50];
	_ =	sdelay $0x1  }
0x136: {  	v2 =	vld [tilespmem:s21+$0xFFFFFF50];
	_ =	sdelay $0x2  }
0x137: {  	v1 =	vmul.u32 $0x2710, v1;
	_ =	sdelay $0x1  }
0x138: {  	v1 =	vadd.s32 v2, v1  }
0x139: {  	[tilespmem:$0x17480] =	vst v1  }
0x13a: {  	v1 =	vld [tilespmem:s20+$0xFFFFFF50];
	_ =	sdelay $0x4  }
0x13b: {  	[tilespmem:$0x17880] =	vst v1  }
0x13c: {  	v1 =	vld [tilespmem:s23+$0xFFFFFF60];
	_ =	sdelay $0x1  }
0x13d: {  	v2 =	vld [tilespmem:s21+$0xFFFFFF60];
	_ =	sdelay $0x2  }
0x13e: {  	v1 =	vmul.u32 $0x2710, v1;
	_ =	sdelay $0x1  }
0x13f: {  	v1 =	vadd.s32 v2, v1  }
0x140: {  	[tilespmem:$0x17490] =	vst v1  }
0x141: {  	v1 =	vld [tilespmem:s20+$0xFFFFFF60];
	_ =	sdelay $0x4  }
0x142: {  	[tilespmem:$0x17890] =	vst v1  }
0x143: {  	v1 =	vld [tilespmem:s23+$0xFFFFFF68]  }
0x144: {  	v2 =	vld [tilespmem:s21+$0xFFFFFF68];
	_ =	sdelay $0x3  }
0x145: {  	v1 =	vmul.u32 $0x2710, v1;
	_ =	sdelay $0x1  }
0x146: {  	v1 =	vadd.s32 v2, v1  }
0x147: {  	[tilespmem:$0x17498] =	vst v1  }
0x148: {  	v1 =	vld [tilespmem:s20+$0xFFFFFF68];
	_ =	sdelay $0x4  }
0x149: {  	s29 =	simm.s32 $0x17480;
	[tilespmem:$0x17898] =	vst v1  }
0x14a: {  	[tilespmem:s16], [sflag:$0x2] =	stream.indirect.gather [hbm4b:s4+s19], $0x80, s29, s19, $0xb8;
	[tilespmem:$0x1E080] =	vst v63  }
0x14b: {  	_ =	swait.ge [sflag:s14], $0x1400  }
0x14c: {  	[sflag:s14] =	ssyncset.done $0x0  }
0x14d: {  	[sflag:s14] =	ssyncadd.s32 $0xFFFFEC00  }
0x14e: {  	[spmem:s2] =	stream.indirect.scatter.add.f32 [tilespmem:s24], [sflag:$0x9], $0x80, s8, s19, $0xb8;
	[tilespmem:$0x1E080] =	vst v63  }
0x14f: {  	_ =	swait.ge [sflag:s5], $0x1400  }
0x150: {  	[sflag:s5] =	ssyncset.done $0x0  }
0x151: {  	[sflag:s5] =	ssyncadd.s32 $0xFFFFEC00  }
0x152: {  	v1 =	vld [tilespmem:s23+$0xFFFFFF78];
	_ =	sdelay $0x1  }
0x153: {  	v2 =	vld [tilespmem:s21+$0xFFFFFF78];
	_ =	sdelay $0x2  }
0x154: {  	v1 =	vmul.u32 $0x2710, v1;
	_ =	sdelay $0x1  }
0x155: {  	v1 =	vadd.s32 v2, v1  }
0x156: {  	[tilespmem:$0x17500] =	vst v1  }
0x157: {  	v1 =	vld [tilespmem:s20+$0xFFFFFF78];
	_ =	sdelay $0x4  }
0x158: {  	s25 =	sand.u32 $0x1FF8, s25;
	[tilespmem:$0x17900] =	vst v1  }
0x159: {  	v1 =	vld [tilespmem:s25+$0x14D80];
	_ =	sdelay $0x1  }
0x15a: {  	v2 =	vld [tilespmem:s25+$0x13980];
	_ =	sdelay $0x2  }
0x15b: {  	v1 =	vmul.u32 $0x2710, v1;
	_ =	sdelay $0x1  }
0x15c: {  	v1 =	vadd.s32 v2, v1  }
0x15d: {  	[tilespmem:$0x17510] =	vst v1  }
0x15e: {  	v1 =	vld [tilespmem:s25+$0x16180];
	_ =	sdelay $0x4  }
0x15f: {  	[tilespmem:$0x17910] =	vst v1  }
0x160: {  	v1 =	vld [tilespmem:s23+$0xFFFFFF90]  }
0x161: {  	v2 =	vld [tilespmem:s21+$0xFFFFFF90];
	_ =	sdelay $0x3  }
0x162: {  	v1 =	vmul.u32 $0x2710, v1;
	_ =	sdelay $0x1  }
0x163: {  	v1 =	vadd.s32 v2, v1  }
0x164: {  	[tilespmem:$0x17518] =	vst v1  }
0x165: {  	v1 =	vld [tilespmem:s20+$0xFFFFFF90];
	_ =	sdelay $0x4  }
0x166: {  	[tilespmem:$0x17918] =	vst v1  }
0x167: {  	[tilespmem:s22], [sflag:$0x3] =	stream.indirect.gather [hbm4b:s4+s19], $0x80, s30, s19, $0xb8;
	[tilespmem:$0x1E080] =	vst v63  }
0x168: {  	_ =	swait.ge [sflag:s6], $0x1400  }
0x169: {  	[sflag:s6] =	ssyncset.done $0x0  }
0x16a: {  	s29 =	simm.s32 $0x17A00;
	[sflag:s6] =	ssyncadd.s32 $0xFFFFEC00  }
0x16b: {  	[spmem:s2] =	stream.indirect.scatter.add.f32 [tilespmem:s26], [sflag:$0xA], $0x80, s29, s19, $0xb8;
	[tilespmem:$0x1E080] =	vst v63  }
0x16c: {  	_ =	swait.ge [sflag:s10], $0x1400  }
0x16d: {  	[sflag:s10] =	ssyncset.done $0x0  }
0x16e: {  	[sflag:s10] =	ssyncadd.s32 $0xFFFFEC00  }
0x16f: {  	v1 =	vld [tilespmem:s23+$0xFFFFFFA0];
	_ =	sdelay $0x1  }
0x170: {  	v2 =	vld [tilespmem:s21+$0xFFFFFFA0];
	_ =	sdelay $0x2  }
0x171: {  	v1 =	vmul.u32 $0x2710, v1;
	_ =	sdelay $0x1  }
0x172: {  	v1 =	vadd.s32 v2, v1  }
0x173: {  	[tilespmem:$0x17580] =	vst v1  }
0x174: {  	v1 =	vld [tilespmem:s20+$0xFFFFFFA0];
	_ =	sdelay $0x4  }
0x175: {  	[tilespmem:$0x17980] =	vst v1  }
0x176: {  	v1 =	vld [tilespmem:s23+$0xFFFFFFB0];
	_ =	sdelay $0x1  }
0x177: {  	v2 =	vld [tilespmem:s21+$0xFFFFFFB0];
	_ =	sdelay $0x2  }
0x178: {  	v1 =	vmul.u32 $0x2710, v1;
	_ =	sdelay $0x1  }
0x179: {  	v1 =	vadd.s32 v2, v1  }
0x17a: {  	[tilespmem:$0x17590] =	vst v1  }
0x17b: {  	v1 =	vld [tilespmem:s20+$0xFFFFFFB0];
	_ =	sdelay $0x4  }
0x17c: {  	[tilespmem:$0x17990] =	vst v1  }
0x17d: {  	v1 =	vld [tilespmem:s23+$0xFFFFFFB8]  }
0x17e: {  	v2 =	vld [tilespmem:s21+$0xFFFFFFB8];
	_ =	sdelay $0x3  }
0x17f: {  	v1 =	vmul.u32 $0x2710, v1;
	_ =	sdelay $0x1  }
0x180: {  	v1 =	vadd.s32 v2, v1  }
0x181: {  	[tilespmem:$0x17598] =	vst v1  }
0x182: {  	v1 =	vld [tilespmem:s20+$0xFFFFFFB8];
	_ =	sdelay $0x4  }
0x183: {  	[tilespmem:$0x17998] =	vst v1  }
0x184: {  	[tilespmem:s24], [sflag:$0x4] =	stream.indirect.gather [hbm4b:s4+s19], $0x80, s1, s19, $0xb8;
	[tilespmem:$0x1E080] =	vst v63  }
0x185: {  	_ =	swait.ge [sflag:s12], $0x1400  }
0x186: {  	[sflag:s12] =	ssyncset.done $0x0  }
0x187: {  	s29 =	simm.s32 $0x17A80;
	[sflag:s12] =	ssyncadd.s32 $0xFFFFEC00  }
0x188: {  	[spmem:s2] =	stream.indirect.scatter.add.f32 [tilespmem:s31], [sflag:$0xB], $0x80, s29, s19, $0xb8;
	[tilespmem:$0x1E080] =	vst v63  }
0x189: {  	_ =	swait.ge [sflag:s11], $0x1400  }
0x18a: {  	[sflag:s11] =	ssyncset.done $0x0  }
0x18b: {  	[sflag:s11] =	ssyncadd.s32 $0xFFFFEC00  }
0x18c: {  	v1 =	vld [tilespmem:s23+$0xFFFFFFC8];
	_ =	sdelay $0x1  }
0x18d: {  	v2 =	vld [tilespmem:s21+$0xFFFFFFC8];
	_ =	sdelay $0x2  }
0x18e: {  	v1 =	vmul.u32 $0x2710, v1;
	_ =	sdelay $0x1  }
0x18f: {  	v1 =	vadd.s32 v2, v1  }
0x190: {  	[tilespmem:$0x17600] =	vst v1  }
0x191: {  	v1 =	vld [tilespmem:s20+$0xFFFFFFC8];
	_ =	sdelay $0x4  }
0x192: {  	[tilespmem:$0x17A00] =	vst v1  }
0x193: {  	v1 =	vld [tilespmem:s23+$0xFFFFFFD8];
	_ =	sdelay $0x1  }
0x194: {  	v2 =	vld [tilespmem:s21+$0xFFFFFFD8];
	_ =	sdelay $0x2  }
0x195: {  	v1 =	vmul.u32 $0x2710, v1;
	_ =	sdelay $0x1  }
0x196: {  	v1 =	vadd.s32 v2, v1  }
0x197: {  	[tilespmem:$0x17610] =	vst v1  }
0x198: {  	v1 =	vld [tilespmem:s20+$0xFFFFFFD8];
	_ =	sdelay $0x4  }
0x199: {  	[tilespmem:$0x17A10] =	vst v1  }
0x19a: {  	v1 =	vld [tilespmem:s23+$0xFFFFFFE0]  }
0x19b: {  	v2 =	vld [tilespmem:s21+$0xFFFFFFE0];
	_ =	sdelay $0x3  }
0x19c: {  	v1 =	vmul.u32 $0x2710, v1;
	_ =	sdelay $0x1  }
0x19d: {  	v1 =	vadd.s32 v2, v1  }
0x19e: {  	[tilespmem:$0x17618] =	vst v1  }
0x19f: {  	v1 =	vld [tilespmem:s20+$0xFFFFFFE0];
	_ =	sdelay $0x4  }
0x1a0: {  	[tilespmem:$0x17A18] =	vst v1  }
0x1a1: {  	[tilespmem:s26], [sflag:$0x5] =	stream.indirect.gather [hbm4b:s4+s19], $0x80, s15, s19, $0xb8;
	[tilespmem:$0x1E080] =	vst v63  }
0x1a2: {  	_ =	swait.ge [sflag:s28], $0x1400  }
0x1a3: {  	[sflag:s28] =	ssyncset.done $0x0  }
0x1a4: {  	[sflag:s28] =	ssyncadd.s32 $0xFFFFEC00  }
0x1a5: {  	[spmem:s2] =	stream.indirect.scatter.add.f32 [tilespmem:s16], [sflag:$0x7], $0x80, s7, s19, $0xb8;
	[tilespmem:$0x1E080] =	vst v63  }
0x1a6: {  	_ =	swait.ge [sflag:s18], $0x1400  }
0x1a7: {  	[sflag:s18] =	ssyncset.done $0x0  }
0x1a8: {  	[sflag:s18] =	ssyncadd.s32 $0xFFFFEC00  }
0x1a9: {  	v1 =	vld [tilespmem:s23+$0xFFFFFFF0];
	_ =	sdelay $0x1  }
0x1aa: {  	v2 =	vld [tilespmem:s21+$0xFFFFFFF0];
	_ =	sdelay $0x2  }
0x1ab: {  	v1 =	vmul.u32 $0x2710, v1;
	_ =	sdelay $0x1  }
0x1ac: {  	v1 =	vadd.s32 v2, v1  }
0x1ad: {  	[tilespmem:$0x17680] =	vst v1  }
0x1ae: {  	v1 =	vld [tilespmem:s20+$0xFFFFFFF0];
	_ =	sdelay $0x4  }
0x1af: {  	[tilespmem:$0x17A80] =	vst v1  }
0x1b0: {  	v1 =	vld [tilespmem:s23+$0x0];
	_ =	sdelay $0x1  }
0x1b1: {  	v2 =	vld [tilespmem:s21+$0x0];
	_ =	sdelay $0x2  }
0x1b2: {  	v1 =	vmul.u32 $0x2710, v1;
	_ =	sdelay $0x1  }
0x1b3: {  	v1 =	vadd.s32 v2, v1  }
0x1b4: {  	[tilespmem:$0x17690] =	vst v1  }
0x1b5: {  	v1 =	vld [tilespmem:s20+$0x0];
	_ =	sdelay $0x4  }
0x1b6: {  	[tilespmem:$0x17A90] =	vst v1  }
0x1b7: {  	v1 =	vld [tilespmem:s25+$0x14E00]  }
0x1b8: {  	v2 =	vld [tilespmem:s25+$0x13A00];
	_ =	sdelay $0x3  }
0x1b9: {  	v1 =	vmul.u32 $0x2710, v1;
	_ =	sdelay $0x1  }
0x1ba: {  	v1 =	vadd.s32 v2, v1  }
0x1bb: {  	[tilespmem:$0x17698] =	vst v1  }
0x1bc: {  	v1 =	vld [tilespmem:s25+$0x16200]  }
.Ltmp3:
0x1bd: {  	(pc) =	sbr.rel @p1 .LBB2_6-.Ltmp3, $2  }
0x1be: {  	_ =	sdelay $0x2  }
0x1bf: {  	s23 =	sadd.s32 $0xC8, s23;
	s21 =	sadd.s32 $0xC8, s21;
	s20 =	sadd.s32 $0xC8, s20;
	[tilespmem:$0x17A98] =	vst v1  }
0x1c0: {  	s1 =	simm.s32 $0x17680  }
0x1c1: {  	[tilespmem:s31], [sflag:$0x6] =	stream.indirect.gather [hbm4b:s4+s19], $0x80, s1, s19, $0xb8;
	[tilespmem:$0x1E080] =	vst v63  }
0x1c2: {  	_ =	swait.ge [sflag:s0], $0x1400  }
0x1c3: {  	[sflag:s0] =	ssyncset.done $0x0  }
0x1c4: {  	s15 =	simm.s32 $0x17900;
	[sflag:s0] =	ssyncadd.s32 $0xFFFFEC00  }
0x1c5: {  	[spmem:s2] =	stream.indirect.scatter.add.f32 [tilespmem:s22], [sflag:$0x8], $0x80, s15, s19, $0xb8;
	[tilespmem:$0x1E080] =	vst v63  }
0x1c6: {  	_ =	swait.ge [sflag:s14], $0x1400  }
0x1c7: {  	[sflag:s14] =	ssyncset.done $0x0  }
0x1c8: {  	[sflag:s14] =	ssyncadd.s32 $0xFFFFEC00  }
0x1c9: {  	[spmem:s2] =	stream.indirect.scatter.add.f32 [tilespmem:s24], [sflag:$0x9], $0x80, s8, s19, $0xb8;
	[tilespmem:$0x1E080] =	vst v63  }
0x1ca: {  	_ =	swait.ge [sflag:s6], $0x1400  }
0x1cb: {  	[sflag:s6] =	ssyncset.done $0x0  }
0x1cc: {  	s20 =	simm.s32 $0x17A00;
	[sflag:s6] =	ssyncadd.s32 $0xFFFFEC00  }
0x1cd: {  	[spmem:s2] =	stream.indirect.scatter.add.f32 [tilespmem:s26], [sflag:$0xA], $0x80, s20, s19, $0xb8;
	[tilespmem:$0x1E080] =	vst v63  }
0x1ce: {  	_ =	swait.ge [sflag:s12], $0x1400  }
0x1cf: {  	[sflag:s12] =	ssyncset.done $0x0  }
0x1d0: {  	s21 =	simm.s32 $0x17A80;
	[sflag:s12] =	ssyncadd.s32 $0xFFFFEC00  }
0x1d1: {  	[spmem:s2] =	stream.indirect.scatter.add.f32 [tilespmem:s31], [sflag:$0xB], $0x80, s21, s19, $0xb8;
	[tilespmem:$0x1E080] =	vst v63  }
0x1d2: {  	_ =	swait.ge [sflag:s13], $0x1400  }
0x1d3: {  	[sflag:s13] =	ssyncset.done $0x0  }
0x1d4: {  	[sflag:s13] =	ssyncadd.s32 $0xFFFFEC00  }
0x1d5: {  	_ =	swait.ge [sflag:s5], $0x1400  }
0x1d6: {  	[sflag:s5] =	ssyncset.done $0x0  }
0x1d7: {  	[sflag:s5] =	ssyncadd.s32 $0xFFFFEC00  }
0x1d8: {  	_ =	swait.ge [sflag:s10], $0x1400  }
0x1d9: {  	[sflag:s10] =	ssyncset.done $0x0  }
0x1da: {  	[sflag:s10] =	ssyncadd.s32 $0xFFFFEC00  }
0x1db: {  	_ =	swait.ge [sflag:s11], $0x1400  }
0x1dc: {  	[sflag:s11] =	ssyncset.done $0x0  }
0x1dd: {  	[sflag:s11] =	ssyncadd.s32 $0xFFFFEC00  }
0x1de: {  	_ =	swait.ge [sflag:s18], $0x1400  }
0x1df: {  	[sflag:s18] =	ssyncset.done $0x0  }
0x1e0: {  	[sflag:s18] =	ssyncadd.s32 $0xFFFFEC00  }
0x1e1: {  	[bflag:$0x0] =	sbarrier.arrive $0xFFFF  }
0x1e2: {  	s21 =	rddreg [dreg:$0x9]  }
0x1e3: {  	[tilespmem:s16], [sflag:$0xC] =	stream.linear.gather [spmem:s21], $0x1400, $0x38;
	[tilespmem:$0x1E080] =	vst v63  }
0x1e4: {  	_ =	swait.ge [sflag:s17], $0x1400  }
0x1e5: {  	s25 =	simm.s32 $0x0;
	[sflag:s17] =	ssyncset.done $0x0;
	s20 =	rddreg [dreg:$0xa]  }
.Ltmp4:
0x1e6: {  	[sflag:s17] =	ssyncadd.s32 $0xFFFFEC00;
	s3 =	sadd.s32 s20, s9;
	(pc) =	sbr.rel @!p0 .LBB2_9-.Ltmp4, $4  }
0x1e7: {  	[hbm4b:s3+s25] =	stream.linear.scatter [tilespmem:s16], [sflag:$0xC], $0x1400, $0x38;
	[tilespmem:$0x1E080] =	vst v63  }
0x1e8: {  	_ =	swait.ge [sflag:s17], $0x1400  }
0x1e9: {  	s29 =	simm.s32 $0x17900;
	s30 =	simm.s32 $0x17980;
	s23 =	rddreg [dreg:$0x7]  }
0x1ea: {  	s8 =	simm.s32 $0x17680;
	[sflag:s17] =	ssyncset.done $0x0;
	s3 =	sadd.s32 $0xFFFFFFFF, s23  }
.LBB2_8:
0x1eb: {  	[sflag:s17] =	ssyncadd.s32 $0xFFFFEC00;
	s20 =	sadd.s32 $0x2800, s20;
	s21 =	sadd.s32 $0x14000, s21  }
0x1ec: {  	[tilespmem:s16], [sflag:$0xC] =	stream.linear.gather [spmem:s21], $0x1400, $0x38;
	[tilespmem:$0x1E080] =	vst v63  }
0x1ed: {  	p0 =	sne.s32 s3, $0x1;
	s3 =	sadd.s32 $0xFFFFFFFF, s3;
	_ =	swait.ge [sflag:s17], $0x1400  }
.Ltmp5:
0x1ee: {  	[sflag:s17] =	ssyncset.done $0x0;
	(pc) =	sbr.rel @p0 .LBB2_8-.Ltmp5, $4  }
0x1ef: {  	s23 =	sadd.s32 s20, s9;
	[sflag:s17] =	ssyncadd.s32 $0xFFFFEC00  }
0x1f0: {  	[hbm4b:s23+s25] =	stream.linear.scatter [tilespmem:s16], [sflag:$0xC], $0x1400, $0x38;
	[tilespmem:$0x1E080] =	vst v63  }
0x1f1: {  	_ =	swait.ge [sflag:s17], $0x1400  }
0x1f2: {  	[sflag:s17] =	ssyncset.done $0x0  }
.LBB2_9:
0x1f3: {  	s20 =	rddreg [dreg:$0xb]  }
0x1f4: {  	s3 =	rddreg [dreg:$0x8];
	s20 =	sadd.s32 $0x1, s20  }
0x1f5: {  	p0 =	sne.s32 s20, s3  }
.Ltmp6:
0x1f6: {  	_ = 	snop;
	(pc) =	sbr.rel @p0 .LBB2_1-.Ltmp6, $3  }
0x1f7: {  	_ =	sdelay $0x1  }
0x1f8: {  	[sflag:s17] =	ssyncadd.s32 $0xFFFFEC00;
	s23 =	simm.s32 $0x17480  }
0x1f9: {  	s1 =	simm.s32 $0x17580;
	s15 =	simm.s32 $0x17600;
	s7 =	simm.s32 $0x17880  }
0x1fa: {  	_ =	sfence.sel $0x180000  }
0x1fb: {  	[bflag:$0x0] =	sbarrier.arrive $0xFFFF  }
0x1fc: {  	_ =	strace $0x90000047  }
0x1fd: {  	s0 =	stileid.u32;
	[bflag:$0x2] =	sbarrier.arrive $0xFFFF  }
0x1fe: {  	p0 =	sne.s32 s0, $0x0;
	s0 =	rddreg [dreg:$0x3]  }
0x1ff: {  	s0 =	sadd.s32 @!p0 $0x100000, s0  }
0x200: {  	[sflag:s0] =	ssyncadd.tile.s32 @!p0 $0x1;
	_ =	shalt  }
.Lfunc_end2:
_tile_overlayer_lowered:
.L_overlay_start_2:
0x201: {  	(tag) =	ssettag $0x2  }
0x202: {  	s0 =	rddreg [dreg:$0x0];
	s2 =	stileid.u32  }
0x203: {  	s1 =	rddreg [dreg:$0x1];
	p0 =	sne.s32 s2, $0x0  }
0x204: {  	s3 =	rddreg [dreg:$0x2];
	[bflag:$0x3] =	sbarrier.arrive $0xFFFF;
	s2 =	simm.s32 @!p0 $0x1C0C  }
0x205: {  	[timem:s3], [sflag:s2] =	dma.local @!p0 [hbm:s0], s1  }
0x206: {  	s0 =	simm.s32 @!p0 $0xC  }
0x207: {  	_ =	swait.ge @!p0 [sflag:s0], s1  }
0x208: {  	s1 =	ssub.s32 @!p0 $0x0, s1;
	[sflag:s0] =	ssyncset.done @!p0 $0x0  }
0x209: {  	[sflag:s0] =	ssyncadd.s32 @!p0 s1  }
0x20a: {  	[bflag:$0x3] =	sbarrier.arrive $0xFFFF  }
0x20b: {  	_ =	shalt  }

// kernel: kernel.7.cloned.1.call-start
scs
__scs_entry_jumppad:
0x0: {  	(pc) =	sbr.rel $0x88, $3  }
0x1: {  	(tag) =	ssettag $0x0;
	lr =	simm.s32 $0x1  }
0x2: {  	[smem:$0x3F9D] =	sst lr;
	_ =	strace $0xD0000000  }
0x3: {  	_ = 	snop  }
0x4: {  	_ = 	snop  }
0x5: {  	_ = 	snop  }
0x6: {  	_ = 	snop  }
0x7: {  	_ = 	snop  }
__scs_overlays_trampoline_lowered:
0x8: {  	[smem:$0x3FAC] =	sst s0  }
0x9: {  	[smem:$0x3FAD] =	sst s1  }
0xa: {  	[smem:$0x3FAE] =	sst s2  }
0xb: {  	[smem:$0x3FAF] =	sst s3  }
0xc: {  	[smem:$0x3FB0] =	sst s4  }
0xd: {  	[smem:$0x3FB1] =	sst s5  }
0xe: {  	[smem:$0x3FB2] =	sst s6  }
0xf: {  	[smem:$0x3FB3] =	sst s7  }
0x10: {  	[smem:$0x3FB4] =	sst s8  }
0x11: {  	[smem:$0x3FB5] =	sst s9;
	s0 =	simm.s32 @!p0 $0x0  }
0x12: {  	s1 =	sld [smem:$0x3F9B];
	s0 =	simm.s32 @p0 $0x1  }
0x13: {  	[smem:$0x3FB6] =	sst s0;
	s0 =	simm.s32 @!p1 $0x0  }
0x14: {  	s2 =	sld [smem:$0x3F9A];
	s0 =	simm.s32 @p1 $0x1  }
0x15: {  	[smem:$0x3FB7] =	sst s0;
	s0 =	simm.s32 @!p2 $0x0  }
0x16: {  	s3 =	sld [smem:$0x3FDB];
	s0 =	simm.s32 @p2 $0x1  }
0x17: {  	s4 =	simm.s32 $0x1BF5;
	[smem:$0x3FB9] =	sst s0  }
0x18: {  	s0 =	sld [smem:$0x3F9C];
	_ =	swait.ge [sflag:s4], $0x0  }
0x19: {  	s7 =	sld [smem:$0x3F9D]  }
0x1a: {  	s8 =	sadd.s32 $0xFFFFE003, lr  }
0x1b: {  	s9 =	sadd.s32 $0xFFFFFEF7, lr;
	s5 =	simm.s32 $0xFFFFFFFF;
	p2 =	slt.u32 s8, $0xFFFFF086  }
0x1c: {  	p1 =	slt.u32 s9, $0xF7A;
	s5 =	simm.s32 @!p2 $0x0  }
0x1d: {  	s5 =	simm.s32 @p1 $0x1;
	p0 =	seq.s32 s7, s2  }
0x1e: {  	s7 =	smul.u32 @!p0 $0xF7A, s2;
	p2 =	seq.s32 @!p0 s5, $0x0  }
0x1f: {  	s9 =	smul.u32 $0xF7A, s1;
	s8 =	simm.s32 @!p0 $0x1BF5;
	p2 =	por !p2, p0  }
0x20: {  	[sflag:s8] =	ssyncset.s32 @!p0 $0xFFFFF086;
	s6 =	sadd.s32 @!p0 s3, s7;
	s7 =	simm.s32 @!p0 $0x108  }
0x21: {  	s3 =	sadd.s32 s3, s9;
	s6 =	sadd.s32 @!p0 $0x88, s6;
	s7 =	simm.s32 @p2 $0x1082  }
0x22: {  	[simem:s7], [sflag:s8] =	dma.local @!p0 [hbm:s6], $0xF7A  }
0x23: {  	s9 =	sor.u32 $0xD0000000, s2;
	s6 =	simm.s32 $0x108;
	_ =	swait.ge @!p0 [sflag:s8], $0x0  }
0x24: {  	s3 =	sadd.s32 $0x88, s3;
	s6 =	simm.s32 @!p1 $0x1082;
	[sflag:s4] =	ssyncset.s32 $0xFFFFF086  }
0x25: {  	[simem:s6], [sflag:s4] =	dma.local [hbm:s3], $0xF7A  }
0x26: {  	[smem:$0x3F9D] =	sst s1;
	(tag) =	ssettag s2;
	_ =	strace s9  }
0x27: {  	s1 =	sld [smem:$0x3FAD]  }
0x28: {  	s2 =	sld [smem:$0x3FAE]  }
0x29: {  	s4 =	sld [smem:$0x3FB0]  }
0x2a: {  	p0 =	seq.s32 s5, $0x0;
	s5 =	sld [smem:$0x3FB1]  }
0x2b: {  	s6 =	sld [smem:$0x3FB2]  }
0x2c: {  	s7 =	sld [smem:$0x3FB3]  }
0x2d: {  	s3 =	simm.s32 $0x108;
	s8 =	sld [smem:$0x3FB4]  }
0x2e: {  	s3 =	simm.s32 @!p0 $0x1082;
	s9 =	sld [smem:$0x3FB5]  }
0x2f: {  	lr =	sadd.s32 s0, s3;
	s0 =	sld [smem:$0x3FAC]  }
0x30: {  	s3 =	sld [smem:$0x3FAF]  }
0x31: {  	[smem:$0x3FB8] =	sst s10  }
0x32: {  	s10 =	sld [smem:$0x3FB6];
	_ =	sdelay $0x3  }
0x33: {  	p0 =	seq.s32 s10, $0x1;
	s10 =	sld [smem:$0x3FB8];
	_ =	sdelay $0x3  }
0x34: {  	[smem:$0x3FB8] =	sst s10  }
0x35: {  	s10 =	sld [smem:$0x3FB7];
	_ =	sdelay $0x3  }
0x36: {  	p1 =	seq.s32 s10, $0x1;
	s10 =	sld [smem:$0x3FB8];
	_ =	sdelay $0x3  }
0x37: {  	[smem:$0x3FB8] =	sst s10  }
0x38: {  	s10 =	sld [smem:$0x3FB9]  }
0x39: {  	_ = 	snop;
	(pc) =	sbr.ind lr, $3  }
0x3a: {  	_ = 	snop  }
0x3b: {  	_ = 	snop  }
0x3c: {  	p2 =	seq.s32 s10, $0x1;
	s10 =	sld [smem:$0x3FB8]  }
0x3d: {  	_ =	shalt  }
0x3e: {  	_ =	shalt  }
0x3f: {  	_ =	shalt  }
0x40: {  	_ =	shalt  }
0x41: {  	_ =	shalt  }
0x42: {  	_ =	shalt  }
0x43: {  	_ =	shalt  }
0x44: {  	_ =	shalt  }
0x45: {  	_ =	shalt  }
0x46: {  	_ =	shalt  }
0x47: {  	_ =	shalt  }
0x48: {  	_ =	shalt  }
0x49: {  	_ =	shalt  }
0x4a: {  	_ =	shalt  }
0x4b: {  	_ =	shalt  }
0x4c: {  	_ =	shalt  }
0x4d: {  	_ =	shalt  }
0x4e: {  	_ =	shalt  }
0x4f: {  	_ =	shalt  }
0x50: {  	_ =	shalt  }
0x51: {  	_ =	shalt  }
0x52: {  	_ =	shalt  }
0x53: {  	_ =	shalt  }
0x54: {  	_ =	shalt  }
0x55: {  	_ =	shalt  }
0x56: {  	_ =	shalt  }
0x57: {  	_ =	shalt  }
0x58: {  	_ =	shalt  }
0x59: {  	_ =	shalt  }
0x5a: {  	_ =	shalt  }
0x5b: {  	_ =	shalt  }
0x5c: {  	_ =	shalt  }
0x5d: {  	_ =	shalt  }
0x5e: {  	_ =	shalt  }
0x5f: {  	_ =	shalt  }
0x60: {  	_ =	shalt  }
0x61: {  	_ =	shalt  }
0x62: {  	_ =	shalt  }
0x63: {  	_ =	shalt  }
0x64: {  	_ =	shalt  }
0x65: {  	_ =	shalt  }
0x66: {  	_ =	shalt  }
0x67: {  	_ =	shalt  }
0x68: {  	_ =	shalt  }
0x69: {  	_ =	shalt  }
0x6a: {  	_ =	shalt  }
0x6b: {  	_ =	shalt  }
0x6c: {  	_ =	shalt  }
0x6d: {  	_ =	shalt  }
0x6e: {  	_ =	shalt  }
0x6f: {  	_ =	shalt  }
0x70: {  	_ =	shalt  }
0x71: {  	_ =	shalt  }
0x72: {  	_ =	shalt  }
0x73: {  	_ =	shalt  }
0x74: {  	_ =	shalt  }
0x75: {  	_ =	shalt  }
0x76: {  	_ =	shalt  }
0x77: {  	_ =	shalt  }
0x78: {  	_ =	shalt  }
0x79: {  	_ =	shalt  }
0x7a: {  	_ =	shalt  }
0x7b: {  	_ =	shalt  }
0x7c: {  	_ =	shalt  }
0x7d: {  	_ =	shalt  }
0x7e: {  	_ =	shalt  }
0x7f: {  	_ =	shalt  }
0x80: {  	_ =	shalt  }
0x81: {  	_ =	shalt  }
0x82: {  	_ =	shalt  }
0x83: {  	_ =	shalt  }
0x84: {  	_ =	shalt  }
0x85: {  	_ =	shalt  }
0x86: {  	_ =	shalt  }
0x87: {  	_ =	shalt  }
.Lfunc_end0:
.L_simem_size_0:
called_computation_lowered:
.L_overlay_start_0:
0x88: {  	s2 =	sld [smem:$0x3FD9]  }
0x89: {  	s3 =	sld [smem:$0x3FFE];
	_ =	sdelay $0x1  }
0x8a: {  	s1 =	srdreg.scid  }
0x8b: {  	s0 =	sand.u32 $0x1, s1  }
0x8c: {  	s17 =	sshll.u32 s0, $0xA;
	s2 =	sadd.s32 s3, s2  }
0x8d: {  	s2 =	sadd.s32 s2, s17  }
0x8e: {  	[smem:$0x3FC4] =	sst s2  }
0x8f: {  	_ = 	snop  }
0x90: {  	s18 =	sld [smem:$0x3FC7]  }
0x91: {  	s4 =	sld [smem:$0x3FD0];
	(tm) =	ssettm $0x1  }
0x92: {  	s19 =	sld [smem:$0x3FFB];
	_ =	sdelay $0x3  }
0x93: {  	_ =	strace s19  }
0x94: {  	s2 =	sld [smem:$0x3FFC];
	_ =	sdelay $0x3  }
0x95: {  	_ =	strace s2  }
0x96: {  	s2 =	sld [smem:$0x3FFD];
	_ =	sdelay $0x3  }
0x97: {  	_ =	strace s2  }
0x98: {  	_ =	strace $0x8FFFFFFF  }
0x99: {  	s20 =	sld [smem:$0x3FDB];
	_ =	sdelay $0x1  }
0x9a: {  	s5 =	simm.s32 $_scs_section_size  }
0x9b: {  	s6 =	simm.s32 $_size__tile_overlayer_lowered;
	s7 =	simm.s32 $_tile_overlayer_lowered  }
0x9c: {  	s8 =	simm.s32 $0x1BFF;
	s21 =	sshll.u32 s7, $0x1;
	s5 =	sadd.s32 s5, s20  }
0x9d: {  	s22 =	simm.s32 $0x0;
	s6 =	sshll.u32 s6, $0x1;
	s7 =	sadd.s32 s21, s5  }
0x9e: {  	[timem:s22], [sflag:s8] =	dma.local [hbm:s7], s6  }
0x9f: {  	_ =	swait.ge [sflag:s8], s6  }
0xa0: {  	s6 =	ssub.s32 $0x0, s6;
	[sflag:s8] =	ssyncset.done $0x0  }
0xa1: {  	[sflag:s8] =	ssyncadd.s32 s6;
	_ =	sdelay $0x1  }
0xa2: {  	s23 =	simm.s32 $0x1B8B  }
0xa3: {  	_ =	swait.ge [sflag:s23], $0x1  }
0xa4: {  	[sflag:s23] =	ssyncset.done $0x0  }
0xa5: {  	[sflag:s23] =	ssyncadd.s32 $0xFFFFFFFF  }
0xa6: {  	s6 =	sld [smem:$0x0]  }
0xa7: {  	s7 =	sand.u32 $0xFFFFFFFE, s1  }
0xa8: {  	p0 =	sne.s32 s1, s7  }
0xa9: {  	s7 =	sshll.u32 @p0 s7, $0xE  }
0xaa: {  	s7 =	sadd.s32 @p0 $0x11B8D, s7;
	s8 =	sshll.u32 @p0 s6, $0x11  }
0xab: {  	s7 =	sor.u32 @p0 s8, s7  }
0xac: {  	[sflag:s7] =	ssyncadd.remote.s32 @p0 $0x1;
	_ =	sdelay $0x1  }
0xad: {  	s7 =	simm.s32 @p0 $0x1B8D  }
0xae: {  	_ =	swait.eq @p0 [sflag:s7], $0x1  }
0xaf: {  	[sflag:s7] =	ssyncadd.s32 @p0 $0xFFFFFFFF  }
0xb0: {  	s8 =	sshll.u32 @!p0 s1, $0xE  }
0xb1: {  	s8 =	sor.u32 @!p0 $0x4000, s8;
	s7 =	simm.s32 @!p0 $0x1B8D  }
0xb2: {  	s6 =	sshll.u32 @!p0 s6, $0x11;
	s8 =	sadd.s32 @!p0 $0x11B8D, s8;
	_ =	swait.eq @!p0 [sflag:s7], $0x1  }
0xb3: {  	s6 =	sor.u32 @!p0 s6, s8;
	[sflag:s7] =	ssyncadd.s32 @!p0 $0xFFFFFFFF  }
0xb4: {  	s25 =	simm.s32 $0x1B8E;
	s24 =	sld [smem:$0x3FFE];
	[sflag:s6] =	ssyncadd.remote.s32 @!p0 $0x1  }
0xb5: {  	s26 =	simm.s32 $execute0_lowered;
	[smem:$0x3FD2] =	sst s25  }
0xb6: {  	s7 =	sshll.u32 s26, $0x1;
	_ =	strace $0x80000049;
	[dreg:$0x1] =	wrdreg $0xFFFFFFFF  }
0xb7: {  	s28 =	simm.s32 $_size_execute0_lowered;
	s5 =	sadd.s32 s5, s7;
	[dreg:$0x0] =	wrdreg $0x0  }
0xb8: {  	s7 =	sshll.u32 s28, $0x1;
	[dreg:$0x2] =	wrdreg s5  }
0xb9: {  	[dreg:$0x3] =	wrdreg s7  }
0xba: {  	[dreg:$0x4] =	wrdreg $0xC0  }
0xbb: {  	_ =	task [dreg:s22], $0x5FFFF  }
0xbc: {  	[dreg:$0x1] =	wrdreg $0xFFFFFFFF  }
0xbd: {  	[dreg:$0x0] =	wrdreg $0x60  }
0xbe: {  	[dreg:$0x2] =	wrdreg s24  }
0xbf: {  	[dreg:$0x3] =	wrdreg s18  }
0xc0: {  	[dreg:$0x4] =	wrdreg s4  }
0xc1: {  	[dreg:$0x5] =	wrdreg $0x0  }
0xc2: {  	[dreg:$0x6] =	wrdreg $0x9  }
0xc3: {  	_ =	task.clear_ibuf [dreg:s22], $0x7FFFF;
	_ =	strace $0x90000049  }
0xc4: {  	s29 =	simm.s32 $0x9;
	_ =	strace $0x8000004B  }
0xc5: {  	_ =	swait.ge [sflag:s29], $0x1  }
0xc6: {  	[sflag:s29] =	ssyncadd.s32 $0xFFFFFFFF  }
0xc7: {  	_ =	strace $0x9000004B  }
0xc8: {  	_ =	sfence  }
0xc9: {  	s30 =	sld [smem:$0x0];
	_ =	sdelay $0x2  }
0xca: {  	s31 =	sshll.u32 s1, $0xD;
	s1 =	sshrl.u32 s1, $0x2  }
0xcb: {  	s4 =	sand.u32 $0x4000, s31;
	s1 =	sadd.s32 s1, s30  }
0xcc: {  	s0 =	sor.u32 s4, s0;
	s1 =	sshll.u32 s1, $0x11  }
0xcd: {  	s0 =	sor.u32 s1, s0  }
0xce: {  	s0 =	sadd.s32 $0x8F2B, s0  }
0xcf: {  	[sflag:s0] =	ssyncadd.remote.s32 $0x1  }
0xd0: {  	_ =	sfence.sel $0xFFFF  }
0xd1: {  	[dreg:$0x0] =	wrdreg $0xFFFFFFFF;
	(pc) =	sbr.abs _section_cstart, $3  }
0xd2: {  	[dreg:$0x1] =	wrdreg $0xFFFFFFFF  }
0xd3: {  	_ =	task.clear_ibuf [dreg:s22], $0x2FFFF;
	_ =	strace $0x9FFFFFFF  }
0xd4: {  	(tm) =	ssettm $0x7FFFFFFF  }
0xd5: {  	_ =	shalt  }
tec
execute0_lowered:
.L_overlay_start_1:
0x0: {  	(tag) =	ssettag $0x1  }
0x1: {  	s0 =	rddreg [dreg:$0x0]  }
0x2: {  	s1 =	rddreg [dreg:$0x1];
	s2 =	srdreg.scid  }
0x3: {  	s3 =	rddreg [dreg:$0x2];
	s10 =	stileid.u32  }
0x4: {  	s25 =	simm.s32 $0x0;
	s16 =	simm.s32 $0x17C80;
	s17 =	simm.s32 $0xC  }
0x5: {  	s15 =	simm.s32 $0x17600;
	s28 =	simm.s32 $0x2;
	s31 =	simm.s32 $0x1CC80  }
0x6: {  	s29 =	simm.s32 $0x17900;
	s13 =	simm.s32 $0x7;
	s14 =	simm.s32 $0x4  }
0x7: {  	s30 =	simm.s32 $0x17980;
	s12 =	simm.s32 $0x6;
	s11 =	simm.s32 $0xA  }
0x8: {  	s18 =	simm.s32 $0xB;
	s5 =	sand.u32 $0x1, s2;
	s2 =	rddreg [dreg:$0x3]  }
0x9: {  	[smem:$0x7FF] =	sst s25;
	s20 =	smul.u32 $0x5000, s10;
	s21 =	ssub.s32 $0x109, s10  }
0xa: {  	s26 =	smul.u32 $0x280, s10;
	s4 =	sshll.u32 s5, $0x4;
	_ =	strace $0x8000004A  }
0xb: {  	s7 =	ssub.s32 $0x2, s5;
	s5 =	smul.u32 $0x27100, s5;
	s22 =	sshrl.u32 s21, $0x4  }
0xc: {  	s4 =	sor.u32 s10, s4;
	s8 =	sshrl.u32 s7, $0x1;
	[dreg:$0x8] =	wrdreg s22  }
0xd: {  	s23 =	sshrl.u32 s20, $0x2;
	[dreg:$0xb] =	wrdreg s26;
	s22 =	simm.s32 $0x19080  }
0xe: {  	s26 =	simm.s32 $0x1B880;
	s10 =	simm.s32 $0x9;
	s20 =	simm.s32 $0x0  }
0xf: {  	s6 =	smul.u32 $0x271, s4;
	s4 =	sadd.s32 $0x191200, s0;
	s7 =	ssub.s32 s7, s8  }
0x10: {  	s9 =	sadd.s32 s3, s5;
	s8 =	simm.s32 $0x17680;
	s5 =	simm.s32 $0x8  }
0x11: {  	s24 =	smax.u32 s7, $0x1;
	s7 =	simm.s32 $0x17880;
	s0 =	sadd.s32 s6, s0  }
0x12: {  	s1 =	sadd.s32 s1, s6;
	[dreg:$0x9] =	wrdreg s24;
	s24 =	simm.s32 $0x1A480  }
0x13: {  	s6 =	simm.s32 $0x5;
	s19 =	sadd.s32 $0x5800, s0;
	[dreg:$0x6] =	wrdreg s1  }
0x14: {  	s0 =	sadd.s32 $0x800, s0;
	s1 =	simm.s32 $0x17580;
	[dreg:$0x5] =	wrdreg s19  }
0x15: {  	[dreg:$0x7] =	wrdreg s0;
	s0 =	sadd.s32 s23, s2;
	s19 =	simm.s32 $0x28  }
0x16: {  	v0 =	vimm.f32 $0.0e+00;
	s23 =	simm.s32 $0x17480;
	[dreg:$0xa] =	wrdreg s0;
	s0 =	simm.s32 $0x3  }
.LBB2_1:
0x17: {  	[dreg:$0xc] =	wrdreg s20  }
0x18: {  	s3 =	rddreg [dreg:$0x5];
	s21 =	simm.s32 $0x13880  }
0x19: {  	[tilespmem:s21], [sflag:$0x1] =	stream.linear.gather [hbm4b:s3+s25], $0x1388, $0x38;
	[tilespmem:$0x1E080] =	vst v63  }
0x1a: {  	s20 =	rddreg [dreg:$0x6];
	s21 =	simm.s32 $0x14C80  }
0x1b: {  	[tilespmem:s21], [sflag:$0x1] =	stream.linear.gather [hbm4b:s20+s25], $0x1388, $0x38;
	[tilespmem:$0x1E080] =	vst v63  }
0x1c: {  	s20 =	rddreg [dreg:$0x7];
	s21 =	simm.s32 $0x16080  }
0x1d: {  	[tilespmem:s21], [sflag:$0x1] =	stream.linear.gather [hbm4b:s20+s25], $0x1388, $0x38;
	[tilespmem:$0x1E080] =	vst v63  }
0x1e: {  	s3 =	simm.s32 $0x0;
	s20 =	simm.s32 $0x200  }
.LBB2_2:
0x1f: {  	p0 =	sne.s32 s20, $0x4E00;
	[tilespmem:s3+$0x17CF0] =	vst v0  }
0x20: {  	[tilespmem:s3+$0x17C80] =	vst v0  }
0x21: {  	[tilespmem:s3+$0x17C90] =	vst v0  }
.Ltmp0:
0x22: {  	[tilespmem:s3+$0x17CA0] =	vst v0;
	(pc) =	sbr.rel @p0 .LBB2_2-.Ltmp0, $4  }
0x23: {  	[tilespmem:s3+$0x17CB0] =	vst v0  }
0x24: {  	[tilespmem:s3+$0x17CC0] =	vst v0  }
0x25: {  	[tilespmem:s3+$0x17CD0] =	vst v0  }
0x26: {  	[tilespmem:s3+$0x17CE0] =	vst v0;
	s3 =	sshra.s32 s20, $0x2;
	s20 =	sadd.s32 $0x200, s20  }
0x27: {  	[tilespmem:s3+$0x17CF0] =	vst v0  }
0x28: {  	[tilespmem:s3+$0x17C80] =	vst v0  }
0x29: {  	[tilespmem:s3+$0x17C90] =	vst v0  }
0x2a: {  	[tilespmem:s3+$0x17CA0] =	vst v0  }
0x2b: {  	[tilespmem:s3+$0x17CB0] =	vst v0;
	s25 =	rddreg [dreg:$0x8]  }
0x2c: {  	[tilespmem:s3+$0x17CC0] =	vst v0;
	p0 =	sne.s32 s25, $0x1  }
.Ltmp1:
0x2d: {  	[tilespmem:s3+$0x17CD0] =	vst v0;
	(pc) =	sbr.rel @!p0 .LBB2_5-.Ltmp1, $4  }
0x2e: {  	[tilespmem:s3+$0x17CE0] =	vst v0;
	s20 =	rddreg [dreg:$0xa]  }
0x2f: {  	[spmem:s20] =	stream.linear.scatter [tilespmem:s16], [sflag:$0xC], $0x1400, $0x38;
	[tilespmem:$0x1E080] =	vst v63  }
0x30: {  	_ =	swait.ge [sflag:s17], $0x1400  }
0x31: {  	s3 =	sadd.s32 $0xFFFFFFFF, s25;
	s25 =	simm.s32 $0x17500;
	[sflag:s17] =	ssyncset.done $0x0  }
.LBB2_4:
0x32: {  	p1 =	sne.s32 s3, $0x1;
	[sflag:s17] =	ssyncadd.s32 $0xFFFFEC00;
	s20 =	sadd.s32 $0x14000, s20  }
.Ltmp2:
0x33: {  	s3 =	sadd.s32 $0xFFFFFFFF, s3;
	(pc) =	sbr.rel @p1 .LBB2_4-.Ltmp2, $4  }
0x34: {  	_ = 	snop  }
0x35: {  	[spmem:s20] =	stream.linear.scatter [tilespmem:s16], [sflag:$0xC], $0x1400, $0x38;
	[tilespmem:$0x1E080] =	vst v63  }
0x36: {  	_ =	swait.ge [sflag:s17], $0x1400  }
0x37: {  	[sflag:s17] =	ssyncset.done $0x0  }
.LBB2_5:
0x38: {  	[sflag:s17] =	ssyncadd.s32 $0xFFFFEC00;
	s3 =	simm.s32 $0x1  }
0x39: {  	_ =	swait.ge [sflag:s3], $0x1388  }
0x3a: {  	[sflag:s3] =	ssyncset.done $0x0  }
0x3b: {  	[sflag:s3] =	ssyncadd.s32 $0xFFFFEC78  }
0x3c: {  	_ =	swait.ge [sflag:s3], $0x1388  }
0x3d: {  	[sflag:s3] =	ssyncset.done $0x0  }
0x3e: {  	[sflag:s3] =	ssyncadd.s32 $0xFFFFEC78  }
0x3f: {  	_ =	swait.ge [sflag:s3], $0x1388  }
0x40: {  	[sflag:s3] =	ssyncset.done $0x0  }
0x41: {  	[sflag:s3] =	ssyncadd.s32 $0xFFFFEC78  }
0x42: {  	[bflag:$0x0] =	sbarrier.arrive $0xFFFF  }
0x43: {  	v1 =	vld [tilespmem:$0x14C80]  }
0x44: {  	v2 =	vld [tilespmem:$0x13880]  }
0x45: {  	v3 =	vld [tilespmem:$0x16080]  }
0x46: {  	v4 =	vld [tilespmem:$0x14C90]  }
0x47: {  	v5 =	vld [tilespmem:$0x13890]  }
0x48: {  	v6 =	vld [tilespmem:$0x14C98]  }
0x49: {  	v7 =	vld [tilespmem:$0x16090];
	v1 =	vmul.u32 $0x2710, v1  }
0x4a: {  	v8 =	vld [tilespmem:$0x13898]  }
0x4b: {  	v1 =	vadd.s32 v2, v1  }
0x4c: {  	v2 =	vmul.u32 $0x2710, v4;
	[tilespmem:$0x17480] =	vst v1;
	v1 =	vld [tilespmem:$0x16098]  }
0x4d: {  	[tilespmem:$0x17880] =	vst v3;
	v3 =	vmul.u32 $0x2710, v6  }
0x4e: {  	[tilespmem:$0x17890] =	vst v7;
	v2 =	vadd.s32 v5, v2  }
0x4f: {  	[tilespmem:$0x17490] =	vst v2;
	v2 =	vadd.s32 v8, v3  }
0x50: {  	[tilespmem:$0x17498] =	vst v2  }
0x51: {  	[tilespmem:$0x17898] =	vst v1  }
0x52: {  	[tilespmem:s16], [sflag:$0x2] =	stream.indirect.gather [hbm4b:s4+s19], $0x80, s23, s19, $0xb8;
	[tilespmem:$0x1E080] =	vst v63  }
0x53: {  	v1 =	vld [tilespmem:$0x14CA8]  }
0x54: {  	v2 =	vld [tilespmem:$0x138A8]  }
0x55: {  	v3 =	vld [tilespmem:$0x160A8]  }
0x56: {  	v44 =	vld [tilespmem:$0x14CB8]  }
0x57: {  	v45 =	vld [tilespmem:$0x138B8]  }
0x58: {  	v46 =	vld [tilespmem:$0x14CC0]  }
0x59: {  	v47 =	vld [tilespmem:$0x160B8];
	v1 =	vmul.u32 $0x2710, v1  }
0x5a: {  	v48 =	vld [tilespmem:$0x138C0]  }
0x5b: {  	v1 =	vadd.s32 v2, v1  }
0x5c: {  	v2 =	vmul.u32 $0x2710, v44;
	[tilespmem:$0x17500] =	vst v1;
	v1 =	vld [tilespmem:$0x160C0]  }
0x5d: {  	[tilespmem:$0x17900] =	vst v3;
	v3 =	vmul.u32 $0x2710, v46  }
0x5e: {  	[tilespmem:$0x17910] =	vst v47;
	v2 =	vadd.s32 v45, v2  }
0x5f: {  	[tilespmem:$0x17510] =	vst v2;
	v2 =	vadd.s32 v48, v3  }
0x60: {  	[tilespmem:$0x17518] =	vst v2  }
0x61: {  	[tilespmem:$0x17918] =	vst v1  }
0x62: {  	[tilespmem:s22], [sflag:$0x3] =	stream.indirect.gather [hbm4b:s4+s19], $0x80, s25, s19, $0xb8;
	[tilespmem:$0x1E080] =	vst v63  }
0x63: {  	v1 =	vld [tilespmem:$0x14CD0]  }
0x64: {  	v2 =	vld [tilespmem:$0x138D0]  }
0x65: {  	v3 =	vld [tilespmem:$0x160D0]  }
0x66: {  	v49 =	vld [tilespmem:$0x14CE0]  }
0x67: {  	v50 =	vld [tilespmem:$0x138E0]  }
0x68: {  	v51 =	vld [tilespmem:$0x14CE8]  }
0x69: {  	v52 =	vld [tilespmem:$0x160E0];
	v1 =	vmul.u32 $0x2710, v1  }
0x6a: {  	v53 =	vld [tilespmem:$0x138E8]  }
0x6b: {  	v1 =	vadd.s32 v2, v1  }
0x6c: {  	v2 =	vmul.u32 $0x2710, v49;
	[tilespmem:$0x17580] =	vst v1;
	v1 =	vld [tilespmem:$0x160E8]  }
0x6d: {  	[tilespmem:$0x17980] =	vst v3;
	v3 =	vmul.u32 $0x2710, v51  }
0x6e: {  	[tilespmem:$0x17990] =	vst v52;
	v2 =	vadd.s32 v50, v2  }
0x6f: {  	[tilespmem:$0x17590] =	vst v2;
	v2 =	vadd.s32 v53, v3  }
0x70: {  	[tilespmem:$0x17598] =	vst v2  }
0x71: {  	[tilespmem:$0x17998] =	vst v1  }
0x72: {  	[tilespmem:s24], [sflag:$0x4] =	stream.indirect.gather [hbm4b:s4+s19], $0x80, s1, s19, $0xb8;
	[tilespmem:$0x1E080] =	vst v63  }
0x73: {  	v1 =	vld [tilespmem:$0x14CF8]  }
0x74: {  	v2 =	vld [tilespmem:$0x138F8]  }
0x75: {  	v3 =	vld [tilespmem:$0x160F8]  }
0x76: {  	v54 =	vld [tilespmem:$0x14D08]  }
0x77: {  	v55 =	vld [tilespmem:$0x13908]  }
0x78: {  	v56 =	vld [tilespmem:$0x14D10]  }
0x79: {  	v57 =	vld [tilespmem:$0x16108];
	v1 =	vmul.u32 $0x2710, v1  }
0x7a: {  	v58 =	vld [tilespmem:$0x13910]  }
0x7b: {  	v1 =	vadd.s32 v2, v1  }
0x7c: {  	v2 =	vmul.u32 $0x2710, v54;
	[tilespmem:$0x17600] =	vst v1;
	v1 =	vld [tilespmem:$0x16110]  }
0x7d: {  	[tilespmem:$0x17A00] =	vst v3;
	v3 =	vmul.u32 $0x2710, v56  }
0x7e: {  	[tilespmem:$0x17A10] =	vst v57;
	v2 =	vadd.s32 v55, v2  }
0x7f: {  	[tilespmem:$0x17610] =	vst v2;
	v2 =	vadd.s32 v58, v3  }
0x80: {  	[tilespmem:$0x17618] =	vst v2  }
0x81: {  	[tilespmem:$0x17A18] =	vst v1  }
0x82: {  	[tilespmem:s26], [sflag:$0x5] =	stream.indirect.gather [hbm4b:s4+s19], $0x80, s15, s19, $0xb8;
	[tilespmem:$0x1E080] =	vst v63  }
0x83: {  	_ =	swait.ge [sflag:s28], $0x1400  }
0x84: {  	[sflag:s28] =	ssyncset.done $0x0  }
0x85: {  	[sflag:s28] =	ssyncadd.s32 $0xFFFFEC00  }
0x86: {  	[spmem:s2] =	stream.indirect.scatter.add.f32 [tilespmem:s16], [sflag:$0x7], $0x80, s7, s19, $0xb8;
	[tilespmem:$0x1E080] =	vst v63  }
0x87: {  	v1 =	vld [tilespmem:$0x14D20]  }
0x88: {  	v2 =	vld [tilespmem:$0x13920]  }
0x89: {  	v3 =	vld [tilespmem:$0x16120]  }
0x8a: {  	v59 =	vld [tilespmem:$0x14D30]  }
0x8b: {  	v60 =	vld [tilespmem:$0x13930]  }
0x8c: {  	v61 =	vld [tilespmem:$0x14D38]  }
0x8d: {  	v62 =	vld [tilespmem:$0x16130];
	v1 =	vmul.u32 $0x2710, v1  }
0x8e: {  	v63 =	vld [tilespmem:$0x13938]  }
0x8f: {  	v1 =	vadd.s32 v2, v1  }
0x90: {  	v2 =	vmul.u32 $0x2710, v59;
	[tilespmem:$0x17680] =	vst v1;
	v1 =	vld [tilespmem:$0x16138]  }
0x91: {  	[tilespmem:$0x17A80] =	vst v3;
	v3 =	vmul.u32 $0x2710, v61  }
0x92: {  	[tilespmem:$0x17A90] =	vst v62;
	v2 =	vadd.s32 v60, v2  }
0x93: {  	[tilespmem:$0x17690] =	vst v2;
	v2 =	vadd.s32 v63, v3  }
0x94: {  	[tilespmem:$0x17698] =	vst v2  }
0x95: {  	[tilespmem:$0x17A98] =	vst v1  }
0x96: {  	[tilespmem:s31], [sflag:$0x6] =	stream.indirect.gather [hbm4b:s4+s19], $0x80, s8, s19, $0xb8;
	[tilespmem:$0x1E080] =	vst v63  }
0x97: {  	_ =	swait.ge [sflag:s0], $0x1400  }
0x98: {  	[sflag:s0] =	ssyncset.done $0x0  }
0x99: {  	[sflag:s0] =	ssyncadd.s32 $0xFFFFEC00  }
0x9a: {  	[spmem:s2] =	stream.indirect.scatter.add.f32 [tilespmem:s22], [sflag:$0x8], $0x80, s29, s19, $0xb8;
	[tilespmem:$0x1E080] =	vst v63  }
0x9b: {  	_ =	swait.ge [sflag:s13], $0x1400  }
0x9c: {  	[sflag:s13] =	ssyncset.done $0x0  }
0x9d: {  	s3 =	simm.s32 $0x14DF8;
	[sflag:s13] =	ssyncadd.s32 $0xFFFFEC00  }
0x9e: {  	v1 =	vld [tilespmem:s3+$0xFFFFFF50]  }
0x9f: {  	s20 =	simm.s32 $0x139F8  }
0xa0: {  	v2 =	vld [tilespmem:s20+$0xFFFFFF50];
	_ =	sdelay $0x2  }
0xa1: {  	v1 =	vmul.u32 $0x2710, v1;
	_ =	sdelay $0x1  }
0xa2: {  	v1 =	vadd.s32 v2, v1  }
0xa3: {  	s21 =	simm.s32 $0x161F8;
	[tilespmem:$0x17480] =	vst v1  }
0xa4: {  	v1 =	vld [tilespmem:s21+$0xFFFFFF50];
	_ =	sdelay $0x4  }
0xa5: {  	[tilespmem:$0x17880] =	vst v1  }
0xa6: {  	v1 =	vld [tilespmem:s3+$0xFFFFFF60];
	_ =	sdelay $0x1  }
0xa7: {  	v2 =	vld [tilespmem:s20+$0xFFFFFF60];
	_ =	sdelay $0x2  }
0xa8: {  	v1 =	vmul.u32 $0x2710, v1;
	_ =	sdelay $0x1  }
0xa9: {  	v1 =	vadd.s32 v2, v1  }
0xaa: {  	[tilespmem:$0x17490] =	vst v1  }
0xab: {  	v1 =	vld [tilespmem:s21+$0xFFFFFF60];
	_ =	sdelay $0x4  }
0xac: {  	[tilespmem:$0x17890] =	vst v1  }
0xad: {  	v1 =	vld [tilespmem:s3+$0xFFFFFF68];
	_ =	sdelay $0x1  }
0xae: {  	v2 =	vld [tilespmem:s20+$0xFFFFFF68];
	_ =	sdelay $0x2  }
0xaf: {  	v1 =	vmul.u32 $0x2710, v1;
	_ =	sdelay $0x1  }
0xb0: {  	v1 =	vadd.s32 v2, v1  }
0xb1: {  	[tilespmem:$0x17498] =	vst v1  }
0xb2: {  	v1 =	vld [tilespmem:s21+$0xFFFFFF68];
	_ =	sdelay $0x4  }
0xb3: {  	[tilespmem:$0x17898] =	vst v1  }
0xb4: {  	[tilespmem:s16], [sflag:$0x2] =	stream.indirect.gather [hbm4b:s4+s19], $0x80, s23, s19, $0xb8;
	[tilespmem:$0x1E080] =	vst v63  }
0xb5: {  	_ =	swait.ge [sflag:s14], $0x1400  }
0xb6: {  	[sflag:s14] =	ssyncset.done $0x0  }
0xb7: {  	[sflag:s14] =	ssyncadd.s32 $0xFFFFEC00  }
0xb8: {  	[spmem:s2] =	stream.indirect.scatter.add.f32 [tilespmem:s24], [sflag:$0x9], $0x80, s30, s19, $0xb8;
	[tilespmem:$0x1E080] =	vst v63  }
0xb9: {  	_ =	swait.ge [sflag:s5], $0x1400  }
0xba: {  	[sflag:s5] =	ssyncset.done $0x0  }
0xbb: {  	[sflag:s5] =	ssyncadd.s32 $0xFFFFEC00  }
0xbc: {  	v1 =	vld [tilespmem:s3+$0xFFFFFF78];
	_ =	sdelay $0x1  }
0xbd: {  	v2 =	vld [tilespmem:s20+$0xFFFFFF78];
	_ =	sdelay $0x2  }
0xbe: {  	v1 =	vmul.u32 $0x2710, v1;
	_ =	sdelay $0x1  }
0xbf: {  	v1 =	vadd.s32 v2, v1  }
0xc0: {  	[tilespmem:$0x17500] =	vst v1  }
0xc1: {  	v1 =	vld [tilespmem:s21+$0xFFFFFF78];
	_ =	sdelay $0x3  }
0xc2: {  	s8 =	simm.s32 $0x0  }
0xc3: {  	s23 =	sand.u32 $0x1FF8, s8;
	[tilespmem:$0x17900] =	vst v1  }
0xc4: {  	v1 =	vld [tilespmem:s23+$0x14D80];
	_ =	sdelay $0x1  }
0xc5: {  	v2 =	vld [tilespmem:s23+$0x13980];
	_ =	sdelay $0x2  }
0xc6: {  	v1 =	vmul.u32 $0x2710, v1;
	_ =	sdelay $0x1  }
0xc7: {  	v1 =	vadd.s32 v2, v1  }
0xc8: {  	[tilespmem:$0x17510] =	vst v1  }
0xc9: {  	v1 =	vld [tilespmem:s23+$0x16180];
	_ =	sdelay $0x4  }
0xca: {  	[tilespmem:$0x17910] =	vst v1  }
0xcb: {  	v1 =	vld [tilespmem:s3+$0xFFFFFF90];
	_ =	sdelay $0x1  }
0xcc: {  	v2 =	vld [tilespmem:s20+$0xFFFFFF90];
	_ =	sdelay $0x2  }
0xcd: {  	v1 =	vmul.u32 $0x2710, v1;
	_ =	sdelay $0x1  }
0xce: {  	v1 =	vadd.s32 v2, v1  }
0xcf: {  	[tilespmem:$0x17518] =	vst v1  }
0xd0: {  	v1 =	vld [tilespmem:s21+$0xFFFFFF90];
	_ =	sdelay $0x4  }
0xd1: {  	[tilespmem:$0x17918] =	vst v1  }
0xd2: {  	[tilespmem:s22], [sflag:$0x3] =	stream.indirect.gather [hbm4b:s4+s19], $0x80, s25, s19, $0xb8;
	[tilespmem:$0x1E080] =	vst v63  }
0xd3: {  	_ =	swait.ge [sflag:s6], $0x1400  }
0xd4: {  	[sflag:s6] =	ssyncset.done $0x0  }
0xd5: {  	s25 =	simm.s32 $0x17A00;
	[sflag:s6] =	ssyncadd.s32 $0xFFFFEC00  }
0xd6: {  	[spmem:s2] =	stream.indirect.scatter.add.f32 [tilespmem:s26], [sflag:$0xA], $0x80, s25, s19, $0xb8;
	[tilespmem:$0x1E080] =	vst v63  }
0xd7: {  	_ =	swait.ge [sflag:s10], $0x1400  }
0xd8: {  	[sflag:s10] =	ssyncset.done $0x0  }
0xd9: {  	[sflag:s10] =	ssyncadd.s32 $0xFFFFEC00  }
0xda: {  	v1 =	vld [tilespmem:s3+$0xFFFFFFA0];
	_ =	sdelay $0x1  }
0xdb: {  	v2 =	vld [tilespmem:s20+$0xFFFFFFA0];
	_ =	sdelay $0x2  }
0xdc: {  	v1 =	vmul.u32 $0x2710, v1;
	_ =	sdelay $0x1  }
0xdd: {  	v1 =	vadd.s32 v2, v1  }
0xde: {  	[tilespmem:$0x17580] =	vst v1  }
0xdf: {  	v1 =	vld [tilespmem:s21+$0xFFFFFFA0];
	_ =	sdelay $0x4  }
0xe0: {  	[tilespmem:$0x17980] =	vst v1  }
0xe1: {  	v1 =	vld [tilespmem:s3+$0xFFFFFFB0];
	_ =	sdelay $0x1  }
0xe2: {  	v2 =	vld [tilespmem:s20+$0xFFFFFFB0];
	_ =	sdelay $0x2  }
0xe3: {  	v1 =	vmul.u32 $0x2710, v1;
	_ =	sdelay $0x1  }
0xe4: {  	v1 =	vadd.s32 v2, v1  }
0xe5: {  	[tilespmem:$0x17590] =	vst v1  }
0xe6: {  	v1 =	vld [tilespmem:s21+$0xFFFFFFB0];
	_ =	sdelay $0x4  }
0xe7: {  	[tilespmem:$0x17990] =	vst v1  }
0xe8: {  	v1 =	vld [tilespmem:s3+$0xFFFFFFB8];
	_ =	sdelay $0x1  }
0xe9: {  	v2 =	vld [tilespmem:s20+$0xFFFFFFB8];
	_ =	sdelay $0x2  }
0xea: {  	v1 =	vmul.u32 $0x2710, v1;
	_ =	sdelay $0x1  }
0xeb: {  	v1 =	vadd.s32 v2, v1  }
0xec: {  	[tilespmem:$0x17598] =	vst v1  }
0xed: {  	v1 =	vld [tilespmem:s21+$0xFFFFFFB8];
	_ =	sdelay $0x4  }
0xee: {  	[tilespmem:$0x17998] =	vst v1  }
0xef: {  	[tilespmem:s24], [sflag:$0x4] =	stream.indirect.gather [hbm4b:s4+s19], $0x80, s1, s19, $0xb8;
	[tilespmem:$0x1E080] =	vst v63  }
0xf0: {  	_ =	swait.ge [sflag:s12], $0x1400  }
0xf1: {  	[sflag:s12] =	ssyncset.done $0x0  }
0xf2: {  	s29 =	simm.s32 $0x17A80;
	[sflag:s12] =	ssyncadd.s32 $0xFFFFEC00  }
0xf3: {  	[spmem:s2] =	stream.indirect.scatter.add.f32 [tilespmem:s31], [sflag:$0xB], $0x80, s29, s19, $0xb8;
	[tilespmem:$0x1E080] =	vst v63  }
0xf4: {  	_ =	swait.ge [sflag:s11], $0x1400  }
0xf5: {  	[sflag:s11] =	ssyncset.done $0x0  }
0xf6: {  	[sflag:s11] =	ssyncadd.s32 $0xFFFFEC00  }
0xf7: {  	v1 =	vld [tilespmem:s3+$0xFFFFFFC8];
	_ =	sdelay $0x1  }
0xf8: {  	v2 =	vld [tilespmem:s20+$0xFFFFFFC8];
	_ =	sdelay $0x2  }
0xf9: {  	v1 =	vmul.u32 $0x2710, v1;
	_ =	sdelay $0x1  }
0xfa: {  	v1 =	vadd.s32 v2, v1  }
0xfb: {  	[tilespmem:$0x17600] =	vst v1  }
0xfc: {  	v1 =	vld [tilespmem:s21+$0xFFFFFFC8];
	_ =	sdelay $0x4  }
0xfd: {  	[tilespmem:$0x17A00] =	vst v1  }
0xfe: {  	v1 =	vld [tilespmem:s3+$0xFFFFFFD8];
	_ =	sdelay $0x1  }
0xff: {  	v2 =	vld [tilespmem:s20+$0xFFFFFFD8];
	_ =	sdelay $0x2  }
0x100: {  	v1 =	vmul.u32 $0x2710, v1;
	_ =	sdelay $0x1  }
0x101: {  	v1 =	vadd.s32 v2, v1  }
0x102: {  	[tilespmem:$0x17610] =	vst v1  }
0x103: {  	v1 =	vld [tilespmem:s21+$0xFFFFFFD8];
	_ =	sdelay $0x4  }
0x104: {  	[tilespmem:$0x17A10] =	vst v1  }
0x105: {  	v1 =	vld [tilespmem:s3+$0xFFFFFFE0];
	_ =	sdelay $0x1  }
0x106: {  	v2 =	vld [tilespmem:s20+$0xFFFFFFE0];
	_ =	sdelay $0x2  }
0x107: {  	v1 =	vmul.u32 $0x2710, v1;
	_ =	sdelay $0x1  }
0x108: {  	v1 =	vadd.s32 v2, v1  }
0x109: {  	[tilespmem:$0x17618] =	vst v1  }
0x10a: {  	v1 =	vld [tilespmem:s21+$0xFFFFFFE0];
	_ =	sdelay $0x4  }
0x10b: {  	[tilespmem:$0x17A18] =	vst v1  }
0x10c: {  	[tilespmem:s26], [sflag:$0x5] =	stream.indirect.gather [hbm4b:s4+s19], $0x80, s15, s19, $0xb8;
	[tilespmem:$0x1E080] =	vst v63  }
0x10d: {  	_ =	swait.ge [sflag:s28], $0x1400  }
0x10e: {  	[sflag:s28] =	ssyncset.done $0x0  }
0x10f: {  	[sflag:s28] =	ssyncadd.s32 $0xFFFFEC00  }
0x110: {  	[spmem:s2] =	stream.indirect.scatter.add.f32 [tilespmem:s16], [sflag:$0x7], $0x80, s7, s19, $0xb8;
	[tilespmem:$0x1E080] =	vst v63  }
0x111: {  	_ =	swait.ge [sflag:s18], $0x1400  }
0x112: {  	[sflag:s18] =	ssyncset.done $0x0  }
0x113: {  	[sflag:s18] =	ssyncadd.s32 $0xFFFFEC00  }
0x114: {  	v1 =	vld [tilespmem:s3+$0xFFFFFFF0];
	_ =	sdelay $0x1  }
0x115: {  	v2 =	vld [tilespmem:s20+$0xFFFFFFF0];
	_ =	sdelay $0x2  }
0x116: {  	v1 =	vmul.u32 $0x2710, v1;
	_ =	sdelay $0x1  }
0x117: {  	v1 =	vadd.s32 v2, v1  }
0x118: {  	[tilespmem:$0x17680] =	vst v1  }
0x119: {  	v1 =	vld [tilespmem:s21+$0xFFFFFFF0];
	_ =	sdelay $0x4  }
0x11a: {  	[tilespmem:$0x17A80] =	vst v1  }
0x11b: {  	v1 =	vld [tilespmem:s3+$0x0];
	_ =	sdelay $0x1  }
0x11c: {  	v2 =	vld [tilespmem:s20+$0x0];
	_ =	sdelay $0x2  }
0x11d: {  	v1 =	vmul.u32 $0x2710, v1;
	_ =	sdelay $0x1  }
0x11e: {  	v1 =	vadd.s32 v2, v1  }
0x11f: {  	[tilespmem:$0x17690] =	vst v1  }
0x120: {  	v1 =	vld [tilespmem:s21+$0x0];
	_ =	sdelay $0x4  }
0x121: {  	[tilespmem:$0x17A90] =	vst v1  }
0x122: {  	v1 =	vld [tilespmem:s23+$0x14E00];
	_ =	sdelay $0x1  }
0x123: {  	v2 =	vld [tilespmem:s23+$0x13A00];
	_ =	sdelay $0x2  }
0x124: {  	v1 =	vmul.u32 $0x2710, v1;
	_ =	sdelay $0x1  }
0x125: {  	v1 =	vadd.s32 v2, v1  }
0x126: {  	[tilespmem:$0x17698] =	vst v1  }
0x127: {  	v1 =	vld [tilespmem:s23+$0x16200];
	_ =	sdelay $0x2  }
0x128: {  	s8 =	simm.s32 $0x17980;
	s30 =	simm.s32 $0x17500;
	s1 =	simm.s32 $0x17580  }
0x129: {  	s15 =	simm.s32 $0x17600;
	s7 =	simm.s32 $0x17880;
	s3 =	simm.s32 $0xC8  }
0x12a: {  	s20 =	simm.s32 $0x162C0;
	s21 =	simm.s32 $0x13AC0;
	s23 =	simm.s32 $0x14EC0;
	[tilespmem:$0x17A98] =	vst v1  }
.LBB2_6:
0x12b: {  	s25 =	simm.s32 $0x17680  }
0x12c: {  	[tilespmem:s31], [sflag:$0x6] =	stream.indirect.gather [hbm4b:s4+s19], $0x80, s25, s19, $0xb8;
	[tilespmem:$0x1E080] =	vst v63  }
0x12d: {  	s25 =	smov.u32 s3  }
0x12e: {  	p1 =	sne.s32 s3, $0x11F8;
	s3 =	sadd.s32 $0xC8, s3;
	_ =	swait.ge [sflag:s0], $0x1400  }
0x12f: {  	[sflag:s0] =	ssyncset.done $0x0  }
0x130: {  	s29 =	simm.s32 $0x17900;
	[sflag:s0] =	ssyncadd.s32 $0xFFFFEC00  }
0x131: {  	[spmem:s2] =	stream.indirect.scatter.add.f32 [tilespmem:s22], [sflag:$0x8], $0x80, s29, s19, $0xb8;
	[tilespmem:$0x1E080] =	vst v63  }
0x132: {  	_ =	swait.ge [sflag:s13], $0x1400  }
0x133: {  	[sflag:s13] =	ssyncset.done $0x0  }
0x134: {  	[sflag:s13] =	ssyncadd.s32 $0xFFFFEC00  }
0x135: {  	v1 =	vld [tilespmem:s23+$0xFFFFFF50];
	_ =	sdelay $0x1  }
0x136: {  	v2 =	vld [tilespmem:s21+$0xFFFFFF50];
	_ =	sdelay $0x2  }
0x137: {  	v1 =	vmul.u32 $0x2710, v1;
	_ =	sdelay $0x1  }
0x138: {  	v1 =	vadd.s32 v2, v1  }
0x139: {  	[tilespmem:$0x17480] =	vst v1  }
0x13a: {  	v1 =	vld [tilespmem:s20+$0xFFFFFF50];
	_ =	sdelay $0x4  }
0x13b: {  	[tilespmem:$0x17880] =	vst v1  }
0x13c: {  	v1 =	vld [tilespmem:s23+$0xFFFFFF60];
	_ =	sdelay $0x1  }
0x13d: {  	v2 =	vld [tilespmem:s21+$0xFFFFFF60];
	_ =	sdelay $0x2  }
0x13e: {  	v1 =	vmul.u32 $0x2710, v1;
	_ =	sdelay $0x1  }
0x13f: {  	v1 =	vadd.s32 v2, v1  }
0x140: {  	[tilespmem:$0x17490] =	vst v1  }
0x141: {  	v1 =	vld [tilespmem:s20+$0xFFFFFF60];
	_ =	sdelay $0x4  }
0x142: {  	[tilespmem:$0x17890] =	vst v1  }
0x143: {  	v1 =	vld [tilespmem:s23+$0xFFFFFF68]  }
0x144: {  	v2 =	vld [tilespmem:s21+$0xFFFFFF68];
	_ =	sdelay $0x3  }
0x145: {  	v1 =	vmul.u32 $0x2710, v1;
	_ =	sdelay $0x1  }
0x146: {  	v1 =	vadd.s32 v2, v1  }
0x147: {  	[tilespmem:$0x17498] =	vst v1  }
0x148: {  	v1 =	vld [tilespmem:s20+$0xFFFFFF68];
	_ =	sdelay $0x4  }
0x149: {  	s29 =	simm.s32 $0x17480;
	[tilespmem:$0x17898] =	vst v1  }
0x14a: {  	[tilespmem:s16], [sflag:$0x2] =	stream.indirect.gather [hbm4b:s4+s19], $0x80, s29, s19, $0xb8;
	[tilespmem:$0x1E080] =	vst v63  }
0x14b: {  	_ =	swait.ge [sflag:s14], $0x1400  }
0x14c: {  	[sflag:s14] =	ssyncset.done $0x0  }
0x14d: {  	[sflag:s14] =	ssyncadd.s32 $0xFFFFEC00  }
0x14e: {  	[spmem:s2] =	stream.indirect.scatter.add.f32 [tilespmem:s24], [sflag:$0x9], $0x80, s8, s19, $0xb8;
	[tilespmem:$0x1E080] =	vst v63  }
0x14f: {  	_ =	swait.ge [sflag:s5], $0x1400  }
0x150: {  	[sflag:s5] =	ssyncset.done $0x0  }
0x151: {  	[sflag:s5] =	ssyncadd.s32 $0xFFFFEC00  }
0x152: {  	v1 =	vld [tilespmem:s23+$0xFFFFFF78];
	_ =	sdelay $0x1  }
0x153: {  	v2 =	vld [tilespmem:s21+$0xFFFFFF78];
	_ =	sdelay $0x2  }
0x154: {  	v1 =	vmul.u32 $0x2710, v1;
	_ =	sdelay $0x1  }
0x155: {  	v1 =	vadd.s32 v2, v1  }
0x156: {  	[tilespmem:$0x17500] =	vst v1  }
0x157: {  	v1 =	vld [tilespmem:s20+$0xFFFFFF78];
	_ =	sdelay $0x4  }
0x158: {  	s25 =	sand.u32 $0x1FF8, s25;
	[tilespmem:$0x17900] =	vst v1  }
0x159: {  	v1 =	vld [tilespmem:s25+$0x14D80];
	_ =	sdelay $0x1  }
0x15a: {  	v2 =	vld [tilespmem:s25+$0x13980];
	_ =	sdelay $0x2  }
0x15b: {  	v1 =	vmul.u32 $0x2710, v1;
	_ =	sdelay $0x1  }
0x15c: {  	v1 =	vadd.s32 v2, v1  }
0x15d: {  	[tilespmem:$0x17510] =	vst v1  }
0x15e: {  	v1 =	vld [tilespmem:s25+$0x16180];
	_ =	sdelay $0x4  }
0x15f: {  	[tilespmem:$0x17910] =	vst v1  }
0x160: {  	v1 =	vld [tilespmem:s23+$0xFFFFFF90]  }
0x161: {  	v2 =	vld [tilespmem:s21+$0xFFFFFF90];
	_ =	sdelay $0x3  }
0x162: {  	v1 =	vmul.u32 $0x2710, v1;
	_ =	sdelay $0x1  }
0x163: {  	v1 =	vadd.s32 v2, v1  }
0x164: {  	[tilespmem:$0x17518] =	vst v1  }
0x165: {  	v1 =	vld [tilespmem:s20+$0xFFFFFF90];
	_ =	sdelay $0x4  }
0x166: {  	[tilespmem:$0x17918] =	vst v1  }
0x167: {  	[tilespmem:s22], [sflag:$0x3] =	stream.indirect.gather [hbm4b:s4+s19], $0x80, s30, s19, $0xb8;
	[tilespmem:$0x1E080] =	vst v63  }
0x168: {  	_ =	swait.ge [sflag:s6], $0x1400  }
0x169: {  	[sflag:s6] =	ssyncset.done $0x0  }
0x16a: {  	s29 =	simm.s32 $0x17A00;
	[sflag:s6] =	ssyncadd.s32 $0xFFFFEC00  }
0x16b: {  	[spmem:s2] =	stream.indirect.scatter.add.f32 [tilespmem:s26], [sflag:$0xA], $0x80, s29, s19, $0xb8;
	[tilespmem:$0x1E080] =	vst v63  }
0x16c: {  	_ =	swait.ge [sflag:s10], $0x1400  }
0x16d: {  	[sflag:s10] =	ssyncset.done $0x0  }
0x16e: {  	[sflag:s10] =	ssyncadd.s32 $0xFFFFEC00  }
0x16f: {  	v1 =	vld [tilespmem:s23+$0xFFFFFFA0];
	_ =	sdelay $0x1  }
0x170: {  	v2 =	vld [tilespmem:s21+$0xFFFFFFA0];
	_ =	sdelay $0x2  }
0x171: {  	v1 =	vmul.u32 $0x2710, v1;
	_ =	sdelay $0x1  }
0x172: {  	v1 =	vadd.s32 v2, v1  }
0x173: {  	[tilespmem:$0x17580] =	vst v1  }
0x174: {  	v1 =	vld [tilespmem:s20+$0xFFFFFFA0];
	_ =	sdelay $0x4  }
0x175: {  	[tilespmem:$0x17980] =	vst v1  }
0x176: {  	v1 =	vld [tilespmem:s23+$0xFFFFFFB0];
	_ =	sdelay $0x1  }
0x177: {  	v2 =	vld [tilespmem:s21+$0xFFFFFFB0];
	_ =	sdelay $0x2  }
0x178: {  	v1 =	vmul.u32 $0x2710, v1;
	_ =	sdelay $0x1  }
0x179: {  	v1 =	vadd.s32 v2, v1  }
0x17a: {  	[tilespmem:$0x17590] =	vst v1  }
0x17b: {  	v1 =	vld [tilespmem:s20+$0xFFFFFFB0];
	_ =	sdelay $0x4  }
0x17c: {  	[tilespmem:$0x17990] =	vst v1  }
0x17d: {  	v1 =	vld [tilespmem:s23+$0xFFFFFFB8]  }
0x17e: {  	v2 =	vld [tilespmem:s21+$0xFFFFFFB8];
	_ =	sdelay $0x3  }
0x17f: {  	v1 =	vmul.u32 $0x2710, v1;
	_ =	sdelay $0x1  }
0x180: {  	v1 =	vadd.s32 v2, v1  }
0x181: {  	[tilespmem:$0x17598] =	vst v1  }
0x182: {  	v1 =	vld [tilespmem:s20+$0xFFFFFFB8];
	_ =	sdelay $0x4  }
0x183: {  	[tilespmem:$0x17998] =	vst v1  }
0x184: {  	[tilespmem:s24], [sflag:$0x4] =	stream.indirect.gather [hbm4b:s4+s19], $0x80, s1, s19, $0xb8;
	[tilespmem:$0x1E080] =	vst v63  }
0x185: {  	_ =	swait.ge [sflag:s12], $0x1400  }
0x186: {  	[sflag:s12] =	ssyncset.done $0x0  }
0x187: {  	s29 =	simm.s32 $0x17A80;
	[sflag:s12] =	ssyncadd.s32 $0xFFFFEC00  }
0x188: {  	[spmem:s2] =	stream.indirect.scatter.add.f32 [tilespmem:s31], [sflag:$0xB], $0x80, s29, s19, $0xb8;
	[tilespmem:$0x1E080] =	vst v63  }
0x189: {  	_ =	swait.ge [sflag:s11], $0x1400  }
0x18a: {  	[sflag:s11] =	ssyncset.done $0x0  }
0x18b: {  	[sflag:s11] =	ssyncadd.s32 $0xFFFFEC00  }
0x18c: {  	v1 =	vld [tilespmem:s23+$0xFFFFFFC8];
	_ =	sdelay $0x1  }
0x18d: {  	v2 =	vld [tilespmem:s21+$0xFFFFFFC8];
	_ =	sdelay $0x2  }
0x18e: {  	v1 =	vmul.u32 $0x2710, v1;
	_ =	sdelay $0x1  }
0x18f: {  	v1 =	vadd.s32 v2, v1  }
0x190: {  	[tilespmem:$0x17600] =	vst v1  }
0x191: {  	v1 =	vld [tilespmem:s20+$0xFFFFFFC8];
	_ =	sdelay $0x4  }
0x192: {  	[tilespmem:$0x17A00] =	vst v1  }
0x193: {  	v1 =	vld [tilespmem:s23+$0xFFFFFFD8];
	_ =	sdelay $0x1  }
0x194: {  	v2 =	vld [tilespmem:s21+$0xFFFFFFD8];
	_ =	sdelay $0x2  }
0x195: {  	v1 =	vmul.u32 $0x2710, v1;
	_ =	sdelay $0x1  }
0x196: {  	v1 =	vadd.s32 v2, v1  }
0x197: {  	[tilespmem:$0x17610] =	vst v1  }
0x198: {  	v1 =	vld [tilespmem:s20+$0xFFFFFFD8];
	_ =	sdelay $0x4  }
0x199: {  	[tilespmem:$0x17A10] =	vst v1  }
0x19a: {  	v1 =	vld [tilespmem:s23+$0xFFFFFFE0]  }
0x19b: {  	v2 =	vld [tilespmem:s21+$0xFFFFFFE0];
	_ =	sdelay $0x3  }
0x19c: {  	v1 =	vmul.u32 $0x2710, v1;
	_ =	sdelay $0x1  }
0x19d: {  	v1 =	vadd.s32 v2, v1  }
0x19e: {  	[tilespmem:$0x17618] =	vst v1  }
0x19f: {  	v1 =	vld [tilespmem:s20+$0xFFFFFFE0];
	_ =	sdelay $0x4  }
0x1a0: {  	[tilespmem:$0x17A18] =	vst v1  }
0x1a1: {  	[tilespmem:s26], [sflag:$0x5] =	stream.indirect.gather [hbm4b:s4+s19], $0x80, s15, s19, $0xb8;
	[tilespmem:$0x1E080] =	vst v63  }
0x1a2: {  	_ =	swait.ge [sflag:s28], $0x1400  }
0x1a3: {  	[sflag:s28] =	ssyncset.done $0x0  }
0x1a4: {  	[sflag:s28] =	ssyncadd.s32 $0xFFFFEC00  }
0x1a5: {  	[spmem:s2] =	stream.indirect.scatter.add.f32 [tilespmem:s16], [sflag:$0x7], $0x80, s7, s19, $0xb8;
	[tilespmem:$0x1E080] =	vst v63  }
0x1a6: {  	_ =	swait.ge [sflag:s18], $0x1400  }
0x1a7: {  	[sflag:s18] =	ssyncset.done $0x0  }
0x1a8: {  	[sflag:s18] =	ssyncadd.s32 $0xFFFFEC00  }
0x1a9: {  	v1 =	vld [tilespmem:s23+$0xFFFFFFF0];
	_ =	sdelay $0x1  }
0x1aa: {  	v2 =	vld [tilespmem:s21+$0xFFFFFFF0];
	_ =	sdelay $0x2  }
0x1ab: {  	v1 =	vmul.u32 $0x2710, v1;
	_ =	sdelay $0x1  }
0x1ac: {  	v1 =	vadd.s32 v2, v1  }
0x1ad: {  	[tilespmem:$0x17680] =	vst v1  }
0x1ae: {  	v1 =	vld [tilespmem:s20+$0xFFFFFFF0];
	_ =	sdelay $0x4  }
0x1af: {  	[tilespmem:$0x17A80] =	vst v1  }
0x1b0: {  	v1 =	vld [tilespmem:s23+$0x0];
	_ =	sdelay $0x1  }
0x1b1: {  	v2 =	vld [tilespmem:s21+$0x0];
	_ =	sdelay $0x2  }
0x1b2: {  	v1 =	vmul.u32 $0x2710, v1;
	_ =	sdelay $0x1  }
0x1b3: {  	v1 =	vadd.s32 v2, v1  }
0x1b4: {  	[tilespmem:$0x17690] =	vst v1  }
0x1b5: {  	v1 =	vld [tilespmem:s20+$0x0];
	_ =	sdelay $0x4  }
0x1b6: {  	[tilespmem:$0x17A90] =	vst v1  }
0x1b7: {  	v1 =	vld [tilespmem:s25+$0x14E00]  }
0x1b8: {  	v2 =	vld [tilespmem:s25+$0x13A00];
	_ =	sdelay $0x3  }
0x1b9: {  	v1 =	vmul.u32 $0x2710, v1;
	_ =	sdelay $0x1  }
0x1ba: {  	v1 =	vadd.s32 v2, v1  }
0x1bb: {  	[tilespmem:$0x17698] =	vst v1  }
0x1bc: {  	v1 =	vld [tilespmem:s25+$0x16200]  }
.Ltmp3:
0x1bd: {  	(pc) =	sbr.rel @p1 .LBB2_6-.Ltmp3, $2  }
0x1be: {  	_ =	sdelay $0x2  }
0x1bf: {  	s23 =	sadd.s32 $0xC8, s23;
	s21 =	sadd.s32 $0xC8, s21;
	s20 =	sadd.s32 $0xC8, s20;
	[tilespmem:$0x17A98] =	vst v1  }
0x1c0: {  	s1 =	simm.s32 $0x17680  }
0x1c1: {  	[tilespmem:s31], [sflag:$0x6] =	stream.indirect.gather [hbm4b:s4+s19], $0x80, s1, s19, $0xb8;
	[tilespmem:$0x1E080] =	vst v63  }
0x1c2: {  	_ =	swait.ge [sflag:s0], $0x1400  }
0x1c3: {  	[sflag:s0] =	ssyncset.done $0x0  }
0x1c4: {  	s15 =	simm.s32 $0x17900;
	[sflag:s0] =	ssyncadd.s32 $0xFFFFEC00  }
0x1c5: {  	[spmem:s2] =	stream.indirect.scatter.add.f32 [tilespmem:s22], [sflag:$0x8], $0x80, s15, s19, $0xb8;
	[tilespmem:$0x1E080] =	vst v63  }
0x1c6: {  	_ =	swait.ge [sflag:s14], $0x1400  }
0x1c7: {  	[sflag:s14] =	ssyncset.done $0x0  }
0x1c8: {  	[sflag:s14] =	ssyncadd.s32 $0xFFFFEC00  }
0x1c9: {  	[spmem:s2] =	stream.indirect.scatter.add.f32 [tilespmem:s24], [sflag:$0x9], $0x80, s8, s19, $0xb8;
	[tilespmem:$0x1E080] =	vst v63  }
0x1ca: {  	_ =	swait.ge [sflag:s6], $0x1400  }
0x1cb: {  	[sflag:s6] =	ssyncset.done $0x0  }
0x1cc: {  	s20 =	simm.s32 $0x17A00;
	[sflag:s6] =	ssyncadd.s32 $0xFFFFEC00  }
0x1cd: {  	[spmem:s2] =	stream.indirect.scatter.add.f32 [tilespmem:s26], [sflag:$0xA], $0x80, s20, s19, $0xb8;
	[tilespmem:$0x1E080] =	vst v63  }
0x1ce: {  	_ =	swait.ge [sflag:s12], $0x1400  }
0x1cf: {  	[sflag:s12] =	ssyncset.done $0x0  }
0x1d0: {  	s21 =	simm.s32 $0x17A80;
	[sflag:s12] =	ssyncadd.s32 $0xFFFFEC00  }
0x1d1: {  	[spmem:s2] =	stream.indirect.scatter.add.f32 [tilespmem:s31], [sflag:$0xB], $0x80, s21, s19, $0xb8;
	[tilespmem:$0x1E080] =	vst v63  }
0x1d2: {  	_ =	swait.ge [sflag:s13], $0x1400  }
0x1d3: {  	[sflag:s13] =	ssyncset.done $0x0  }
0x1d4: {  	[sflag:s13] =	ssyncadd.s32 $0xFFFFEC00  }
0x1d5: {  	_ =	swait.ge [sflag:s5], $0x1400  }
0x1d6: {  	[sflag:s5] =	ssyncset.done $0x0  }
0x1d7: {  	[sflag:s5] =	ssyncadd.s32 $0xFFFFEC00  }
0x1d8: {  	_ =	swait.ge [sflag:s10], $0x1400  }
0x1d9: {  	[sflag:s10] =	ssyncset.done $0x0  }
0x1da: {  	[sflag:s10] =	ssyncadd.s32 $0xFFFFEC00  }
0x1db: {  	_ =	swait.ge [sflag:s11], $0x1400  }
0x1dc: {  	[sflag:s11] =	ssyncset.done $0x0  }
0x1dd: {  	[sflag:s11] =	ssyncadd.s32 $0xFFFFEC00  }
0x1de: {  	_ =	swait.ge [sflag:s18], $0x1400  }
0x1df: {  	[sflag:s18] =	ssyncset.done $0x0  }
0x1e0: {  	[sflag:s18] =	ssyncadd.s32 $0xFFFFEC00  }
0x1e1: {  	[bflag:$0x0] =	sbarrier.arrive $0xFFFF  }
0x1e2: {  	s21 =	rddreg [dreg:$0xa]  }
0x1e3: {  	[tilespmem:s16], [sflag:$0xC] =	stream.linear.gather [spmem:s21], $0x1400, $0x38;
	[tilespmem:$0x1E080] =	vst v63  }
0x1e4: {  	_ =	swait.ge [sflag:s17], $0x1400  }
0x1e5: {  	s25 =	simm.s32 $0x0;
	[sflag:s17] =	ssyncset.done $0x0;
	s20 =	rddreg [dreg:$0xb]  }
.Ltmp4:
0x1e6: {  	[sflag:s17] =	ssyncadd.s32 $0xFFFFEC00;
	s3 =	sadd.s32 s20, s9;
	(pc) =	sbr.rel @!p0 .LBB2_9-.Ltmp4, $4  }
0x1e7: {  	[hbm4b:s3+s25] =	stream.linear.scatter [tilespmem:s16], [sflag:$0xC], $0x1400, $0x38;
	[tilespmem:$0x1E080] =	vst v63  }
0x1e8: {  	_ =	swait.ge [sflag:s17], $0x1400  }
0x1e9: {  	s29 =	simm.s32 $0x17900;
	s30 =	simm.s32 $0x17980;
	s23 =	rddreg [dreg:$0x8]  }
0x1ea: {  	s8 =	simm.s32 $0x17680;
	[sflag:s17] =	ssyncset.done $0x0;
	s3 =	sadd.s32 $0xFFFFFFFF, s23  }
.LBB2_8:
0x1eb: {  	[sflag:s17] =	ssyncadd.s32 $0xFFFFEC00;
	s20 =	sadd.s32 $0x2800, s20;
	s21 =	sadd.s32 $0x14000, s21  }
0x1ec: {  	[tilespmem:s16], [sflag:$0xC] =	stream.linear.gather [spmem:s21], $0x1400, $0x38;
	[tilespmem:$0x1E080] =	vst v63  }
0x1ed: {  	p0 =	sne.s32 s3, $0x1;
	s3 =	sadd.s32 $0xFFFFFFFF, s3;
	_ =	swait.ge [sflag:s17], $0x1400  }
.Ltmp5:
0x1ee: {  	[sflag:s17] =	ssyncset.done $0x0;
	(pc) =	sbr.rel @p0 .LBB2_8-.Ltmp5, $4  }
0x1ef: {  	s23 =	sadd.s32 s20, s9;
	[sflag:s17] =	ssyncadd.s32 $0xFFFFEC00  }
0x1f0: {  	[hbm4b:s23+s25] =	stream.linear.scatter [tilespmem:s16], [sflag:$0xC], $0x1400, $0x38;
	[tilespmem:$0x1E080] =	vst v63  }
0x1f1: {  	_ =	swait.ge [sflag:s17], $0x1400  }
0x1f2: {  	[sflag:s17] =	ssyncset.done $0x0  }
.LBB2_9:
0x1f3: {  	s20 =	rddreg [dreg:$0xc]  }
0x1f4: {  	s3 =	rddreg [dreg:$0x9];
	s20 =	sadd.s32 $0x1, s20  }
0x1f5: {  	p0 =	sne.s32 s20, s3  }
.Ltmp6:
0x1f6: {  	_ = 	snop;
	(pc) =	sbr.rel @p0 .LBB2_1-.Ltmp6, $3  }
0x1f7: {  	_ =	sdelay $0x1  }
0x1f8: {  	[sflag:s17] =	ssyncadd.s32 $0xFFFFEC00;
	s23 =	simm.s32 $0x17480  }
0x1f9: {  	s1 =	simm.s32 $0x17580;
	s15 =	simm.s32 $0x17600;
	s7 =	simm.s32 $0x17880  }
0x1fa: {  	_ =	sfence.sel $0x180000  }
0x1fb: {  	[bflag:$0x0] =	sbarrier.arrive $0xFFFF  }
0x1fc: {  	_ =	strace $0x9000004A  }
0x1fd: {  	s0 =	stileid.u32;
	[bflag:$0x2] =	sbarrier.arrive $0xFFFF  }
0x1fe: {  	p0 =	sne.s32 s0, $0x0;
	s0 =	rddreg [dreg:$0x4]  }
0x1ff: {  	s0 =	sadd.s32 @!p0 $0x100000, s0  }
0x200: {  	[sflag:s0] =	ssyncadd.tile.s32 @!p0 $0x1;
	_ =	shalt  }
.Lfunc_end2:
_tile_overlayer_lowered:
.L_overlay_start_2:
0x201: {  	(tag) =	ssettag $0x2  }
0x202: {  	s0 =	rddreg [dreg:$0x0];
	s2 =	stileid.u32  }
0x203: {  	s1 =	rddreg [dreg:$0x1];
	p0 =	sne.s32 s2, $0x0  }
0x204: {  	s3 =	rddreg [dreg:$0x2];
	[bflag:$0x3] =	sbarrier.arrive $0xFFFF;
	s2 =	simm.s32 @!p0 $0x1C0C  }
0x205: {  	[timem:s3], [sflag:s2] =	dma.local @!p0 [hbm:s0], s1  }
0x206: {  	s0 =	simm.s32 @!p0 $0xC  }
0x207: {  	_ =	swait.ge @!p0 [sflag:s0], s1  }
0x208: {  	s1 =	ssub.s32 @!p0 $0x0, s1;
	[sflag:s0] =	ssyncset.done @!p0 $0x0  }
0x209: {  	[sflag:s0] =	ssyncadd.s32 @!p0 s1  }
0x20a: {  	[bflag:$0x3] =	sbarrier.arrive $0xFFFF  }
0x20b: {  	_ =	shalt  }

</sc_bundles>
